<compile_context>
chip_gen: v7x
topology: tpu7x:2x2x1
jax: 0.10.2.dev20260603
libtpu: 0.0.44.dev20260713+nightly
codegen_flags: <defaults>
</compile_context>

<pallas_src>
import dataclasses
import functools

import jax
import jax.numpy as jnp
from jax import lax
from jax.experimental import pallas as pl
from jax.experimental.pallas import tpu as pltpu
from jax.experimental.pallas import tpu_sc as plsc

N = 10000
C0, C1, C2, C3 = 128, 32, 32, 64
G = 12
KT = 3
NE = 160000
T1 = G - KT + 1
T2 = T1 - 3 + 1
NTOT = N * T1
E = T1 * NE

NC = 2
NS = 16
L = 16

ACC_ROWS = 100096
EB = 128
SB = 6
EROWS = E // EB
RPT = 390
NSUP = RPT // SB
NLOOP = 10
ZCH = 368

DEG_TPT = 390
DEG_RB = 65
NB = 400

_mesh = plsc.VectorSubcoreMesh(core_axis_name="c", subcore_axis_name="s")

_sc_params = pltpu.CompilerParams()
if "needs_layout_passes" in pltpu.CompilerParams.__dataclass_fields__:
    _sc_params = dataclasses.replace(_sc_params, needs_layout_passes=False)
if "use_tc_tiling_on_sc" in pltpu.CompilerParams.__dataclass_fields__:
    _sc_params = dataclasses.replace(_sc_params, use_tc_tiling_on_sc=False)


@functools.partial(
    pl.kernel,
    out_type=jax.ShapeDtypeStruct((N // NB, NC * NS, T1, NB), jnp.float32),
    mesh=_mesh,
    compiler_params=_sc_params,
    scratch_types=[
        pltpu.VMEM((DEG_RB * EB,), jnp.int32),
        pltpu.VMEM((DEG_RB * EB,), jnp.int32),
        pltpu.VMEM((NTOT,), jnp.float32),
        pltpu.SemaphoreType.DMA,
        pltpu.SemaphoreType.DMA,
    ],
)
def _sc_degree(ei_hbm, deg_parts_hbm, dv0, dv1, hist, dsem0, dsem1):
    cid = lax.axis_index("c")
    sid = lax.axis_index("s")
    wid = sid * NC + cid
    zeros16 = jnp.zeros((L,), jnp.float32)
    ones16 = jnp.ones((L,), jnp.float32)
    dv = (dv0, dv1)
    dsem = (dsem0, dsem1)
    base = E + wid * DEG_TPT * EB

    def stage(p, b):
        pltpu.async_copy(ei_hbm.at[pl.ds(base + b * DEG_RB * EB,
                                         DEG_RB * EB)], dv[p], dsem[p])

    def wait_stage(p):
        pltpu.make_async_copy(ei_hbm.at[pl.ds(0, DEG_RB * EB)], dv[p],
                              dsem[p]).wait()

    def process(p, nvecs):
        @pl.loop(0, nvecs)
        def _(j):
            idx = dv[p][pl.ds(j * L, L)]
            q = (idx.astype(jnp.float32) *
                 jnp.float32(0.1)).astype(jnp.int32)
            idx = (idx - q * T1) * N + q
            plsc.addupdate_scatter(hist, [idx], ones16)

    @pl.loop(0, NTOT, step=L)
    def _(i):
        hist[pl.ds(i, L)] = zeros16

    stage(0, 0)

    @pl.loop(0, DEG_TPT // DEG_RB // 2)
    def _(s):
        for p in range(2):
            b = s * 2 + p
            wait_stage(p)

            @pl.when(b < DEG_TPT // DEG_RB - 1)
            def _():
                stage(1 - p, b + 1)

            process(p, DEG_RB * EB // L)

    @pl.when(wid < EROWS - 32 * DEG_TPT)
    def _():
        pltpu.sync_copy(
            ei_hbm.at[pl.ds(E + (32 * DEG_TPT + wid) * EB, EB)],
            dv[0].at[pl.ds(0, EB)])
        process(0, EB // L)

    @pl.loop(0, N // NB)
    def _(j):
        for k in range(T1):
            pltpu.async_copy(hist.at[pl.ds(k * N + j * NB, NB)],
                             deg_parts_hbm.at[j].at[wid].at[k], dsem0)

    @pl.loop(0, (N // NB) * T1)
    def _(j):
        pltpu.make_async_copy(hist.at[pl.ds(0, NB)],
                              deg_parts_hbm.at[0].at[wid].at[0],
                              dsem0).wait()


@functools.partial(
    pl.kernel,
    out_type=jax.ShapeDtypeStruct((NC, NTOT, C2), jnp.bfloat16),
    mesh=_mesh,
    compiler_params=_sc_params,
    scratch_types=[
        pltpu.VMEM((SB * EB,), jnp.int32),
        pltpu.VMEM((SB * EB,), jnp.int32),
        pltpu.VMEM((SB * EB,), jnp.int32),
        pltpu.VMEM((SB * EB,), jnp.int32),
        pltpu.VMEM((SB * EB,), jnp.int32),
        pltpu.VMEM((SB * EB,), jnp.int32),
        pltpu.VMEM((SB * EB, C2), jnp.bfloat16),
        pltpu.VMEM((SB * EB, C2), jnp.bfloat16),
        pltpu.VMEM_SHARED((ACC_ROWS, C2), jnp.bfloat16),
        pltpu.SemaphoreType.DMA,
        pltpu.SemaphoreType.DMA,
        pltpu.SemaphoreType.DMA,
        pltpu.SemaphoreType.DMA,
        pltpu.SemaphoreType.DMA,
        pltpu.SemaphoreType.DMA,
        pltpu.SemaphoreType.DMA,
    ],
)
def _sc_aggregate(ei_hbm, xws_hbm, agg_hbm, sx0, sx1, sx2, dx0,
                  dx1, dx2, rows0, rows1, acc, gsem0, gsem1, ssem0, ssem1,
                  isem0, isem1, isem2):
    cid = lax.axis_index("c")
    sid = lax.axis_index("s")
    zeros32 = jnp.zeros((2 * L,), jnp.bfloat16)
    wid = sid * NC + cid
    base_e = wid * RPT * EB
    sidx = (sx0, sx1, sx2)
    didx = (dx0, dx1, dx2)
    rows = (rows0, rows1)
    gsem = (gsem0, gsem1)
    ssem = (ssem0, ssem1)
    isem = (isem0, isem1, isem2)

    @pl.loop(0, ZCH)
    def _(j):
        rows0[j, pl.ds(0, 2 * L)] = zeros32

    @pl.loop(0, 17)
    def _(j):
        pltpu.sync_copy(rows0.at[pl.ds(0, ZCH)],
                        acc.at[pl.ds(sid * (17 * ZCH) + j * ZCH, ZCH)])

    plsc.subcore_barrier()

    def stage_async(i, q):
        e0 = base_e + q * SB * EB
        pltpu.async_copy(ei_hbm.at[pl.ds(e0, SB * EB)], sidx[i], isem[i])
        pltpu.async_copy(ei_hbm.at[pl.ds(E + e0, SB * EB)], didx[i], isem[i])

    def wait_idx(i):
        pltpu.make_async_copy(ei_hbm.at[pl.ds(0, SB * EB)], sidx[i],
                              isem[i]).wait()
        pltpu.make_async_copy(ei_hbm.at[pl.ds(0, SB * EB)], didx[i],
                              isem[i]).wait()

    def fire_gathers(r, i):
        for k in range(SB):
            pltpu.async_copy(xws_hbm.at[sidx[i].at[pl.ds(k * EB, EB)]],
                             rows[r].at[pl.ds(k * EB, EB)], gsem[r])

    def wait_gathers(r):
        pltpu.make_async_copy(xws_hbm.at[pl.ds(0, SB * EB)], rows[r],
                              gsem[r]).wait()

    def fire_scatters(r, i):
        for k in range(SB):
            pltpu.async_copy(rows[r].at[pl.ds(k * EB, EB)],
                             acc.at[didx[i].at[pl.ds(k * EB, EB)]], ssem[r],
                             add=True)

    def wait_scatters(r):
        pltpu.make_async_copy(xws_hbm.at[pl.ds(0, SB * EB)], rows[r],
                              ssem[r]).wait()

    def phase(q, r, i, fire_next, fire_idx, guard_first):
        wait_gathers(r)
        fire_scatters(r, i)
        if fire_next:
            i1 = (i + 1) % 3
            wait_idx(i1)
            if guard_first:
                @pl.when(q >= 1)
                def _():
                    wait_scatters(1 - r)
            else:
                wait_scatters(1 - r)
            fire_gathers(1 - r, i1)
        if fire_idx:
            stage_async((i + 2) % 3, q + 2)

    pltpu.sync_copy(ei_hbm.at[pl.ds(base_e, SB * EB)], sidx[0])
    pltpu.sync_copy(ei_hbm.at[pl.ds(E + base_e, SB * EB)], didx[0])
    fire_gathers(0, 0)
    stage_async(1, 1)

    @pl.loop(0, NLOOP)
    def _(s):
        for k in range(6):
            phase(s * 6 + k, k % 2, k % 3, True, True, k == 0)

    for q in range(6 * NLOOP, NSUP):
        phase(q, q % 2, q % 3, q < NSUP - 1, q < NSUP - 2, False)
    wait_scatters(0)
    wait_scatters(1)

    @pl.when(wid < EROWS - NC * NS * RPT)
    def _():
        e0 = (NC * NS * RPT + wid) * EB
        pltpu.sync_copy(ei_hbm.at[pl.ds(e0, EB)], sidx[0].at[pl.ds(0, EB)])
        pltpu.sync_copy(ei_hbm.at[pl.ds(E + e0, EB)],
                        didx[0].at[pl.ds(0, EB)])
        pltpu.sync_copy(xws_hbm.at[sidx[0].at[pl.ds(0, EB)]],
                        rows[0].at[pl.ds(0, EB)])
        pltpu.sync_copy(rows[0].at[pl.ds(0, EB)],
                        acc.at[didx[0].at[pl.ds(0, EB)]], add=True)

    plsc.subcore_barrier()

    stripe = 17 * ZCH

    @pl.when(sid < NS - 1)
    def _():
        pltpu.sync_copy(acc.at[pl.ds(sid * stripe, stripe)],
                        agg_hbm.at[cid].at[pl.ds(sid * stripe, stripe)])

    @pl.when(sid == NS - 1)
    def _():
        pltpu.sync_copy(
            acc.at[pl.ds((NS - 1) * stripe, NTOT - (NS - 1) * stripe)],
            agg_hbm.at[cid].at[pl.ds((NS - 1) * stripe,
                                     NTOT - (NS - 1) * stripe)])


def _tc12_body(x_ref, w1_ref, b1_ref, dp_ref, r_ref, wg_ref, xws_ref,
               dinv_ref):
    u = jnp.dot(x_ref[...].astype(jnp.bfloat16), w1_ref[...],
                preferred_element_type=jnp.float32) + b1_ref[...]
    a = u[:, : C1 * T1]
    g = u[:, C1 * T1:]
    h = a * jax.nn.sigmoid(g)
    degT = jnp.sum(dp_ref[0], axis=0) + 1.0
    dinvT = lax.rsqrt(degT)
    dinv_e = lax.dot_general(dinvT, r_ref[...], (((0,), (0,)), ((), ())),
                             preferred_element_type=jnp.float32)
    xws = jnp.dot((h * dinv_e).astype(jnp.bfloat16), wg_ref[...],
                  preferred_element_type=jnp.float32)
    xws_ref[...] = xws.astype(jnp.bfloat16)
    dinv_ref[...] = dinv_e


def _tc3_body(agg_ref, xws_ref, dinv_ref, bg_ref, w2_ref, b2_ref, lnw_ref,
              lnb_ref, out_ref):
    p = agg_ref[...].astype(jnp.float32)
    agg = p[0] + p[1] + xws_ref[...].astype(jnp.float32)
    pre = dinv_ref[...] * agg + bg_ref[...]
    h2 = jnp.maximum(pre, 0.0)
    u2 = jnp.dot(h2.astype(jnp.bfloat16), w2_ref[...],
                 preferred_element_type=jnp.float32) + b2_ref[...]
    a2 = u2[:, : C3 * T2]
    g2 = u2[:, C3 * T2:]
    h3 = a2 * jax.nn.sigmoid(g2)
    mu = jnp.mean(h3, axis=1, keepdims=True)
    var = jnp.mean(h3 * h3, axis=1, keepdims=True) - mu * mu
    y = (h3 - mu) * lax.rsqrt(var + 1e-5)
    out_ref[...] = y * lnw_ref[...] + lnb_ref[...]


def kernel(x, edge_index, W1, b1, Wg, bg, W2, b2, ln_w, ln_b):
    f32 = jnp.float32

    g_idx = jnp.arange(G)
    t_idx = jnp.arange(T1)
    k_idx = jnp.arange(KT)
    m1 = (g_idx[:, None, None] == t_idx[None, :, None] + k_idx[None, None, :])
    W1p = jnp.einsum("oik,gtk->igot", W1, m1.astype(f32)).reshape(
        C0 * G, 2 * C1 * T1).astype(jnp.bfloat16)
    b1p = jnp.repeat(b1, T1)

    Wg_kron = jnp.kron(jnp.eye(T1, dtype=f32), Wg).astype(jnp.bfloat16)

    tau_idx = jnp.arange(T2)
    m2 = (t_idx[:, None, None] == tau_idx[None, :, None] + k_idx[None, None, :])
    W2p = jnp.einsum("ock,tuk->ctou", W2, m2.astype(f32)).reshape(
        C2 * T1, 2 * C3 * T2).astype(jnp.bfloat16)
    b2p = jnp.repeat(b2, T2)

    bgp = jnp.tile(bg, T1)
    lnw_flat = ln_w.reshape(1, C3 * T2)
    lnb_flat = ln_b.reshape(1, C3 * T2)

    Rmat = jnp.kron(jnp.eye(T1, dtype=f32), jnp.ones((1, C2), f32))

    eiflat = edge_index.reshape(2 * E)

    deg_parts = _sc_degree(eiflat)

    grid1 = N // NB

    xws, dinv_e = pl.pallas_call(
        _tc12_body,
        grid=(grid1,),
        in_specs=[
            pl.BlockSpec((NB, C0 * G), lambda i: (i, 0)),
            pl.BlockSpec((C0 * G, 2 * C1 * T1), lambda i: (0, 0)),
            pl.BlockSpec((1, 2 * C1 * T1), lambda i: (0, 0)),
            pl.BlockSpec((1, NC * NS, T1, NB), lambda i: (i, 0, 0, 0)),
            pl.BlockSpec((T1, C2 * T1), lambda i: (0, 0)),
            pl.BlockSpec((C1 * T1, C1 * T1), lambda i: (0, 0)),
        ],
        out_specs=[
            pl.BlockSpec((NB, C2 * T1), lambda i: (i, 0)),
            pl.BlockSpec((NB, C2 * T1), lambda i: (i, 0)),
        ],
        out_shape=[
            jax.ShapeDtypeStruct((N, C2 * T1), jnp.bfloat16),
            jax.ShapeDtypeStruct((N, C2 * T1), f32),
        ],
    )(x.reshape(N, C0 * G), W1p, b1p.reshape(1, -1), deg_parts, Rmat,
      Wg_kron)

    agg = _sc_aggregate(eiflat, xws.reshape(NTOT, C2))

    out = pl.pallas_call(
        _tc3_body,
        grid=(grid1,),
        in_specs=[
            pl.BlockSpec((NC, NB, C2 * T1), lambda i: (0, i, 0)),
            pl.BlockSpec((NB, C2 * T1), lambda i: (i, 0)),
            pl.BlockSpec((NB, C2 * T1), lambda i: (i, 0)),
            pl.BlockSpec((1, C2 * T1), lambda i: (0, 0)),
            pl.BlockSpec((C2 * T1, 2 * C3 * T2), lambda i: (0, 0)),
            pl.BlockSpec((1, 2 * C3 * T2), lambda i: (0, 0)),
            pl.BlockSpec((1, C3 * T2), lambda i: (0, 0)),
            pl.BlockSpec((1, C3 * T2), lambda i: (0, 0)),
        ],
        out_specs=pl.BlockSpec((NB, C3 * T2), lambda i: (i, 0)),
        out_shape=jax.ShapeDtypeStruct((N, C3 * T2), f32),
    )(agg.reshape(NC, N, C2 * T1), xws, dinv_e, bgp.reshape(1, -1), W2p,
      b2p.reshape(1, -1), lnw_flat, lnb_flat)

    return out.reshape(N, C3, T2)

# --- scband reference (transcript-rebuilt; emitter-appended) ---
"""Pipeline reference for scband-spatio-temporal-block-56831007261386 (READ-ONLY COPY).

The authoritative reference and input builder live on the scoring server;
editing this copy changes nothing except your own understanding.
"""

import jax, jax.numpy as jnp
import numpy as np

N = 10000      # num_nodes
C0, C1, C2, C3 = 128, 32, 32, 64
G = 12         # num_graphs (time steps)
KT = 3
NE = 160000    # num_edges per graph snapshot
T1 = G - KT + 1          # 10, after temp_conv1
T2 = T1 - 3 + 1          # 8, after temp_conv2 (K_t hardcoded to 3)
NTOT = N * T1            # 100000 effective nodes for GCN


def setup_inputs(seed: int = 0) -> dict:
    key = jax.random.key(seed)
    ks = jax.random.split(key, 8)
    x = jax.random.normal(ks[0], (N, C0, G), dtype=jnp.float32)
    edge_index = jax.random.randint(ks[1], (2, T1 * NE), 0, NTOT, dtype=jnp.int32)
    # temporal conv1: Conv1d(C0, 2*C1, KT) for GLU
    W1 = jax.random.normal(ks[2], (2 * C1, C0, KT), dtype=jnp.float32) * 0.05
    b1 = jnp.zeros((2 * C1,), dtype=jnp.float32)
    # GCNConv(C1, C2)
    Wg = jax.random.normal(ks[3], (C1, C2), dtype=jnp.float32) * 0.1
    bg = jnp.zeros((C2,), dtype=jnp.float32)
    # temporal conv2: Conv1d(C2, 2*C3, 3) for GLU
    W2 = jax.random.normal(ks[4], (2 * C3, C2, 3), dtype=jnp.float32) * 0.05
    b2 = jnp.zeros((2 * C3,), dtype=jnp.float32)
    # LayerNorm([C3, T2])
    ln_w = jnp.ones((C3, T2), dtype=jnp.float32)
    ln_b = jnp.zeros((C3, T2), dtype=jnp.float32)
    return {"x": x, "edge_index": edge_index, "W1": W1, "b1": b1,
            "Wg": Wg, "bg": bg, "W2": W2, "b2": b2,
            "ln_w": ln_w, "ln_b": ln_b}


def _conv1d(x, w, b):
    out = jax.lax.conv_general_dilated(x, w, window_strides=(1,), padding='VALID',
                                       dimension_numbers=('NCH', 'OIH', 'NCH'))
    return out + b[None, :, None]


def _glu(h):
    a, g = jnp.split(h, 2, axis=1)
    return a * jax.nn.sigmoid(g)


def _gcn(x, ei, W, b):
    # PyG GCNConv: lin -> gcn_norm (add self loops, sym norm) -> scatter-add -> +bias
    xw = x @ W
    loop = jnp.arange(NTOT, dtype=ei.dtype)
    src = jnp.concatenate([ei[0], loop])
    dst = jnp.concatenate([ei[1], loop])
    deg = jnp.zeros((NTOT,), dtype=xw.dtype).at[dst].add(1.0)
    dinv = jnp.where(deg > 0, deg ** -0.5, 0.0)
    norm = dinv[src] * dinv[dst]
    out = jnp.zeros((NTOT, xw.shape[1]), dtype=xw.dtype).at[dst].add(norm[:, None] * xw[src])
    return out + b


def reference(x, edge_index, W1, b1, Wg, bg, W2, b2, ln_w, ln_b):
    # temp_conv1 (GLU): [N, C0, G] -> [N, C1, T1]
    h = _glu(_conv1d(x, W1, b1))
    # transform 'graph': view(-1, C1)
    h = h.reshape(-1, C1)
    # spatial GCN on sliced edge_index + relu
    ei = edge_index[:, :T1 * NE]
    h = jax.nn.relu(_gcn(h, ei, Wg, bg))
    # transform 'temp': view(-1, C2, T1)
    h = h.reshape(-1, C2, T1)
    # temp_conv2 (GLU): -> [N, C3, T2]
    h = _glu(_conv1d(h, W2, b2))
    # LayerNorm over [C3, T2]
    mu = jnp.mean(h, axis=(1, 2), keepdims=True)
    var = jnp.var(h, axis=(1, 2), keepdims=True)
    h = (h - mu) / jnp.sqrt(var + 1e-5)
    return h * ln_w[None, :, :] + ln_b[None, :, :]

if __name__ == "__main__":
    import jax
    _d = setup_inputs()
    print(jax.jit(kernel)(*tuple(_d.values())))

</pallas_src>

<mosaic_0001>
#map = affine_map<(d0, d1) -> (0)>
#map1 = affine_map<(d0, d1) -> (0, 0, 0, 0)>
module attributes {stable_mosaic.version = 14 : i64} {
  func.func @_sc_degree(%arg0: i32, %arg1: i32, %arg2: memref<3200000xi32, #tpu.memory_space<hbm>>, %arg3: memref<25x32x10x400xf32, #tpu.memory_space<hbm>>, %arg4: memref<8320xi32, #tpu.memory_space<vmem>>, %arg5: memref<8320xi32, #tpu.memory_space<vmem>>, %arg6: memref<100000xf32, #tpu.memory_space<vmem>>, %arg7: memref<!tpu.dma_semaphore, #tpu.memory_space<semaphore_mem>>, %arg8: memref<!tpu.dma_semaphore, #tpu.memory_space<semaphore_mem>>) attributes {dimension_semantics = [#tpu.dimension_semantics<core_parallel>, #tpu.dimension_semantics<subcore_parallel>], iteration_bounds = array<i64: 2, 16>, scalar_prefetch = 0 : i64, scratch_operands = 5 : i64, tpu.core_type = #tpu.core_type<sc_vector_subcore>, window_params = [{transform_indices = #map}, {transform_indices = #map1}]} {
    %mul3A = arith.constant 2 : i32
    %mul3A_0 = arith.muli %arg1, %mul3A : i32
    %add3A = arith.addi %mul3A_0, %arg0 : i32
    %broadcast_in_dim3A = arith.constant 0.000000e+00 : f32
    %broadcast_in_dim3A_1 = vector.broadcast %broadcast_in_dim3A : f32 to vector<16xf32>
    %broadcast_in_dim3A_2 = arith.constant 1.000000e+00 : f32
    %broadcast_in_dim3A_3 = vector.broadcast %broadcast_in_dim3A_2 : f32 to vector<16xf32>
    %mul3A_4 = arith.constant 390 : i32
    %mul3A_5 = arith.muli %add3A, %mul3A_4 : i32
    %mul3A_6 = arith.constant 128 : i32
    %mul3A_7 = arith.muli %mul3A_5, %mul3A_6 : i32
    %add3A_8 = arith.constant 1600000 : i32
    %add3A_9 = arith.addi %add3A_8, %mul3A_7 : i32
    %scan3A = arith.constant 0 : i32
    %scan3A_10 = arith.constant 6250 : i32
    %scan3A_11 = arith.addi %scan3A, %scan3A_10 : i32
    %scan3A_12 = arith.constant 1 : i32
    scf.for %scan3A_34 = %scan3A to %scan3A_11 step %scan3A_12  : i32 {
      %mul3A_35 = arith.constant 16 : i32
      %mul3A_36 = arith.muli %scan3A_34, %mul3A_35 : i32
      %add3A_37 = arith.constant 0 : i32
      %add3A_38 = arith.addi %add3A_37, %mul3A_36 : i32
      %swap3A = arith.index_cast %add3A_38 : i32 to index
      %swap3A_39 = tpu.vector_load %arg6[%swap3A] {strides = array<i32>} : memref<100000xf32, #tpu.memory_space<vmem>>, vector<16xf32>,
      tpu.vector_store %arg6[%swap3A], %broadcast_in_dim3A_1 {strides = array<i32>} : memref<100000xf32, #tpu.memory_space<vmem>>, vector<16xf32>,
    }
    %scan3A_13 = arith.constant 6250 : i32
    %add3A_14 = arith.constant 0 : i32
    %add3A_15 = arith.addi %add3A_9, %add3A_14 : i32
    %dma_start3A = tpu.memref_slice %arg2[%add3A_15] : memref<3200000xi32, #tpu.memory_space<hbm>> -> memref<8320xi32, #tpu.memory_space<hbm>>
    %dma_start3A_16 = tpu.memref_slice %arg2[%add3A_15] : memref<3200000xi32, #tpu.memory_space<hbm>> -> memref<8320xi32, #tpu.memory_space<hbm>>
    tpu.enqueue_dma source(%dma_start3A_16 : memref<8320xi32, #tpu.memory_space<hbm>>) target(%arg4 : memref<8320xi32, #tpu.memory_space<vmem>>) target_semaphore(%arg7 : memref<!tpu.dma_semaphore, #tpu.memory_space<semaphore_mem>>)
    %scan3A_17 = arith.constant 0 : i32
    %scan3A_18 = arith.constant 3 : i32
    %scan3A_19 = arith.addi %scan3A_17, %scan3A_18 : i32
    %scan3A_20 = arith.constant 1 : i32
    scf.for %scan3A_34 = %scan3A_17 to %scan3A_19 step %scan3A_20  : i32 {
      %mul3A_35 = arith.constant 1 : i32
      %mul3A_36 = arith.muli %scan3A_34, %mul3A_35 : i32
      %add3A_37 = arith.constant 0 : i32
      %add3A_38 = arith.addi %add3A_37, %mul3A_36 : i32
      %mul3A_39 = arith.constant 2 : i32
      %mul3A_40 = arith.muli %add3A_38, %mul3A_39 : i32
      %add3A_41 = arith.constant 0 : i32
      %add3A_42 = arith.addi %mul3A_40, %add3A_41 : i32
      %dma_wait3A = arith.constant 0 : i32
      %dma_wait3A_43 = tpu.memref_slice %arg2[%dma_wait3A] : memref<3200000xi32, #tpu.memory_space<hbm>> -> memref<8320xi32, #tpu.memory_space<hbm>>
      %dma_wait3A_44 = arith.constant 0 : i32
      %dma_wait3A_45 = tpu.memref_slice %arg2[%dma_wait3A_44] : memref<3200000xi32, #tpu.memory_space<hbm>> -> memref<8320xi32, #tpu.memory_space<hbm>>
      tpu.wait_dma2 semaphore(%arg7 : memref<!tpu.dma_semaphore, #tpu.memory_space<semaphore_mem>>) src(%dma_wait3A_45 : memref<8320xi32, #tpu.memory_space<hbm>>) dst(%arg4 : memref<8320xi32, #tpu.memory_space<vmem>>)
      %lt3A_46 = arith.constant 5 : i32
      %lt3A_47 = arith.cmpi slt, %add3A_42, %lt3A_46 : i32
      %convert_element_type3A_48 = arith.extui %lt3A_47 : i1 to i32
      %cond3A_49 = arith.constant 0 : i32
      %cond3A_50 = arith.cmpi ne, %convert_element_type3A_48, %cond3A_49 : i32
      scf.if %cond3A_50 {
        %add3A_74 = arith.constant 1 : i32
        %add3A_75 = arith.addi %add3A_42, %add3A_74 : i32
        %mul3A_76 = arith.constant 65 : i32
        %mul3A_77 = arith.muli %add3A_75, %mul3A_76 : i32
        %mul3A_78 = arith.constant 128 : i32
        %mul3A_79 = arith.muli %mul3A_77, %mul3A_78 : i32
        %add3A_80 = arith.addi %add3A_9, %mul3A_79 : i32
        %dma_start3A_81 = tpu.memref_slice %arg2[%add3A_80] : memref<3200000xi32, #tpu.memory_space<hbm>> -> memref<8320xi32, #tpu.memory_space<hbm>>
        %dma_start3A_82 = tpu.memref_slice %arg2[%add3A_80] : memref<3200000xi32, #tpu.memory_space<hbm>> -> memref<8320xi32, #tpu.memory_space<hbm>>
        tpu.enqueue_dma source(%dma_start3A_82 : memref<8320xi32, #tpu.memory_space<hbm>>) target(%arg5 : memref<8320xi32, #tpu.memory_space<vmem>>) target_semaphore(%arg8 : memref<!tpu.dma_semaphore, #tpu.memory_space<semaphore_mem>>)
      } else {
      }
      %scan3A_51 = arith.constant 0 : i32
      %scan3A_52 = arith.constant 520 : i32
      %scan3A_53 = arith.addi %scan3A_51, %scan3A_52 : i32
      %scan3A_54 = arith.constant 1 : i32
      scf.for %scan3A_74 = %scan3A_51 to %scan3A_53 step %scan3A_54  : i32 {
        %mul3A_75 = arith.constant 1 : i32
        %mul3A_76 = arith.muli %scan3A_74, %mul3A_75 : i32
        %add3A_77 = arith.constant 0 : i32
        %add3A_78 = arith.addi %add3A_77, %mul3A_76 : i32
        %mul3A_79 = arith.constant 16 : i32
        %mul3A_80 = arith.muli %add3A_78, %mul3A_79 : i32
        %get3A = arith.index_cast %mul3A_80 : i32 to index
        %get3A_81 = tpu.vector_load %arg4[%get3A] {strides = array<i32>} : memref<8320xi32, #tpu.memory_space<vmem>>, vector<16xi32>,
        %convert_element_type3A_82 = arith.sitofp %get3A_81 : vector<16xi32> to vector<16xf32>
        %mul3A_83 = arith.constant 1.000000e-01 : f32
        %mul3A_84 = vector.broadcast %mul3A_83 : f32 to vector<16xf32>
        %mul3A_85 = arith.mulf %convert_element_type3A_82, %mul3A_84 : vector<16xf32>
        %convert_element_type3A_86 = arith.fptosi %mul3A_85 : vector<16xf32> to vector<16xi32>
        %mul3A_87 = arith.constant 10 : i32
        %mul3A_88 = vector.broadcast %mul3A_87 : i32 to vector<16xi32>
        %mul3A_89 = arith.muli %convert_element_type3A_86, %mul3A_88 : vector<16xi32>
        %sub3A = arith.subi %get3A_81, %mul3A_89 : vector<16xi32>
        %mul3A_90 = arith.constant 10000 : i32
        %mul3A_91 = vector.broadcast %mul3A_90 : i32 to vector<16xi32>
        %mul3A_92 = arith.muli %sub3A, %mul3A_91 : vector<16xi32>
        %add3A_93 = arith.addi %mul3A_92, %convert_element_type3A_86 : vector<16xi32>
        tpu.vector_store_idx %arg6[%add3A_93], %broadcast_in_dim3A_3 {add = true} : memref<100000xf32, #tpu.memory_space<vmem>>[vector<16xi32>], vector<16xf32>,
      }
      %scan3A_55 = arith.constant 520 : i32
      %mul3A_56 = arith.constant 2 : i32
      %mul3A_57 = arith.muli %add3A_38, %mul3A_56 : i32
      %add3A_58 = arith.constant 1 : i32
      %add3A_59 = arith.addi %mul3A_57, %add3A_58 : i32
      %dma_wait3A_60 = arith.constant 0 : i32
      %dma_wait3A_61 = tpu.memref_slice %arg2[%dma_wait3A_60] : memref<3200000xi32, #tpu.memory_space<hbm>> -> memref<8320xi32, #tpu.memory_space<hbm>>
      %dma_wait3A_62 = arith.constant 0 : i32
      %dma_wait3A_63 = tpu.memref_slice %arg2[%dma_wait3A_62] : memref<3200000xi32, #tpu.memory_space<hbm>> -> memref<8320xi32, #tpu.memory_space<hbm>>
      tpu.wait_dma2 semaphore(%arg8 : memref<!tpu.dma_semaphore, #tpu.memory_space<semaphore_mem>>) src(%dma_wait3A_63 : memref<8320xi32, #tpu.memory_space<hbm>>) dst(%arg5 : memref<8320xi32, #tpu.memory_space<vmem>>)
      %lt3A_64 = arith.constant 5 : i32
      %lt3A_65 = arith.cmpi slt, %add3A_59, %lt3A_64 : i32
      %convert_element_type3A_66 = arith.extui %lt3A_65 : i1 to i32
      %cond3A_67 = arith.constant 0 : i32
      %cond3A_68 = arith.cmpi ne, %convert_element_type3A_66, %cond3A_67 : i32
      scf.if %cond3A_68 {
        %add3A_74 = arith.constant 1 : i32
        %add3A_75 = arith.addi %add3A_59, %add3A_74 : i32
        %mul3A_76 = arith.constant 65 : i32
        %mul3A_77 = arith.muli %add3A_75, %mul3A_76 : i32
        %mul3A_78 = arith.constant 128 : i32
        %mul3A_79 = arith.muli %mul3A_77, %mul3A_78 : i32
        %add3A_80 = arith.addi %add3A_9, %mul3A_79 : i32
        %dma_start3A_81 = tpu.memref_slice %arg2[%add3A_80] : memref<3200000xi32, #tpu.memory_space<hbm>> -> memref<8320xi32, #tpu.memory_space<hbm>>
        %dma_start3A_82 = tpu.memref_slice %arg2[%add3A_80] : memref<3200000xi32, #tpu.memory_space<hbm>> -> memref<8320xi32, #tpu.memory_space<hbm>>
        tpu.enqueue_dma source(%dma_start3A_82 : memref<8320xi32, #tpu.memory_space<hbm>>) target(%arg4 : memref<8320xi32, #tpu.memory_space<vmem>>) target_semaphore(%arg7 : memref<!tpu.dma_semaphore, #tpu.memory_space<semaphore_mem>>)
      } else {
      }
      %scan3A_69 = arith.constant 0 : i32
      %scan3A_70 = arith.constant 520 : i32
      %scan3A_71 = arith.addi %scan3A_69, %scan3A_70 : i32
      %scan3A_72 = arith.constant 1 : i32
      scf.for %scan3A_74 = %scan3A_69 to %scan3A_71 step %scan3A_72  : i32 {
        %mul3A_75 = arith.constant 1 : i32
        %mul3A_76 = arith.muli %scan3A_74, %mul3A_75 : i32
        %add3A_77 = arith.constant 0 : i32
        %add3A_78 = arith.addi %add3A_77, %mul3A_76 : i32
        %mul3A_79 = arith.constant 16 : i32
        %mul3A_80 = arith.muli %add3A_78, %mul3A_79 : i32
        %get3A = arith.index_cast %mul3A_80 : i32 to index
        %get3A_81 = tpu.vector_load %arg5[%get3A] {strides = array<i32>} : memref<8320xi32, #tpu.memory_space<vmem>>, vector<16xi32>,
        %convert_element_type3A_82 = arith.sitofp %get3A_81 : vector<16xi32> to vector<16xf32>
        %mul3A_83 = arith.constant 1.000000e-01 : f32
        %mul3A_84 = vector.broadcast %mul3A_83 : f32 to vector<16xf32>
        %mul3A_85 = arith.mulf %convert_element_type3A_82, %mul3A_84 : vector<16xf32>
        %convert_element_type3A_86 = arith.fptosi %mul3A_85 : vector<16xf32> to vector<16xi32>
        %mul3A_87 = arith.constant 10 : i32
        %mul3A_88 = vector.broadcast %mul3A_87 : i32 to vector<16xi32>
        %mul3A_89 = arith.muli %convert_element_type3A_86, %mul3A_88 : vector<16xi32>
        %sub3A = arith.subi %get3A_81, %mul3A_89 : vector<16xi32>
        %mul3A_90 = arith.constant 10000 : i32
        %mul3A_91 = vector.broadcast %mul3A_90 : i32 to vector<16xi32>
        %mul3A_92 = arith.muli %sub3A, %mul3A_91 : vector<16xi32>
        %add3A_93 = arith.addi %mul3A_92, %convert_element_type3A_86 : vector<16xi32>
        tpu.vector_store_idx %arg6[%add3A_93], %broadcast_in_dim3A_3 {add = true} : memref<100000xf32, #tpu.memory_space<vmem>>[vector<16xi32>], vector<16xf32>,
      }
      %scan3A_73 = arith.constant 520 : i32
    }
    %scan3A_21 = arith.constant 3 : i32
    %lt3A = arith.constant 20 : i32
    %lt3A_22 = arith.cmpi slt, %add3A, %lt3A : i32
    %convert_element_type3A = arith.extui %lt3A_22 : i1 to i32
    %cond3A = arith.constant 0 : i32
    %cond3A_23 = arith.cmpi ne, %convert_element_type3A, %cond3A : i32
    scf.if %cond3A_23 {
      %add3A_34 = arith.constant 12480 : i32
      %add3A_35 = arith.addi %add3A_34, %add3A : i32
      %mul3A_36 = arith.constant 128 : i32
      %mul3A_37 = arith.muli %add3A_35, %mul3A_36 : i32
      %add3A_38 = arith.constant 1600000 : i32
      %add3A_39 = arith.addi %add3A_38, %mul3A_37 : i32
      "tpu.region"() ({
        %run_scoped3A = tpu.sem_alloc : memref<!tpu.dma_semaphore, #tpu.memory_space<semaphore_mem>>
        %dma_start3A_45 = arith.constant 0 : i32
        %dma_start3A_46 = tpu.memref_slice %arg4[%dma_start3A_45] : memref<8320xi32, #tpu.memory_space<vmem>> -> memref<128xi32, #tpu.memory_space<vmem>>
        %dma_start3A_47 = tpu.memref_slice %arg2[%add3A_39] : memref<3200000xi32, #tpu.memory_space<hbm>> -> memref<128xi32, #tpu.memory_space<hbm>>
        %dma_start3A_48 = arith.constant 0 : i32
        %dma_start3A_49 = tpu.memref_slice %arg4[%dma_start3A_48] : memref<8320xi32, #tpu.memory_space<vmem>> -> memref<128xi32, #tpu.memory_space<vmem>>
        %dma_start3A_50 = tpu.memref_slice %arg2[%add3A_39] : memref<3200000xi32, #tpu.memory_space<hbm>> -> memref<128xi32, #tpu.memory_space<hbm>>
        tpu.enqueue_dma source(%dma_start3A_50 : memref<128xi32, #tpu.memory_space<hbm>>) target(%dma_start3A_49 : memref<128xi32, #tpu.memory_space<vmem>>) target_semaphore(%run_scoped3A : memref<!tpu.dma_semaphore, #tpu.memory_space<semaphore_mem>>)
        %dma_wait3A = arith.constant 0 : i32
        %dma_wait3A_51 = tpu.memref_slice %arg4[%dma_wait3A] : memref<8320xi32, #tpu.memory_space<vmem>> -> memref<128xi32, #tpu.memory_space<vmem>>
        %dma_wait3A_52 = tpu.memref_slice %arg2[%add3A_39] : memref<3200000xi32, #tpu.memory_space<hbm>> -> memref<128xi32, #tpu.memory_space<hbm>>
        %dma_wait3A_53 = arith.constant 0 : i32
        %dma_wait3A_54 = tpu.memref_slice %arg4[%dma_wait3A_53] : memref<8320xi32, #tpu.memory_space<vmem>> -> memref<128xi32, #tpu.memory_space<vmem>>
        %dma_wait3A_55 = tpu.memref_slice %arg2[%add3A_39] : memref<3200000xi32, #tpu.memory_space<hbm>> -> memref<128xi32, #tpu.memory_space<hbm>>
        tpu.wait_dma2 semaphore(%run_scoped3A : memref<!tpu.dma_semaphore, #tpu.memory_space<semaphore_mem>>) src(%dma_wait3A_55 : memref<128xi32, #tpu.memory_space<hbm>>) dst(%dma_wait3A_54 : memref<128xi32, #tpu.memory_space<vmem>>)
        tpu.yield
      }) : () -> ()
      %scan3A_40 = arith.constant 0 : i32
      %scan3A_41 = arith.constant 8 : i32
      %scan3A_42 = arith.addi %scan3A_40, %scan3A_41 : i32
      %scan3A_43 = arith.constant 1 : i32
      scf.for %scan3A_45 = %scan3A_40 to %scan3A_42 step %scan3A_43  : i32 {
        %mul3A_46 = arith.constant 1 : i32
        %mul3A_47 = arith.muli %scan3A_45, %mul3A_46 : i32
        %add3A_48 = arith.constant 0 : i32
        %add3A_49 = arith.addi %add3A_48, %mul3A_47 : i32
        %mul3A_50 = arith.constant 16 : i32
        %mul3A_51 = arith.muli %add3A_49, %mul3A_50 : i32
        %get3A = arith.index_cast %mul3A_51 : i32 to index
        %get3A_52 = tpu.vector_load %arg4[%get3A] {strides = array<i32>} : memref<8320xi32, #tpu.memory_space<vmem>>, vector<16xi32>,
        %convert_element_type3A_53 = arith.sitofp %get3A_52 : vector<16xi32> to vector<16xf32>
        %mul3A_54 = arith.constant 1.000000e-01 : f32
        %mul3A_55 = vector.broadcast %mul3A_54 : f32 to vector<16xf32>
        %mul3A_56 = arith.mulf %convert_element_type3A_53, %mul3A_55 : vector<16xf32>
        %convert_element_type3A_57 = arith.fptosi %mul3A_56 : vector<16xf32> to vector<16xi32>
        %mul3A_58 = arith.constant 10 : i32
        %mul3A_59 = vector.broadcast %mul3A_58 : i32 to vector<16xi32>
        %mul3A_60 = arith.muli %convert_element_type3A_57, %mul3A_59 : vector<16xi32>
        %sub3A = arith.subi %get3A_52, %mul3A_60 : vector<16xi32>
        %mul3A_61 = arith.constant 10000 : i32
        %mul3A_62 = vector.broadcast %mul3A_61 : i32 to vector<16xi32>
        %mul3A_63 = arith.muli %sub3A, %mul3A_62 : vector<16xi32>
        %add3A_64 = arith.addi %mul3A_63, %convert_element_type3A_57 : vector<16xi32>
        tpu.vector_store_idx %arg6[%add3A_64], %broadcast_in_dim3A_3 {add = true} : memref<100000xf32, #tpu.memory_space<vmem>>[vector<16xi32>], vector<16xf32>,
      }
      %scan3A_44 = arith.constant 8 : i32
    } else {
    }
    %scan3A_24 = arith.constant 0 : i32
    %scan3A_25 = arith.constant 25 : i32
    %scan3A_26 = arith.addi %scan3A_24, %scan3A_25 : i32
    %scan3A_27 = arith.constant 1 : i32
    scf.for %scan3A_34 = %scan3A_24 to %scan3A_26 step %scan3A_27  : i32 {
      %mul3A_35 = arith.constant 1 : i32
      %mul3A_36 = arith.muli %scan3A_34, %mul3A_35 : i32
      %add3A_37 = arith.constant 0 : i32
      %add3A_38 = arith.addi %add3A_37, %mul3A_36 : i32
      %mul3A_39 = arith.constant 400 : i32
      %mul3A_40 = arith.muli %add3A_38, %mul3A_39 : i32
      %add3A_41 = arith.constant 0 : i32
      %add3A_42 = arith.addi %add3A_41, %mul3A_40 : i32
      %dma_start3A_43 = arith.constant 0 : i32
      %dma_start3A_44 = tpu.memref_slice %arg6[%add3A_42] : memref<100000xf32, #tpu.memory_space<vmem>> -> memref<400xf32, #tpu.memory_space<vmem>>
      %dma_start3A_45 = arith.constant 0 : i32
      %dma_start3A_46 = arith.constant 0 : i32
      %dma_start3A_47 = arith.constant 0 : i32
      %dma_start3A_48 = tpu.memref_slice %arg3[%add3A_38, %dma_start3A_45, %dma_start3A_46, %dma_start3A_47] : memref<25x32x10x400xf32, #tpu.memory_space<hbm>> -> memref<1x32x10x400xf32, #tpu.memory_space<hbm>>
      %dma_start3A_49 = tpu.memref_squeeze %dma_start3A_48 : memref<1x32x10x400xf32, #tpu.memory_space<hbm>> -> memref<32x10x400xf32, #tpu.memory_space<hbm>>
      %dma_start3A_50 = arith.constant 0 : i32
      %dma_start3A_51 = arith.constant 0 : i32
      %dma_start3A_52 = tpu.memref_slice %dma_start3A_49[%add3A, %dma_start3A_50, %dma_start3A_51] : memref<32x10x400xf32, #tpu.memory_space<hbm>> -> memref<1x10x400xf32, #tpu.memory_space<hbm>>
      %dma_start3A_53 = tpu.memref_squeeze %dma_start3A_52 : memref<1x10x400xf32, #tpu.memory_space<hbm>> -> memref<10x400xf32, #tpu.memory_space<hbm>>
      %dma_start3A_54 = arith.constant 0 : i32
      %dma_start3A_55 = tpu.memref_slice %dma_start3A_53[%dma_start3A_43, %dma_start3A_54] : memref<10x400xf32, #tpu.memory_space<hbm>> -> memref<1x400xf32, #tpu.memory_space<hbm>>
      %dma_start3A_56 = tpu.memref_squeeze %dma_start3A_55 : memref<1x400xf32, #tpu.memory_space<hbm>> -> memref<400xf32, #tpu.memory_space<hbm>>
      %dma_start3A_57 = arith.constant 0 : i32
      %dma_start3A_58 = arith.constant 0 : i32
      %dma_start3A_59 = arith.constant 0 : i32
      %dma_start3A_60 = tpu.memref_slice %arg3[%add3A_38, %dma_start3A_57, %dma_start3A_58, %dma_start3A_59] : memref<25x32x10x400xf32, #tpu.memory_space<hbm>> -> memref<1x32x10x400xf32, #tpu.memory_space<hbm>>
      %dma_start3A_61 = tpu.memref_squeeze %dma_start3A_60 : memref<1x32x10x400xf32, #tpu.memory_space<hbm>> -> memref<32x10x400xf32, #tpu.memory_space<hbm>>
      %dma_start3A_62 = arith.constant 0 : i32
      %dma_start3A_63 = arith.constant 0 : i32
      %dma_start3A_64 = tpu.memref_slice %dma_start3A_61[%add3A, %dma_start3A_62, %dma_start3A_63] : memref<32x10x400xf32, #tpu.memory_space<hbm>> -> memref<1x10x400xf32, #tpu.memory_space<hbm>>
      %dma_start3A_65 = tpu.memref_squeeze %dma_start3A_64 : memref<1x10x400xf32, #tpu.memory_space<hbm>> -> memref<10x400xf32, #tpu.memory_space<hbm>>
      %dma_start3A_66 = arith.constant 0 : i32
      %dma_start3A_67 = tpu.memref_slice %dma_start3A_65[%dma_start3A_43, %dma_start3A_66] : memref<10x400xf32, #tpu.memory_space<hbm>> -> memref<1x400xf32, #tpu.memory_space<hbm>>
      %dma_start3A_68 = tpu.memref_squeeze %dma_start3A_67 : memref<1x400xf32, #tpu.memory_space<hbm>> -> memref<400xf32, #tpu.memory_space<hbm>>
      %dma_start3A_69 = tpu.memref_slice %arg6[%add3A_42] : memref<100000xf32, #tpu.memory_space<vmem>> -> memref<400xf32, #tpu.memory_space<vmem>>
      tpu.enqueue_dma source(%dma_start3A_69 : memref<400xf32, #tpu.memory_space<vmem>>) target(%dma_start3A_68 : memref<400xf32, #tpu.memory_space<hbm>>) target_semaphore(%arg7 : memref<!tpu.dma_semaphore, #tpu.memory_space<semaphore_mem>>)
      %mul3A_70 = arith.constant 400 : i32
      %mul3A_71 = arith.muli %add3A_38, %mul3A_70 : i32
      %add3A_72 = arith.constant 10000 : i32
      %add3A_73 = arith.addi %add3A_72, %mul3A_71 : i32
      %dma_start3A_74 = arith.constant 1 : i32
      %dma_start3A_75 = tpu.memref_slice %arg6[%add3A_73] : memref<100000xf32, #tpu.memory_space<vmem>> -> memref<400xf32, #tpu.memory_space<vmem>>
      %dma_start3A_76 = arith.constant 0 : i32
      %dma_start3A_77 = arith.constant 0 : i32
      %dma_start3A_78 = arith.constant 0 : i32
      %dma_start3A_79 = tpu.memref_slice %arg3[%add3A_38, %dma_start3A_76, %dma_start3A_77, %dma_start3A_78] : memref<25x32x10x400xf32, #tpu.memory_space<hbm>> -> memref<1x32x10x400xf32, #tpu.memory_space<hbm>>
      %dma_start3A_80 = tpu.memref_squeeze %dma_start3A_79 : memref<1x32x10x400xf32, #tpu.memory_space<hbm>> -> memref<32x10x400xf32, #tpu.memory_space<hbm>>
      %dma_start3A_81 = arith.constant 0 : i32
      %dma_start3A_82 = arith.constant 0 : i32
      %dma_start3A_83 = tpu.memref_slice %dma_start3A_80[%add3A, %dma_start3A_81, %dma_start3A_82] : memref<32x10x400xf32, #tpu.memory_space<hbm>> -> memref<1x10x400xf32, #tpu.memory_space<hbm>>
      %dma_start3A_84 = tpu.memref_squeeze %dma_start3A_83 : memref<1x10x400xf32, #tpu.memory_space<hbm>> -> memref<10x400xf32, #tpu.memory_space<hbm>>
      %dma_start3A_85 = arith.constant 0 : i32
      %dma_start3A_86 = tpu.memref_slice %dma_start3A_84[%dma_start3A_74, %dma_start3A_85] : memref<10x400xf32, #tpu.memory_space<hbm>> -> memref<1x400xf32, #tpu.memory_space<hbm>>
      %dma_start3A_87 = tpu.memref_squeeze %dma_start3A_86 : memref<1x400xf32, #tpu.memory_space<hbm>> -> memref<400xf32, #tpu.memory_space<hbm>>
      %dma_start3A_88 = arith.constant 0 : i32
      %dma_start3A_89 = arith.constant 0 : i32
      %dma_start3A_90 = arith.constant 0 : i32
      %dma_start3A_91 = tpu.memref_slice %arg3[%add3A_38, %dma_start3A_88, %dma_start3A_89, %dma_start3A_90] : memref<25x32x10x400xf32, #tpu.memory_space<hbm>> -> memref<1x32x10x400xf32, #tpu.memory_space<hbm>>
      %dma_start3A_92 = tpu.memref_squeeze %dma_start3A_91 : memref<1x32x10x400xf32, #tpu.memory_space<hbm>> -> memref<32x10x400xf32, #tpu.memory_space<hbm>>
      %dma_start3A_93 = arith.constant 0 : i32
      %dma_start3A_94 = arith.constant 0 : i32
      %dma_start3A_95 = tpu.memref_slice %dma_start3A_92[%add3A, %dma_start3A_93, %dma_start3A_94] : memref<32x10x400xf32, #tpu.memory_space<hbm>> -> memref<1x10x400xf32, #tpu.memory_space<hbm>>
      %dma_start3A_96 = tpu.memref_squeeze %dma_start3A_95 : memref<1x10x400xf32, #tpu.memory_space<hbm>> -> memref<10x400xf32, #tpu.memory_space<hbm>>
      %dma_start3A_97 = arith.constant 0 : i32
      %dma_start3A_98 = tpu.memref_slice %dma_start3A_96[%dma_start3A_74, %dma_start3A_97] : memref<10x400xf32, #tpu.memory_space<hbm>> -> memref<1x400xf32, #tpu.memory_space<hbm>>
      %dma_start3A_99 = tpu.memref_squeeze %dma_start3A_98 : memref<1x400xf32, #tpu.memory_space<hbm>> -> memref<400xf32, #tpu.memory_space<hbm>>
      %dma_start3A_100 = tpu.memref_slice %arg6[%add3A_73] : memref<100000xf32, #tpu.memory_space<vmem>> -> memref<400xf32, #tpu.memory_space<vmem>>
      tpu.enqueue_dma source(%dma_start3A_100 : memref<400xf32, #tpu.memory_space<vmem>>) target(%dma_start3A_99 : memref<400xf32, #tpu.memory_space<hbm>>) target_semaphore(%arg7 : memref<!tpu.dma_semaphore, #tpu.memory_space<semaphore_mem>>)
      %mul3A_101 = arith.constant 400 : i32
      %mul3A_102 = arith.muli %add3A_38, %mul3A_101 : i32
      %add3A_103 = arith.constant 20000 : i32
      %add3A_104 = arith.addi %add3A_103, %mul3A_102 : i32
      %dma_start3A_105 = arith.constant 2 : i32
      %dma_start3A_106 = tpu.memref_slice %arg6[%add3A_104] : memref<100000xf32, #tpu.memory_space<vmem>> -> memref<400xf32, #tpu.memory_space<vmem>>
      %dma_start3A_107 = arith.constant 0 : i32
      %dma_start3A_108 = arith.constant 0 : i32
      %dma_start3A_109 = arith.constant 0 : i32
      %dma_start3A_110 = tpu.memref_slice %arg3[%add3A_38, %dma_start3A_107, %dma_start3A_108, %dma_start3A_109] : memref<25x32x10x400xf32, #tpu.memory_space<hbm>> -> memref<1x32x10x400xf32, #tpu.memory_space<hbm>>
      %dma_start3A_111 = tpu.memref_squeeze %dma_start3A_110 : memref<1x32x10x400xf32, #tpu.memory_space<hbm>> -> memref<32x10x400xf32, #tpu.memory_space<hbm>>
      %dma_start3A_112 = arith.constant 0 : i32
      %dma_start3A_113 = arith.constant 0 : i32
      %dma_start3A_114 = tpu.memref_slice %dma_start3A_111[%add3A, %dma_start3A_112, %dma_start3A_113] : memref<32x10x400xf32, #tpu.memory_space<hbm>> -> memref<1x10x400xf32, #tpu.memory_space<hbm>>
      %dma_start3A_115 = tpu.memref_squeeze %dma_start3A_114 : memref<1x10x400xf32, #tpu.memory_space<hbm>> -> memref<10x400xf32, #tpu.memory_space<hbm>>
      %dma_start3A_116 = arith.constant 0 : i32
      %dma_start3A_117 = tpu.memref_slice %dma_start3A_115[%dma_start3A_105, %dma_start3A_116] : memref<10x400xf32, #tpu.memory_space<hbm>> -> memref<1x400xf32, #tpu.memory_space<hbm>>
      %dma_start3A_118 = tpu.memref_squeeze %dma_start3A_117 : memref<1x400xf32, #tpu.memory_space<hbm>> -> memref<400xf32, #tpu.memory_space<hbm>>
      %dma_start3A_119 = arith.constant 0 : i32
      %dma_start3A_120 = arith.constant 0 : i32
      %dma_start3A_121 = arith.constant 0 : i32
      %dma_start3A_122 = tpu.memref_slice %arg3[%add3A_38, %dma_start3A_119, %dma_start3A_120, %dma_start3A_121] : memref<25x32x10x400xf32, #tpu.memory_space<hbm>> -> memref<1x32x10x400xf32, #tpu.memory_space<hbm>>
      %dma_start3A_123 = tpu.memref_squeeze %dma_start3A_122 : memref<1x32x10x400xf32, #tpu.memory_space<hbm>> -> memref<32x10x400xf32, #tpu.memory_space<hbm>>
      %dma_start3A_124 = arith.constant 0 : i32
      %dma_start3A_125 = arith.constant 0 : i32
      %dma_start3A_126 = tpu.memref_slice %dma_start3A_123[%add3A, %dma_start3A_124, %dma_start3A_125] : memref<32x10x400xf32, #tpu.memory_space<hbm>> -> memref<1x10x400xf32, #tpu.memory_space<hbm>>
      %dma_start3A_127 = tpu.memref_squeeze %dma_start3A_126 : memref<1x10x400xf32, #tpu.memory_space<hbm>> -> memref<10x400xf32, #tpu.memory_space<hbm>>
      %dma_start3A_128 = arith.constant 0 : i32
      %dma_start3A_129 = tpu.memref_slice %dma_start3A_127[%dma_start3A_105, %dma_start3A_128] : memref<10x400xf32, #tpu.memory_space<hbm>> -> memref<1x400xf32, #tpu.memory_space<hbm>>
      %dma_start3A_130 = tpu.memref_squeeze %dma_start3A_129 : memref<1x400xf32, #tpu.memory_space<hbm>> -> memref<400xf32, #tpu.memory_space<hbm>>
      %dma_start3A_131 = tpu.memref_slice %arg6[%add3A_104] : memref<100000xf32, #tpu.memory_space<vmem>> -> memref<400xf32, #tpu.memory_space<vmem>>
      tpu.enqueue_dma source(%dma_start3A_131 : memref<400xf32, #tpu.memory_space<vmem>>) target(%dma_start3A_130 : memref<400xf32, #tpu.memory_space<hbm>>) target_semaphore(%arg7 : memref<!tpu.dma_semaphore, #tpu.memory_space<semaphore_mem>>)
      %mul3A_132 = arith.constant 400 : i32
      %mul3A_133 = arith.muli %add3A_38, %mul3A_132 : i32
      %add3A_134 = arith.constant 30000 : i32
      %add3A_135 = arith.addi %add3A_134, %mul3A_133 : i32
      %dma_start3A_136 = arith.constant 3 : i32
      %dma_start3A_137 = tpu.memref_slice %arg6[%add3A_135] : memref<100000xf32, #tpu.memory_space<vmem>> -> memref<400xf32, #tpu.memory_space<vmem>>
      %dma_start3A_138 = arith.constant 0 : i32
      %dma_start3A_139 = arith.constant 0 : i32
      %dma_start3A_140 = arith.constant 0 : i32
      %dma_start3A_141 = tpu.memref_slice %arg3[%add3A_38, %dma_start3A_138, %dma_start3A_139, %dma_start3A_140] : memref<25x32x10x400xf32, #tpu.memory_space<hbm>> -> memref<1x32x10x400xf32, #tpu.memory_space<hbm>>
      %dma_start3A_142 = tpu.memref_squeeze %dma_start3A_141 : memref<1x32x10x400xf32, #tpu.memory_space<hbm>> -> memref<32x10x400xf32, #tpu.memory_space<hbm>>
      %dma_start3A_143 = arith.constant 0 : i32
      %dma_start3A_144 = arith.constant 0 : i32
      %dma_start3A_145 = tpu.memref_slice %dma_start3A_142[%add3A, %dma_start3A_143, %dma_start3A_144] : memref<32x10x400xf32, #tpu.memory_space<hbm>> -> memref<1x10x400xf32, #tpu.memory_space<hbm>>
      %dma_start3A_146 = tpu.memref_squeeze %dma_start3A_145 : memref<1x10x400xf32, #tpu.memory_space<hbm>> -> memref<10x400xf32, #tpu.memory_space<hbm>>
      %dma_start3A_147 = arith.constant 0 : i32
      %dma_start3A_148 = tpu.memref_slice %dma_start3A_146[%dma_start3A_136, %dma_start3A_147] : memref<10x400xf32, #tpu.memory_space<hbm>> -> memref<1x400xf32, #tpu.memory_space<hbm>>
      %dma_start3A_149 = tpu.memref_squeeze %dma_start3A_148 : memref<1x400xf32, #tpu.memory_space<hbm>> -> memref<400xf32, #tpu.memory_space<hbm>>
      %dma_start3A_150 = arith.constant 0 : i32
      %dma_start3A_151 = arith.constant 0 : i32
      %dma_start3A_152 = arith.constant 0 : i32
      %dma_start3A_153 = tpu.memref_slice %arg3[%add3A_38, %dma_start3A_150, %dma_start3A_151, %dma_start3A_152] : memref<25x32x10x400xf32, #tpu.memory_space<hbm>> -> memref<1x32x10x400xf32, #tpu.memory_space<hbm>>
      %dma_start3A_154 = tpu.memref_squeeze %dma_start3A_153 : memref<1x32x10x400xf32, #tpu.memory_space<hbm>> -> memref<32x10x400xf32, #tpu.memory_space<hbm>>
      %dma_start3A_155 = arith.constant 0 : i32
      %dma_start3A_156 = arith.constant 0 : i32
      %dma_start3A_157 = tpu.memref_slice %dma_start3A_154[%add3A, %dma_start3A_155, %dma_start3A_156] : memref<32x10x400xf32, #tpu.memory_space<hbm>> -> memref<1x10x400xf32, #tpu.memory_space<hbm>>
      %dma_start3A_158 = tpu.memref_squeeze %dma_start3A_157 : memref<1x10x400xf32, #tpu.memory_space<hbm>> -> memref<10x400xf32, #tpu.memory_space<hbm>>
      %dma_start3A_159 = arith.constant 0 : i32
      %dma_start3A_160 = tpu.memref_slice %dma_start3A_158[%dma_start3A_136, %dma_start3A_159] : memref<10x400xf32, #tpu.memory_space<hbm>> -> memref<1x400xf32, #tpu.memory_space<hbm>>
      %dma_start3A_161 = tpu.memref_squeeze %dma_start3A_160 : memref<1x400xf32, #tpu.memory_space<hbm>> -> memref<400xf32, #tpu.memory_space<hbm>>
      %dma_start3A_162 = tpu.memref_slice %arg6[%add3A_135] : memref<100000xf32, #tpu.memory_space<vmem>> -> memref<400xf32, #tpu.memory_space<vmem>>
      tpu.enqueue_dma source(%dma_start3A_162 : memref<400xf32, #tpu.memory_space<vmem>>) target(%dma_start3A_161 : memref<400xf32, #tpu.memory_space<hbm>>) target_semaphore(%arg7 : memref<!tpu.dma_semaphore, #tpu.memory_space<semaphore_mem>>)
      %mul3A_163 = arith.constant 400 : i32
      %mul3A_164 = arith.muli %add3A_38, %mul3A_163 : i32
      %add3A_165 = arith.constant 40000 : i32
      %add3A_166 = arith.addi %add3A_165, %mul3A_164 : i32
      %dma_start3A_167 = arith.constant 4 : i32
      %dma_start3A_168 = tpu.memref_slice %arg6[%add3A_166] : memref<100000xf32, #tpu.memory_space<vmem>> -> memref<400xf32, #tpu.memory_space<vmem>>
      %dma_start3A_169 = arith.constant 0 : i32
      %dma_start3A_170 = arith.constant 0 : i32
      %dma_start3A_171 = arith.constant 0 : i32
      %dma_start3A_172 = tpu.memref_slice %arg3[%add3A_38, %dma_start3A_169, %dma_start3A_170, %dma_start3A_171] : memref<25x32x10x400xf32, #tpu.memory_space<hbm>> -> memref<1x32x10x400xf32, #tpu.memory_space<hbm>>
      %dma_start3A_173 = tpu.memref_squeeze %dma_start3A_172 : memref<1x32x10x400xf32, #tpu.memory_space<hbm>> -> memref<32x10x400xf32, #tpu.memory_space<hbm>>
      %dma_start3A_174 = arith.constant 0 : i32
      %dma_start3A_175 = arith.constant 0 : i32
      %dma_start3A_176 = tpu.memref_slice %dma_start3A_173[%add3A, %dma_start3A_174, %dma_start3A_175] : memref<32x10x400xf32, #tpu.memory_space<hbm>> -> memref<1x10x400xf32, #tpu.memory_space<hbm>>
      %dma_start3A_177 = tpu.memref_squeeze %dma_start3A_176 : memref<1x10x400xf32, #tpu.memory_space<hbm>> -> memref<10x400xf32, #tpu.memory_space<hbm>>
      %dma_start3A_178 = arith.constant 0 : i32
      %dma_start3A_179 = tpu.memref_slice %dma_start3A_177[%dma_start3A_167, %dma_start3A_178] : memref<10x400xf32, #tpu.memory_space<hbm>> -> memref<1x400xf32, #tpu.memory_space<hbm>>
      %dma_start3A_180 = tpu.memref_squeeze %dma_start3A_179 : memref<1x400xf32, #tpu.memory_space<hbm>> -> memref<400xf32, #tpu.memory_space<hbm>>
      %dma_start3A_181 = arith.constant 0 : i32
      %dma_start3A_182 = arith.constant 0 : i32
      %dma_start3A_183 = arith.constant 0 : i32
      %dma_start3A_184 = tpu.memref_slice %arg3[%add3A_38, %dma_start3A_181, %dma_start3A_182, %dma_start3A_183] : memref<25x32x10x400xf32, #tpu.memory_space<hbm>> -> memref<1x32x10x400xf32, #tpu.memory_space<hbm>>
      %dma_start3A_185 = tpu.memref_squeeze %dma_start3A_184 : memref<1x32x10x400xf32, #tpu.memory_space<hbm>> -> memref<32x10x400xf32, #tpu.memory_space<hbm>>
      %dma_start3A_186 = arith.constant 0 : i32
      %dma_start3A_187 = arith.constant 0 : i32
      %dma_start3A_188 = tpu.memref_slice %dma_start3A_185[%add3A, %dma_start3A_186, %dma_start3A_187] : memref<32x10x400xf32, #tpu.memory_space<hbm>> -> memref<1x10x400xf32, #tpu.memory_space<hbm>>
      %dma_start3A_189 = tpu.memref_squeeze %dma_start3A_188 : memref<1x10x400xf32, #tpu.memory_space<hbm>> -> memref<10x400xf32, #tpu.memory_space<hbm>>
      %dma_start3A_190 = arith.constant 0 : i32
      %dma_start3A_191 = tpu.memref_slice %dma_start3A_189[%dma_start3A_167, %dma_start3A_190] : memref<10x400xf32, #tpu.memory_space<hbm>> -> memref<1x400xf32, #tpu.memory_space<hbm>>
      %dma_start3A_192 = tpu.memref_squeeze %dma_start3A_191 : memref<1x400xf32, #tpu.memory_space<hbm>> -> memref<400xf32, #tpu.memory_space<hbm>>
      %dma_start3A_193 = tpu.memref_slice %arg6[%add3A_166] : memref<100000xf32, #tpu.memory_space<vmem>> -> memref<400xf32, #tpu.memory_space<vmem>>
      tpu.enqueue_dma source(%dma_start3A_193 : memref<400xf32, #tpu.memory_space<vmem>>) target(%dma_start3A_192 : memref<400xf32, #tpu.memory_space<hbm>>) target_semaphore(%arg7 : memref<!tpu.dma_semaphore, #tpu.memory_space<semaphore_mem>>)
      %mul3A_194 = arith.constant 400 : i32
      %mul3A_195 = arith.muli %add3A_38, %mul3A_194 : i32
      %add3A_196 = arith.constant 50000 : i32
      %add3A_197 = arith.addi %add3A_196, %mul3A_195 : i32
      %dma_start3A_198 = arith.constant 5 : i32
      %dma_start3A_199 = tpu.memref_slice %arg6[%add3A_197] : memref<100000xf32, #tpu.memory_space<vmem>> -> memref<400xf32, #tpu.memory_space<vmem>>
      %dma_start3A_200 = arith.constant 0 : i32
      %dma_start3A_201 = arith.constant 0 : i32
      %dma_start3A_202 = arith.constant 0 : i32
      %dma_start3A_203 = tpu.memref_slice %arg3[%add3A_38, %dma_start3A_200, %dma_start3A_201, %dma_start3A_202] : memref<25x32x10x400xf32, #tpu.memory_space<hbm>> -> memref<1x32x10x400xf32, #tpu.memory_space<hbm>>
      %dma_start3A_204 = tpu.memref_squeeze %dma_start3A_203 : memref<1x32x10x400xf32, #tpu.memory_space<hbm>> -> memref<32x10x400xf32, #tpu.memory_space<hbm>>
      %dma_start3A_205 = arith.constant 0 : i32
      %dma_start3A_206 = arith.constant 0 : i32
      %dma_start3A_207 = tpu.memref_slice %dma_start3A_204[%add3A, %dma_start3A_205, %dma_start3A_206] : memref<32x10x400xf32, #tpu.memory_space<hbm>> -> memref<1x10x400xf32, #tpu.memory_space<hbm>>
      %dma_start3A_208 = tpu.memref_squeeze %dma_start3A_207 : memref<1x10x400xf32, #tpu.memory_space<hbm>> -> memref<10x400xf32, #tpu.memory_space<hbm>>
      %dma_start3A_209 = arith.constant 0 : i32
      %dma_start3A_210 = tpu.memref_slice %dma_start3A_208[%dma_start3A_198, %dma_start3A_209] : memref<10x400xf32, #tpu.memory_space<hbm>> -> memref<1x400xf32, #tpu.memory_space<hbm>>
      %dma_start3A_211 = tpu.memref_squeeze %dma_start3A_210 : memref<1x400xf32, #tpu.memory_space<hbm>> -> memref<400xf32, #tpu.memory_space<hbm>>
      %dma_start3A_212 = arith.constant 0 : i32
      %dma_start3A_213 = arith.constant 0 : i32
      %dma_start3A_214 = arith.constant 0 : i32
      %dma_start3A_215 = tpu.memref_slice %arg3[%add3A_38, %dma_start3A_212, %dma_start3A_213, %dma_start3A_214] : memref<25x32x10x400xf32, #tpu.memory_space<hbm>> -> memref<1x32x10x400xf32, #tpu.memory_space<hbm>>
      %dma_start3A_216 = tpu.memref_squeeze %dma_start3A_215 : memref<1x32x10x400xf32, #tpu.memory_space<hbm>> -> memref<32x10x400xf32, #tpu.memory_space<hbm>>
      %dma_start3A_217 = arith.constant 0 : i32
      %dma_start3A_218 = arith.constant 0 : i32
      %dma_start3A_219 = tpu.memref_slice %dma_start3A_216[%add3A, %dma_start3A_217, %dma_start3A_218] : memref<32x10x400xf32, #tpu.memory_space<hbm>> -> memref<1x10x400xf32, #tpu.memory_space<hbm>>
      %dma_start3A_220 = tpu.memref_squeeze %dma_start3A_219 : memref<1x10x400xf32, #tpu.memory_space<hbm>> -> memref<10x400xf32, #tpu.memory_space<hbm>>
      %dma_start3A_221 = arith.constant 0 : i32
      %dma_start3A_222 = tpu.memref_slice %dma_start3A_220[%dma_start3A_198, %dma_start3A_221] : memref<10x400xf32, #tpu.memory_space<hbm>> -> memref<1x400xf32, #tpu.memory_space<hbm>>
      %dma_start3A_223 = tpu.memref_squeeze %dma_start3A_222 : memref<1x400xf32, #tpu.memory_space<hbm>> -> memref<400xf32, #tpu.memory_space<hbm>>
      %dma_start3A_224 = tpu.memref_slice %arg6[%add3A_197] : memref<100000xf32, #tpu.memory_space<vmem>> -> memref<400xf32, #tpu.memory_space<vmem>>
      tpu.enqueue_dma source(%dma_start3A_224 : memref<400xf32, #tpu.memory_space<vmem>>) target(%dma_start3A_223 : memref<400xf32, #tpu.memory_space<hbm>>) target_semaphore(%arg7 : memref<!tpu.dma_semaphore, #tpu.memory_space<semaphore_mem>>)
      %mul3A_225 = arith.constant 400 : i32
      %mul3A_226 = arith.muli %add3A_38, %mul3A_225 : i32
      %add3A_227 = arith.constant 60000 : i32
      %add3A_228 = arith.addi %add3A_227, %mul3A_226 : i32
      %dma_start3A_229 = arith.constant 6 : i32
      %dma_start3A_230 = tpu.memref_slice %arg6[%add3A_228] : memref<100000xf32, #tpu.memory_space<vmem>> -> memref<400xf32, #tpu.memory_space<vmem>>
      %dma_start3A_231 = arith.constant 0 : i32
      %dma_start3A_232 = arith.constant 0 : i32
      %dma_start3A_233 = arith.constant 0 : i32
      %dma_start3A_234 = tpu.memref_slice %arg3[%add3A_38, %dma_start3A_231, %dma_start3A_232, %dma_start3A_233] : memref<25x32x10x400xf32, #tpu.memory_space<hbm>> -> memref<1x32x10x400xf32, #tpu.memory_space<hbm>>
      %dma_start3A_235 = tpu.memref_squeeze %dma_start3A_234 : memref<1x32x10x400xf32, #tpu.memory_space<hbm>> -> memref<32x10x400xf32, #tpu.memory_space<hbm>>
      %dma_start3A_236 = arith.constant 0 : i32
      %dma_start3A_237 = arith.constant 0 : i32
      %dma_start3A_238 = tpu.memref_slice %dma_start3A_235[%add3A, %dma_start3A_236, %dma_start3A_237] : memref<32x10x400xf32, #tpu.memory_space<hbm>> -> memref<1x10x400xf32, #tpu.memory_space<hbm>>
      %dma_start3A_239 = tpu.memref_squeeze %dma_start3A_238 : memref<1x10x400xf32, #tpu.memory_space<hbm>> -> memref<10x400xf32, #tpu.memory_space<hbm>>
      %dma_start3A_240 = arith.constant 0 : i32
      %dma_start3A_241 = tpu.memref_slice %dma_start3A_239[%dma_start3A_229, %dma_start3A_240] : memref<10x400xf32, #tpu.memory_space<hbm>> -> memref<1x400xf32, #tpu.memory_space<hbm>>
      %dma_start3A_242 = tpu.memref_squeeze %dma_start3A_241 : memref<1x400xf32, #tpu.memory_space<hbm>> -> memref<400xf32, #tpu.memory_space<hbm>>
      %dma_start3A_243 = arith.constant 0 : i32
      %dma_start3A_244 = arith.constant 0 : i32
      %dma_start3A_245 = arith.constant 0 : i32
      %dma_start3A_246 = tpu.memref_slice %arg3[%add3A_38, %dma_start3A_243, %dma_start3A_244, %dma_start3A_245] : memref<25x32x10x400xf32, #tpu.memory_space<hbm>> -> memref<1x32x10x400xf32, #tpu.memory_space<hbm>>
      %dma_start3A_247 = tpu.memref_squeeze %dma_start3A_246 : memref<1x32x10x400xf32, #tpu.memory_space<hbm>> -> memref<32x10x400xf32, #tpu.memory_space<hbm>>
      %dma_start3A_248 = arith.constant 0 : i32
      %dma_start3A_249 = arith.constant 0 : i32
      %dma_start3A_250 = tpu.memref_slice %dma_start3A_247[%add3A, %dma_start3A_248, %dma_start3A_249] : memref<32x10x400xf32, #tpu.memory_space<hbm>> -> memref<1x10x400xf32, #tpu.memory_space<hbm>>
      %dma_start3A_251 = tpu.memref_squeeze %dma_start3A_250 : memref<1x10x400xf32, #tpu.memory_space<hbm>> -> memref<10x400xf32, #tpu.memory_space<hbm>>
      %dma_start3A_252 = arith.constant 0 : i32
      %dma_start3A_253 = tpu.memref_slice %dma_start3A_251[%dma_start3A_229, %dma_start3A_252] : memref<10x400xf32, #tpu.memory_space<hbm>> -> memref<1x400xf32, #tpu.memory_space<hbm>>
      %dma_start3A_254 = tpu.memref_squeeze %dma_start3A_253 : memref<1x400xf32, #tpu.memory_space<hbm>> -> memref<400xf32, #tpu.memory_space<hbm>>
      %dma_start3A_255 = tpu.memref_slice %arg6[%add3A_228] : memref<100000xf32, #tpu.memory_space<vmem>> -> memref<400xf32, #tpu.memory_space<vmem>>
      tpu.enqueue_dma source(%dma_start3A_255 : memref<400xf32, #tpu.memory_space<vmem>>) target(%dma_start3A_254 : memref<400xf32, #tpu.memory_space<hbm>>) target_semaphore(%arg7 : memref<!tpu.dma_semaphore, #tpu.memory_space<semaphore_mem>>)
      %mul3A_256 = arith.constant 400 : i32
      %mul3A_257 = arith.muli %add3A_38, %mul3A_256 : i32
      %add3A_258 = arith.constant 70000 : i32
      %add3A_259 = arith.addi %add3A_258, %mul3A_257 : i32
      %dma_start3A_260 = arith.constant 7 : i32
      %dma_start3A_261 = tpu.memref_slice %arg6[%add3A_259] : memref<100000xf32, #tpu.memory_space<vmem>> -> memref<400xf32, #tpu.memory_space<vmem>>
      %dma_start3A_262 = arith.constant 0 : i32
      %dma_start3A_263 = arith.constant 0 : i32
      %dma_start3A_264 = arith.constant 0 : i32
      %dma_start3A_265 = tpu.memref_slice %arg3[%add3A_38, %dma_start3A_262, %dma_start3A_263, %dma_start3A_264] : memref<25x32x10x400xf32, #tpu.memory_space<hbm>> -> memref<1x32x10x400xf32, #tpu.memory_space<hbm>>
      %dma_start3A_266 = tpu.memref_squeeze %dma_start3A_265 : memref<1x32x10x400xf32, #tpu.memory_space<hbm>> -> memref<32x10x400xf32, #tpu.memory_space<hbm>>
      %dma_start3A_267 = arith.constant 0 : i32
      %dma_start3A_268 = arith.constant 0 : i32
      %dma_start3A_269 = tpu.memref_slice %dma_start3A_266[%add3A, %dma_start3A_267, %dma_start3A_268] : memref<32x10x400xf32, #tpu.memory_space<hbm>> -> memref<1x10x400xf32, #tpu.memory_space<hbm>>
      %dma_start3A_270 = tpu.memref_squeeze %dma_start3A_269 : memref<1x10x400xf32, #tpu.memory_space<hbm>> -> memref<10x400xf32, #tpu.memory_space<hbm>>
      %dma_start3A_271 = arith.constant 0 : i32
      %dma_start3A_272 = tpu.memref_slice %dma_start3A_270[%dma_start3A_260, %dma_start3A_271] : memref<10x400xf32, #tpu.memory_space<hbm>> -> memref<1x400xf32, #tpu.memory_space<hbm>>
      %dma_start3A_273 = tpu.memref_squeeze %dma_start3A_272 : memref<1x400xf32, #tpu.memory_space<hbm>> -> memref<400xf32, #tpu.memory_space<hbm>>
      %dma_start3A_274 = arith.constant 0 : i32
      %dma_start3A_275 = arith.constant 0 : i32
      %dma_start3A_276 = arith.constant 0 : i32
      %dma_start3A_277 = tpu.memref_slice %arg3[%add3A_38, %dma_start3A_274, %dma_start3A_275, %dma_start3A_276] : memref<25x32x10x400xf32, #tpu.memory_space<hbm>> -> memref<1x32x10x400xf32, #tpu.memory_space<hbm>>
      %dma_start3A_278 = tpu.memref_squeeze %dma_start3A_277 : memref<1x32x10x400xf32, #tpu.memory_space<hbm>> -> memref<32x10x400xf32, #tpu.memory_space<hbm>>
      %dma_start3A_279 = arith.constant 0 : i32
      %dma_start3A_280 = arith.constant 0 : i32
      %dma_start3A_281 = tpu.memref_slice %dma_start3A_278[%add3A, %dma_start3A_279, %dma_start3A_280] : memref<32x10x400xf32, #tpu.memory_space<hbm>> -> memref<1x10x400xf32, #tpu.memory_space<hbm>>
      %dma_start3A_282 = tpu.memref_squeeze %dma_start3A_281 : memref<1x10x400xf32, #tpu.memory_space<hbm>> -> memref<10x400xf32, #tpu.memory_space<hbm>>
      %dma_start3A_283 = arith.constant 0 : i32
      %dma_start3A_284 = tpu.memref_slice %dma_start3A_282[%dma_start3A_260, %dma_start3A_283] : memref<10x400xf32, #tpu.memory_space<hbm>> -> memref<1x400xf32, #tpu.memory_space<hbm>>
      %dma_start3A_285 = tpu.memref_squeeze %dma_start3A_284 : memref<1x400xf32, #tpu.memory_space<hbm>> -> memref<400xf32, #tpu.memory_space<hbm>>
      %dma_start3A_286 = tpu.memref_slice %arg6[%add3A_259] : memref<100000xf32, #tpu.memory_space<vmem>> -> memref<400xf32, #tpu.memory_space<vmem>>
      tpu.enqueue_dma source(%dma_start3A_286 : memref<400xf32, #tpu.memory_space<vmem>>) target(%dma_start3A_285 : memref<400xf32, #tpu.memory_space<hbm>>) target_semaphore(%arg7 : memref<!tpu.dma_semaphore, #tpu.memory_space<semaphore_mem>>)
      %mul3A_287 = arith.constant 400 : i32
      %mul3A_288 = arith.muli %add3A_38, %mul3A_287 : i32
      %add3A_289 = arith.constant 80000 : i32
      %add3A_290 = arith.addi %add3A_289, %mul3A_288 : i32
      %dma_start3A_291 = arith.constant 8 : i32
      %dma_start3A_292 = tpu.memref_slice %arg6[%add3A_290] : memref<100000xf32, #tpu.memory_space<vmem>> -> memref<400xf32, #tpu.memory_space<vmem>>
      %dma_start3A_293 = arith.constant 0 : i32
      %dma_start3A_294 = arith.constant 0 : i32
      %dma_start3A_295 = arith.constant 0 : i32
      %dma_start3A_296 = tpu.memref_slice %arg3[%add3A_38, %dma_start3A_293, %dma_start3A_294, %dma_start3A_295] : memref<25x32x10x400xf32, #tpu.memory_space<hbm>> -> memref<1x32x10x400xf32, #tpu.memory_space<hbm>>
      %dma_start3A_297 = tpu.memref_squeeze %dma_start3A_296 : memref<1x32x10x400xf32, #tpu.memory_space<hbm>> -> memref<32x10x400xf32, #tpu.memory_space<hbm>>
      %dma_start3A_298 = arith.constant 0 : i32
      %dma_start3A_299 = arith.constant 0 : i32
      %dma_start3A_300 = tpu.memref_slice %dma_start3A_297[%add3A, %dma_start3A_298, %dma_start3A_299] : memref<32x10x400xf32, #tpu.memory_space<hbm>> -> memref<1x10x400xf32, #tpu.memory_space<hbm>>
      %dma_start3A_301 = tpu.memref_squeeze %dma_start3A_300 : memref<1x10x400xf32, #tpu.memory_space<hbm>> -> memref<10x400xf32, #tpu.memory_space<hbm>>
      %dma_start3A_302 = arith.constant 0 : i32
      %dma_start3A_303 = tpu.memref_slice %dma_start3A_301[%dma_start3A_291, %dma_start3A_302] : memref<10x400xf32, #tpu.memory_space<hbm>> -> memref<1x400xf32, #tpu.memory_space<hbm>>
      %dma_start3A_304 = tpu.memref_squeeze %dma_start3A_303 : memref<1x400xf32, #tpu.memory_space<hbm>> -> memref<400xf32, #tpu.memory_space<hbm>>
      %dma_start3A_305 = arith.constant 0 : i32
      %dma_start3A_306 = arith.constant 0 : i32
      %dma_start3A_307 = arith.constant 0 : i32
      %dma_start3A_308 = tpu.memref_slice %arg3[%add3A_38, %dma_start3A_305, %dma_start3A_306, %dma_start3A_307] : memref<25x32x10x400xf32, #tpu.memory_space<hbm>> -> memref<1x32x10x400xf32, #tpu.memory_space<hbm>>
      %dma_start3A_309 = tpu.memref_squeeze %dma_start3A_308 : memref<1x32x10x400xf32, #tpu.memory_space<hbm>> -> memref<32x10x400xf32, #tpu.memory_space<hbm>>
      %dma_start3A_310 = arith.constant 0 : i32
      %dma_start3A_311 = arith.constant 0 : i32
      %dma_start3A_312 = tpu.memref_slice %dma_start3A_309[%add3A, %dma_start3A_310, %dma_start3A_311] : memref<32x10x400xf32, #tpu.memory_space<hbm>> -> memref<1x10x400xf32, #tpu.memory_space<hbm>>
      %dma_start3A_313 = tpu.memref_squeeze %dma_start3A_312 : memref<1x10x400xf32, #tpu.memory_space<hbm>> -> memref<10x400xf32, #tpu.memory_space<hbm>>
      %dma_start3A_314 = arith.constant 0 : i32
      %dma_start3A_315 = tpu.memref_slice %dma_start3A_313[%dma_start3A_291, %dma_start3A_314] : memref<10x400xf32, #tpu.memory_space<hbm>> -> memref<1x400xf32, #tpu.memory_space<hbm>>
      %dma_start3A_316 = tpu.memref_squeeze %dma_start3A_315 : memref<1x400xf32, #tpu.memory_space<hbm>> -> memref<400xf32, #tpu.memory_space<hbm>>
      %dma_start3A_317 = tpu.memref_slice %arg6[%add3A_290] : memref<100000xf32, #tpu.memory_space<vmem>> -> memref<400xf32, #tpu.memory_space<vmem>>
      tpu.enqueue_dma source(%dma_start3A_317 : memref<400xf32, #tpu.memory_space<vmem>>) target(%dma_start3A_316 : memref<400xf32, #tpu.memory_space<hbm>>) target_semaphore(%arg7 : memref<!tpu.dma_semaphore, #tpu.memory_space<semaphore_mem>>)
      %mul3A_318 = arith.constant 400 : i32
      %mul3A_319 = arith.muli %add3A_38, %mul3A_318 : i32
      %add3A_320 = arith.constant 90000 : i32
      %add3A_321 = arith.addi %add3A_320, %mul3A_319 : i32
      %dma_start3A_322 = arith.constant 9 : i32
      %dma_start3A_323 = tpu.memref_slice %arg6[%add3A_321] : memref<100000xf32, #tpu.memory_space<vmem>> -> memref<400xf32, #tpu.memory_space<vmem>>
      %dma_start3A_324 = arith.constant 0 : i32
      %dma_start3A_325 = arith.constant 0 : i32
      %dma_start3A_326 = arith.constant 0 : i32
      %dma_start3A_327 = tpu.memref_slice %arg3[%add3A_38, %dma_start3A_324, %dma_start3A_325, %dma_start3A_326] : memref<25x32x10x400xf32, #tpu.memory_space<hbm>> -> memref<1x32x10x400xf32, #tpu.memory_space<hbm>>
      %dma_start3A_328 = tpu.memref_squeeze %dma_start3A_327 : memref<1x32x10x400xf32, #tpu.memory_space<hbm>> -> memref<32x10x400xf32, #tpu.memory_space<hbm>>
      %dma_start3A_329 = arith.constant 0 : i32
      %dma_start3A_330 = arith.constant 0 : i32
      %dma_start3A_331 = tpu.memref_slice %dma_start3A_328[%add3A, %dma_start3A_329, %dma_start3A_330] : memref<32x10x400xf32, #tpu.memory_space<hbm>> -> memref<1x10x400xf32, #tpu.memory_space<hbm>>
      %dma_start3A_332 = tpu.memref_squeeze %dma_start3A_331 : memref<1x10x400xf32, #tpu.memory_space<hbm>> -> memref<10x400xf32, #tpu.memory_space<hbm>>
      %dma_start3A_333 = arith.constant 0 : i32
      %dma_start3A_334 = tpu.memref_slice %dma_start3A_332[%dma_start3A_322, %dma_start3A_333] : memref<10x400xf32, #tpu.memory_space<hbm>> -> memref<1x400xf32, #tpu.memory_space<hbm>>
      %dma_start3A_335 = tpu.memref_squeeze %dma_start3A_334 : memref<1x400xf32, #tpu.memory_space<hbm>> -> memref<400xf32, #tpu.memory_space<hbm>>
      %dma_start3A_336 = arith.constant 0 : i32
      %dma_start3A_337 = arith.constant 0 : i32
      %dma_start3A_338 = arith.constant 0 : i32
      %dma_start3A_339 = tpu.memref_slice %arg3[%add3A_38, %dma_start3A_336, %dma_start3A_337, %dma_start3A_338] : memref<25x32x10x400xf32, #tpu.memory_space<hbm>> -> memref<1x32x10x400xf32, #tpu.memory_space<hbm>>
      %dma_start3A_340 = tpu.memref_squeeze %dma_start3A_339 : memref<1x32x10x400xf32, #tpu.memory_space<hbm>> -> memref<32x10x400xf32, #tpu.memory_space<hbm>>
      %dma_start3A_341 = arith.constant 0 : i32
      %dma_start3A_342 = arith.constant 0 : i32
      %dma_start3A_343 = tpu.memref_slice %dma_start3A_340[%add3A, %dma_start3A_341, %dma_start3A_342] : memref<32x10x400xf32, #tpu.memory_space<hbm>> -> memref<1x10x400xf32, #tpu.memory_space<hbm>>
      %dma_start3A_344 = tpu.memref_squeeze %dma_start3A_343 : memref<1x10x400xf32, #tpu.memory_space<hbm>> -> memref<10x400xf32, #tpu.memory_space<hbm>>
      %dma_start3A_345 = arith.constant 0 : i32
      %dma_start3A_346 = tpu.memref_slice %dma_start3A_344[%dma_start3A_322, %dma_start3A_345] : memref<10x400xf32, #tpu.memory_space<hbm>> -> memref<1x400xf32, #tpu.memory_space<hbm>>
      %dma_start3A_347 = tpu.memref_squeeze %dma_start3A_346 : memref<1x400xf32, #tpu.memory_space<hbm>> -> memref<400xf32, #tpu.memory_space<hbm>>
      %dma_start3A_348 = tpu.memref_slice %arg6[%add3A_321] : memref<100000xf32, #tpu.memory_space<vmem>> -> memref<400xf32, #tpu.memory_space<vmem>>
      tpu.enqueue_dma source(%dma_start3A_348 : memref<400xf32, #tpu.memory_space<vmem>>) target(%dma_start3A_347 : memref<400xf32, #tpu.memory_space<hbm>>) target_semaphore(%arg7 : memref<!tpu.dma_semaphore, #tpu.memory_space<semaphore_mem>>)
    }
    %scan3A_28 = arith.constant 25 : i32
    %scan3A_29 = arith.constant 0 : i32
    %scan3A_30 = arith.constant 250 : i32
    %scan3A_31 = arith.addi %scan3A_29, %scan3A_30 : i32
    %scan3A_32 = arith.constant 1 : i32
    scf.for %scan3A_34 = %scan3A_29 to %scan3A_31 step %scan3A_32  : i32 {
      %mul3A_35 = arith.constant 1 : i32
      %mul3A_36 = arith.muli %scan3A_34, %mul3A_35 : i32
      %add3A_37 = arith.constant 0 : i32
      %add3A_38 = arith.addi %add3A_37, %mul3A_36 : i32
      %dma_wait3A = arith.constant 0 : i32
      %dma_wait3A_39 = arith.constant 0 : i32
      %dma_wait3A_40 = arith.constant 0 : i32
      %dma_wait3A_41 = tpu.memref_slice %arg6[%dma_wait3A_40] : memref<100000xf32, #tpu.memory_space<vmem>> -> memref<400xf32, #tpu.memory_space<vmem>>
      %dma_wait3A_42 = arith.constant 0 : i32
      %dma_wait3A_43 = arith.constant 0 : i32
      %dma_wait3A_44 = arith.constant 0 : i32
      %dma_wait3A_45 = tpu.memref_slice %arg3[%dma_wait3A, %dma_wait3A_42, %dma_wait3A_43, %dma_wait3A_44] : memref<25x32x10x400xf32, #tpu.memory_space<hbm>> -> memref<1x32x10x400xf32, #tpu.memory_space<hbm>>
      %dma_wait3A_46 = tpu.memref_squeeze %dma_wait3A_45 : memref<1x32x10x400xf32, #tpu.memory_space<hbm>> -> memref<32x10x400xf32, #tpu.memory_space<hbm>>
      %dma_wait3A_47 = arith.constant 0 : i32
      %dma_wait3A_48 = arith.constant 0 : i32
      %dma_wait3A_49 = tpu.memref_slice %dma_wait3A_46[%add3A, %dma_wait3A_47, %dma_wait3A_48] : memref<32x10x400xf32, #tpu.memory_space<hbm>> -> memref<1x10x400xf32, #tpu.memory_space<hbm>>
      %dma_wait3A_50 = tpu.memref_squeeze %dma_wait3A_49 : memref<1x10x400xf32, #tpu.memory_space<hbm>> -> memref<10x400xf32, #tpu.memory_space<hbm>>
      %dma_wait3A_51 = arith.constant 0 : i32
      %dma_wait3A_52 = tpu.memref_slice %dma_wait3A_50[%dma_wait3A_39, %dma_wait3A_51] : memref<10x400xf32, #tpu.memory_space<hbm>> -> memref<1x400xf32, #tpu.memory_space<hbm>>
      %dma_wait3A_53 = tpu.memref_squeeze %dma_wait3A_52 : memref<1x400xf32, #tpu.memory_space<hbm>> -> memref<400xf32, #tpu.memory_space<hbm>>
      %dma_wait3A_54 = arith.constant 0 : i32
      %dma_wait3A_55 = arith.constant 0 : i32
      %dma_wait3A_56 = arith.constant 0 : i32
      %dma_wait3A_57 = tpu.memref_slice %arg3[%dma_wait3A, %dma_wait3A_54, %dma_wait3A_55, %dma_wait3A_56] : memref<25x32x10x400xf32, #tpu.memory_space<hbm>> -> memref<1x32x10x400xf32, #tpu.memory_space<hbm>>
      %dma_wait3A_58 = tpu.memref_squeeze %dma_wait3A_57 : memref<1x32x10x400xf32, #tpu.memory_space<hbm>> -> memref<32x10x400xf32, #tpu.memory_space<hbm>>
      %dma_wait3A_59 = arith.constant 0 : i32
      %dma_wait3A_60 = arith.constant 0 : i32
      %dma_wait3A_61 = tpu.memref_slice %dma_wait3A_58[%add3A, %dma_wait3A_59, %dma_wait3A_60] : memref<32x10x400xf32, #tpu.memory_space<hbm>> -> memref<1x10x400xf32, #tpu.memory_space<hbm>>
      %dma_wait3A_62 = tpu.memref_squeeze %dma_wait3A_61 : memref<1x10x400xf32, #tpu.memory_space<hbm>> -> memref<10x400xf32, #tpu.memory_space<hbm>>
      %dma_wait3A_63 = arith.constant 0 : i32
      %dma_wait3A_64 = tpu.memref_slice %dma_wait3A_62[%dma_wait3A_39, %dma_wait3A_63] : memref<10x400xf32, #tpu.memory_space<hbm>> -> memref<1x400xf32, #tpu.memory_space<hbm>>
      %dma_wait3A_65 = tpu.memref_squeeze %dma_wait3A_64 : memref<1x400xf32, #tpu.memory_space<hbm>> -> memref<400xf32, #tpu.memory_space<hbm>>
      %dma_wait3A_66 = arith.constant 0 : i32
      %dma_wait3A_67 = tpu.memref_slice %arg6[%dma_wait3A_66] : memref<100000xf32, #tpu.memory_space<vmem>> -> memref<400xf32, #tpu.memory_space<vmem>>
      tpu.wait_dma2 semaphore(%arg7 : memref<!tpu.dma_semaphore, #tpu.memory_space<semaphore_mem>>) src(%dma_wait3A_67 : memref<400xf32, #tpu.memory_space<vmem>>) dst(%dma_wait3A_65 : memref<400xf32, #tpu.memory_space<hbm>>)
    }
    %scan3A_33 = arith.constant 250 : i32
    return
  }
}

#map = affine_map<(d0, d1) -> (0)>
#map1 = affine_map<(d0, d1) -> (0, 0)>
#map2 = affine_map<(d0, d1) -> (0, 0, 0)>
module attributes {stable_mosaic.version = 14 : i64} {
  func.func @_sc_aggregate(%arg0: i32, %arg1: i32, %arg2: memref<3200000xi32, #tpu.memory_space<hbm>>, %arg3: memref<100000x32xbf16, #tpu.memory_space<hbm>>, %arg4: memref<2x100000x32xbf16, #tpu.memory_space<hbm>>, %arg5: memref<768xi32, #tpu.memory_space<vmem>>, %arg6: memref<768xi32, #tpu.memory_space<vmem>>, %arg7: memref<768xi32, #tpu.memory_space<vmem>>, %arg8: memref<768xi32, #tpu.memory_space<vmem>>, %arg9: memref<768xi32, #tpu.memory_space<vmem>>, %arg10: memref<768xi32, #tpu.memory_space<vmem>>, %arg11: memref<768x32xbf16, #tpu.memory_space<vmem>>, %arg12: memref<768x32xbf16, #tpu.memory_space<vmem>>, %arg13: memref<100096x32xbf16, #tpu.memory_space<vmem_shared>>, %arg14: memref<!tpu.dma_semaphore, #tpu.memory_space<semaphore_mem>>, %arg15: memref<!tpu.dma_semaphore, #tpu.memory_space<semaphore_mem>>, %arg16: memref<!tpu.dma_semaphore, #tpu.memory_space<semaphore_mem>>, %arg17: memref<!tpu.dma_semaphore, #tpu.memory_space<semaphore_mem>>, %arg18: memref<!tpu.dma_semaphore, #tpu.memory_space<semaphore_mem>>, %arg19: memref<!tpu.dma_semaphore, #tpu.memory_space<semaphore_mem>>, %arg20: memref<!tpu.dma_semaphore, #tpu.memory_space<semaphore_mem>>) attributes {dimension_semantics = [#tpu.dimension_semantics<core_parallel>, #tpu.dimension_semantics<subcore_parallel>], iteration_bounds = array<i64: 2, 16>, scalar_prefetch = 0 : i64, scratch_operands = 16 : i64, tpu.core_type = #tpu.core_type<sc_vector_subcore>, window_params = [{transform_indices = #map}, {transform_indices = #map1}, {transform_indices = #map2}]} {
    %broadcast_in_dim3A = arith.constant 0.000000e+00 : bf16
    %broadcast_in_dim3A_0 = vector.broadcast %broadcast_in_dim3A : bf16 to vector<32xbf16>
    %mul3A = arith.constant 2 : i32
    %mul3A_1 = arith.muli %arg1, %mul3A : i32
    %add3A = arith.addi %mul3A_1, %arg0 : i32
    %mul3A_2 = arith.constant 390 : i32
    %mul3A_3 = arith.muli %add3A, %mul3A_2 : i32
    %mul3A_4 = arith.constant 128 : i32
    %mul3A_5 = arith.muli %mul3A_3, %mul3A_4 : i32
    %scan3A = arith.constant 0 : i32
    %scan3A_6 = arith.constant 368 : i32
    %scan3A_7 = arith.addi %scan3A, %scan3A_6 : i32
    %scan3A_8 = arith.constant 1 : i32
    scf.for %scan3A_642 = %scan3A to %scan3A_7 step %scan3A_8  : i32 {
      %mul3A_643 = arith.constant 1 : i32
      %mul3A_644 = arith.muli %scan3A_642, %mul3A_643 : i32
      %add3A_645 = arith.constant 0 : i32
      %add3A_646 = arith.addi %add3A_645, %mul3A_644 : i32
      %swap3A = arith.index_cast %add3A_646 : i32 to index
      %swap3A_647 = arith.constant 0 : index
      %swap3A_648 = tpu.vector_load %arg11[%swap3A, %swap3A_647] {strides = array<i32>} : memref<768x32xbf16, #tpu.memory_space<vmem>>, vector<32xbf16>,
      tpu.vector_store %arg11[%swap3A, %swap3A_647], %broadcast_in_dim3A_0 {strides = array<i32>} : memref<768x32xbf16, #tpu.memory_space<vmem>>, vector<32xbf16>,
    }
    %scan3A_9 = arith.constant 368 : i32
    %scan3A_10 = arith.constant 0 : i32
    %scan3A_11 = arith.constant 17 : i32
    %scan3A_12 = arith.addi %scan3A_10, %scan3A_11 : i32
    %scan3A_13 = arith.constant 1 : i32
    scf.for %scan3A_642 = %scan3A_10 to %scan3A_12 step %scan3A_13  : i32 {
      %mul3A_643 = arith.constant 1 : i32
      %mul3A_644 = arith.muli %scan3A_642, %mul3A_643 : i32
      %add3A_645 = arith.constant 0 : i32
      %add3A_646 = arith.addi %add3A_645, %mul3A_644 : i32
      %mul3A_647 = arith.constant 6256 : i32
      %mul3A_648 = arith.muli %arg1, %mul3A_647 : i32
      %mul3A_649 = arith.constant 368 : i32
      %mul3A_650 = arith.muli %add3A_646, %mul3A_649 : i32
      %add3A_651 = arith.addi %mul3A_648, %mul3A_650 : i32
      "tpu.region"() ({
        %run_scoped3A = tpu.sem_alloc : memref<!tpu.dma_semaphore, #tpu.memory_space<semaphore_mem>>
        %dma_start3A_652 = arith.constant 0 : i32
        %dma_start3A_653 = arith.constant 0 : i32
        %dma_start3A_654 = tpu.memref_slice %arg11[%dma_start3A_652, %dma_start3A_653] : memref<768x32xbf16, #tpu.memory_space<vmem>> -> memref<368x32xbf16, #tpu.memory_space<vmem>>
        %dma_start3A_655 = arith.constant 0 : i32
        %dma_start3A_656 = tpu.memref_slice %arg13[%add3A_651, %dma_start3A_655] : memref<100096x32xbf16, #tpu.memory_space<vmem_shared>> -> memref<368x32xbf16, #tpu.memory_space<vmem_shared>>
        %dma_start3A_657 = arith.constant 0 : i32
        %dma_start3A_658 = tpu.memref_slice %arg13[%add3A_651, %dma_start3A_657] : memref<100096x32xbf16, #tpu.memory_space<vmem_shared>> -> memref<368x32xbf16, #tpu.memory_space<vmem_shared>>
        %dma_start3A_659 = arith.constant 0 : i32
        %dma_start3A_660 = arith.constant 0 : i32
        %dma_start3A_661 = tpu.memref_slice %arg11[%dma_start3A_659, %dma_start3A_660] : memref<768x32xbf16, #tpu.memory_space<vmem>> -> memref<368x32xbf16, #tpu.memory_space<vmem>>
        tpu.enqueue_dma source(%dma_start3A_661 : memref<368x32xbf16, #tpu.memory_space<vmem>>) target(%dma_start3A_658 : memref<368x32xbf16, #tpu.memory_space<vmem_shared>>) target_semaphore(%run_scoped3A : memref<!tpu.dma_semaphore, #tpu.memory_space<semaphore_mem>>)
        %dma_wait3A_662 = arith.constant 0 : i32
        %dma_wait3A_663 = arith.constant 0 : i32
        %dma_wait3A_664 = tpu.memref_slice %arg11[%dma_wait3A_662, %dma_wait3A_663] : memref<768x32xbf16, #tpu.memory_space<vmem>> -> memref<368x32xbf16, #tpu.memory_space<vmem>>
        %dma_wait3A_665 = arith.constant 0 : i32
        %dma_wait3A_666 = tpu.memref_slice %arg13[%add3A_651, %dma_wait3A_665] : memref<100096x32xbf16, #tpu.memory_space<vmem_shared>> -> memref<368x32xbf16, #tpu.memory_space<vmem_shared>>
        %dma_wait3A_667 = arith.constant 0 : i32
        %dma_wait3A_668 = tpu.memref_slice %arg13[%add3A_651, %dma_wait3A_667] : memref<100096x32xbf16, #tpu.memory_space<vmem_shared>> -> memref<368x32xbf16, #tpu.memory_space<vmem_shared>>
        %dma_wait3A_669 = arith.constant 0 : i32
        %dma_wait3A_670 = arith.constant 0 : i32
        %dma_wait3A_671 = tpu.memref_slice %arg11[%dma_wait3A_669, %dma_wait3A_670] : memref<768x32xbf16, #tpu.memory_space<vmem>> -> memref<368x32xbf16, #tpu.memory_space<vmem>>
        tpu.wait_dma2 semaphore(%run_scoped3A : memref<!tpu.dma_semaphore, #tpu.memory_space<semaphore_mem>>) src(%dma_wait3A_671 : memref<368x32xbf16, #tpu.memory_space<vmem>>) dst(%dma_wait3A_668 : memref<368x32xbf16, #tpu.memory_space<vmem_shared>>)
        tpu.yield
      }) : () -> ()
    }
    %scan3A_14 = arith.constant 17 : i32
    %barrier3A = arith.constant 0 : index
    tpu.barrier barrier_id(%barrier3A)
    "tpu.region"() ({
      %run_scoped3A = tpu.sem_alloc : memref<!tpu.dma_semaphore, #tpu.memory_space<semaphore_mem>>
      %dma_start3A_642 = tpu.memref_slice %arg2[%mul3A_5] : memref<3200000xi32, #tpu.memory_space<hbm>> -> memref<768xi32, #tpu.memory_space<hbm>>
      %dma_start3A_643 = tpu.memref_slice %arg2[%mul3A_5] : memref<3200000xi32, #tpu.memory_space<hbm>> -> memref<768xi32, #tpu.memory_space<hbm>>
      tpu.enqueue_dma source(%dma_start3A_643 : memref<768xi32, #tpu.memory_space<hbm>>) target(%arg5 : memref<768xi32, #tpu.memory_space<vmem>>) target_semaphore(%run_scoped3A : memref<!tpu.dma_semaphore, #tpu.memory_space<semaphore_mem>>)
      %dma_wait3A_644 = tpu.memref_slice %arg2[%mul3A_5] : memref<3200000xi32, #tpu.memory_space<hbm>> -> memref<768xi32, #tpu.memory_space<hbm>>
      %dma_wait3A_645 = tpu.memref_slice %arg2[%mul3A_5] : memref<3200000xi32, #tpu.memory_space<hbm>> -> memref<768xi32, #tpu.memory_space<hbm>>
      tpu.wait_dma2 semaphore(%run_scoped3A : memref<!tpu.dma_semaphore, #tpu.memory_space<semaphore_mem>>) src(%dma_wait3A_645 : memref<768xi32, #tpu.memory_space<hbm>>) dst(%arg5 : memref<768xi32, #tpu.memory_space<vmem>>)
      tpu.yield
    }) : () -> ()
    %add3A_15 = arith.constant 1600000 : i32
    %add3A_16 = arith.addi %add3A_15, %mul3A_5 : i32
    "tpu.region"() ({
      %run_scoped3A = tpu.sem_alloc : memref<!tpu.dma_semaphore, #tpu.memory_space<semaphore_mem>>
      %dma_start3A_642 = tpu.memref_slice %arg2[%add3A_16] : memref<3200000xi32, #tpu.memory_space<hbm>> -> memref<768xi32, #tpu.memory_space<hbm>>
      %dma_start3A_643 = tpu.memref_slice %arg2[%add3A_16] : memref<3200000xi32, #tpu.memory_space<hbm>> -> memref<768xi32, #tpu.memory_space<hbm>>
      tpu.enqueue_dma source(%dma_start3A_643 : memref<768xi32, #tpu.memory_space<hbm>>) target(%arg8 : memref<768xi32, #tpu.memory_space<vmem>>) target_semaphore(%run_scoped3A : memref<!tpu.dma_semaphore, #tpu.memory_space<semaphore_mem>>)
      %dma_wait3A_644 = tpu.memref_slice %arg2[%add3A_16] : memref<3200000xi32, #tpu.memory_space<hbm>> -> memref<768xi32, #tpu.memory_space<hbm>>
      %dma_wait3A_645 = tpu.memref_slice %arg2[%add3A_16] : memref<3200000xi32, #tpu.memory_space<hbm>> -> memref<768xi32, #tpu.memory_space<hbm>>
      tpu.wait_dma2 semaphore(%run_scoped3A : memref<!tpu.dma_semaphore, #tpu.memory_space<semaphore_mem>>) src(%dma_wait3A_645 : memref<768xi32, #tpu.memory_space<hbm>>) dst(%arg8 : memref<768xi32, #tpu.memory_space<vmem>>)
      tpu.yield
    }) : () -> ()
    %dma_start3A = arith.constant 0 : i32
    %dma_start3A_17 = arith.constant 0 : i32
    %dma_start3A_18 = tpu.memref_slice %arg11[%dma_start3A, %dma_start3A_17] : memref<768x32xbf16, #tpu.memory_space<vmem>> -> memref<128x32xbf16, #tpu.memory_space<vmem>>
    %dma_start3A_19 = arith.constant 0 : i32
    %dma_start3A_20 = tpu.memref_slice %arg5[%dma_start3A_19] : memref<768xi32, #tpu.memory_space<vmem>> -> memref<128xi32, #tpu.memory_space<vmem>>
    %dma_start3A_21 = arith.constant 0 : i32
    %dma_start3A_22 = arith.constant 0 : i32
    %dma_start3A_23 = tpu.memref_slice %arg3[%dma_start3A_21, %dma_start3A_22] : memref<100000x32xbf16, #tpu.memory_space<hbm>> -> memref<100000x32xbf16, #tpu.memory_space<hbm>>
    tpu.enqueue_indirect_dma source(%dma_start3A_23 : memref<100000x32xbf16, #tpu.memory_space<hbm>>) target(%dma_start3A_18 : memref<128x32xbf16, #tpu.memory_space<vmem>>) offsets(%dma_start3A_20 : memref<128xi32, #tpu.memory_space<vmem>>) semaphore(%arg14 : memref<!tpu.dma_semaphore, #tpu.memory_space<semaphore_mem>>)
    %dma_start3A_24 = arith.constant 128 : i32
    %dma_start3A_25 = arith.constant 0 : i32
    %dma_start3A_26 = tpu.memref_slice %arg11[%dma_start3A_24, %dma_start3A_25] : memref<768x32xbf16, #tpu.memory_space<vmem>> -> memref<128x32xbf16, #tpu.memory_space<vmem>>
    %dma_start3A_27 = arith.constant 128 : i32
    %dma_start3A_28 = tpu.memref_slice %arg5[%dma_start3A_27] : memref<768xi32, #tpu.memory_space<vmem>> -> memref<128xi32, #tpu.memory_space<vmem>>
    %dma_start3A_29 = arith.constant 0 : i32
    %dma_start3A_30 = arith.constant 0 : i32
    %dma_start3A_31 = tpu.memref_slice %arg3[%dma_start3A_29, %dma_start3A_30] : memref<100000x32xbf16, #tpu.memory_space<hbm>> -> memref<100000x32xbf16, #tpu.memory_space<hbm>>
    tpu.enqueue_indirect_dma source(%dma_start3A_31 : memref<100000x32xbf16, #tpu.memory_space<hbm>>) target(%dma_start3A_26 : memref<128x32xbf16, #tpu.memory_space<vmem>>) offsets(%dma_start3A_28 : memref<128xi32, #tpu.memory_space<vmem>>) semaphore(%arg14 : memref<!tpu.dma_semaphore, #tpu.memory_space<semaphore_mem>>)
    %dma_start3A_32 = arith.constant 256 : i32
    %dma_start3A_33 = arith.constant 0 : i32
    %dma_start3A_34 = tpu.memref_slice %arg11[%dma_start3A_32, %dma_start3A_33] : memref<768x32xbf16, #tpu.memory_space<vmem>> -> memref<128x32xbf16, #tpu.memory_space<vmem>>
    %dma_start3A_35 = arith.constant 256 : i32
    %dma_start3A_36 = tpu.memref_slice %arg5[%dma_start3A_35] : memref<768xi32, #tpu.memory_space<vmem>> -> memref<128xi32, #tpu.memory_space<vmem>>
    %dma_start3A_37 = arith.constant 0 : i32
    %dma_start3A_38 = arith.constant 0 : i32
    %dma_start3A_39 = tpu.memref_slice %arg3[%dma_start3A_37, %dma_start3A_38] : memref<100000x32xbf16, #tpu.memory_space<hbm>> -> memref<100000x32xbf16, #tpu.memory_space<hbm>>
    tpu.enqueue_indirect_dma source(%dma_start3A_39 : memref<100000x32xbf16, #tpu.memory_space<hbm>>) target(%dma_start3A_34 : memref<128x32xbf16, #tpu.memory_space<vmem>>) offsets(%dma_start3A_36 : memref<128xi32, #tpu.memory_space<vmem>>) semaphore(%arg14 : memref<!tpu.dma_semaphore, #tpu.memory_space<semaphore_mem>>)
    %dma_start3A_40 = arith.constant 384 : i32
    %dma_start3A_41 = arith.constant 0 : i32
    %dma_start3A_42 = tpu.memref_slice %arg11[%dma_start3A_40, %dma_start3A_41] : memref<768x32xbf16, #tpu.memory_space<vmem>> -> memref<128x32xbf16, #tpu.memory_space<vmem>>
    %dma_start3A_43 = arith.constant 384 : i32
    %dma_start3A_44 = tpu.memref_slice %arg5[%dma_start3A_43] : memref<768xi32, #tpu.memory_space<vmem>> -> memref<128xi32, #tpu.memory_space<vmem>>
    %dma_start3A_45 = arith.constant 0 : i32
    %dma_start3A_46 = arith.constant 0 : i32
    %dma_start3A_47 = tpu.memref_slice %arg3[%dma_start3A_45, %dma_start3A_46] : memref<100000x32xbf16, #tpu.memory_space<hbm>> -> memref<100000x32xbf16, #tpu.memory_space<hbm>>
    tpu.enqueue_indirect_dma source(%dma_start3A_47 : memref<100000x32xbf16, #tpu.memory_space<hbm>>) target(%dma_start3A_42 : memref<128x32xbf16, #tpu.memory_space<vmem>>) offsets(%dma_start3A_44 : memref<128xi32, #tpu.memory_space<vmem>>) semaphore(%arg14 : memref<!tpu.dma_semaphore, #tpu.memory_space<semaphore_mem>>)
    %dma_start3A_48 = arith.constant 512 : i32
    %dma_start3A_49 = arith.constant 0 : i32
    %dma_start3A_50 = tpu.memref_slice %arg11[%dma_start3A_48, %dma_start3A_49] : memref<768x32xbf16, #tpu.memory_space<vmem>> -> memref<128x32xbf16, #tpu.memory_space<vmem>>
    %dma_start3A_51 = arith.constant 512 : i32
    %dma_start3A_52 = tpu.memref_slice %arg5[%dma_start3A_51] : memref<768xi32, #tpu.memory_space<vmem>> -> memref<128xi32, #tpu.memory_space<vmem>>
    %dma_start3A_53 = arith.constant 0 : i32
    %dma_start3A_54 = arith.constant 0 : i32
    %dma_start3A_55 = tpu.memref_slice %arg3[%dma_start3A_53, %dma_start3A_54] : memref<100000x32xbf16, #tpu.memory_space<hbm>> -> memref<100000x32xbf16, #tpu.memory_space<hbm>>
    tpu.enqueue_indirect_dma source(%dma_start3A_55 : memref<100000x32xbf16, #tpu.memory_space<hbm>>) target(%dma_start3A_50 : memref<128x32xbf16, #tpu.memory_space<vmem>>) offsets(%dma_start3A_52 : memref<128xi32, #tpu.memory_space<vmem>>) semaphore(%arg14 : memref<!tpu.dma_semaphore, #tpu.memory_space<semaphore_mem>>)
    %dma_start3A_56 = arith.constant 640 : i32
    %dma_start3A_57 = arith.constant 0 : i32
    %dma_start3A_58 = tpu.memref_slice %arg11[%dma_start3A_56, %dma_start3A_57] : memref<768x32xbf16, #tpu.memory_space<vmem>> -> memref<128x32xbf16, #tpu.memory_space<vmem>>
    %dma_start3A_59 = arith.constant 640 : i32
    %dma_start3A_60 = tpu.memref_slice %arg5[%dma_start3A_59] : memref<768xi32, #tpu.memory_space<vmem>> -> memref<128xi32, #tpu.memory_space<vmem>>
    %dma_start3A_61 = arith.constant 0 : i32
    %dma_start3A_62 = arith.constant 0 : i32
    %dma_start3A_63 = tpu.memref_slice %arg3[%dma_start3A_61, %dma_start3A_62] : memref<100000x32xbf16, #tpu.memory_space<hbm>> -> memref<100000x32xbf16, #tpu.memory_space<hbm>>
    tpu.enqueue_indirect_dma source(%dma_start3A_63 : memref<100000x32xbf16, #tpu.memory_space<hbm>>) target(%dma_start3A_58 : memref<128x32xbf16, #tpu.memory_space<vmem>>) offsets(%dma_start3A_60 : memref<128xi32, #tpu.memory_space<vmem>>) semaphore(%arg14 : memref<!tpu.dma_semaphore, #tpu.memory_space<semaphore_mem>>)
    %add3A_64 = arith.constant 768 : i32
    %add3A_65 = arith.addi %mul3A_5, %add3A_64 : i32
    %dma_start3A_66 = tpu.memref_slice %arg2[%add3A_65] : memref<3200000xi32, #tpu.memory_space<hbm>> -> memref<768xi32, #tpu.memory_space<hbm>>
    %dma_start3A_67 = tpu.memref_slice %arg2[%add3A_65] : memref<3200000xi32, #tpu.memory_space<hbm>> -> memref<768xi32, #tpu.memory_space<hbm>>
    tpu.enqueue_dma source(%dma_start3A_67 : memref<768xi32, #tpu.memory_space<hbm>>) target(%arg6 : memref<768xi32, #tpu.memory_space<vmem>>) target_semaphore(%arg19 : memref<!tpu.dma_semaphore, #tpu.memory_space<semaphore_mem>>)
    %add3A_68 = arith.constant 1600000 : i32
    %add3A_69 = arith.addi %add3A_68, %add3A_65 : i32
    %dma_start3A_70 = tpu.memref_slice %arg2[%add3A_69] : memref<3200000xi32, #tpu.memory_space<hbm>> -> memref<768xi32, #tpu.memory_space<hbm>>
    %dma_start3A_71 = tpu.memref_slice %arg2[%add3A_69] : memref<3200000xi32, #tpu.memory_space<hbm>> -> memref<768xi32, #tpu.memory_space<hbm>>
    tpu.enqueue_dma source(%dma_start3A_71 : memref<768xi32, #tpu.memory_space<hbm>>) target(%arg9 : memref<768xi32, #tpu.memory_space<vmem>>) target_semaphore(%arg19 : memref<!tpu.dma_semaphore, #tpu.memory_space<semaphore_mem>>)
    %scan3A_72 = arith.constant 0 : i32
    %scan3A_73 = arith.constant 10 : i32
    %scan3A_74 = arith.addi %scan3A_72, %scan3A_73 : i32
    %scan3A_75 = arith.constant 1 : i32
    scf.for %scan3A_642 = %scan3A_72 to %scan3A_74 step %scan3A_75  : i32 {
      %mul3A_643 = arith.constant 1 : i32
      %mul3A_644 = arith.muli %scan3A_642, %mul3A_643 : i32
      %add3A_645 = arith.constant 0 : i32
      %add3A_646 = arith.addi %add3A_645, %mul3A_644 : i32
      %mul3A_647 = arith.constant 6 : i32
      %mul3A_648 = arith.muli %add3A_646, %mul3A_647 : i32
      %add3A_649 = arith.constant 0 : i32
      %add3A_650 = arith.addi %mul3A_648, %add3A_649 : i32
      %dma_wait3A_651 = arith.constant 0 : i32
      %dma_wait3A_652 = arith.constant 0 : i32
      %dma_wait3A_653 = tpu.memref_slice %arg3[%dma_wait3A_651, %dma_wait3A_652] : memref<100000x32xbf16, #tpu.memory_space<hbm>> -> memref<768x32xbf16, #tpu.memory_space<hbm>>
      %dma_wait3A_654 = arith.constant 0 : i32
      %dma_wait3A_655 = arith.constant 0 : i32
      %dma_wait3A_656 = tpu.memref_slice %arg3[%dma_wait3A_654, %dma_wait3A_655] : memref<100000x32xbf16, #tpu.memory_space<hbm>> -> memref<768x32xbf16, #tpu.memory_space<hbm>>
      tpu.wait_dma2 semaphore(%arg14 : memref<!tpu.dma_semaphore, #tpu.memory_space<semaphore_mem>>) src(%dma_wait3A_656 : memref<768x32xbf16, #tpu.memory_space<hbm>>) dst(%arg11 : memref<768x32xbf16, #tpu.memory_space<vmem>>)
      %dma_start3A_657 = arith.constant 0 : i32
      %dma_start3A_658 = arith.constant 0 : i32
      %dma_start3A_659 = tpu.memref_slice %arg11[%dma_start3A_657, %dma_start3A_658] : memref<768x32xbf16, #tpu.memory_space<vmem>> -> memref<128x32xbf16, #tpu.memory_space<vmem>>
      %dma_start3A_660 = arith.constant 0 : i32
      %dma_start3A_661 = tpu.memref_slice %arg8[%dma_start3A_660] : memref<768xi32, #tpu.memory_space<vmem>> -> memref<128xi32, #tpu.memory_space<vmem>>
      %dma_start3A_662 = arith.constant 0 : i32
      %dma_start3A_663 = arith.constant 0 : i32
      %dma_start3A_664 = tpu.memref_slice %arg13[%dma_start3A_662, %dma_start3A_663] : memref<100096x32xbf16, #tpu.memory_space<vmem_shared>> -> memref<100096x32xbf16, #tpu.memory_space<vmem_shared>>
      tpu.enqueue_indirect_dma source(%dma_start3A_659 : memref<128x32xbf16, #tpu.memory_space<vmem>>) target(%dma_start3A_664 : memref<100096x32xbf16, #tpu.memory_space<vmem_shared>>) offsets(%dma_start3A_661 : memref<128xi32, #tpu.memory_space<vmem>>) semaphore(%arg16 : memref<!tpu.dma_semaphore, #tpu.memory_space<semaphore_mem>>) {add = true}
      %dma_start3A_665 = arith.constant 128 : i32
      %dma_start3A_666 = arith.constant 0 : i32
      %dma_start3A_667 = tpu.memref_slice %arg11[%dma_start3A_665, %dma_start3A_666] : memref<768x32xbf16, #tpu.memory_space<vmem>> -> memref<128x32xbf16, #tpu.memory_space<vmem>>
      %dma_start3A_668 = arith.constant 128 : i32
      %dma_start3A_669 = tpu.memref_slice %arg8[%dma_start3A_668] : memref<768xi32, #tpu.memory_space<vmem>> -> memref<128xi32, #tpu.memory_space<vmem>>
      %dma_start3A_670 = arith.constant 0 : i32
      %dma_start3A_671 = arith.constant 0 : i32
      %dma_start3A_672 = tpu.memref_slice %arg13[%dma_start3A_670, %dma_start3A_671] : memref<100096x32xbf16, #tpu.memory_space<vmem_shared>> -> memref<100096x32xbf16, #tpu.memory_space<vmem_shared>>
      tpu.enqueue_indirect_dma source(%dma_start3A_667 : memref<128x32xbf16, #tpu.memory_space<vmem>>) target(%dma_start3A_672 : memref<100096x32xbf16, #tpu.memory_space<vmem_shared>>) offsets(%dma_start3A_669 : memref<128xi32, #tpu.memory_space<vmem>>) semaphore(%arg16 : memref<!tpu.dma_semaphore, #tpu.memory_space<semaphore_mem>>) {add = true}
      %dma_start3A_673 = arith.constant 256 : i32
      %dma_start3A_674 = arith.constant 0 : i32
      %dma_start3A_675 = tpu.memref_slice %arg11[%dma_start3A_673, %dma_start3A_674] : memref<768x32xbf16, #tpu.memory_space<vmem>> -> memref<128x32xbf16, #tpu.memory_space<vmem>>
      %dma_start3A_676 = arith.constant 256 : i32
      %dma_start3A_677 = tpu.memref_slice %arg8[%dma_start3A_676] : memref<768xi32, #tpu.memory_space<vmem>> -> memref<128xi32, #tpu.memory_space<vmem>>
      %dma_start3A_678 = arith.constant 0 : i32
      %dma_start3A_679 = arith.constant 0 : i32
      %dma_start3A_680 = tpu.memref_slice %arg13[%dma_start3A_678, %dma_start3A_679] : memref<100096x32xbf16, #tpu.memory_space<vmem_shared>> -> memref<100096x32xbf16, #tpu.memory_space<vmem_shared>>
      tpu.enqueue_indirect_dma source(%dma_start3A_675 : memref<128x32xbf16, #tpu.memory_space<vmem>>) target(%dma_start3A_680 : memref<100096x32xbf16, #tpu.memory_space<vmem_shared>>) offsets(%dma_start3A_677 : memref<128xi32, #tpu.memory_space<vmem>>) semaphore(%arg16 : memref<!tpu.dma_semaphore, #tpu.memory_space<semaphore_mem>>) {add = true}
      %dma_start3A_681 = arith.constant 384 : i32
      %dma_start3A_682 = arith.constant 0 : i32
      %dma_start3A_683 = tpu.memref_slice %arg11[%dma_start3A_681, %dma_start3A_682] : memref<768x32xbf16, #tpu.memory_space<vmem>> -> memref<128x32xbf16, #tpu.memory_space<vmem>>
      %dma_start3A_684 = arith.constant 384 : i32
      %dma_start3A_685 = tpu.memref_slice %arg8[%dma_start3A_684] : memref<768xi32, #tpu.memory_space<vmem>> -> memref<128xi32, #tpu.memory_space<vmem>>
      %dma_start3A_686 = arith.constant 0 : i32
      %dma_start3A_687 = arith.constant 0 : i32
      %dma_start3A_688 = tpu.memref_slice %arg13[%dma_start3A_686, %dma_start3A_687] : memref<100096x32xbf16, #tpu.memory_space<vmem_shared>> -> memref<100096x32xbf16, #tpu.memory_space<vmem_shared>>
      tpu.enqueue_indirect_dma source(%dma_start3A_683 : memref<128x32xbf16, #tpu.memory_space<vmem>>) target(%dma_start3A_688 : memref<100096x32xbf16, #tpu.memory_space<vmem_shared>>) offsets(%dma_start3A_685 : memref<128xi32, #tpu.memory_space<vmem>>) semaphore(%arg16 : memref<!tpu.dma_semaphore, #tpu.memory_space<semaphore_mem>>) {add = true}
      %dma_start3A_689 = arith.constant 512 : i32
      %dma_start3A_690 = arith.constant 0 : i32
      %dma_start3A_691 = tpu.memref_slice %arg11[%dma_start3A_689, %dma_start3A_690] : memref<768x32xbf16, #tpu.memory_space<vmem>> -> memref<128x32xbf16, #tpu.memory_space<vmem>>
      %dma_start3A_692 = arith.constant 512 : i32
      %dma_start3A_693 = tpu.memref_slice %arg8[%dma_start3A_692] : memref<768xi32, #tpu.memory_space<vmem>> -> memref<128xi32, #tpu.memory_space<vmem>>
      %dma_start3A_694 = arith.constant 0 : i32
      %dma_start3A_695 = arith.constant 0 : i32
      %dma_start3A_696 = tpu.memref_slice %arg13[%dma_start3A_694, %dma_start3A_695] : memref<100096x32xbf16, #tpu.memory_space<vmem_shared>> -> memref<100096x32xbf16, #tpu.memory_space<vmem_shared>>
      tpu.enqueue_indirect_dma source(%dma_start3A_691 : memref<128x32xbf16, #tpu.memory_space<vmem>>) target(%dma_start3A_696 : memref<100096x32xbf16, #tpu.memory_space<vmem_shared>>) offsets(%dma_start3A_693 : memref<128xi32, #tpu.memory_space<vmem>>) semaphore(%arg16 : memref<!tpu.dma_semaphore, #tpu.memory_space<semaphore_mem>>) {add = true}
      %dma_start3A_697 = arith.constant 640 : i32
      %dma_start3A_698 = arith.constant 0 : i32
      %dma_start3A_699 = tpu.memref_slice %arg11[%dma_start3A_697, %dma_start3A_698] : memref<768x32xbf16, #tpu.memory_space<vmem>> -> memref<128x32xbf16, #tpu.memory_space<vmem>>
      %dma_start3A_700 = arith.constant 640 : i32
      %dma_start3A_701 = tpu.memref_slice %arg8[%dma_start3A_700] : memref<768xi32, #tpu.memory_space<vmem>> -> memref<128xi32, #tpu.memory_space<vmem>>
      %dma_start3A_702 = arith.constant 0 : i32
      %dma_start3A_703 = arith.constant 0 : i32
      %dma_start3A_704 = tpu.memref_slice %arg13[%dma_start3A_702, %dma_start3A_703] : memref<100096x32xbf16, #tpu.memory_space<vmem_shared>> -> memref<100096x32xbf16, #tpu.memory_space<vmem_shared>>
      tpu.enqueue_indirect_dma source(%dma_start3A_699 : memref<128x32xbf16, #tpu.memory_space<vmem>>) target(%dma_start3A_704 : memref<100096x32xbf16, #tpu.memory_space<vmem_shared>>) offsets(%dma_start3A_701 : memref<128xi32, #tpu.memory_space<vmem>>) semaphore(%arg16 : memref<!tpu.dma_semaphore, #tpu.memory_space<semaphore_mem>>) {add = true}
      %dma_wait3A_705 = arith.constant 0 : i32
      %dma_wait3A_706 = tpu.memref_slice %arg2[%dma_wait3A_705] : memref<3200000xi32, #tpu.memory_space<hbm>> -> memref<768xi32, #tpu.memory_space<hbm>>
      %dma_wait3A_707 = arith.constant 0 : i32
      %dma_wait3A_708 = tpu.memref_slice %arg2[%dma_wait3A_707] : memref<3200000xi32, #tpu.memory_space<hbm>> -> memref<768xi32, #tpu.memory_space<hbm>>
      tpu.wait_dma2 semaphore(%arg19 : memref<!tpu.dma_semaphore, #tpu.memory_space<semaphore_mem>>) src(%dma_wait3A_708 : memref<768xi32, #tpu.memory_space<hbm>>) dst(%arg6 : memref<768xi32, #tpu.memory_space<vmem>>)
      %dma_wait3A_709 = arith.constant 0 : i32
      %dma_wait3A_710 = tpu.memref_slice %arg2[%dma_wait3A_709] : memref<3200000xi32, #tpu.memory_space<hbm>> -> memref<768xi32, #tpu.memory_space<hbm>>
      %dma_wait3A_711 = arith.constant 0 : i32
      %dma_wait3A_712 = tpu.memref_slice %arg2[%dma_wait3A_711] : memref<3200000xi32, #tpu.memory_space<hbm>> -> memref<768xi32, #tpu.memory_space<hbm>>
      tpu.wait_dma2 semaphore(%arg19 : memref<!tpu.dma_semaphore, #tpu.memory_space<semaphore_mem>>) src(%dma_wait3A_712 : memref<768xi32, #tpu.memory_space<hbm>>) dst(%arg9 : memref<768xi32, #tpu.memory_space<vmem>>)
      %ge3A = arith.constant 1 : i32
      %ge3A_713 = arith.cmpi sge, %add3A_650, %ge3A : i32
      %convert_element_type3A_714 = arith.extui %ge3A_713 : i1 to i32
      %cond3A_715 = arith.constant 0 : i32
      %cond3A_716 = arith.cmpi ne, %convert_element_type3A_714, %cond3A_715 : i32
      scf.if %cond3A_716 {
        %dma_wait3A_1443 = arith.constant 0 : i32
        %dma_wait3A_1444 = arith.constant 0 : i32
        %dma_wait3A_1445 = tpu.memref_slice %arg3[%dma_wait3A_1443, %dma_wait3A_1444] : memref<100000x32xbf16, #tpu.memory_space<hbm>> -> memref<768x32xbf16, #tpu.memory_space<hbm>>
        %dma_wait3A_1446 = arith.constant 0 : i32
        %dma_wait3A_1447 = arith.constant 0 : i32
        %dma_wait3A_1448 = tpu.memref_slice %arg3[%dma_wait3A_1446, %dma_wait3A_1447] : memref<100000x32xbf16, #tpu.memory_space<hbm>> -> memref<768x32xbf16, #tpu.memory_space<hbm>>
        tpu.wait_dma2 semaphore(%arg17 : memref<!tpu.dma_semaphore, #tpu.memory_space<semaphore_mem>>) src(%dma_wait3A_1448 : memref<768x32xbf16, #tpu.memory_space<hbm>>) dst(%arg12 : memref<768x32xbf16, #tpu.memory_space<vmem>>)
      } else {
      }
      %dma_start3A_717 = arith.constant 0 : i32
      %dma_start3A_718 = arith.constant 0 : i32
      %dma_start3A_719 = tpu.memref_slice %arg12[%dma_start3A_717, %dma_start3A_718] : memref<768x32xbf16, #tpu.memory_space<vmem>> -> memref<128x32xbf16, #tpu.memory_space<vmem>>
      %dma_start3A_720 = arith.constant 0 : i32
      %dma_start3A_721 = tpu.memref_slice %arg6[%dma_start3A_720] : memref<768xi32, #tpu.memory_space<vmem>> -> memref<128xi32, #tpu.memory_space<vmem>>
      %dma_start3A_722 = arith.constant 0 : i32
      %dma_start3A_723 = arith.constant 0 : i32
      %dma_start3A_724 = tpu.memref_slice %arg3[%dma_start3A_722, %dma_start3A_723] : memref<100000x32xbf16, #tpu.memory_space<hbm>> -> memref<100000x32xbf16, #tpu.memory_space<hbm>>
      tpu.enqueue_indirect_dma source(%dma_start3A_724 : memref<100000x32xbf16, #tpu.memory_space<hbm>>) target(%dma_start3A_719 : memref<128x32xbf16, #tpu.memory_space<vmem>>) offsets(%dma_start3A_721 : memref<128xi32, #tpu.memory_space<vmem>>) semaphore(%arg15 : memref<!tpu.dma_semaphore, #tpu.memory_space<semaphore_mem>>)
      %dma_start3A_725 = arith.constant 128 : i32
      %dma_start3A_726 = arith.constant 0 : i32
      %dma_start3A_727 = tpu.memref_slice %arg12[%dma_start3A_725, %dma_start3A_726] : memref<768x32xbf16, #tpu.memory_space<vmem>> -> memref<128x32xbf16, #tpu.memory_space<vmem>>
      %dma_start3A_728 = arith.constant 128 : i32
      %dma_start3A_729 = tpu.memref_slice %arg6[%dma_start3A_728] : memref<768xi32, #tpu.memory_space<vmem>> -> memref<128xi32, #tpu.memory_space<vmem>>
      %dma_start3A_730 = arith.constant 0 : i32
      %dma_start3A_731 = arith.constant 0 : i32
      %dma_start3A_732 = tpu.memref_slice %arg3[%dma_start3A_730, %dma_start3A_731] : memref<100000x32xbf16, #tpu.memory_space<hbm>> -> memref<100000x32xbf16, #tpu.memory_space<hbm>>
      tpu.enqueue_indirect_dma source(%dma_start3A_732 : memref<100000x32xbf16, #tpu.memory_space<hbm>>) target(%dma_start3A_727 : memref<128x32xbf16, #tpu.memory_space<vmem>>) offsets(%dma_start3A_729 : memref<128xi32, #tpu.memory_space<vmem>>) semaphore(%arg15 : memref<!tpu.dma_semaphore, #tpu.memory_space<semaphore_mem>>)
      %dma_start3A_733 = arith.constant 256 : i32
      %dma_start3A_734 = arith.constant 0 : i32
      %dma_start3A_735 = tpu.memref_slice %arg12[%dma_start3A_733, %dma_start3A_734] : memref<768x32xbf16, #tpu.memory_space<vmem>> -> memref<128x32xbf16, #tpu.memory_space<vmem>>
      %dma_start3A_736 = arith.constant 256 : i32
      %dma_start3A_737 = tpu.memref_slice %arg6[%dma_start3A_736] : memref<768xi32, #tpu.memory_space<vmem>> -> memref<128xi32, #tpu.memory_space<vmem>>
      %dma_start3A_738 = arith.constant 0 : i32
      %dma_start3A_739 = arith.constant 0 : i32
      %dma_start3A_740 = tpu.memref_slice %arg3[%dma_start3A_738, %dma_start3A_739] : memref<100000x32xbf16, #tpu.memory_space<hbm>> -> memref<100000x32xbf16, #tpu.memory_space<hbm>>
      tpu.enqueue_indirect_dma source(%dma_start3A_740 : memref<100000x32xbf16, #tpu.memory_space<hbm>>) target(%dma_start3A_735 : memref<128x32xbf16, #tpu.memory_space<vmem>>) offsets(%dma_start3A_737 : memref<128xi32, #tpu.memory_space<vmem>>) semaphore(%arg15 : memref<!tpu.dma_semaphore, #tpu.memory_space<semaphore_mem>>)
      %dma_start3A_741 = arith.constant 384 : i32
      %dma_start3A_742 = arith.constant 0 : i32
      %dma_start3A_743 = tpu.memref_slice %arg12[%dma_start3A_741, %dma_start3A_742] : memref<768x32xbf16, #tpu.memory_space<vmem>> -> memref<128x32xbf16, #tpu.memory_space<vmem>>
      %dma_start3A_744 = arith.constant 384 : i32
      %dma_start3A_745 = tpu.memref_slice %arg6[%dma_start3A_744] : memref<768xi32, #tpu.memory_space<vmem>> -> memref<128xi32, #tpu.memory_space<vmem>>
      %dma_start3A_746 = arith.constant 0 : i32
      %dma_start3A_747 = arith.constant 0 : i32
      %dma_start3A_748 = tpu.memref_slice %arg3[%dma_start3A_746, %dma_start3A_747] : memref<100000x32xbf16, #tpu.memory_space<hbm>> -> memref<100000x32xbf16, #tpu.memory_space<hbm>>
      tpu.enqueue_indirect_dma source(%dma_start3A_748 : memref<100000x32xbf16, #tpu.memory_space<hbm>>) target(%dma_start3A_743 : memref<128x32xbf16, #tpu.memory_space<vmem>>) offsets(%dma_start3A_745 : memref<128xi32, #tpu.memory_space<vmem>>) semaphore(%arg15 : memref<!tpu.dma_semaphore, #tpu.memory_space<semaphore_mem>>)
      %dma_start3A_749 = arith.constant 512 : i32
      %dma_start3A_750 = arith.constant 0 : i32
      %dma_start3A_751 = tpu.memref_slice %arg12[%dma_start3A_749, %dma_start3A_750] : memref<768x32xbf16, #tpu.memory_space<vmem>> -> memref<128x32xbf16, #tpu.memory_space<vmem>>
      %dma_start3A_752 = arith.constant 512 : i32
      %dma_start3A_753 = tpu.memref_slice %arg6[%dma_start3A_752] : memref<768xi32, #tpu.memory_space<vmem>> -> memref<128xi32, #tpu.memory_space<vmem>>
      %dma_start3A_754 = arith.constant 0 : i32
      %dma_start3A_755 = arith.constant 0 : i32
      %dma_start3A_756 = tpu.memref_slice %arg3[%dma_start3A_754, %dma_start3A_755] : memref<100000x32xbf16, #tpu.memory_space<hbm>> -> memref<100000x32xbf16, #tpu.memory_space<hbm>>
      tpu.enqueue_indirect_dma source(%dma_start3A_756 : memref<100000x32xbf16, #tpu.memory_space<hbm>>) target(%dma_start3A_751 : memref<128x32xbf16, #tpu.memory_space<vmem>>) offsets(%dma_start3A_753 : memref<128xi32, #tpu.memory_space<vmem>>) semaphore(%arg15 : memref<!tpu.dma_semaphore, #tpu.memory_space<semaphore_mem>>)
      %dma_start3A_757 = arith.constant 640 : i32
      %dma_start3A_758 = arith.constant 0 : i32
      %dma_start3A_759 = tpu.memref_slice %arg12[%dma_start3A_757, %dma_start3A_758] : memref<768x32xbf16, #tpu.memory_space<vmem>> -> memref<128x32xbf16, #tpu.memory_space<vmem>>
      %dma_start3A_760 = arith.constant 640 : i32
      %dma_start3A_761 = tpu.memref_slice %arg6[%dma_start3A_760] : memref<768xi32, #tpu.memory_space<vmem>> -> memref<128xi32, #tpu.memory_space<vmem>>
      %dma_start3A_762 = arith.constant 0 : i32
      %dma_start3A_763 = arith.constant 0 : i32
      %dma_start3A_764 = tpu.memref_slice %arg3[%dma_start3A_762, %dma_start3A_763] : memref<100000x32xbf16, #tpu.memory_space<hbm>> -> memref<100000x32xbf16, #tpu.memory_space<hbm>>
      tpu.enqueue_indirect_dma source(%dma_start3A_764 : memref<100000x32xbf16, #tpu.memory_space<hbm>>) target(%dma_start3A_759 : memref<128x32xbf16, #tpu.memory_space<vmem>>) offsets(%dma_start3A_761 : memref<128xi32, #tpu.memory_space<vmem>>) semaphore(%arg15 : memref<!tpu.dma_semaphore, #tpu.memory_space<semaphore_mem>>)
      %add3A_765 = arith.constant 2 : i32
      %add3A_766 = arith.addi %add3A_650, %add3A_765 : i32
      %mul3A_767 = arith.constant 6 : i32
      %mul3A_768 = arith.muli %add3A_766, %mul3A_767 : i32
      %mul3A_769 = arith.constant 128 : i32
      %mul3A_770 = arith.muli %mul3A_768, %mul3A_769 : i32
      %add3A_771 = arith.addi %mul3A_5, %mul3A_770 : i32
      %dma_start3A_772 = tpu.memref_slice %arg2[%add3A_771] : memref<3200000xi32, #tpu.memory_space<hbm>> -> memref<768xi32, #tpu.memory_space<hbm>>
      %dma_start3A_773 = tpu.memref_slice %arg2[%add3A_771] : memref<3200000xi32, #tpu.memory_space<hbm>> -> memref<768xi32, #tpu.memory_space<hbm>>
      tpu.enqueue_dma source(%dma_start3A_773 : memref<768xi32, #tpu.memory_space<hbm>>) target(%arg7 : memref<768xi32, #tpu.memory_space<vmem>>) target_semaphore(%arg20 : memref<!tpu.dma_semaphore, #tpu.memory_space<semaphore_mem>>)
      %add3A_774 = arith.constant 1600000 : i32
      %add3A_775 = arith.addi %add3A_774, %add3A_771 : i32
      %dma_start3A_776 = tpu.memref_slice %arg2[%add3A_775] : memref<3200000xi32, #tpu.memory_space<hbm>> -> memref<768xi32, #tpu.memory_space<hbm>>
      %dma_start3A_777 = tpu.memref_slice %arg2[%add3A_775] : memref<3200000xi32, #tpu.memory_space<hbm>> -> memref<768xi32, #tpu.memory_space<hbm>>
      tpu.enqueue_dma source(%dma_start3A_777 : memref<768xi32, #tpu.memory_space<hbm>>) target(%arg10 : memref<768xi32, #tpu.memory_space<vmem>>) target_semaphore(%arg20 : memref<!tpu.dma_semaphore, #tpu.memory_space<semaphore_mem>>)
      %mul3A_778 = arith.constant 6 : i32
      %mul3A_779 = arith.muli %add3A_646, %mul3A_778 : i32
      %add3A_780 = arith.constant 1 : i32
      %add3A_781 = arith.addi %mul3A_779, %add3A_780 : i32
      %dma_wait3A_782 = arith.constant 0 : i32
      %dma_wait3A_783 = arith.constant 0 : i32
      %dma_wait3A_784 = tpu.memref_slice %arg3[%dma_wait3A_782, %dma_wait3A_783] : memref<100000x32xbf16, #tpu.memory_space<hbm>> -> memref<768x32xbf16, #tpu.memory_space<hbm>>
      %dma_wait3A_785 = arith.constant 0 : i32
      %dma_wait3A_786 = arith.constant 0 : i32
      %dma_wait3A_787 = tpu.memref_slice %arg3[%dma_wait3A_785, %dma_wait3A_786] : memref<100000x32xbf16, #tpu.memory_space<hbm>> -> memref<768x32xbf16, #tpu.memory_space<hbm>>
      tpu.wait_dma2 semaphore(%arg15 : memref<!tpu.dma_semaphore, #tpu.memory_space<semaphore_mem>>) src(%dma_wait3A_787 : memref<768x32xbf16, #tpu.memory_space<hbm>>) dst(%arg12 : memref<768x32xbf16, #tpu.memory_space<vmem>>)
      %dma_start3A_788 = arith.constant 0 : i32
      %dma_start3A_789 = arith.constant 0 : i32
      %dma_start3A_790 = tpu.memref_slice %arg12[%dma_start3A_788, %dma_start3A_789] : memref<768x32xbf16, #tpu.memory_space<vmem>> -> memref<128x32xbf16, #tpu.memory_space<vmem>>
      %dma_start3A_791 = arith.constant 0 : i32
      %dma_start3A_792 = tpu.memref_slice %arg9[%dma_start3A_791] : memref<768xi32, #tpu.memory_space<vmem>> -> memref<128xi32, #tpu.memory_space<vmem>>
      %dma_start3A_793 = arith.constant 0 : i32
      %dma_start3A_794 = arith.constant 0 : i32
      %dma_start3A_795 = tpu.memref_slice %arg13[%dma_start3A_793, %dma_start3A_794] : memref<100096x32xbf16, #tpu.memory_space<vmem_shared>> -> memref<100096x32xbf16, #tpu.memory_space<vmem_shared>>
      tpu.enqueue_indirect_dma source(%dma_start3A_790 : memref<128x32xbf16, #tpu.memory_space<vmem>>) target(%dma_start3A_795 : memref<100096x32xbf16, #tpu.memory_space<vmem_shared>>) offsets(%dma_start3A_792 : memref<128xi32, #tpu.memory_space<vmem>>) semaphore(%arg17 : memref<!tpu.dma_semaphore, #tpu.memory_space<semaphore_mem>>) {add = true}
      %dma_start3A_796 = arith.constant 128 : i32
      %dma_start3A_797 = arith.constant 0 : i32
      %dma_start3A_798 = tpu.memref_slice %arg12[%dma_start3A_796, %dma_start3A_797] : memref<768x32xbf16, #tpu.memory_space<vmem>> -> memref<128x32xbf16, #tpu.memory_space<vmem>>
      %dma_start3A_799 = arith.constant 128 : i32
      %dma_start3A_800 = tpu.memref_slice %arg9[%dma_start3A_799] : memref<768xi32, #tpu.memory_space<vmem>> -> memref<128xi32, #tpu.memory_space<vmem>>
      %dma_start3A_801 = arith.constant 0 : i32
      %dma_start3A_802 = arith.constant 0 : i32
      %dma_start3A_803 = tpu.memref_slice %arg13[%dma_start3A_801, %dma_start3A_802] : memref<100096x32xbf16, #tpu.memory_space<vmem_shared>> -> memref<100096x32xbf16, #tpu.memory_space<vmem_shared>>
      tpu.enqueue_indirect_dma source(%dma_start3A_798 : memref<128x32xbf16, #tpu.memory_space<vmem>>) target(%dma_start3A_803 : memref<100096x32xbf16, #tpu.memory_space<vmem_shared>>) offsets(%dma_start3A_800 : memref<128xi32, #tpu.memory_space<vmem>>) semaphore(%arg17 : memref<!tpu.dma_semaphore, #tpu.memory_space<semaphore_mem>>) {add = true}
      %dma_start3A_804 = arith.constant 256 : i32
      %dma_start3A_805 = arith.constant 0 : i32
      %dma_start3A_806 = tpu.memref_slice %arg12[%dma_start3A_804, %dma_start3A_805] : memref<768x32xbf16, #tpu.memory_space<vmem>> -> memref<128x32xbf16, #tpu.memory_space<vmem>>
      %dma_start3A_807 = arith.constant 256 : i32
      %dma_start3A_808 = tpu.memref_slice %arg9[%dma_start3A_807] : memref<768xi32, #tpu.memory_space<vmem>> -> memref<128xi32, #tpu.memory_space<vmem>>
      %dma_start3A_809 = arith.constant 0 : i32
      %dma_start3A_810 = arith.constant 0 : i32
      %dma_start3A_811 = tpu.memref_slice %arg13[%dma_start3A_809, %dma_start3A_810] : memref<100096x32xbf16, #tpu.memory_space<vmem_shared>> -> memref<100096x32xbf16, #tpu.memory_space<vmem_shared>>
      tpu.enqueue_indirect_dma source(%dma_start3A_806 : memref<128x32xbf16, #tpu.memory_space<vmem>>) target(%dma_start3A_811 : memref<100096x32xbf16, #tpu.memory_space<vmem_shared>>) offsets(%dma_start3A_808 : memref<128xi32, #tpu.memory_space<vmem>>) semaphore(%arg17 : memref<!tpu.dma_semaphore, #tpu.memory_space<semaphore_mem>>) {add = true}
      %dma_start3A_812 = arith.constant 384 : i32
      %dma_start3A_813 = arith.constant 0 : i32
      %dma_start3A_814 = tpu.memref_slice %arg12[%dma_start3A_812, %dma_start3A_813] : memref<768x32xbf16, #tpu.memory_space<vmem>> -> memref<128x32xbf16, #tpu.memory_space<vmem>>
      %dma_start3A_815 = arith.constant 384 : i32
      %dma_start3A_816 = tpu.memref_slice %arg9[%dma_start3A_815] : memref<768xi32, #tpu.memory_space<vmem>> -> memref<128xi32, #tpu.memory_space<vmem>>
      %dma_start3A_817 = arith.constant 0 : i32
      %dma_start3A_818 = arith.constant 0 : i32
      %dma_start3A_819 = tpu.memref_slice %arg13[%dma_start3A_817, %dma_start3A_818] : memref<100096x32xbf16, #tpu.memory_space<vmem_shared>> -> memref<100096x32xbf16, #tpu.memory_space<vmem_shared>>
      tpu.enqueue_indirect_dma source(%dma_start3A_814 : memref<128x32xbf16, #tpu.memory_space<vmem>>) target(%dma_start3A_819 : memref<100096x32xbf16, #tpu.memory_space<vmem_shared>>) offsets(%dma_start3A_816 : memref<128xi32, #tpu.memory_space<vmem>>) semaphore(%arg17 : memref<!tpu.dma_semaphore, #tpu.memory_space<semaphore_mem>>) {add = true}
      %dma_start3A_820 = arith.constant 512 : i32
      %dma_start3A_821 = arith.constant 0 : i32
      %dma_start3A_822 = tpu.memref_slice %arg12[%dma_start3A_820, %dma_start3A_821] : memref<768x32xbf16, #tpu.memory_space<vmem>> -> memref<128x32xbf16, #tpu.memory_space<vmem>>
      %dma_start3A_823 = arith.constant 512 : i32
      %dma_start3A_824 = tpu.memref_slice %arg9[%dma_start3A_823] : memref<768xi32, #tpu.memory_space<vmem>> -> memref<128xi32, #tpu.memory_space<vmem>>
      %dma_start3A_825 = arith.constant 0 : i32
      %dma_start3A_826 = arith.constant 0 : i32
      %dma_start3A_827 = tpu.memref_slice %arg13[%dma_start3A_825, %dma_start3A_826] : memref<100096x32xbf16, #tpu.memory_space<vmem_shared>> -> memref<100096x32xbf16, #tpu.memory_space<vmem_shared>>
      tpu.enqueue_indirect_dma source(%dma_start3A_822 : memref<128x32xbf16, #tpu.memory_space<vmem>>) target(%dma_start3A_827 : memref<100096x32xbf16, #tpu.memory_space<vmem_shared>>) offsets(%dma_start3A_824 : memref<128xi32, #tpu.memory_space<vmem>>) semaphore(%arg17 : memref<!tpu.dma_semaphore, #tpu.memory_space<semaphore_mem>>) {add = true}
      %dma_start3A_828 = arith.constant 640 : i32
      %dma_start3A_829 = arith.constant 0 : i32
      %dma_start3A_830 = tpu.memref_slice %arg12[%dma_start3A_828, %dma_start3A_829] : memref<768x32xbf16, #tpu.memory_space<vmem>> -> memref<128x32xbf16, #tpu.memory_space<vmem>>
      %dma_start3A_831 = arith.constant 640 : i32
      %dma_start3A_832 = tpu.memref_slice %arg9[%dma_start3A_831] : memref<768xi32, #tpu.memory_space<vmem>> -> memref<128xi32, #tpu.memory_space<vmem>>
      %dma_start3A_833 = arith.constant 0 : i32
      %dma_start3A_834 = arith.constant 0 : i32
      %dma_start3A_835 = tpu.memref_slice %arg13[%dma_start3A_833, %dma_start3A_834] : memref<100096x32xbf16, #tpu.memory_space<vmem_shared>> -> memref<100096x32xbf16, #tpu.memory_space<vmem_shared>>
      tpu.enqueue_indirect_dma source(%dma_start3A_830 : memref<128x32xbf16, #tpu.memory_space<vmem>>) target(%dma_start3A_835 : memref<100096x32xbf16, #tpu.memory_space<vmem_shared>>) offsets(%dma_start3A_832 : memref<128xi32, #tpu.memory_space<vmem>>) semaphore(%arg17 : memref<!tpu.dma_semaphore, #tpu.memory_space<semaphore_mem>>) {add = true}
      %dma_wait3A_836 = arith.constant 0 : i32
      %dma_wait3A_837 = tpu.memref_slice %arg2[%dma_wait3A_836] : memref<3200000xi32, #tpu.memory_space<hbm>> -> memref<768xi32, #tpu.memory_space<hbm>>
      %dma_wait3A_838 = arith.constant 0 : i32
      %dma_wait3A_839 = tpu.memref_slice %arg2[%dma_wait3A_838] : memref<3200000xi32, #tpu.memory_space<hbm>> -> memref<768xi32, #tpu.memory_space<hbm>>
      tpu.wait_dma2 semaphore(%arg20 : memref<!tpu.dma_semaphore, #tpu.memory_space<semaphore_mem>>) src(%dma_wait3A_839 : memref<768xi32, #tpu.memory_space<hbm>>) dst(%arg7 : memref<768xi32, #tpu.memory_space<vmem>>)
      %dma_wait3A_840 = arith.constant 0 : i32
      %dma_wait3A_841 = tpu.memref_slice %arg2[%dma_wait3A_840] : memref<3200000xi32, #tpu.memory_space<hbm>> -> memref<768xi32, #tpu.memory_space<hbm>>
      %dma_wait3A_842 = arith.constant 0 : i32
      %dma_wait3A_843 = tpu.memref_slice %arg2[%dma_wait3A_842] : memref<3200000xi32, #tpu.memory_space<hbm>> -> memref<768xi32, #tpu.memory_space<hbm>>
      tpu.wait_dma2 semaphore(%arg20 : memref<!tpu.dma_semaphore, #tpu.memory_space<semaphore_mem>>) src(%dma_wait3A_843 : memref<768xi32, #tpu.memory_space<hbm>>) dst(%arg10 : memref<768xi32, #tpu.memory_space<vmem>>)
      %dma_wait3A_844 = arith.constant 0 : i32
      %dma_wait3A_845 = arith.constant 0 : i32
      %dma_wait3A_846 = tpu.memref_slice %arg3[%dma_wait3A_844, %dma_wait3A_845] : memref<100000x32xbf16, #tpu.memory_space<hbm>> -> memref<768x32xbf16, #tpu.memory_space<hbm>>
      %dma_wait3A_847 = arith.constant 0 : i32
      %dma_wait3A_848 = arith.constant 0 : i32
      %dma_wait3A_849 = tpu.memref_slice %arg3[%dma_wait3A_847, %dma_wait3A_848] : memref<100000x32xbf16, #tpu.memory_space<hbm>> -> memref<768x32xbf16, #tpu.memory_space<hbm>>
      tpu.wait_dma2 semaphore(%arg16 : memref<!tpu.dma_semaphore, #tpu.memory_space<semaphore_mem>>) src(%dma_wait3A_849 : memref<768x32xbf16, #tpu.memory_space<hbm>>) dst(%arg11 : memref<768x32xbf16, #tpu.memory_space<vmem>>)
      %dma_start3A_850 = arith.constant 0 : i32
      %dma_start3A_851 = arith.constant 0 : i32
      %dma_start3A_852 = tpu.memref_slice %arg11[%dma_start3A_850, %dma_start3A_851] : memref<768x32xbf16, #tpu.memory_space<vmem>> -> memref<128x32xbf16, #tpu.memory_space<vmem>>
      %dma_start3A_853 = arith.constant 0 : i32
      %dma_start3A_854 = tpu.memref_slice %arg7[%dma_start3A_853] : memref<768xi32, #tpu.memory_space<vmem>> -> memref<128xi32, #tpu.memory_space<vmem>>
      %dma_start3A_855 = arith.constant 0 : i32
      %dma_start3A_856 = arith.constant 0 : i32
      %dma_start3A_857 = tpu.memref_slice %arg3[%dma_start3A_855, %dma_start3A_856] : memref<100000x32xbf16, #tpu.memory_space<hbm>> -> memref<100000x32xbf16, #tpu.memory_space<hbm>>
      tpu.enqueue_indirect_dma source(%dma_start3A_857 : memref<100000x32xbf16, #tpu.memory_space<hbm>>) target(%dma_start3A_852 : memref<128x32xbf16, #tpu.memory_space<vmem>>) offsets(%dma_start3A_854 : memref<128xi32, #tpu.memory_space<vmem>>) semaphore(%arg14 : memref<!tpu.dma_semaphore, #tpu.memory_space<semaphore_mem>>)
      %dma_start3A_858 = arith.constant 128 : i32
      %dma_start3A_859 = arith.constant 0 : i32
      %dma_start3A_860 = tpu.memref_slice %arg11[%dma_start3A_858, %dma_start3A_859] : memref<768x32xbf16, #tpu.memory_space<vmem>> -> memref<128x32xbf16, #tpu.memory_space<vmem>>
      %dma_start3A_861 = arith.constant 128 : i32
      %dma_start3A_862 = tpu.memref_slice %arg7[%dma_start3A_861] : memref<768xi32, #tpu.memory_space<vmem>> -> memref<128xi32, #tpu.memory_space<vmem>>
      %dma_start3A_863 = arith.constant 0 : i32
      %dma_start3A_864 = arith.constant 0 : i32
      %dma_start3A_865 = tpu.memref_slice %arg3[%dma_start3A_863, %dma_start3A_864] : memref<100000x32xbf16, #tpu.memory_space<hbm>> -> memref<100000x32xbf16, #tpu.memory_space<hbm>>
      tpu.enqueue_indirect_dma source(%dma_start3A_865 : memref<100000x32xbf16, #tpu.memory_space<hbm>>) target(%dma_start3A_860 : memref<128x32xbf16, #tpu.memory_space<vmem>>) offsets(%dma_start3A_862 : memref<128xi32, #tpu.memory_space<vmem>>) semaphore(%arg14 : memref<!tpu.dma_semaphore, #tpu.memory_space<semaphore_mem>>)
      %dma_start3A_866 = arith.constant 256 : i32
      %dma_start3A_867 = arith.constant 0 : i32
      %dma_start3A_868 = tpu.memref_slice %arg11[%dma_start3A_866, %dma_start3A_867] : memref<768x32xbf16, #tpu.memory_space<vmem>> -> memref<128x32xbf16, #tpu.memory_space<vmem>>
      %dma_start3A_869 = arith.constant 256 : i32
      %dma_start3A_870 = tpu.memref_slice %arg7[%dma_start3A_869] : memref<768xi32, #tpu.memory_space<vmem>> -> memref<128xi32, #tpu.memory_space<vmem>>
      %dma_start3A_871 = arith.constant 0 : i32
      %dma_start3A_872 = arith.constant 0 : i32
      %dma_start3A_873 = tpu.memref_slice %arg3[%dma_start3A_871, %dma_start3A_872] : memref<100000x32xbf16, #tpu.memory_space<hbm>> -> memref<100000x32xbf16, #tpu.memory_space<hbm>>
      tpu.enqueue_indirect_dma source(%dma_start3A_873 : memref<100000x32xbf16, #tpu.memory_space<hbm>>) target(%dma_start3A_868 : memref<128x32xbf16, #tpu.memory_space<vmem>>) offsets(%dma_start3A_870 : memref<128xi32, #tpu.memory_space<vmem>>) semaphore(%arg14 : memref<!tpu.dma_semaphore, #tpu.memory_space<semaphore_mem>>)
      %dma_start3A_874 = arith.constant 384 : i32
      %dma_start3A_875 = arith.constant 0 : i32
      %dma_start3A_876 = tpu.memref_slice %arg11[%dma_start3A_874, %dma_start3A_875] : memref<768x32xbf16, #tpu.memory_space<vmem>> -> memref<128x32xbf16, #tpu.memory_space<vmem>>
      %dma_start3A_877 = arith.constant 384 : i32
      %dma_start3A_878 = tpu.memref_slice %arg7[%dma_start3A_877] : memref<768xi32, #tpu.memory_space<vmem>> -> memref<128xi32, #tpu.memory_space<vmem>>
      %dma_start3A_879 = arith.constant 0 : i32
      %dma_start3A_880 = arith.constant 0 : i32
      %dma_start3A_881 = tpu.memref_slice %arg3[%dma_start3A_879, %dma_start3A_880] : memref<100000x32xbf16, #tpu.memory_space<hbm>> -> memref<100000x32xbf16, #tpu.memory_space<hbm>>
      tpu.enqueue_indirect_dma source(%dma_start3A_881 : memref<100000x32xbf16, #tpu.memory_space<hbm>>) target(%dma_start3A_876 : memref<128x32xbf16, #tpu.memory_space<vmem>>) offsets(%dma_start3A_878 : memref<128xi32, #tpu.memory_space<vmem>>) semaphore(%arg14 : memref<!tpu.dma_semaphore, #tpu.memory_space<semaphore_mem>>)
      %dma_start3A_882 = arith.constant 512 : i32
      %dma_start3A_883 = arith.constant 0 : i32
      %dma_start3A_884 = tpu.memref_slice %arg11[%dma_start3A_882, %dma_start3A_883] : memref<768x32xbf16, #tpu.memory_space<vmem>> -> memref<128x32xbf16, #tpu.memory_space<vmem>>
      %dma_start3A_885 = arith.constant 512 : i32
      %dma_start3A_886 = tpu.memref_slice %arg7[%dma_start3A_885] : memref<768xi32, #tpu.memory_space<vmem>> -> memref<128xi32, #tpu.memory_space<vmem>>
      %dma_start3A_887 = arith.constant 0 : i32
      %dma_start3A_888 = arith.constant 0 : i32
      %dma_start3A_889 = tpu.memref_slice %arg3[%dma_start3A_887, %dma_start3A_888] : memref<100000x32xbf16, #tpu.memory_space<hbm>> -> memref<100000x32xbf16, #tpu.memory_space<hbm>>
      tpu.enqueue_indirect_dma source(%dma_start3A_889 : memref<100000x32xbf16, #tpu.memory_space<hbm>>) target(%dma_start3A_884 : memref<128x32xbf16, #tpu.memory_space<vmem>>) offsets(%dma_start3A_886 : memref<128xi32, #tpu.memory_space<vmem>>) semaphore(%arg14 : memref<!tpu.dma_semaphore, #tpu.memory_space<semaphore_mem>>)
      %dma_start3A_890 = arith.constant 640 : i32
      %dma_start3A_891 = arith.constant 0 : i32
      %dma_start3A_892 = tpu.memref_slice %arg11[%dma_start3A_890, %dma_start3A_891] : memref<768x32xbf16, #tpu.memory_space<vmem>> -> memref<128x32xbf16, #tpu.memory_space<vmem>>
      %dma_start3A_893 = arith.constant 640 : i32
      %dma_start3A_894 = tpu.memref_slice %arg7[%dma_start3A_893] : memref<768xi32, #tpu.memory_space<vmem>> -> memref<128xi32, #tpu.memory_space<vmem>>
      %dma_start3A_895 = arith.constant 0 : i32
      %dma_start3A_896 = arith.constant 0 : i32
      %dma_start3A_897 = tpu.memref_slice %arg3[%dma_start3A_895, %dma_start3A_896] : memref<100000x32xbf16, #tpu.memory_space<hbm>> -> memref<100000x32xbf16, #tpu.memory_space<hbm>>
      tpu.enqueue_indirect_dma source(%dma_start3A_897 : memref<100000x32xbf16, #tpu.memory_space<hbm>>) target(%dma_start3A_892 : memref<128x32xbf16, #tpu.memory_space<vmem>>) offsets(%dma_start3A_894 : memref<128xi32, #tpu.memory_space<vmem>>) semaphore(%arg14 : memref<!tpu.dma_semaphore, #tpu.memory_space<semaphore_mem>>)
      %add3A_898 = arith.constant 2 : i32
      %add3A_899 = arith.addi %add3A_781, %add3A_898 : i32
      %mul3A_900 = arith.constant 6 : i32
      %mul3A_901 = arith.muli %add3A_899, %mul3A_900 : i32
      %mul3A_902 = arith.constant 128 : i32
      %mul3A_903 = arith.muli %mul3A_901, %mul3A_902 : i32
      %add3A_904 = arith.addi %mul3A_5, %mul3A_903 : i32
      %dma_start3A_905 = tpu.memref_slice %arg2[%add3A_904] : memref<3200000xi32, #tpu.memory_space<hbm>> -> memref<768xi32, #tpu.memory_space<hbm>>
      %dma_start3A_906 = tpu.memref_slice %arg2[%add3A_904] : memref<3200000xi32, #tpu.memory_space<hbm>> -> memref<768xi32, #tpu.memory_space<hbm>>
      tpu.enqueue_dma source(%dma_start3A_906 : memref<768xi32, #tpu.memory_space<hbm>>) target(%arg5 : memref<768xi32, #tpu.memory_space<vmem>>) target_semaphore(%arg18 : memref<!tpu.dma_semaphore, #tpu.memory_space<semaphore_mem>>)
      %add3A_907 = arith.constant 1600000 : i32
      %add3A_908 = arith.addi %add3A_907, %add3A_904 : i32
      %dma_start3A_909 = tpu.memref_slice %arg2[%add3A_908] : memref<3200000xi32, #tpu.memory_space<hbm>> -> memref<768xi32, #tpu.memory_space<hbm>>
      %dma_start3A_910 = tpu.memref_slice %arg2[%add3A_908] : memref<3200000xi32, #tpu.memory_space<hbm>> -> memref<768xi32, #tpu.memory_space<hbm>>
      tpu.enqueue_dma source(%dma_start3A_910 : memref<768xi32, #tpu.memory_space<hbm>>) target(%arg8 : memref<768xi32, #tpu.memory_space<vmem>>) target_semaphore(%arg18 : memref<!tpu.dma_semaphore, #tpu.memory_space<semaphore_mem>>)
      %mul3A_911 = arith.constant 6 : i32
      %mul3A_912 = arith.muli %add3A_646, %mul3A_911 : i32
      %add3A_913 = arith.constant 2 : i32
      %add3A_914 = arith.addi %mul3A_912, %add3A_913 : i32
      %dma_wait3A_915 = arith.constant 0 : i32
      %dma_wait3A_916 = arith.constant 0 : i32
      %dma_wait3A_917 = tpu.memref_slice %arg3[%dma_wait3A_915, %dma_wait3A_916] : memref<100000x32xbf16, #tpu.memory_space<hbm>> -> memref<768x32xbf16, #tpu.memory_space<hbm>>
      %dma_wait3A_918 = arith.constant 0 : i32
      %dma_wait3A_919 = arith.constant 0 : i32
      %dma_wait3A_920 = tpu.memref_slice %arg3[%dma_wait3A_918, %dma_wait3A_919] : memref<100000x32xbf16, #tpu.memory_space<hbm>> -> memref<768x32xbf16, #tpu.memory_space<hbm>>
      tpu.wait_dma2 semaphore(%arg14 : memref<!tpu.dma_semaphore, #tpu.memory_space<semaphore_mem>>) src(%dma_wait3A_920 : memref<768x32xbf16, #tpu.memory_space<hbm>>) dst(%arg11 : memref<768x32xbf16, #tpu.memory_space<vmem>>)
      %dma_start3A_921 = arith.constant 0 : i32
      %dma_start3A_922 = arith.constant 0 : i32
      %dma_start3A_923 = tpu.memref_slice %arg11[%dma_start3A_921, %dma_start3A_922] : memref<768x32xbf16, #tpu.memory_space<vmem>> -> memref<128x32xbf16, #tpu.memory_space<vmem>>
      %dma_start3A_924 = arith.constant 0 : i32
      %dma_start3A_925 = tpu.memref_slice %arg10[%dma_start3A_924] : memref<768xi32, #tpu.memory_space<vmem>> -> memref<128xi32, #tpu.memory_space<vmem>>
      %dma_start3A_926 = arith.constant 0 : i32
      %dma_start3A_927 = arith.constant 0 : i32
      %dma_start3A_928 = tpu.memref_slice %arg13[%dma_start3A_926, %dma_start3A_927] : memref<100096x32xbf16, #tpu.memory_space<vmem_shared>> -> memref<100096x32xbf16, #tpu.memory_space<vmem_shared>>
      tpu.enqueue_indirect_dma source(%dma_start3A_923 : memref<128x32xbf16, #tpu.memory_space<vmem>>) target(%dma_start3A_928 : memref<100096x32xbf16, #tpu.memory_space<vmem_shared>>) offsets(%dma_start3A_925 : memref<128xi32, #tpu.memory_space<vmem>>) semaphore(%arg16 : memref<!tpu.dma_semaphore, #tpu.memory_space<semaphore_mem>>) {add = true}
      %dma_start3A_929 = arith.constant 128 : i32
      %dma_start3A_930 = arith.constant 0 : i32
      %dma_start3A_931 = tpu.memref_slice %arg11[%dma_start3A_929, %dma_start3A_930] : memref<768x32xbf16, #tpu.memory_space<vmem>> -> memref<128x32xbf16, #tpu.memory_space<vmem>>
      %dma_start3A_932 = arith.constant 128 : i32
      %dma_start3A_933 = tpu.memref_slice %arg10[%dma_start3A_932] : memref<768xi32, #tpu.memory_space<vmem>> -> memref<128xi32, #tpu.memory_space<vmem>>
      %dma_start3A_934 = arith.constant 0 : i32
      %dma_start3A_935 = arith.constant 0 : i32
      %dma_start3A_936 = tpu.memref_slice %arg13[%dma_start3A_934, %dma_start3A_935] : memref<100096x32xbf16, #tpu.memory_space<vmem_shared>> -> memref<100096x32xbf16, #tpu.memory_space<vmem_shared>>
      tpu.enqueue_indirect_dma source(%dma_start3A_931 : memref<128x32xbf16, #tpu.memory_space<vmem>>) target(%dma_start3A_936 : memref<100096x32xbf16, #tpu.memory_space<vmem_shared>>) offsets(%dma_start3A_933 : memref<128xi32, #tpu.memory_space<vmem>>) semaphore(%arg16 : memref<!tpu.dma_semaphore, #tpu.memory_space<semaphore_mem>>) {add = true}
      %dma_start3A_937 = arith.constant 256 : i32
      %dma_start3A_938 = arith.constant 0 : i32
      %dma_start3A_939 = tpu.memref_slice %arg11[%dma_start3A_937, %dma_start3A_938] : memref<768x32xbf16, #tpu.memory_space<vmem>> -> memref<128x32xbf16, #tpu.memory_space<vmem>>
      %dma_start3A_940 = arith.constant 256 : i32
      %dma_start3A_941 = tpu.memref_slice %arg10[%dma_start3A_940] : memref<768xi32, #tpu.memory_space<vmem>> -> memref<128xi32, #tpu.memory_space<vmem>>
      %dma_start3A_942 = arith.constant 0 : i32
      %dma_start3A_943 = arith.constant 0 : i32
      %dma_start3A_944 = tpu.memref_slice %arg13[%dma_start3A_942, %dma_start3A_943] : memref<100096x32xbf16, #tpu.memory_space<vmem_shared>> -> memref<100096x32xbf16, #tpu.memory_space<vmem_shared>>
      tpu.enqueue_indirect_dma source(%dma_start3A_939 : memref<128x32xbf16, #tpu.memory_space<vmem>>) target(%dma_start3A_944 : memref<100096x32xbf16, #tpu.memory_space<vmem_shared>>) offsets(%dma_start3A_941 : memref<128xi32, #tpu.memory_space<vmem>>) semaphore(%arg16 : memref<!tpu.dma_semaphore, #tpu.memory_space<semaphore_mem>>) {add = true}
      %dma_start3A_945 = arith.constant 384 : i32
      %dma_start3A_946 = arith.constant 0 : i32
      %dma_start3A_947 = tpu.memref_slice %arg11[%dma_start3A_945, %dma_start3A_946] : memref<768x32xbf16, #tpu.memory_space<vmem>> -> memref<128x32xbf16, #tpu.memory_space<vmem>>
      %dma_start3A_948 = arith.constant 384 : i32
      %dma_start3A_949 = tpu.memref_slice %arg10[%dma_start3A_948] : memref<768xi32, #tpu.memory_space<vmem>> -> memref<128xi32, #tpu.memory_space<vmem>>
      %dma_start3A_950 = arith.constant 0 : i32
      %dma_start3A_951 = arith.constant 0 : i32
      %dma_start3A_952 = tpu.memref_slice %arg13[%dma_start3A_950, %dma_start3A_951] : memref<100096x32xbf16, #tpu.memory_space<vmem_shared>> -> memref<100096x32xbf16, #tpu.memory_space<vmem_shared>>
      tpu.enqueue_indirect_dma source(%dma_start3A_947 : memref<128x32xbf16, #tpu.memory_space<vmem>>) target(%dma_start3A_952 : memref<100096x32xbf16, #tpu.memory_space<vmem_shared>>) offsets(%dma_start3A_949 : memref<128xi32, #tpu.memory_space<vmem>>) semaphore(%arg16 : memref<!tpu.dma_semaphore, #tpu.memory_space<semaphore_mem>>) {add = true}
      %dma_start3A_953 = arith.constant 512 : i32
      %dma_start3A_954 = arith.constant 0 : i32
      %dma_start3A_955 = tpu.memref_slice %arg11[%dma_start3A_953, %dma_start3A_954] : memref<768x32xbf16, #tpu.memory_space<vmem>> -> memref<128x32xbf16, #tpu.memory_space<vmem>>
      %dma_start3A_956 = arith.constant 512 : i32
      %dma_start3A_957 = tpu.memref_slice %arg10[%dma_start3A_956] : memref<768xi32, #tpu.memory_space<vmem>> -> memref<128xi32, #tpu.memory_space<vmem>>
      %dma_start3A_958 = arith.constant 0 : i32
      %dma_start3A_959 = arith.constant 0 : i32
      %dma_start3A_960 = tpu.memref_slice %arg13[%dma_start3A_958, %dma_start3A_959] : memref<100096x32xbf16, #tpu.memory_space<vmem_shared>> -> memref<100096x32xbf16, #tpu.memory_space<vmem_shared>>
      tpu.enqueue_indirect_dma source(%dma_start3A_955 : memref<128x32xbf16, #tpu.memory_space<vmem>>) target(%dma_start3A_960 : memref<100096x32xbf16, #tpu.memory_space<vmem_shared>>) offsets(%dma_start3A_957 : memref<128xi32, #tpu.memory_space<vmem>>) semaphore(%arg16 : memref<!tpu.dma_semaphore, #tpu.memory_space<semaphore_mem>>) {add = true}
      %dma_start3A_961 = arith.constant 640 : i32
      %dma_start3A_962 = arith.constant 0 : i32
      %dma_start3A_963 = tpu.memref_slice %arg11[%dma_start3A_961, %dma_start3A_962] : memref<768x32xbf16, #tpu.memory_space<vmem>> -> memref<128x32xbf16, #tpu.memory_space<vmem>>
      %dma_start3A_964 = arith.constant 640 : i32
      %dma_start3A_965 = tpu.memref_slice %arg10[%dma_start3A_964] : memref<768xi32, #tpu.memory_space<vmem>> -> memref<128xi32, #tpu.memory_space<vmem>>
      %dma_start3A_966 = arith.constant 0 : i32
      %dma_start3A_967 = arith.constant 0 : i32
      %dma_start3A_968 = tpu.memref_slice %arg13[%dma_start3A_966, %dma_start3A_967] : memref<100096x32xbf16, #tpu.memory_space<vmem_shared>> -> memref<100096x32xbf16, #tpu.memory_space<vmem_shared>>
      tpu.enqueue_indirect_dma source(%dma_start3A_963 : memref<128x32xbf16, #tpu.memory_space<vmem>>) target(%dma_start3A_968 : memref<100096x32xbf16, #tpu.memory_space<vmem_shared>>) offsets(%dma_start3A_965 : memref<128xi32, #tpu.memory_space<vmem>>) semaphore(%arg16 : memref<!tpu.dma_semaphore, #tpu.memory_space<semaphore_mem>>) {add = true}
      %dma_wait3A_969 = arith.constant 0 : i32
      %dma_wait3A_970 = tpu.memref_slice %arg2[%dma_wait3A_969] : memref<3200000xi32, #tpu.memory_space<hbm>> -> memref<768xi32, #tpu.memory_space<hbm>>
      %dma_wait3A_971 = arith.constant 0 : i32
      %dma_wait3A_972 = tpu.memref_slice %arg2[%dma_wait3A_971] : memref<3200000xi32, #tpu.memory_space<hbm>> -> memref<768xi32, #tpu.memory_space<hbm>>
      tpu.wait_dma2 semaphore(%arg18 : memref<!tpu.dma_semaphore, #tpu.memory_space<semaphore_mem>>) src(%dma_wait3A_972 : memref<768xi32, #tpu.memory_space<hbm>>) dst(%arg5 : memref<768xi32, #tpu.memory_space<vmem>>)
      %dma_wait3A_973 = arith.constant 0 : i32
      %dma_wait3A_974 = tpu.memref_slice %arg2[%dma_wait3A_973] : memref<3200000xi32, #tpu.memory_space<hbm>> -> memref<768xi32, #tpu.memory_space<hbm>>
      %dma_wait3A_975 = arith.constant 0 : i32
      %dma_wait3A_976 = tpu.memref_slice %arg2[%dma_wait3A_975] : memref<3200000xi32, #tpu.memory_space<hbm>> -> memref<768xi32, #tpu.memory_space<hbm>>
      tpu.wait_dma2 semaphore(%arg18 : memref<!tpu.dma_semaphore, #tpu.memory_space<semaphore_mem>>) src(%dma_wait3A_976 : memref<768xi32, #tpu.memory_space<hbm>>) dst(%arg8 : memref<768xi32, #tpu.memory_space<vmem>>)
      %dma_wait3A_977 = arith.constant 0 : i32
      %dma_wait3A_978 = arith.constant 0 : i32
      %dma_wait3A_979 = tpu.memref_slice %arg3[%dma_wait3A_977, %dma_wait3A_978] : memref<100000x32xbf16, #tpu.memory_space<hbm>> -> memref<768x32xbf16, #tpu.memory_space<hbm>>
      %dma_wait3A_980 = arith.constant 0 : i32
      %dma_wait3A_981 = arith.constant 0 : i32
      %dma_wait3A_982 = tpu.memref_slice %arg3[%dma_wait3A_980, %dma_wait3A_981] : memref<100000x32xbf16, #tpu.memory_space<hbm>> -> memref<768x32xbf16, #tpu.memory_space<hbm>>
      tpu.wait_dma2 semaphore(%arg17 : memref<!tpu.dma_semaphore, #tpu.memory_space<semaphore_mem>>) src(%dma_wait3A_982 : memref<768x32xbf16, #tpu.memory_space<hbm>>) dst(%arg12 : memref<768x32xbf16, #tpu.memory_space<vmem>>)
      %dma_start3A_983 = arith.constant 0 : i32
      %dma_start3A_984 = arith.constant 0 : i32
      %dma_start3A_985 = tpu.memref_slice %arg12[%dma_start3A_983, %dma_start3A_984] : memref<768x32xbf16, #tpu.memory_space<vmem>> -> memref<128x32xbf16, #tpu.memory_space<vmem>>
      %dma_start3A_986 = arith.constant 0 : i32
      %dma_start3A_987 = tpu.memref_slice %arg5[%dma_start3A_986] : memref<768xi32, #tpu.memory_space<vmem>> -> memref<128xi32, #tpu.memory_space<vmem>>
      %dma_start3A_988 = arith.constant 0 : i32
      %dma_start3A_989 = arith.constant 0 : i32
      %dma_start3A_990 = tpu.memref_slice %arg3[%dma_start3A_988, %dma_start3A_989] : memref<100000x32xbf16, #tpu.memory_space<hbm>> -> memref<100000x32xbf16, #tpu.memory_space<hbm>>
      tpu.enqueue_indirect_dma source(%dma_start3A_990 : memref<100000x32xbf16, #tpu.memory_space<hbm>>) target(%dma_start3A_985 : memref<128x32xbf16, #tpu.memory_space<vmem>>) offsets(%dma_start3A_987 : memref<128xi32, #tpu.memory_space<vmem>>) semaphore(%arg15 : memref<!tpu.dma_semaphore, #tpu.memory_space<semaphore_mem>>)
      %dma_start3A_991 = arith.constant 128 : i32
      %dma_start3A_992 = arith.constant 0 : i32
      %dma_start3A_993 = tpu.memref_slice %arg12[%dma_start3A_991, %dma_start3A_992] : memref<768x32xbf16, #tpu.memory_space<vmem>> -> memref<128x32xbf16, #tpu.memory_space<vmem>>
      %dma_start3A_994 = arith.constant 128 : i32
      %dma_start3A_995 = tpu.memref_slice %arg5[%dma_start3A_994] : memref<768xi32, #tpu.memory_space<vmem>> -> memref<128xi32, #tpu.memory_space<vmem>>
      %dma_start3A_996 = arith.constant 0 : i32
      %dma_start3A_997 = arith.constant 0 : i32
      %dma_start3A_998 = tpu.memref_slice %arg3[%dma_start3A_996, %dma_start3A_997] : memref<100000x32xbf16, #tpu.memory_space<hbm>> -> memref<100000x32xbf16, #tpu.memory_space<hbm>>
      tpu.enqueue_indirect_dma source(%dma_start3A_998 : memref<100000x32xbf16, #tpu.memory_space<hbm>>) target(%dma_start3A_993 : memref<128x32xbf16, #tpu.memory_space<vmem>>) offsets(%dma_start3A_995 : memref<128xi32, #tpu.memory_space<vmem>>) semaphore(%arg15 : memref<!tpu.dma_semaphore, #tpu.memory_space<semaphore_mem>>)
      %dma_start3A_999 = arith.constant 256 : i32
      %dma_start3A_1000 = arith.constant 0 : i32
      %dma_start3A_1001 = tpu.memref_slice %arg12[%dma_start3A_999, %dma_start3A_1000] : memref<768x32xbf16, #tpu.memory_space<vmem>> -> memref<128x32xbf16, #tpu.memory_space<vmem>>
      %dma_start3A_1002 = arith.constant 256 : i32
      %dma_start3A_1003 = tpu.memref_slice %arg5[%dma_start3A_1002] : memref<768xi32, #tpu.memory_space<vmem>> -> memref<128xi32, #tpu.memory_space<vmem>>
      %dma_start3A_1004 = arith.constant 0 : i32
      %dma_start3A_1005 = arith.constant 0 : i32
      %dma_start3A_1006 = tpu.memref_slice %arg3[%dma_start3A_1004, %dma_start3A_1005] : memref<100000x32xbf16, #tpu.memory_space<hbm>> -> memref<100000x32xbf16, #tpu.memory_space<hbm>>
      tpu.enqueue_indirect_dma source(%dma_start3A_1006 : memref<100000x32xbf16, #tpu.memory_space<hbm>>) target(%dma_start3A_1001 : memref<128x32xbf16, #tpu.memory_space<vmem>>) offsets(%dma_start3A_1003 : memref<128xi32, #tpu.memory_space<vmem>>) semaphore(%arg15 : memref<!tpu.dma_semaphore, #tpu.memory_space<semaphore_mem>>)
      %dma_start3A_1007 = arith.constant 384 : i32
      %dma_start3A_1008 = arith.constant 0 : i32
      %dma_start3A_1009 = tpu.memref_slice %arg12[%dma_start3A_1007, %dma_start3A_1008] : memref<768x32xbf16, #tpu.memory_space<vmem>> -> memref<128x32xbf16, #tpu.memory_space<vmem>>
      %dma_start3A_1010 = arith.constant 384 : i32
      %dma_start3A_1011 = tpu.memref_slice %arg5[%dma_start3A_1010] : memref<768xi32, #tpu.memory_space<vmem>> -> memref<128xi32, #tpu.memory_space<vmem>>
      %dma_start3A_1012 = arith.constant 0 : i32
      %dma_start3A_1013 = arith.constant 0 : i32
      %dma_start3A_1014 = tpu.memref_slice %arg3[%dma_start3A_1012, %dma_start3A_1013] : memref<100000x32xbf16, #tpu.memory_space<hbm>> -> memref<100000x32xbf16, #tpu.memory_space<hbm>>
      tpu.enqueue_indirect_dma source(%dma_start3A_1014 : memref<100000x32xbf16, #tpu.memory_space<hbm>>) target(%dma_start3A_1009 : memref<128x32xbf16, #tpu.memory_space<vmem>>) offsets(%dma_start3A_1011 : memref<128xi32, #tpu.memory_space<vmem>>) semaphore(%arg15 : memref<!tpu.dma_semaphore, #tpu.memory_space<semaphore_mem>>)
      %dma_start3A_1015 = arith.constant 512 : i32
      %dma_start3A_1016 = arith.constant 0 : i32
      %dma_start3A_1017 = tpu.memref_slice %arg12[%dma_start3A_1015, %dma_start3A_1016] : memref<768x32xbf16, #tpu.memory_space<vmem>> -> memref<128x32xbf16, #tpu.memory_space<vmem>>
      %dma_start3A_1018 = arith.constant 512 : i32
      %dma_start3A_1019 = tpu.memref_slice %arg5[%dma_start3A_1018] : memref<768xi32, #tpu.memory_space<vmem>> -> memref<128xi32, #tpu.memory_space<vmem>>
      %dma_start3A_1020 = arith.constant 0 : i32
      %dma_start3A_1021 = arith.constant 0 : i32
      %dma_start3A_1022 = tpu.memref_slice %arg3[%dma_start3A_1020, %dma_start3A_1021] : memref<100000x32xbf16, #tpu.memory_space<hbm>> -> memref<100000x32xbf16, #tpu.memory_space<hbm>>
      tpu.enqueue_indirect_dma source(%dma_start3A_1022 : memref<100000x32xbf16, #tpu.memory_space<hbm>>) target(%dma_start3A_1017 : memref<128x32xbf16, #tpu.memory_space<vmem>>) offsets(%dma_start3A_1019 : memref<128xi32, #tpu.memory_space<vmem>>) semaphore(%arg15 : memref<!tpu.dma_semaphore, #tpu.memory_space<semaphore_mem>>)
      %dma_start3A_1023 = arith.constant 640 : i32
      %dma_start3A_1024 = arith.constant 0 : i32
      %dma_start3A_1025 = tpu.memref_slice %arg12[%dma_start3A_1023, %dma_start3A_1024] : memref<768x32xbf16, #tpu.memory_space<vmem>> -> memref<128x32xbf16, #tpu.memory_space<vmem>>
      %dma_start3A_1026 = arith.constant 640 : i32
      %dma_start3A_1027 = tpu.memref_slice %arg5[%dma_start3A_1026] : memref<768xi32, #tpu.memory_space<vmem>> -> memref<128xi32, #tpu.memory_space<vmem>>
      %dma_start3A_1028 = arith.constant 0 : i32
      %dma_start3A_1029 = arith.constant 0 : i32
      %dma_start3A_1030 = tpu.memref_slice %arg3[%dma_start3A_1028, %dma_start3A_1029] : memref<100000x32xbf16, #tpu.memory_space<hbm>> -> memref<100000x32xbf16, #tpu.memory_space<hbm>>
      tpu.enqueue_indirect_dma source(%dma_start3A_1030 : memref<100000x32xbf16, #tpu.memory_space<hbm>>) target(%dma_start3A_1025 : memref<128x32xbf16, #tpu.memory_space<vmem>>) offsets(%dma_start3A_1027 : memref<128xi32, #tpu.memory_space<vmem>>) semaphore(%arg15 : memref<!tpu.dma_semaphore, #tpu.memory_space<semaphore_mem>>)
      %add3A_1031 = arith.constant 2 : i32
      %add3A_1032 = arith.addi %add3A_914, %add3A_1031 : i32
      %mul3A_1033 = arith.constant 6 : i32
      %mul3A_1034 = arith.muli %add3A_1032, %mul3A_1033 : i32
      %mul3A_1035 = arith.constant 128 : i32
      %mul3A_1036 = arith.muli %mul3A_1034, %mul3A_1035 : i32
      %add3A_1037 = arith.addi %mul3A_5, %mul3A_1036 : i32
      %dma_start3A_1038 = tpu.memref_slice %arg2[%add3A_1037] : memref<3200000xi32, #tpu.memory_space<hbm>> -> memref<768xi32, #tpu.memory_space<hbm>>
      %dma_start3A_1039 = tpu.memref_slice %arg2[%add3A_1037] : memref<3200000xi32, #tpu.memory_space<hbm>> -> memref<768xi32, #tpu.memory_space<hbm>>
      tpu.enqueue_dma source(%dma_start3A_1039 : memref<768xi32, #tpu.memory_space<hbm>>) target(%arg6 : memref<768xi32, #tpu.memory_space<vmem>>) target_semaphore(%arg19 : memref<!tpu.dma_semaphore, #tpu.memory_space<semaphore_mem>>)
      %add3A_1040 = arith.constant 1600000 : i32
      %add3A_1041 = arith.addi %add3A_1040, %add3A_1037 : i32
      %dma_start3A_1042 = tpu.memref_slice %arg2[%add3A_1041] : memref<3200000xi32, #tpu.memory_space<hbm>> -> memref<768xi32, #tpu.memory_space<hbm>>
      %dma_start3A_1043 = tpu.memref_slice %arg2[%add3A_1041] : memref<3200000xi32, #tpu.memory_space<hbm>> -> memref<768xi32, #tpu.memory_space<hbm>>
      tpu.enqueue_dma source(%dma_start3A_1043 : memref<768xi32, #tpu.memory_space<hbm>>) target(%arg9 : memref<768xi32, #tpu.memory_space<vmem>>) target_semaphore(%arg19 : memref<!tpu.dma_semaphore, #tpu.memory_space<semaphore_mem>>)
      %mul3A_1044 = arith.constant 6 : i32
      %mul3A_1045 = arith.muli %add3A_646, %mul3A_1044 : i32
      %add3A_1046 = arith.constant 3 : i32
      %add3A_1047 = arith.addi %mul3A_1045, %add3A_1046 : i32
      %dma_wait3A_1048 = arith.constant 0 : i32
      %dma_wait3A_1049 = arith.constant 0 : i32
      %dma_wait3A_1050 = tpu.memref_slice %arg3[%dma_wait3A_1048, %dma_wait3A_1049] : memref<100000x32xbf16, #tpu.memory_space<hbm>> -> memref<768x32xbf16, #tpu.memory_space<hbm>>
      %dma_wait3A_1051 = arith.constant 0 : i32
      %dma_wait3A_1052 = arith.constant 0 : i32
      %dma_wait3A_1053 = tpu.memref_slice %arg3[%dma_wait3A_1051, %dma_wait3A_1052] : memref<100000x32xbf16, #tpu.memory_space<hbm>> -> memref<768x32xbf16, #tpu.memory_space<hbm>>
      tpu.wait_dma2 semaphore(%arg15 : memref<!tpu.dma_semaphore, #tpu.memory_space<semaphore_mem>>) src(%dma_wait3A_1053 : memref<768x32xbf16, #tpu.memory_space<hbm>>) dst(%arg12 : memref<768x32xbf16, #tpu.memory_space<vmem>>)
      %dma_start3A_1054 = arith.constant 0 : i32
      %dma_start3A_1055 = arith.constant 0 : i32
      %dma_start3A_1056 = tpu.memref_slice %arg12[%dma_start3A_1054, %dma_start3A_1055] : memref<768x32xbf16, #tpu.memory_space<vmem>> -> memref<128x32xbf16, #tpu.memory_space<vmem>>
      %dma_start3A_1057 = arith.constant 0 : i32
      %dma_start3A_1058 = tpu.memref_slice %arg8[%dma_start3A_1057] : memref<768xi32, #tpu.memory_space<vmem>> -> memref<128xi32, #tpu.memory_space<vmem>>
      %dma_start3A_1059 = arith.constant 0 : i32
      %dma_start3A_1060 = arith.constant 0 : i32
      %dma_start3A_1061 = tpu.memref_slice %arg13[%dma_start3A_1059, %dma_start3A_1060] : memref<100096x32xbf16, #tpu.memory_space<vmem_shared>> -> memref<100096x32xbf16, #tpu.memory_space<vmem_shared>>
      tpu.enqueue_indirect_dma source(%dma_start3A_1056 : memref<128x32xbf16, #tpu.memory_space<vmem>>) target(%dma_start3A_1061 : memref<100096x32xbf16, #tpu.memory_space<vmem_shared>>) offsets(%dma_start3A_1058 : memref<128xi32, #tpu.memory_space<vmem>>) semaphore(%arg17 : memref<!tpu.dma_semaphore, #tpu.memory_space<semaphore_mem>>) {add = true}
      %dma_start3A_1062 = arith.constant 128 : i32
      %dma_start3A_1063 = arith.constant 0 : i32
      %dma_start3A_1064 = tpu.memref_slice %arg12[%dma_start3A_1062, %dma_start3A_1063] : memref<768x32xbf16, #tpu.memory_space<vmem>> -> memref<128x32xbf16, #tpu.memory_space<vmem>>
      %dma_start3A_1065 = arith.constant 128 : i32
      %dma_start3A_1066 = tpu.memref_slice %arg8[%dma_start3A_1065] : memref<768xi32, #tpu.memory_space<vmem>> -> memref<128xi32, #tpu.memory_space<vmem>>
      %dma_start3A_1067 = arith.constant 0 : i32
      %dma_start3A_1068 = arith.constant 0 : i32
      %dma_start3A_1069 = tpu.memref_slice %arg13[%dma_start3A_1067, %dma_start3A_1068] : memref<100096x32xbf16, #tpu.memory_space<vmem_shared>> -> memref<100096x32xbf16, #tpu.memory_space<vmem_shared>>
      tpu.enqueue_indirect_dma source(%dma_start3A_1064 : memref<128x32xbf16, #tpu.memory_space<vmem>>) target(%dma_start3A_1069 : memref<100096x32xbf16, #tpu.memory_space<vmem_shared>>) offsets(%dma_start3A_1066 : memref<128xi32, #tpu.memory_space<vmem>>) semaphore(%arg17 : memref<!tpu.dma_semaphore, #tpu.memory_space<semaphore_mem>>) {add = true}
      %dma_start3A_1070 = arith.constant 256 : i32
      %dma_start3A_1071 = arith.constant 0 : i32
      %dma_start3A_1072 = tpu.memref_slice %arg12[%dma_start3A_1070, %dma_start3A_1071] : memref<768x32xbf16, #tpu.memory_space<vmem>> -> memref<128x32xbf16, #tpu.memory_space<vmem>>
      %dma_start3A_1073 = arith.constant 256 : i32
      %dma_start3A_1074 = tpu.memref_slice %arg8[%dma_start3A_1073] : memref<768xi32, #tpu.memory_space<vmem>> -> memref<128xi32, #tpu.memory_space<vmem>>
      %dma_start3A_1075 = arith.constant 0 : i32
      %dma_start3A_1076 = arith.constant 0 : i32
      %dma_start3A_1077 = tpu.memref_slice %arg13[%dma_start3A_1075, %dma_start3A_1076] : memref<100096x32xbf16, #tpu.memory_space<vmem_shared>> -> memref<100096x32xbf16, #tpu.memory_space<vmem_shared>>
      tpu.enqueue_indirect_dma source(%dma_start3A_1072 : memref<128x32xbf16, #tpu.memory_space<vmem>>) target(%dma_start3A_1077 : memref<100096x32xbf16, #tpu.memory_space<vmem_shared>>) offsets(%dma_start3A_1074 : memref<128xi32, #tpu.memory_space<vmem>>) semaphore(%arg17 : memref<!tpu.dma_semaphore, #tpu.memory_space<semaphore_mem>>) {add = true}
      %dma_start3A_1078 = arith.constant 384 : i32
      %dma_start3A_1079 = arith.constant 0 : i32
      %dma_start3A_1080 = tpu.memref_slice %arg12[%dma_start3A_1078, %dma_start3A_1079] : memref<768x32xbf16, #tpu.memory_space<vmem>> -> memref<128x32xbf16, #tpu.memory_space<vmem>>
      %dma_start3A_1081 = arith.constant 384 : i32
      %dma_start3A_1082 = tpu.memref_slice %arg8[%dma_start3A_1081] : memref<768xi32, #tpu.memory_space<vmem>> -> memref<128xi32, #tpu.memory_space<vmem>>
      %dma_start3A_1083 = arith.constant 0 : i32
      %dma_start3A_1084 = arith.constant 0 : i32
      %dma_start3A_1085 = tpu.memref_slice %arg13[%dma_start3A_1083, %dma_start3A_1084] : memref<100096x32xbf16, #tpu.memory_space<vmem_shared>> -> memref<100096x32xbf16, #tpu.memory_space<vmem_shared>>
      tpu.enqueue_indirect_dma source(%dma_start3A_1080 : memref<128x32xbf16, #tpu.memory_space<vmem>>) target(%dma_start3A_1085 : memref<100096x32xbf16, #tpu.memory_space<vmem_shared>>) offsets(%dma_start3A_1082 : memref<128xi32, #tpu.memory_space<vmem>>) semaphore(%arg17 : memref<!tpu.dma_semaphore, #tpu.memory_space<semaphore_mem>>) {add = true}
      %dma_start3A_1086 = arith.constant 512 : i32
      %dma_start3A_1087 = arith.constant 0 : i32
      %dma_start3A_1088 = tpu.memref_slice %arg12[%dma_start3A_1086, %dma_start3A_1087] : memref<768x32xbf16, #tpu.memory_space<vmem>> -> memref<128x32xbf16, #tpu.memory_space<vmem>>
      %dma_start3A_1089 = arith.constant 512 : i32
      %dma_start3A_1090 = tpu.memref_slice %arg8[%dma_start3A_1089] : memref<768xi32, #tpu.memory_space<vmem>> -> memref<128xi32, #tpu.memory_space<vmem>>
      %dma_start3A_1091 = arith.constant 0 : i32
      %dma_start3A_1092 = arith.constant 0 : i32
      %dma_start3A_1093 = tpu.memref_slice %arg13[%dma_start3A_1091, %dma_start3A_1092] : memref<100096x32xbf16, #tpu.memory_space<vmem_shared>> -> memref<100096x32xbf16, #tpu.memory_space<vmem_shared>>
      tpu.enqueue_indirect_dma source(%dma_start3A_1088 : memref<128x32xbf16, #tpu.memory_space<vmem>>) target(%dma_start3A_1093 : memref<100096x32xbf16, #tpu.memory_space<vmem_shared>>) offsets(%dma_start3A_1090 : memref<128xi32, #tpu.memory_space<vmem>>) semaphore(%arg17 : memref<!tpu.dma_semaphore, #tpu.memory_space<semaphore_mem>>) {add = true}
      %dma_start3A_1094 = arith.constant 640 : i32
      %dma_start3A_1095 = arith.constant 0 : i32
      %dma_start3A_1096 = tpu.memref_slice %arg12[%dma_start3A_1094, %dma_start3A_1095] : memref<768x32xbf16, #tpu.memory_space<vmem>> -> memref<128x32xbf16, #tpu.memory_space<vmem>>
      %dma_start3A_1097 = arith.constant 640 : i32
      %dma_start3A_1098 = tpu.memref_slice %arg8[%dma_start3A_1097] : memref<768xi32, #tpu.memory_space<vmem>> -> memref<128xi32, #tpu.memory_space<vmem>>
      %dma_start3A_1099 = arith.constant 0 : i32
      %dma_start3A_1100 = arith.constant 0 : i32
      %dma_start3A_1101 = tpu.memref_slice %arg13[%dma_start3A_1099, %dma_start3A_1100] : memref<100096x32xbf16, #tpu.memory_space<vmem_shared>> -> memref<100096x32xbf16, #tpu.memory_space<vmem_shared>>
      tpu.enqueue_indirect_dma source(%dma_start3A_1096 : memref<128x32xbf16, #tpu.memory_space<vmem>>) target(%dma_start3A_1101 : memref<100096x32xbf16, #tpu.memory_space<vmem_shared>>) offsets(%dma_start3A_1098 : memref<128xi32, #tpu.memory_space<vmem>>) semaphore(%arg17 : memref<!tpu.dma_semaphore, #tpu.memory_space<semaphore_mem>>) {add = true}
      %dma_wait3A_1102 = arith.constant 0 : i32
      %dma_wait3A_1103 = tpu.memref_slice %arg2[%dma_wait3A_1102] : memref<3200000xi32, #tpu.memory_space<hbm>> -> memref<768xi32, #tpu.memory_space<hbm>>
      %dma_wait3A_1104 = arith.constant 0 : i32
      %dma_wait3A_1105 = tpu.memref_slice %arg2[%dma_wait3A_1104] : memref<3200000xi32, #tpu.memory_space<hbm>> -> memref<768xi32, #tpu.memory_space<hbm>>
      tpu.wait_dma2 semaphore(%arg19 : memref<!tpu.dma_semaphore, #tpu.memory_space<semaphore_mem>>) src(%dma_wait3A_1105 : memref<768xi32, #tpu.memory_space<hbm>>) dst(%arg6 : memref<768xi32, #tpu.memory_space<vmem>>)
      %dma_wait3A_1106 = arith.constant 0 : i32
      %dma_wait3A_1107 = tpu.memref_slice %arg2[%dma_wait3A_1106] : memref<3200000xi32, #tpu.memory_space<hbm>> -> memref<768xi32, #tpu.memory_space<hbm>>
      %dma_wait3A_1108 = arith.constant 0 : i32
      %dma_wait3A_1109 = tpu.memref_slice %arg2[%dma_wait3A_1108] : memref<3200000xi32, #tpu.memory_space<hbm>> -> memref<768xi32, #tpu.memory_space<hbm>>
      tpu.wait_dma2 semaphore(%arg19 : memref<!tpu.dma_semaphore, #tpu.memory_space<semaphore_mem>>) src(%dma_wait3A_1109 : memref<768xi32, #tpu.memory_space<hbm>>) dst(%arg9 : memref<768xi32, #tpu.memory_space<vmem>>)
      %dma_wait3A_1110 = arith.constant 0 : i32
      %dma_wait3A_1111 = arith.constant 0 : i32
      %dma_wait3A_1112 = tpu.memref_slice %arg3[%dma_wait3A_1110, %dma_wait3A_1111] : memref<100000x32xbf16, #tpu.memory_space<hbm>> -> memref<768x32xbf16, #tpu.memory_space<hbm>>
      %dma_wait3A_1113 = arith.constant 0 : i32
      %dma_wait3A_1114 = arith.constant 0 : i32
      %dma_wait3A_1115 = tpu.memref_slice %arg3[%dma_wait3A_1113, %dma_wait3A_1114] : memref<100000x32xbf16, #tpu.memory_space<hbm>> -> memref<768x32xbf16, #tpu.memory_space<hbm>>
      tpu.wait_dma2 semaphore(%arg16 : memref<!tpu.dma_semaphore, #tpu.memory_space<semaphore_mem>>) src(%dma_wait3A_1115 : memref<768x32xbf16, #tpu.memory_space<hbm>>) dst(%arg11 : memref<768x32xbf16, #tpu.memory_space<vmem>>)
      %dma_start3A_1116 = arith.constant 0 : i32
      %dma_start3A_1117 = arith.constant 0 : i32
      %dma_start3A_1118 = tpu.memref_slice %arg11[%dma_start3A_1116, %dma_start3A_1117] : memref<768x32xbf16, #tpu.memory_space<vmem>> -> memref<128x32xbf16, #tpu.memory_space<vmem>>
      %dma_start3A_1119 = arith.constant 0 : i32
      %dma_start3A_1120 = tpu.memref_slice %arg6[%dma_start3A_1119] : memref<768xi32, #tpu.memory_space<vmem>> -> memref<128xi32, #tpu.memory_space<vmem>>
      %dma_start3A_1121 = arith.constant 0 : i32
      %dma_start3A_1122 = arith.constant 0 : i32
      %dma_start3A_1123 = tpu.memref_slice %arg3[%dma_start3A_1121, %dma_start3A_1122] : memref<100000x32xbf16, #tpu.memory_space<hbm>> -> memref<100000x32xbf16, #tpu.memory_space<hbm>>
      tpu.enqueue_indirect_dma source(%dma_start3A_1123 : memref<100000x32xbf16, #tpu.memory_space<hbm>>) target(%dma_start3A_1118 : memref<128x32xbf16, #tpu.memory_space<vmem>>) offsets(%dma_start3A_1120 : memref<128xi32, #tpu.memory_space<vmem>>) semaphore(%arg14 : memref<!tpu.dma_semaphore, #tpu.memory_space<semaphore_mem>>)
      %dma_start3A_1124 = arith.constant 128 : i32
      %dma_start3A_1125 = arith.constant 0 : i32
      %dma_start3A_1126 = tpu.memref_slice %arg11[%dma_start3A_1124, %dma_start3A_1125] : memref<768x32xbf16, #tpu.memory_space<vmem>> -> memref<128x32xbf16, #tpu.memory_space<vmem>>
      %dma_start3A_1127 = arith.constant 128 : i32
      %dma_start3A_1128 = tpu.memref_slice %arg6[%dma_start3A_1127] : memref<768xi32, #tpu.memory_space<vmem>> -> memref<128xi32, #tpu.memory_space<vmem>>
      %dma_start3A_1129 = arith.constant 0 : i32
      %dma_start3A_1130 = arith.constant 0 : i32
      %dma_start3A_1131 = tpu.memref_slice %arg3[%dma_start3A_1129, %dma_start3A_1130] : memref<100000x32xbf16, #tpu.memory_space<hbm>> -> memref<100000x32xbf16, #tpu.memory_space<hbm>>
      tpu.enqueue_indirect_dma source(%dma_start3A_1131 : memref<100000x32xbf16, #tpu.memory_space<hbm>>) target(%dma_start3A_1126 : memref<128x32xbf16, #tpu.memory_space<vmem>>) offsets(%dma_start3A_1128 : memref<128xi32, #tpu.memory_space<vmem>>) semaphore(%arg14 : memref<!tpu.dma_semaphore, #tpu.memory_space<semaphore_mem>>)
      %dma_start3A_1132 = arith.constant 256 : i32
      %dma_start3A_1133 = arith.constant 0 : i32
      %dma_start3A_1134 = tpu.memref_slice %arg11[%dma_start3A_1132, %dma_start3A_1133] : memref<768x32xbf16, #tpu.memory_space<vmem>> -> memref<128x32xbf16, #tpu.memory_space<vmem>>
      %dma_start3A_1135 = arith.constant 256 : i32
      %dma_start3A_1136 = tpu.memref_slice %arg6[%dma_start3A_1135] : memref<768xi32, #tpu.memory_space<vmem>> -> memref<128xi32, #tpu.memory_space<vmem>>
      %dma_start3A_1137 = arith.constant 0 : i32
      %dma_start3A_1138 = arith.constant 0 : i32
      %dma_start3A_1139 = tpu.memref_slice %arg3[%dma_start3A_1137, %dma_start3A_1138] : memref<100000x32xbf16, #tpu.memory_space<hbm>> -> memref<100000x32xbf16, #tpu.memory_space<hbm>>
      tpu.enqueue_indirect_dma source(%dma_start3A_1139 : memref<100000x32xbf16, #tpu.memory_space<hbm>>) target(%dma_start3A_1134 : memref<128x32xbf16, #tpu.memory_space<vmem>>) offsets(%dma_start3A_1136 : memref<128xi32, #tpu.memory_space<vmem>>) semaphore(%arg14 : memref<!tpu.dma_semaphore, #tpu.memory_space<semaphore_mem>>)
      %dma_start3A_1140 = arith.constant 384 : i32
      %dma_start3A_1141 = arith.constant 0 : i32
      %dma_start3A_1142 = tpu.memref_slice %arg11[%dma_start3A_1140, %dma_start3A_1141] : memref<768x32xbf16, #tpu.memory_space<vmem>> -> memref<128x32xbf16, #tpu.memory_space<vmem>>
      %dma_start3A_1143 = arith.constant 384 : i32
      %dma_start3A_1144 = tpu.memref_slice %arg6[%dma_start3A_1143] : memref<768xi32, #tpu.memory_space<vmem>> -> memref<128xi32, #tpu.memory_space<vmem>>
      %dma_start3A_1145 = arith.constant 0 : i32
      %dma_start3A_1146 = arith.constant 0 : i32
      %dma_start3A_1147 = tpu.memref_slice %arg3[%dma_start3A_1145, %dma_start3A_1146] : memref<100000x32xbf16, #tpu.memory_space<hbm>> -> memref<100000x32xbf16, #tpu.memory_space<hbm>>
      tpu.enqueue_indirect_dma source(%dma_start3A_1147 : memref<100000x32xbf16, #tpu.memory_space<hbm>>) target(%dma_start3A_1142 : memref<128x32xbf16, #tpu.memory_space<vmem>>) offsets(%dma_start3A_1144 : memref<128xi32, #tpu.memory_space<vmem>>) semaphore(%arg14 : memref<!tpu.dma_semaphore, #tpu.memory_space<semaphore_mem>>)
      %dma_start3A_1148 = arith.constant 512 : i32
      %dma_start3A_1149 = arith.constant 0 : i32
      %dma_start3A_1150 = tpu.memref_slice %arg11[%dma_start3A_1148, %dma_start3A_1149] : memref<768x32xbf16, #tpu.memory_space<vmem>> -> memref<128x32xbf16, #tpu.memory_space<vmem>>
      %dma_start3A_1151 = arith.constant 512 : i32
      %dma_start3A_1152 = tpu.memref_slice %arg6[%dma_start3A_1151] : memref<768xi32, #tpu.memory_space<vmem>> -> memref<128xi32, #tpu.memory_space<vmem>>
      %dma_start3A_1153 = arith.constant 0 : i32
      %dma_start3A_1154 = arith.constant 0 : i32
      %dma_start3A_1155 = tpu.memref_slice %arg3[%dma_start3A_1153, %dma_start3A_1154] : memref<100000x32xbf16, #tpu.memory_space<hbm>> -> memref<100000x32xbf16, #tpu.memory_space<hbm>>
      tpu.enqueue_indirect_dma source(%dma_start3A_1155 : memref<100000x32xbf16, #tpu.memory_space<hbm>>) target(%dma_start3A_1150 : memref<128x32xbf16, #tpu.memory_space<vmem>>) offsets(%dma_start3A_1152 : memref<128xi32, #tpu.memory_space<vmem>>) semaphore(%arg14 : memref<!tpu.dma_semaphore, #tpu.memory_space<semaphore_mem>>)
      %dma_start3A_1156 = arith.constant 640 : i32
      %dma_start3A_1157 = arith.constant 0 : i32
      %dma_start3A_1158 = tpu.memref_slice %arg11[%dma_start3A_1156, %dma_start3A_1157] : memref<768x32xbf16, #tpu.memory_space<vmem>> -> memref<128x32xbf16, #tpu.memory_space<vmem>>
      %dma_start3A_1159 = arith.constant 640 : i32
      %dma_start3A_1160 = tpu.memref_slice %arg6[%dma_start3A_1159] : memref<768xi32, #tpu.memory_space<vmem>> -> memref<128xi32, #tpu.memory_space<vmem>>
      %dma_start3A_1161 = arith.constant 0 : i32
      %dma_start3A_1162 = arith.constant 0 : i32
      %dma_start3A_1163 = tpu.memref_slice %arg3[%dma_start3A_1161, %dma_start3A_1162] : memref<100000x32xbf16, #tpu.memory_space<hbm>> -> memref<100000x32xbf16, #tpu.memory_space<hbm>>
      tpu.enqueue_indirect_dma source(%dma_start3A_1163 : memref<100000x32xbf16, #tpu.memory_space<hbm>>) target(%dma_start3A_1158 : memref<128x32xbf16, #tpu.memory_space<vmem>>) offsets(%dma_start3A_1160 : memref<128xi32, #tpu.memory_space<vmem>>) semaphore(%arg14 : memref<!tpu.dma_semaphore, #tpu.memory_space<semaphore_mem>>)
      %add3A_1164 = arith.constant 2 : i32
      %add3A_1165 = arith.addi %add3A_1047, %add3A_1164 : i32
      %mul3A_1166 = arith.constant 6 : i32
      %mul3A_1167 = arith.muli %add3A_1165, %mul3A_1166 : i32
      %mul3A_1168 = arith.constant 128 : i32
      %mul3A_1169 = arith.muli %mul3A_1167, %mul3A_1168 : i32
      %add3A_1170 = arith.addi %mul3A_5, %mul3A_1169 : i32
      %dma_start3A_1171 = tpu.memref_slice %arg2[%add3A_1170] : memref<3200000xi32, #tpu.memory_space<hbm>> -> memref<768xi32, #tpu.memory_space<hbm>>
      %dma_start3A_1172 = tpu.memref_slice %arg2[%add3A_1170] : memref<3200000xi32, #tpu.memory_space<hbm>> -> memref<768xi32, #tpu.memory_space<hbm>>
      tpu.enqueue_dma source(%dma_start3A_1172 : memref<768xi32, #tpu.memory_space<hbm>>) target(%arg7 : memref<768xi32, #tpu.memory_space<vmem>>) target_semaphore(%arg20 : memref<!tpu.dma_semaphore, #tpu.memory_space<semaphore_mem>>)
      %add3A_1173 = arith.constant 1600000 : i32
      %add3A_1174 = arith.addi %add3A_1173, %add3A_1170 : i32
      %dma_start3A_1175 = tpu.memref_slice %arg2[%add3A_1174] : memref<3200000xi32, #tpu.memory_space<hbm>> -> memref<768xi32, #tpu.memory_space<hbm>>
      %dma_start3A_1176 = tpu.memref_slice %arg2[%add3A_1174] : memref<3200000xi32, #tpu.memory_space<hbm>> -> memref<768xi32, #tpu.memory_space<hbm>>
      tpu.enqueue_dma source(%dma_start3A_1176 : memref<768xi32, #tpu.memory_space<hbm>>) target(%arg10 : memref<768xi32, #tpu.memory_space<vmem>>) target_semaphore(%arg20 : memref<!tpu.dma_semaphore, #tpu.memory_space<semaphore_mem>>)
      %mul3A_1177 = arith.constant 6 : i32
      %mul3A_1178 = arith.muli %add3A_646, %mul3A_1177 : i32
      %add3A_1179 = arith.constant 4 : i32
      %add3A_1180 = arith.addi %mul3A_1178, %add3A_1179 : i32
      %dma_wait3A_1181 = arith.constant 0 : i32
      %dma_wait3A_1182 = arith.constant 0 : i32
      %dma_wait3A_1183 = tpu.memref_slice %arg3[%dma_wait3A_1181, %dma_wait3A_1182] : memref<100000x32xbf16, #tpu.memory_space<hbm>> -> memref<768x32xbf16, #tpu.memory_space<hbm>>
      %dma_wait3A_1184 = arith.constant 0 : i32
      %dma_wait3A_1185 = arith.constant 0 : i32
      %dma_wait3A_1186 = tpu.memref_slice %arg3[%dma_wait3A_1184, %dma_wait3A_1185] : memref<100000x32xbf16, #tpu.memory_space<hbm>> -> memref<768x32xbf16, #tpu.memory_space<hbm>>
      tpu.wait_dma2 semaphore(%arg14 : memref<!tpu.dma_semaphore, #tpu.memory_space<semaphore_mem>>) src(%dma_wait3A_1186 : memref<768x32xbf16, #tpu.memory_space<hbm>>) dst(%arg11 : memref<768x32xbf16, #tpu.memory_space<vmem>>)
      %dma_start3A_1187 = arith.constant 0 : i32
      %dma_start3A_1188 = arith.constant 0 : i32
      %dma_start3A_1189 = tpu.memref_slice %arg11[%dma_start3A_1187, %dma_start3A_1188] : memref<768x32xbf16, #tpu.memory_space<vmem>> -> memref<128x32xbf16, #tpu.memory_space<vmem>>
      %dma_start3A_1190 = arith.constant 0 : i32
      %dma_start3A_1191 = tpu.memref_slice %arg9[%dma_start3A_1190] : memref<768xi32, #tpu.memory_space<vmem>> -> memref<128xi32, #tpu.memory_space<vmem>>
      %dma_start3A_1192 = arith.constant 0 : i32
      %dma_start3A_1193 = arith.constant 0 : i32
      %dma_start3A_1194 = tpu.memref_slice %arg13[%dma_start3A_1192, %dma_start3A_1193] : memref<100096x32xbf16, #tpu.memory_space<vmem_shared>> -> memref<100096x32xbf16, #tpu.memory_space<vmem_shared>>
      tpu.enqueue_indirect_dma source(%dma_start3A_1189 : memref<128x32xbf16, #tpu.memory_space<vmem>>) target(%dma_start3A_1194 : memref<100096x32xbf16, #tpu.memory_space<vmem_shared>>) offsets(%dma_start3A_1191 : memref<128xi32, #tpu.memory_space<vmem>>) semaphore(%arg16 : memref<!tpu.dma_semaphore, #tpu.memory_space<semaphore_mem>>) {add = true}
      %dma_start3A_1195 = arith.constant 128 : i32
      %dma_start3A_1196 = arith.constant 0 : i32
      %dma_start3A_1197 = tpu.memref_slice %arg11[%dma_start3A_1195, %dma_start3A_1196] : memref<768x32xbf16, #tpu.memory_space<vmem>> -> memref<128x32xbf16, #tpu.memory_space<vmem>>
      %dma_start3A_1198 = arith.constant 128 : i32
      %dma_start3A_1199 = tpu.memref_slice %arg9[%dma_start3A_1198] : memref<768xi32, #tpu.memory_space<vmem>> -> memref<128xi32, #tpu.memory_space<vmem>>
      %dma_start3A_1200 = arith.constant 0 : i32
      %dma_start3A_1201 = arith.constant 0 : i32
      %dma_start3A_1202 = tpu.memref_slice %arg13[%dma_start3A_1200, %dma_start3A_1201] : memref<100096x32xbf16, #tpu.memory_space<vmem_shared>> -> memref<100096x32xbf16, #tpu.memory_space<vmem_shared>>
      tpu.enqueue_indirect_dma source(%dma_start3A_1197 : memref<128x32xbf16, #tpu.memory_space<vmem>>) target(%dma_start3A_1202 : memref<100096x32xbf16, #tpu.memory_space<vmem_shared>>) offsets(%dma_start3A_1199 : memref<128xi32, #tpu.memory_space<vmem>>) semaphore(%arg16 : memref<!tpu.dma_semaphore, #tpu.memory_space<semaphore_mem>>) {add = true}
      %dma_start3A_1203 = arith.constant 256 : i32
      %dma_start3A_1204 = arith.constant 0 : i32
      %dma_start3A_1205 = tpu.memref_slice %arg11[%dma_start3A_1203, %dma_start3A_1204] : memref<768x32xbf16, #tpu.memory_space<vmem>> -> memref<128x32xbf16, #tpu.memory_space<vmem>>
      %dma_start3A_1206 = arith.constant 256 : i32
      %dma_start3A_1207 = tpu.memref_slice %arg9[%dma_start3A_1206] : memref<768xi32, #tpu.memory_space<vmem>> -> memref<128xi32, #tpu.memory_space<vmem>>
      %dma_start3A_1208 = arith.constant 0 : i32
      %dma_start3A_1209 = arith.constant 0 : i32
      %dma_start3A_1210 = tpu.memref_slice %arg13[%dma_start3A_1208, %dma_start3A_1209] : memref<100096x32xbf16, #tpu.memory_space<vmem_shared>> -> memref<100096x32xbf16, #tpu.memory_space<vmem_shared>>
      tpu.enqueue_indirect_dma source(%dma_start3A_1205 : memref<128x32xbf16, #tpu.memory_space<vmem>>) target(%dma_start3A_1210 : memref<100096x32xbf16, #tpu.memory_space<vmem_shared>>) offsets(%dma_start3A_1207 : memref<128xi32, #tpu.memory_space<vmem>>) semaphore(%arg16 : memref<!tpu.dma_semaphore, #tpu.memory_space<semaphore_mem>>) {add = true}
      %dma_start3A_1211 = arith.constant 384 : i32
      %dma_start3A_1212 = arith.constant 0 : i32
      %dma_start3A_1213 = tpu.memref_slice %arg11[%dma_start3A_1211, %dma_start3A_1212] : memref<768x32xbf16, #tpu.memory_space<vmem>> -> memref<128x32xbf16, #tpu.memory_space<vmem>>
      %dma_start3A_1214 = arith.constant 384 : i32
      %dma_start3A_1215 = tpu.memref_slice %arg9[%dma_start3A_1214] : memref<768xi32, #tpu.memory_space<vmem>> -> memref<128xi32, #tpu.memory_space<vmem>>
      %dma_start3A_1216 = arith.constant 0 : i32
      %dma_start3A_1217 = arith.constant 0 : i32
      %dma_start3A_1218 = tpu.memref_slice %arg13[%dma_start3A_1216, %dma_start3A_1217] : memref<100096x32xbf16, #tpu.memory_space<vmem_shared>> -> memref<100096x32xbf16, #tpu.memory_space<vmem_shared>>
      tpu.enqueue_indirect_dma source(%dma_start3A_1213 : memref<128x32xbf16, #tpu.memory_space<vmem>>) target(%dma_start3A_1218 : memref<100096x32xbf16, #tpu.memory_space<vmem_shared>>) offsets(%dma_start3A_1215 : memref<128xi32, #tpu.memory_space<vmem>>) semaphore(%arg16 : memref<!tpu.dma_semaphore, #tpu.memory_space<semaphore_mem>>) {add = true}
      %dma_start3A_1219 = arith.constant 512 : i32
      %dma_start3A_1220 = arith.constant 0 : i32
      %dma_start3A_1221 = tpu.memref_slice %arg11[%dma_start3A_1219, %dma_start3A_1220] : memref<768x32xbf16, #tpu.memory_space<vmem>> -> memref<128x32xbf16, #tpu.memory_space<vmem>>
      %dma_start3A_1222 = arith.constant 512 : i32
      %dma_start3A_1223 = tpu.memref_slice %arg9[%dma_start3A_1222] : memref<768xi32, #tpu.memory_space<vmem>> -> memref<128xi32, #tpu.memory_space<vmem>>
      %dma_start3A_1224 = arith.constant 0 : i32
      %dma_start3A_1225 = arith.constant 0 : i32
      %dma_start3A_1226 = tpu.memref_slice %arg13[%dma_start3A_1224, %dma_start3A_1225] : memref<100096x32xbf16, #tpu.memory_space<vmem_shared>> -> memref<100096x32xbf16, #tpu.memory_space<vmem_shared>>
      tpu.enqueue_indirect_dma source(%dma_start3A_1221 : memref<128x32xbf16, #tpu.memory_space<vmem>>) target(%dma_start3A_1226 : memref<100096x32xbf16, #tpu.memory_space<vmem_shared>>) offsets(%dma_start3A_1223 : memref<128xi32, #tpu.memory_space<vmem>>) semaphore(%arg16 : memref<!tpu.dma_semaphore, #tpu.memory_space<semaphore_mem>>) {add = true}
      %dma_start3A_1227 = arith.constant 640 : i32
      %dma_start3A_1228 = arith.constant 0 : i32
      %dma_start3A_1229 = tpu.memref_slice %arg11[%dma_start3A_1227, %dma_start3A_1228] : memref<768x32xbf16, #tpu.memory_space<vmem>> -> memref<128x32xbf16, #tpu.memory_space<vmem>>
      %dma_start3A_1230 = arith.constant 640 : i32
      %dma_start3A_1231 = tpu.memref_slice %arg9[%dma_start3A_1230] : memref<768xi32, #tpu.memory_space<vmem>> -> memref<128xi32, #tpu.memory_space<vmem>>
      %dma_start3A_1232 = arith.constant 0 : i32
      %dma_start3A_1233 = arith.constant 0 : i32
      %dma_start3A_1234 = tpu.memref_slice %arg13[%dma_start3A_1232, %dma_start3A_1233] : memref<100096x32xbf16, #tpu.memory_space<vmem_shared>> -> memref<100096x32xbf16, #tpu.memory_space<vmem_shared>>
      tpu.enqueue_indirect_dma source(%dma_start3A_1229 : memref<128x32xbf16, #tpu.memory_space<vmem>>) target(%dma_start3A_1234 : memref<100096x32xbf16, #tpu.memory_space<vmem_shared>>) offsets(%dma_start3A_1231 : memref<128xi32, #tpu.memory_space<vmem>>) semaphore(%arg16 : memref<!tpu.dma_semaphore, #tpu.memory_space<semaphore_mem>>) {add = true}
      %dma_wait3A_1235 = arith.constant 0 : i32
      %dma_wait3A_1236 = tpu.memref_slice %arg2[%dma_wait3A_1235] : memref<3200000xi32, #tpu.memory_space<hbm>> -> memref<768xi32, #tpu.memory_space<hbm>>
      %dma_wait3A_1237 = arith.constant 0 : i32
      %dma_wait3A_1238 = tpu.memref_slice %arg2[%dma_wait3A_1237] : memref<3200000xi32, #tpu.memory_space<hbm>> -> memref<768xi32, #tpu.memory_space<hbm>>
      tpu.wait_dma2 semaphore(%arg20 : memref<!tpu.dma_semaphore, #tpu.memory_space<semaphore_mem>>) src(%dma_wait3A_1238 : memref<768xi32, #tpu.memory_space<hbm>>) dst(%arg7 : memref<768xi32, #tpu.memory_space<vmem>>)
      %dma_wait3A_1239 = arith.constant 0 : i32
      %dma_wait3A_1240 = tpu.memref_slice %arg2[%dma_wait3A_1239] : memref<3200000xi32, #tpu.memory_space<hbm>> -> memref<768xi32, #tpu.memory_space<hbm>>
      %dma_wait3A_1241 = arith.constant 0 : i32
      %dma_wait3A_1242 = tpu.memref_slice %arg2[%dma_wait3A_1241] : memref<3200000xi32, #tpu.memory_space<hbm>> -> memref<768xi32, #tpu.memory_space<hbm>>
      tpu.wait_dma2 semaphore(%arg20 : memref<!tpu.dma_semaphore, #tpu.memory_space<semaphore_mem>>) src(%dma_wait3A_1242 : memref<768xi32, #tpu.memory_space<hbm>>) dst(%arg10 : memref<768xi32, #tpu.memory_space<vmem>>)
      %dma_wait3A_1243 = arith.constant 0 : i32
      %dma_wait3A_1244 = arith.constant 0 : i32
      %dma_wait3A_1245 = tpu.memref_slice %arg3[%dma_wait3A_1243, %dma_wait3A_1244] : memref<100000x32xbf16, #tpu.memory_space<hbm>> -> memref<768x32xbf16, #tpu.memory_space<hbm>>
      %dma_wait3A_1246 = arith.constant 0 : i32
      %dma_wait3A_1247 = arith.constant 0 : i32
      %dma_wait3A_1248 = tpu.memref_slice %arg3[%dma_wait3A_1246, %dma_wait3A_1247] : memref<100000x32xbf16, #tpu.memory_space<hbm>> -> memref<768x32xbf16, #tpu.memory_space<hbm>>
      tpu.wait_dma2 semaphore(%arg17 : memref<!tpu.dma_semaphore, #tpu.memory_space<semaphore_mem>>) src(%dma_wait3A_1248 : memref<768x32xbf16, #tpu.memory_space<hbm>>) dst(%arg12 : memref<768x32xbf16, #tpu.memory_space<vmem>>)
      %dma_start3A_1249 = arith.constant 0 : i32
      %dma_start3A_1250 = arith.constant 0 : i32
      %dma_start3A_1251 = tpu.memref_slice %arg12[%dma_start3A_1249, %dma_start3A_1250] : memref<768x32xbf16, #tpu.memory_space<vmem>> -> memref<128x32xbf16, #tpu.memory_space<vmem>>
      %dma_start3A_1252 = arith.constant 0 : i32
      %dma_start3A_1253 = tpu.memref_slice %arg7[%dma_start3A_1252] : memref<768xi32, #tpu.memory_space<vmem>> -> memref<128xi32, #tpu.memory_space<vmem>>
      %dma_start3A_1254 = arith.constant 0 : i32
      %dma_start3A_1255 = arith.constant 0 : i32
      %dma_start3A_1256 = tpu.memref_slice %arg3[%dma_start3A_1254, %dma_start3A_1255] : memref<100000x32xbf16, #tpu.memory_space<hbm>> -> memref<100000x32xbf16, #tpu.memory_space<hbm>>
      tpu.enqueue_indirect_dma source(%dma_start3A_1256 : memref<100000x32xbf16, #tpu.memory_space<hbm>>) target(%dma_start3A_1251 : memref<128x32xbf16, #tpu.memory_space<vmem>>) offsets(%dma_start3A_1253 : memref<128xi32, #tpu.memory_space<vmem>>) semaphore(%arg15 : memref<!tpu.dma_semaphore, #tpu.memory_space<semaphore_mem>>)
      %dma_start3A_1257 = arith.constant 128 : i32
      %dma_start3A_1258 = arith.constant 0 : i32
      %dma_start3A_1259 = tpu.memref_slice %arg12[%dma_start3A_1257, %dma_start3A_1258] : memref<768x32xbf16, #tpu.memory_space<vmem>> -> memref<128x32xbf16, #tpu.memory_space<vmem>>
      %dma_start3A_1260 = arith.constant 128 : i32
      %dma_start3A_1261 = tpu.memref_slice %arg7[%dma_start3A_1260] : memref<768xi32, #tpu.memory_space<vmem>> -> memref<128xi32, #tpu.memory_space<vmem>>
      %dma_start3A_1262 = arith.constant 0 : i32
      %dma_start3A_1263 = arith.constant 0 : i32
      %dma_start3A_1264 = tpu.memref_slice %arg3[%dma_start3A_1262, %dma_start3A_1263] : memref<100000x32xbf16, #tpu.memory_space<hbm>> -> memref<100000x32xbf16, #tpu.memory_space<hbm>>
      tpu.enqueue_indirect_dma source(%dma_start3A_1264 : memref<100000x32xbf16, #tpu.memory_space<hbm>>) target(%dma_start3A_1259 : memref<128x32xbf16, #tpu.memory_space<vmem>>) offsets(%dma_start3A_1261 : memref<128xi32, #tpu.memory_space<vmem>>) semaphore(%arg15 : memref<!tpu.dma_semaphore, #tpu.memory_space<semaphore_mem>>)
      %dma_start3A_1265 = arith.constant 256 : i32
      %dma_start3A_1266 = arith.constant 0 : i32
      %dma_start3A_1267 = tpu.memref_slice %arg12[%dma_start3A_1265, %dma_start3A_1266] : memref<768x32xbf16, #tpu.memory_space<vmem>> -> memref<128x32xbf16, #tpu.memory_space<vmem>>
      %dma_start3A_1268 = arith.constant 256 : i32
      %dma_start3A_1269 = tpu.memref_slice %arg7[%dma_start3A_1268] : memref<768xi32, #tpu.memory_space<vmem>> -> memref<128xi32, #tpu.memory_space<vmem>>
      %dma_start3A_1270 = arith.constant 0 : i32
      %dma_start3A_1271 = arith.constant 0 : i32
      %dma_start3A_1272 = tpu.memref_slice %arg3[%dma_start3A_1270, %dma_start3A_1271] : memref<100000x32xbf16, #tpu.memory_space<hbm>> -> memref<100000x32xbf16, #tpu.memory_space<hbm>>
      tpu.enqueue_indirect_dma source(%dma_start3A_1272 : memref<100000x32xbf16, #tpu.memory_space<hbm>>) target(%dma_start3A_1267 : memref<128x32xbf16, #tpu.memory_space<vmem>>) offsets(%dma_start3A_1269 : memref<128xi32, #tpu.memory_space<vmem>>) semaphore(%arg15 : memref<!tpu.dma_semaphore, #tpu.memory_space<semaphore_mem>>)
      %dma_start3A_1273 = arith.constant 384 : i32
      %dma_start3A_1274 = arith.constant 0 : i32
      %dma_start3A_1275 = tpu.memref_slice %arg12[%dma_start3A_1273, %dma_start3A_1274] : memref<768x32xbf16, #tpu.memory_space<vmem>> -> memref<128x32xbf16, #tpu.memory_space<vmem>>
      %dma_start3A_1276 = arith.constant 384 : i32
      %dma_start3A_1277 = tpu.memref_slice %arg7[%dma_start3A_1276] : memref<768xi32, #tpu.memory_space<vmem>> -> memref<128xi32, #tpu.memory_space<vmem>>
      %dma_start3A_1278 = arith.constant 0 : i32
      %dma_start3A_1279 = arith.constant 0 : i32
      %dma_start3A_1280 = tpu.memref_slice %arg3[%dma_start3A_1278, %dma_start3A_1279] : memref<100000x32xbf16, #tpu.memory_space<hbm>> -> memref<100000x32xbf16, #tpu.memory_space<hbm>>
      tpu.enqueue_indirect_dma source(%dma_start3A_1280 : memref<100000x32xbf16, #tpu.memory_space<hbm>>) target(%dma_start3A_1275 : memref<128x32xbf16, #tpu.memory_space<vmem>>) offsets(%dma_start3A_1277 : memref<128xi32, #tpu.memory_space<vmem>>) semaphore(%arg15 : memref<!tpu.dma_semaphore, #tpu.memory_space<semaphore_mem>>)
      %dma_start3A_1281 = arith.constant 512 : i32
      %dma_start3A_1282 = arith.constant 0 : i32
      %dma_start3A_1283 = tpu.memref_slice %arg12[%dma_start3A_1281, %dma_start3A_1282] : memref<768x32xbf16, #tpu.memory_space<vmem>> -> memref<128x32xbf16, #tpu.memory_space<vmem>>
      %dma_start3A_1284 = arith.constant 512 : i32
      %dma_start3A_1285 = tpu.memref_slice %arg7[%dma_start3A_1284] : memref<768xi32, #tpu.memory_space<vmem>> -> memref<128xi32, #tpu.memory_space<vmem>>
      %dma_start3A_1286 = arith.constant 0 : i32
      %dma_start3A_1287 = arith.constant 0 : i32
      %dma_start3A_1288 = tpu.memref_slice %arg3[%dma_start3A_1286, %dma_start3A_1287] : memref<100000x32xbf16, #tpu.memory_space<hbm>> -> memref<100000x32xbf16, #tpu.memory_space<hbm>>
      tpu.enqueue_indirect_dma source(%dma_start3A_1288 : memref<100000x32xbf16, #tpu.memory_space<hbm>>) target(%dma_start3A_1283 : memref<128x32xbf16, #tpu.memory_space<vmem>>) offsets(%dma_start3A_1285 : memref<128xi32, #tpu.memory_space<vmem>>) semaphore(%arg15 : memref<!tpu.dma_semaphore, #tpu.memory_space<semaphore_mem>>)
      %dma_start3A_1289 = arith.constant 640 : i32
      %dma_start3A_1290 = arith.constant 0 : i32
      %dma_start3A_1291 = tpu.memref_slice %arg12[%dma_start3A_1289, %dma_start3A_1290] : memref<768x32xbf16, #tpu.memory_space<vmem>> -> memref<128x32xbf16, #tpu.memory_space<vmem>>
      %dma_start3A_1292 = arith.constant 640 : i32
      %dma_start3A_1293 = tpu.memref_slice %arg7[%dma_start3A_1292] : memref<768xi32, #tpu.memory_space<vmem>> -> memref<128xi32, #tpu.memory_space<vmem>>
      %dma_start3A_1294 = arith.constant 0 : i32
      %dma_start3A_1295 = arith.constant 0 : i32
      %dma_start3A_1296 = tpu.memref_slice %arg3[%dma_start3A_1294, %dma_start3A_1295] : memref<100000x32xbf16, #tpu.memory_space<hbm>> -> memref<100000x32xbf16, #tpu.memory_space<hbm>>
      tpu.enqueue_indirect_dma source(%dma_start3A_1296 : memref<100000x32xbf16, #tpu.memory_space<hbm>>) target(%dma_start3A_1291 : memref<128x32xbf16, #tpu.memory_space<vmem>>) offsets(%dma_start3A_1293 : memref<128xi32, #tpu.memory_space<vmem>>) semaphore(%arg15 : memref<!tpu.dma_semaphore, #tpu.memory_space<semaphore_mem>>)
      %add3A_1297 = arith.constant 2 : i32
      %add3A_1298 = arith.addi %add3A_1180, %add3A_1297 : i32
      %mul3A_1299 = arith.constant 6 : i32
      %mul3A_1300 = arith.muli %add3A_1298, %mul3A_1299 : i32
      %mul3A_1301 = arith.constant 128 : i32
      %mul3A_1302 = arith.muli %mul3A_1300, %mul3A_1301 : i32
      %add3A_1303 = arith.addi %mul3A_5, %mul3A_1302 : i32
      %dma_start3A_1304 = tpu.memref_slice %arg2[%add3A_1303] : memref<3200000xi32, #tpu.memory_space<hbm>> -> memref<768xi32, #tpu.memory_space<hbm>>
      %dma_start3A_1305 = tpu.memref_slice %arg2[%add3A_1303] : memref<3200000xi32, #tpu.memory_space<hbm>> -> memref<768xi32, #tpu.memory_space<hbm>>
      tpu.enqueue_dma source(%dma_start3A_1305 : memref<768xi32, #tpu.memory_space<hbm>>) target(%arg5 : memref<768xi32, #tpu.memory_space<vmem>>) target_semaphore(%arg18 : memref<!tpu.dma_semaphore, #tpu.memory_space<semaphore_mem>>)
      %add3A_1306 = arith.constant 1600000 : i32
      %add3A_1307 = arith.addi %add3A_1306, %add3A_1303 : i32
      %dma_start3A_1308 = tpu.memref_slice %arg2[%add3A_1307] : memref<3200000xi32, #tpu.memory_space<hbm>> -> memref<768xi32, #tpu.memory_space<hbm>>
      %dma_start3A_1309 = tpu.memref_slice %arg2[%add3A_1307] : memref<3200000xi32, #tpu.memory_space<hbm>> -> memref<768xi32, #tpu.memory_space<hbm>>
      tpu.enqueue_dma source(%dma_start3A_1309 : memref<768xi32, #tpu.memory_space<hbm>>) target(%arg8 : memref<768xi32, #tpu.memory_space<vmem>>) target_semaphore(%arg18 : memref<!tpu.dma_semaphore, #tpu.memory_space<semaphore_mem>>)
      %mul3A_1310 = arith.constant 6 : i32
      %mul3A_1311 = arith.muli %add3A_646, %mul3A_1310 : i32
      %add3A_1312 = arith.constant 5 : i32
      %add3A_1313 = arith.addi %mul3A_1311, %add3A_1312 : i32
      %dma_wait3A_1314 = arith.constant 0 : i32
      %dma_wait3A_1315 = arith.constant 0 : i32
      %dma_wait3A_1316 = tpu.memref_slice %arg3[%dma_wait3A_1314, %dma_wait3A_1315] : memref<100000x32xbf16, #tpu.memory_space<hbm>> -> memref<768x32xbf16, #tpu.memory_space<hbm>>
      %dma_wait3A_1317 = arith.constant 0 : i32
      %dma_wait3A_1318 = arith.constant 0 : i32
      %dma_wait3A_1319 = tpu.memref_slice %arg3[%dma_wait3A_1317, %dma_wait3A_1318] : memref<100000x32xbf16, #tpu.memory_space<hbm>> -> memref<768x32xbf16, #tpu.memory_space<hbm>>
      tpu.wait_dma2 semaphore(%arg15 : memref<!tpu.dma_semaphore, #tpu.memory_space<semaphore_mem>>) src(%dma_wait3A_1319 : memref<768x32xbf16, #tpu.memory_space<hbm>>) dst(%arg12 : memref<768x32xbf16, #tpu.memory_space<vmem>>)
      %dma_start3A_1320 = arith.constant 0 : i32
      %dma_start3A_1321 = arith.constant 0 : i32
      %dma_start3A_1322 = tpu.memref_slice %arg12[%dma_start3A_1320, %dma_start3A_1321] : memref<768x32xbf16, #tpu.memory_space<vmem>> -> memref<128x32xbf16, #tpu.memory_space<vmem>>
      %dma_start3A_1323 = arith.constant 0 : i32
      %dma_start3A_1324 = tpu.memref_slice %arg10[%dma_start3A_1323] : memref<768xi32, #tpu.memory_space<vmem>> -> memref<128xi32, #tpu.memory_space<vmem>>
      %dma_start3A_1325 = arith.constant 0 : i32
      %dma_start3A_1326 = arith.constant 0 : i32
      %dma_start3A_1327 = tpu.memref_slice %arg13[%dma_start3A_1325, %dma_start3A_1326] : memref<100096x32xbf16, #tpu.memory_space<vmem_shared>> -> memref<100096x32xbf16, #tpu.memory_space<vmem_shared>>
      tpu.enqueue_indirect_dma source(%dma_start3A_1322 : memref<128x32xbf16, #tpu.memory_space<vmem>>) target(%dma_start3A_1327 : memref<100096x32xbf16, #tpu.memory_space<vmem_shared>>) offsets(%dma_start3A_1324 : memref<128xi32, #tpu.memory_space<vmem>>) semaphore(%arg17 : memref<!tpu.dma_semaphore, #tpu.memory_space<semaphore_mem>>) {add = true}
      %dma_start3A_1328 = arith.constant 128 : i32
      %dma_start3A_1329 = arith.constant 0 : i32
      %dma_start3A_1330 = tpu.memref_slice %arg12[%dma_start3A_1328, %dma_start3A_1329] : memref<768x32xbf16, #tpu.memory_space<vmem>> -> memref<128x32xbf16, #tpu.memory_space<vmem>>
      %dma_start3A_1331 = arith.constant 128 : i32
      %dma_start3A_1332 = tpu.memref_slice %arg10[%dma_start3A_1331] : memref<768xi32, #tpu.memory_space<vmem>> -> memref<128xi32, #tpu.memory_space<vmem>>
      %dma_start3A_1333 = arith.constant 0 : i32
      %dma_start3A_1334 = arith.constant 0 : i32
      %dma_start3A_1335 = tpu.memref_slice %arg13[%dma_start3A_1333, %dma_start3A_1334] : memref<100096x32xbf16, #tpu.memory_space<vmem_shared>> -> memref<100096x32xbf16, #tpu.memory_space<vmem_shared>>
      tpu.enqueue_indirect_dma source(%dma_start3A_1330 : memref<128x32xbf16, #tpu.memory_space<vmem>>) target(%dma_start3A_1335 : memref<100096x32xbf16, #tpu.memory_space<vmem_shared>>) offsets(%dma_start3A_1332 : memref<128xi32, #tpu.memory_space<vmem>>) semaphore(%arg17 : memref<!tpu.dma_semaphore, #tpu.memory_space<semaphore_mem>>) {add = true}
      %dma_start3A_1336 = arith.constant 256 : i32
      %dma_start3A_1337 = arith.constant 0 : i32
      %dma_start3A_1338 = tpu.memref_slice %arg12[%dma_start3A_1336, %dma_start3A_1337] : memref<768x32xbf16, #tpu.memory_space<vmem>> -> memref<128x32xbf16, #tpu.memory_space<vmem>>
      %dma_start3A_1339 = arith.constant 256 : i32
      %dma_start3A_1340 = tpu.memref_slice %arg10[%dma_start3A_1339] : memref<768xi32, #tpu.memory_space<vmem>> -> memref<128xi32, #tpu.memory_space<vmem>>
      %dma_start3A_1341 = arith.constant 0 : i32
      %dma_start3A_1342 = arith.constant 0 : i32
      %dma_start3A_1343 = tpu.memref_slice %arg13[%dma_start3A_1341, %dma_start3A_1342] : memref<100096x32xbf16, #tpu.memory_space<vmem_shared>> -> memref<100096x32xbf16, #tpu.memory_space<vmem_shared>>
      tpu.enqueue_indirect_dma source(%dma_start3A_1338 : memref<128x32xbf16, #tpu.memory_space<vmem>>) target(%dma_start3A_1343 : memref<100096x32xbf16, #tpu.memory_space<vmem_shared>>) offsets(%dma_start3A_1340 : memref<128xi32, #tpu.memory_space<vmem>>) semaphore(%arg17 : memref<!tpu.dma_semaphore, #tpu.memory_space<semaphore_mem>>) {add = true}
      %dma_start3A_1344 = arith.constant 384 : i32
      %dma_start3A_1345 = arith.constant 0 : i32
      %dma_start3A_1346 = tpu.memref_slice %arg12[%dma_start3A_1344, %dma_start3A_1345] : memref<768x32xbf16, #tpu.memory_space<vmem>> -> memref<128x32xbf16, #tpu.memory_space<vmem>>
      %dma_start3A_1347 = arith.constant 384 : i32
      %dma_start3A_1348 = tpu.memref_slice %arg10[%dma_start3A_1347] : memref<768xi32, #tpu.memory_space<vmem>> -> memref<128xi32, #tpu.memory_space<vmem>>
      %dma_start3A_1349 = arith.constant 0 : i32
      %dma_start3A_1350 = arith.constant 0 : i32
      %dma_start3A_1351 = tpu.memref_slice %arg13[%dma_start3A_1349, %dma_start3A_1350] : memref<100096x32xbf16, #tpu.memory_space<vmem_shared>> -> memref<100096x32xbf16, #tpu.memory_space<vmem_shared>>
      tpu.enqueue_indirect_dma source(%dma_start3A_1346 : memref<128x32xbf16, #tpu.memory_space<vmem>>) target(%dma_start3A_1351 : memref<100096x32xbf16, #tpu.memory_space<vmem_shared>>) offsets(%dma_start3A_1348 : memref<128xi32, #tpu.memory_space<vmem>>) semaphore(%arg17 : memref<!tpu.dma_semaphore, #tpu.memory_space<semaphore_mem>>) {add = true}
      %dma_start3A_1352 = arith.constant 512 : i32
      %dma_start3A_1353 = arith.constant 0 : i32
      %dma_start3A_1354 = tpu.memref_slice %arg12[%dma_start3A_1352, %dma_start3A_1353] : memref<768x32xbf16, #tpu.memory_space<vmem>> -> memref<128x32xbf16, #tpu.memory_space<vmem>>
      %dma_start3A_1355 = arith.constant 512 : i32
      %dma_start3A_1356 = tpu.memref_slice %arg10[%dma_start3A_1355] : memref<768xi32, #tpu.memory_space<vmem>> -> memref<128xi32, #tpu.memory_space<vmem>>
      %dma_start3A_1357 = arith.constant 0 : i32
      %dma_start3A_1358 = arith.constant 0 : i32
      %dma_start3A_1359 = tpu.memref_slice %arg13[%dma_start3A_1357, %dma_start3A_1358] : memref<100096x32xbf16, #tpu.memory_space<vmem_shared>> -> memref<100096x32xbf16, #tpu.memory_space<vmem_shared>>
      tpu.enqueue_indirect_dma source(%dma_start3A_1354 : memref<128x32xbf16, #tpu.memory_space<vmem>>) target(%dma_start3A_1359 : memref<100096x32xbf16, #tpu.memory_space<vmem_shared>>) offsets(%dma_start3A_1356 : memref<128xi32, #tpu.memory_space<vmem>>) semaphore(%arg17 : memref<!tpu.dma_semaphore, #tpu.memory_space<semaphore_mem>>) {add = true}
      %dma_start3A_1360 = arith.constant 640 : i32
      %dma_start3A_1361 = arith.constant 0 : i32
      %dma_start3A_1362 = tpu.memref_slice %arg12[%dma_start3A_1360, %dma_start3A_1361] : memref<768x32xbf16, #tpu.memory_space<vmem>> -> memref<128x32xbf16, #tpu.memory_space<vmem>>
      %dma_start3A_1363 = arith.constant 640 : i32
      %dma_start3A_1364 = tpu.memref_slice %arg10[%dma_start3A_1363] : memref<768xi32, #tpu.memory_space<vmem>> -> memref<128xi32, #tpu.memory_space<vmem>>
      %dma_start3A_1365 = arith.constant 0 : i32
      %dma_start3A_1366 = arith.constant 0 : i32
      %dma_start3A_1367 = tpu.memref_slice %arg13[%dma_start3A_1365, %dma_start3A_1366] : memref<100096x32xbf16, #tpu.memory_space<vmem_shared>> -> memref<100096x32xbf16, #tpu.memory_space<vmem_shared>>
      tpu.enqueue_indirect_dma source(%dma_start3A_1362 : memref<128x32xbf16, #tpu.memory_space<vmem>>) target(%dma_start3A_1367 : memref<100096x32xbf16, #tpu.memory_space<vmem_shared>>) offsets(%dma_start3A_1364 : memref<128xi32, #tpu.memory_space<vmem>>) semaphore(%arg17 : memref<!tpu.dma_semaphore, #tpu.memory_space<semaphore_mem>>) {add = true}
      %dma_wait3A_1368 = arith.constant 0 : i32
      %dma_wait3A_1369 = tpu.memref_slice %arg2[%dma_wait3A_1368] : memref<3200000xi32, #tpu.memory_space<hbm>> -> memref<768xi32, #tpu.memory_space<hbm>>
      %dma_wait3A_1370 = arith.constant 0 : i32
      %dma_wait3A_1371 = tpu.memref_slice %arg2[%dma_wait3A_1370] : memref<3200000xi32, #tpu.memory_space<hbm>> -> memref<768xi32, #tpu.memory_space<hbm>>
      tpu.wait_dma2 semaphore(%arg18 : memref<!tpu.dma_semaphore, #tpu.memory_space<semaphore_mem>>) src(%dma_wait3A_1371 : memref<768xi32, #tpu.memory_space<hbm>>) dst(%arg5 : memref<768xi32, #tpu.memory_space<vmem>>)
      %dma_wait3A_1372 = arith.constant 0 : i32
      %dma_wait3A_1373 = tpu.memref_slice %arg2[%dma_wait3A_1372] : memref<3200000xi32, #tpu.memory_space<hbm>> -> memref<768xi32, #tpu.memory_space<hbm>>
      %dma_wait3A_1374 = arith.constant 0 : i32
      %dma_wait3A_1375 = tpu.memref_slice %arg2[%dma_wait3A_1374] : memref<3200000xi32, #tpu.memory_space<hbm>> -> memref<768xi32, #tpu.memory_space<hbm>>
      tpu.wait_dma2 semaphore(%arg18 : memref<!tpu.dma_semaphore, #tpu.memory_space<semaphore_mem>>) src(%dma_wait3A_1375 : memref<768xi32, #tpu.memory_space<hbm>>) dst(%arg8 : memref<768xi32, #tpu.memory_space<vmem>>)
      %dma_wait3A_1376 = arith.constant 0 : i32
      %dma_wait3A_1377 = arith.constant 0 : i32
      %dma_wait3A_1378 = tpu.memref_slice %arg3[%dma_wait3A_1376, %dma_wait3A_1377] : memref<100000x32xbf16, #tpu.memory_space<hbm>> -> memref<768x32xbf16, #tpu.memory_space<hbm>>
      %dma_wait3A_1379 = arith.constant 0 : i32
      %dma_wait3A_1380 = arith.constant 0 : i32
      %dma_wait3A_1381 = tpu.memref_slice %arg3[%dma_wait3A_1379, %dma_wait3A_1380] : memref<100000x32xbf16, #tpu.memory_space<hbm>> -> memref<768x32xbf16, #tpu.memory_space<hbm>>
      tpu.wait_dma2 semaphore(%arg16 : memref<!tpu.dma_semaphore, #tpu.memory_space<semaphore_mem>>) src(%dma_wait3A_1381 : memref<768x32xbf16, #tpu.memory_space<hbm>>) dst(%arg11 : memref<768x32xbf16, #tpu.memory_space<vmem>>)
      %dma_start3A_1382 = arith.constant 0 : i32
      %dma_start3A_1383 = arith.constant 0 : i32
      %dma_start3A_1384 = tpu.memref_slice %arg11[%dma_start3A_1382, %dma_start3A_1383] : memref<768x32xbf16, #tpu.memory_space<vmem>> -> memref<128x32xbf16, #tpu.memory_space<vmem>>
      %dma_start3A_1385 = arith.constant 0 : i32
      %dma_start3A_1386 = tpu.memref_slice %arg5[%dma_start3A_1385] : memref<768xi32, #tpu.memory_space<vmem>> -> memref<128xi32, #tpu.memory_space<vmem>>
      %dma_start3A_1387 = arith.constant 0 : i32
      %dma_start3A_1388 = arith.constant 0 : i32
      %dma_start3A_1389 = tpu.memref_slice %arg3[%dma_start3A_1387, %dma_start3A_1388] : memref<100000x32xbf16, #tpu.memory_space<hbm>> -> memref<100000x32xbf16, #tpu.memory_space<hbm>>
      tpu.enqueue_indirect_dma source(%dma_start3A_1389 : memref<100000x32xbf16, #tpu.memory_space<hbm>>) target(%dma_start3A_1384 : memref<128x32xbf16, #tpu.memory_space<vmem>>) offsets(%dma_start3A_1386 : memref<128xi32, #tpu.memory_space<vmem>>) semaphore(%arg14 : memref<!tpu.dma_semaphore, #tpu.memory_space<semaphore_mem>>)
      %dma_start3A_1390 = arith.constant 128 : i32
      %dma_start3A_1391 = arith.constant 0 : i32
      %dma_start3A_1392 = tpu.memref_slice %arg11[%dma_start3A_1390, %dma_start3A_1391] : memref<768x32xbf16, #tpu.memory_space<vmem>> -> memref<128x32xbf16, #tpu.memory_space<vmem>>
      %dma_start3A_1393 = arith.constant 128 : i32
      %dma_start3A_1394 = tpu.memref_slice %arg5[%dma_start3A_1393] : memref<768xi32, #tpu.memory_space<vmem>> -> memref<128xi32, #tpu.memory_space<vmem>>
      %dma_start3A_1395 = arith.constant 0 : i32
      %dma_start3A_1396 = arith.constant 0 : i32
      %dma_start3A_1397 = tpu.memref_slice %arg3[%dma_start3A_1395, %dma_start3A_1396] : memref<100000x32xbf16, #tpu.memory_space<hbm>> -> memref<100000x32xbf16, #tpu.memory_space<hbm>>
      tpu.enqueue_indirect_dma source(%dma_start3A_1397 : memref<100000x32xbf16, #tpu.memory_space<hbm>>) target(%dma_start3A_1392 : memref<128x32xbf16, #tpu.memory_space<vmem>>) offsets(%dma_start3A_1394 : memref<128xi32, #tpu.memory_space<vmem>>) semaphore(%arg14 : memref<!tpu.dma_semaphore, #tpu.memory_space<semaphore_mem>>)
      %dma_start3A_1398 = arith.constant 256 : i32
      %dma_start3A_1399 = arith.constant 0 : i32
      %dma_start3A_1400 = tpu.memref_slice %arg11[%dma_start3A_1398, %dma_start3A_1399] : memref<768x32xbf16, #tpu.memory_space<vmem>> -> memref<128x32xbf16, #tpu.memory_space<vmem>>
      %dma_start3A_1401 = arith.constant 256 : i32
      %dma_start3A_1402 = tpu.memref_slice %arg5[%dma_start3A_1401] : memref<768xi32, #tpu.memory_space<vmem>> -> memref<128xi32, #tpu.memory_space<vmem>>
      %dma_start3A_1403 = arith.constant 0 : i32
      %dma_start3A_1404 = arith.constant 0 : i32
      %dma_start3A_1405 = tpu.memref_slice %arg3[%dma_start3A_1403, %dma_start3A_1404] : memref<100000x32xbf16, #tpu.memory_space<hbm>> -> memref<100000x32xbf16, #tpu.memory_space<hbm>>
      tpu.enqueue_indirect_dma source(%dma_start3A_1405 : memref<100000x32xbf16, #tpu.memory_space<hbm>>) target(%dma_start3A_1400 : memref<128x32xbf16, #tpu.memory_space<vmem>>) offsets(%dma_start3A_1402 : memref<128xi32, #tpu.memory_space<vmem>>) semaphore(%arg14 : memref<!tpu.dma_semaphore, #tpu.memory_space<semaphore_mem>>)
      %dma_start3A_1406 = arith.constant 384 : i32
      %dma_start3A_1407 = arith.constant 0 : i32
      %dma_start3A_1408 = tpu.memref_slice %arg11[%dma_start3A_1406, %dma_start3A_1407] : memref<768x32xbf16, #tpu.memory_space<vmem>> -> memref<128x32xbf16, #tpu.memory_space<vmem>>
      %dma_start3A_1409 = arith.constant 384 : i32
      %dma_start3A_1410 = tpu.memref_slice %arg5[%dma_start3A_1409] : memref<768xi32, #tpu.memory_space<vmem>> -> memref<128xi32, #tpu.memory_space<vmem>>
      %dma_start3A_1411 = arith.constant 0 : i32
      %dma_start3A_1412 = arith.constant 0 : i32
      %dma_start3A_1413 = tpu.memref_slice %arg3[%dma_start3A_1411, %dma_start3A_1412] : memref<100000x32xbf16, #tpu.memory_space<hbm>> -> memref<100000x32xbf16, #tpu.memory_space<hbm>>
      tpu.enqueue_indirect_dma source(%dma_start3A_1413 : memref<100000x32xbf16, #tpu.memory_space<hbm>>) target(%dma_start3A_1408 : memref<128x32xbf16, #tpu.memory_space<vmem>>) offsets(%dma_start3A_1410 : memref<128xi32, #tpu.memory_space<vmem>>) semaphore(%arg14 : memref<!tpu.dma_semaphore, #tpu.memory_space<semaphore_mem>>)
      %dma_start3A_1414 = arith.constant 512 : i32
      %dma_start3A_1415 = arith.constant 0 : i32
      %dma_start3A_1416 = tpu.memref_slice %arg11[%dma_start3A_1414, %dma_start3A_1415] : memref<768x32xbf16, #tpu.memory_space<vmem>> -> memref<128x32xbf16, #tpu.memory_space<vmem>>
      %dma_start3A_1417 = arith.constant 512 : i32
      %dma_start3A_1418 = tpu.memref_slice %arg5[%dma_start3A_1417] : memref<768xi32, #tpu.memory_space<vmem>> -> memref<128xi32, #tpu.memory_space<vmem>>
      %dma_start3A_1419 = arith.constant 0 : i32
      %dma_start3A_1420 = arith.constant 0 : i32
      %dma_start3A_1421 = tpu.memref_slice %arg3[%dma_start3A_1419, %dma_start3A_1420] : memref<100000x32xbf16, #tpu.memory_space<hbm>> -> memref<100000x32xbf16, #tpu.memory_space<hbm>>
      tpu.enqueue_indirect_dma source(%dma_start3A_1421 : memref<100000x32xbf16, #tpu.memory_space<hbm>>) target(%dma_start3A_1416 : memref<128x32xbf16, #tpu.memory_space<vmem>>) offsets(%dma_start3A_1418 : memref<128xi32, #tpu.memory_space<vmem>>) semaphore(%arg14 : memref<!tpu.dma_semaphore, #tpu.memory_space<semaphore_mem>>)
      %dma_start3A_1422 = arith.constant 640 : i32
      %dma_start3A_1423 = arith.constant 0 : i32
      %dma_start3A_1424 = tpu.memref_slice %arg11[%dma_start3A_1422, %dma_start3A_1423] : memref<768x32xbf16, #tpu.memory_space<vmem>> -> memref<128x32xbf16, #tpu.memory_space<vmem>>
      %dma_start3A_1425 = arith.constant 640 : i32
      %dma_start3A_1426 = tpu.memref_slice %arg5[%dma_start3A_1425] : memref<768xi32, #tpu.memory_space<vmem>> -> memref<128xi32, #tpu.memory_space<vmem>>
      %dma_start3A_1427 = arith.constant 0 : i32
      %dma_start3A_1428 = arith.constant 0 : i32
      %dma_start3A_1429 = tpu.memref_slice %arg3[%dma_start3A_1427, %dma_start3A_1428] : memref<100000x32xbf16, #tpu.memory_space<hbm>> -> memref<100000x32xbf16, #tpu.memory_space<hbm>>
      tpu.enqueue_indirect_dma source(%dma_start3A_1429 : memref<100000x32xbf16, #tpu.memory_space<hbm>>) target(%dma_start3A_1424 : memref<128x32xbf16, #tpu.memory_space<vmem>>) offsets(%dma_start3A_1426 : memref<128xi32, #tpu.memory_space<vmem>>) semaphore(%arg14 : memref<!tpu.dma_semaphore, #tpu.memory_space<semaphore_mem>>)
      %add3A_1430 = arith.constant 2 : i32
      %add3A_1431 = arith.addi %add3A_1313, %add3A_1430 : i32
      %mul3A_1432 = arith.constant 6 : i32
      %mul3A_1433 = arith.muli %add3A_1431, %mul3A_1432 : i32
      %mul3A_1434 = arith.constant 128 : i32
      %mul3A_1435 = arith.muli %mul3A_1433, %mul3A_1434 : i32
      %add3A_1436 = arith.addi %mul3A_5, %mul3A_1435 : i32
      %dma_start3A_1437 = tpu.memref_slice %arg2[%add3A_1436] : memref<3200000xi32, #tpu.memory_space<hbm>> -> memref<768xi32, #tpu.memory_space<hbm>>
      %dma_start3A_1438 = tpu.memref_slice %arg2[%add3A_1436] : memref<3200000xi32, #tpu.memory_space<hbm>> -> memref<768xi32, #tpu.memory_space<hbm>>
      tpu.enqueue_dma source(%dma_start3A_1438 : memref<768xi32, #tpu.memory_space<hbm>>) target(%arg6 : memref<768xi32, #tpu.memory_space<vmem>>) target_semaphore(%arg19 : memref<!tpu.dma_semaphore, #tpu.memory_space<semaphore_mem>>)
      %add3A_1439 = arith.constant 1600000 : i32
      %add3A_1440 = arith.addi %add3A_1439, %add3A_1436 : i32
      %dma_start3A_1441 = tpu.memref_slice %arg2[%add3A_1440] : memref<3200000xi32, #tpu.memory_space<hbm>> -> memref<768xi32, #tpu.memory_space<hbm>>
      %dma_start3A_1442 = tpu.memref_slice %arg2[%add3A_1440] : memref<3200000xi32, #tpu.memory_space<hbm>> -> memref<768xi32, #tpu.memory_space<hbm>>
      tpu.enqueue_dma source(%dma_start3A_1442 : memref<768xi32, #tpu.memory_space<hbm>>) target(%arg9 : memref<768xi32, #tpu.memory_space<vmem>>) target_semaphore(%arg19 : memref<!tpu.dma_semaphore, #tpu.memory_space<semaphore_mem>>)
    }
    %scan3A_76 = arith.constant 10 : i32
    %dma_wait3A = arith.constant 0 : i32
    %dma_wait3A_77 = arith.constant 0 : i32
    %dma_wait3A_78 = tpu.memref_slice %arg3[%dma_wait3A, %dma_wait3A_77] : memref<100000x32xbf16, #tpu.memory_space<hbm>> -> memref<768x32xbf16, #tpu.memory_space<hbm>>
    %dma_wait3A_79 = arith.constant 0 : i32
    %dma_wait3A_80 = arith.constant 0 : i32
    %dma_wait3A_81 = tpu.memref_slice %arg3[%dma_wait3A_79, %dma_wait3A_80] : memref<100000x32xbf16, #tpu.memory_space<hbm>> -> memref<768x32xbf16, #tpu.memory_space<hbm>>
    tpu.wait_dma2 semaphore(%arg14 : memref<!tpu.dma_semaphore, #tpu.memory_space<semaphore_mem>>) src(%dma_wait3A_81 : memref<768x32xbf16, #tpu.memory_space<hbm>>) dst(%arg11 : memref<768x32xbf16, #tpu.memory_space<vmem>>)
    %dma_start3A_82 = arith.constant 0 : i32
    %dma_start3A_83 = arith.constant 0 : i32
    %dma_start3A_84 = tpu.memref_slice %arg11[%dma_start3A_82, %dma_start3A_83] : memref<768x32xbf16, #tpu.memory_space<vmem>> -> memref<128x32xbf16, #tpu.memory_space<vmem>>
    %dma_start3A_85 = arith.constant 0 : i32
    %dma_start3A_86 = tpu.memref_slice %arg8[%dma_start3A_85] : memref<768xi32, #tpu.memory_space<vmem>> -> memref<128xi32, #tpu.memory_space<vmem>>
    %dma_start3A_87 = arith.constant 0 : i32
    %dma_start3A_88 = arith.constant 0 : i32
    %dma_start3A_89 = tpu.memref_slice %arg13[%dma_start3A_87, %dma_start3A_88] : memref<100096x32xbf16, #tpu.memory_space<vmem_shared>> -> memref<100096x32xbf16, #tpu.memory_space<vmem_shared>>
    tpu.enqueue_indirect_dma source(%dma_start3A_84 : memref<128x32xbf16, #tpu.memory_space<vmem>>) target(%dma_start3A_89 : memref<100096x32xbf16, #tpu.memory_space<vmem_shared>>) offsets(%dma_start3A_86 : memref<128xi32, #tpu.memory_space<vmem>>) semaphore(%arg16 : memref<!tpu.dma_semaphore, #tpu.memory_space<semaphore_mem>>) {add = true}
    %dma_start3A_90 = arith.constant 128 : i32
    %dma_start3A_91 = arith.constant 0 : i32
    %dma_start3A_92 = tpu.memref_slice %arg11[%dma_start3A_90, %dma_start3A_91] : memref<768x32xbf16, #tpu.memory_space<vmem>> -> memref<128x32xbf16, #tpu.memory_space<vmem>>
    %dma_start3A_93 = arith.constant 128 : i32
    %dma_start3A_94 = tpu.memref_slice %arg8[%dma_start3A_93] : memref<768xi32, #tpu.memory_space<vmem>> -> memref<128xi32, #tpu.memory_space<vmem>>
    %dma_start3A_95 = arith.constant 0 : i32
    %dma_start3A_96 = arith.constant 0 : i32
    %dma_start3A_97 = tpu.memref_slice %arg13[%dma_start3A_95, %dma_start3A_96] : memref<100096x32xbf16, #tpu.memory_space<vmem_shared>> -> memref<100096x32xbf16, #tpu.memory_space<vmem_shared>>
    tpu.enqueue_indirect_dma source(%dma_start3A_92 : memref<128x32xbf16, #tpu.memory_space<vmem>>) target(%dma_start3A_97 : memref<100096x32xbf16, #tpu.memory_space<vmem_shared>>) offsets(%dma_start3A_94 : memref<128xi32, #tpu.memory_space<vmem>>) semaphore(%arg16 : memref<!tpu.dma_semaphore, #tpu.memory_space<semaphore_mem>>) {add = true}
    %dma_start3A_98 = arith.constant 256 : i32
    %dma_start3A_99 = arith.constant 0 : i32
    %dma_start3A_100 = tpu.memref_slice %arg11[%dma_start3A_98, %dma_start3A_99] : memref<768x32xbf16, #tpu.memory_space<vmem>> -> memref<128x32xbf16, #tpu.memory_space<vmem>>
    %dma_start3A_101 = arith.constant 256 : i32
    %dma_start3A_102 = tpu.memref_slice %arg8[%dma_start3A_101] : memref<768xi32, #tpu.memory_space<vmem>> -> memref<128xi32, #tpu.memory_space<vmem>>
    %dma_start3A_103 = arith.constant 0 : i32
    %dma_start3A_104 = arith.constant 0 : i32
    %dma_start3A_105 = tpu.memref_slice %arg13[%dma_start3A_103, %dma_start3A_104] : memref<100096x32xbf16, #tpu.memory_space<vmem_shared>> -> memref<100096x32xbf16, #tpu.memory_space<vmem_shared>>
    tpu.enqueue_indirect_dma source(%dma_start3A_100 : memref<128x32xbf16, #tpu.memory_space<vmem>>) target(%dma_start3A_105 : memref<100096x32xbf16, #tpu.memory_space<vmem_shared>>) offsets(%dma_start3A_102 : memref<128xi32, #tpu.memory_space<vmem>>) semaphore(%arg16 : memref<!tpu.dma_semaphore, #tpu.memory_space<semaphore_mem>>) {add = true}
    %dma_start3A_106 = arith.constant 384 : i32
    %dma_start3A_107 = arith.constant 0 : i32
    %dma_start3A_108 = tpu.memref_slice %arg11[%dma_start3A_106, %dma_start3A_107] : memref<768x32xbf16, #tpu.memory_space<vmem>> -> memref<128x32xbf16, #tpu.memory_space<vmem>>
    %dma_start3A_109 = arith.constant 384 : i32
    %dma_start3A_110 = tpu.memref_slice %arg8[%dma_start3A_109] : memref<768xi32, #tpu.memory_space<vmem>> -> memref<128xi32, #tpu.memory_space<vmem>>
    %dma_start3A_111 = arith.constant 0 : i32
    %dma_start3A_112 = arith.constant 0 : i32
    %dma_start3A_113 = tpu.memref_slice %arg13[%dma_start3A_111, %dma_start3A_112] : memref<100096x32xbf16, #tpu.memory_space<vmem_shared>> -> memref<100096x32xbf16, #tpu.memory_space<vmem_shared>>
    tpu.enqueue_indirect_dma source(%dma_start3A_108 : memref<128x32xbf16, #tpu.memory_space<vmem>>) target(%dma_start3A_113 : memref<100096x32xbf16, #tpu.memory_space<vmem_shared>>) offsets(%dma_start3A_110 : memref<128xi32, #tpu.memory_space<vmem>>) semaphore(%arg16 : memref<!tpu.dma_semaphore, #tpu.memory_space<semaphore_mem>>) {add = true}
    %dma_start3A_114 = arith.constant 512 : i32
    %dma_start3A_115 = arith.constant 0 : i32
    %dma_start3A_116 = tpu.memref_slice %arg11[%dma_start3A_114, %dma_start3A_115] : memref<768x32xbf16, #tpu.memory_space<vmem>> -> memref<128x32xbf16, #tpu.memory_space<vmem>>
    %dma_start3A_117 = arith.constant 512 : i32
    %dma_start3A_118 = tpu.memref_slice %arg8[%dma_start3A_117] : memref<768xi32, #tpu.memory_space<vmem>> -> memref<128xi32, #tpu.memory_space<vmem>>
    %dma_start3A_119 = arith.constant 0 : i32
    %dma_start3A_120 = arith.constant 0 : i32
    %dma_start3A_121 = tpu.memref_slice %arg13[%dma_start3A_119, %dma_start3A_120] : memref<100096x32xbf16, #tpu.memory_space<vmem_shared>> -> memref<100096x32xbf16, #tpu.memory_space<vmem_shared>>
    tpu.enqueue_indirect_dma source(%dma_start3A_116 : memref<128x32xbf16, #tpu.memory_space<vmem>>) target(%dma_start3A_121 : memref<100096x32xbf16, #tpu.memory_space<vmem_shared>>) offsets(%dma_start3A_118 : memref<128xi32, #tpu.memory_space<vmem>>) semaphore(%arg16 : memref<!tpu.dma_semaphore, #tpu.memory_space<semaphore_mem>>) {add = true}
    %dma_start3A_122 = arith.constant 640 : i32
    %dma_start3A_123 = arith.constant 0 : i32
    %dma_start3A_124 = tpu.memref_slice %arg11[%dma_start3A_122, %dma_start3A_123] : memref<768x32xbf16, #tpu.memory_space<vmem>> -> memref<128x32xbf16, #tpu.memory_space<vmem>>
    %dma_start3A_125 = arith.constant 640 : i32
    %dma_start3A_126 = tpu.memref_slice %arg8[%dma_start3A_125] : memref<768xi32, #tpu.memory_space<vmem>> -> memref<128xi32, #tpu.memory_space<vmem>>
    %dma_start3A_127 = arith.constant 0 : i32
    %dma_start3A_128 = arith.constant 0 : i32
    %dma_start3A_129 = tpu.memref_slice %arg13[%dma_start3A_127, %dma_start3A_128] : memref<100096x32xbf16, #tpu.memory_space<vmem_shared>> -> memref<100096x32xbf16, #tpu.memory_space<vmem_shared>>
    tpu.enqueue_indirect_dma source(%dma_start3A_124 : memref<128x32xbf16, #tpu.memory_space<vmem>>) target(%dma_start3A_129 : memref<100096x32xbf16, #tpu.memory_space<vmem_shared>>) offsets(%dma_start3A_126 : memref<128xi32, #tpu.memory_space<vmem>>) semaphore(%arg16 : memref<!tpu.dma_semaphore, #tpu.memory_space<semaphore_mem>>) {add = true}
    %dma_wait3A_130 = arith.constant 0 : i32
    %dma_wait3A_131 = tpu.memref_slice %arg2[%dma_wait3A_130] : memref<3200000xi32, #tpu.memory_space<hbm>> -> memref<768xi32, #tpu.memory_space<hbm>>
    %dma_wait3A_132 = arith.constant 0 : i32
    %dma_wait3A_133 = tpu.memref_slice %arg2[%dma_wait3A_132] : memref<3200000xi32, #tpu.memory_space<hbm>> -> memref<768xi32, #tpu.memory_space<hbm>>
    tpu.wait_dma2 semaphore(%arg19 : memref<!tpu.dma_semaphore, #tpu.memory_space<semaphore_mem>>) src(%dma_wait3A_133 : memref<768xi32, #tpu.memory_space<hbm>>) dst(%arg6 : memref<768xi32, #tpu.memory_space<vmem>>)
    %dma_wait3A_134 = arith.constant 0 : i32
    %dma_wait3A_135 = tpu.memref_slice %arg2[%dma_wait3A_134] : memref<3200000xi32, #tpu.memory_space<hbm>> -> memref<768xi32, #tpu.memory_space<hbm>>
    %dma_wait3A_136 = arith.constant 0 : i32
    %dma_wait3A_137 = tpu.memref_slice %arg2[%dma_wait3A_136] : memref<3200000xi32, #tpu.memory_space<hbm>> -> memref<768xi32, #tpu.memory_space<hbm>>
    tpu.wait_dma2 semaphore(%arg19 : memref<!tpu.dma_semaphore, #tpu.memory_space<semaphore_mem>>) src(%dma_wait3A_137 : memref<768xi32, #tpu.memory_space<hbm>>) dst(%arg9 : memref<768xi32, #tpu.memory_space<vmem>>)
    %dma_wait3A_138 = arith.constant 0 : i32
    %dma_wait3A_139 = arith.constant 0 : i32
    %dma_wait3A_140 = tpu.memref_slice %arg3[%dma_wait3A_138, %dma_wait3A_139] : memref<100000x32xbf16, #tpu.memory_space<hbm>> -> memref<768x32xbf16, #tpu.memory_space<hbm>>
    %dma_wait3A_141 = arith.constant 0 : i32
    %dma_wait3A_142 = arith.constant 0 : i32
    %dma_wait3A_143 = tpu.memref_slice %arg3[%dma_wait3A_141, %dma_wait3A_142] : memref<100000x32xbf16, #tpu.memory_space<hbm>> -> memref<768x32xbf16, #tpu.memory_space<hbm>>
    tpu.wait_dma2 semaphore(%arg17 : memref<!tpu.dma_semaphore, #tpu.memory_space<semaphore_mem>>) src(%dma_wait3A_143 : memref<768x32xbf16, #tpu.memory_space<hbm>>) dst(%arg12 : memref<768x32xbf16, #tpu.memory_space<vmem>>)
    %dma_start3A_144 = arith.constant 0 : i32
    %dma_start3A_145 = arith.constant 0 : i32
    %dma_start3A_146 = tpu.memref_slice %arg12[%dma_start3A_144, %dma_start3A_145] : memref<768x32xbf16, #tpu.memory_space<vmem>> -> memref<128x32xbf16, #tpu.memory_space<vmem>>
    %dma_start3A_147 = arith.constant 0 : i32
    %dma_start3A_148 = tpu.memref_slice %arg6[%dma_start3A_147] : memref<768xi32, #tpu.memory_space<vmem>> -> memref<128xi32, #tpu.memory_space<vmem>>
    %dma_start3A_149 = arith.constant 0 : i32
    %dma_start3A_150 = arith.constant 0 : i32
    %dma_start3A_151 = tpu.memref_slice %arg3[%dma_start3A_149, %dma_start3A_150] : memref<100000x32xbf16, #tpu.memory_space<hbm>> -> memref<100000x32xbf16, #tpu.memory_space<hbm>>
    tpu.enqueue_indirect_dma source(%dma_start3A_151 : memref<100000x32xbf16, #tpu.memory_space<hbm>>) target(%dma_start3A_146 : memref<128x32xbf16, #tpu.memory_space<vmem>>) offsets(%dma_start3A_148 : memref<128xi32, #tpu.memory_space<vmem>>) semaphore(%arg15 : memref<!tpu.dma_semaphore, #tpu.memory_space<semaphore_mem>>)
    %dma_start3A_152 = arith.constant 128 : i32
    %dma_start3A_153 = arith.constant 0 : i32
    %dma_start3A_154 = tpu.memref_slice %arg12[%dma_start3A_152, %dma_start3A_153] : memref<768x32xbf16, #tpu.memory_space<vmem>> -> memref<128x32xbf16, #tpu.memory_space<vmem>>
    %dma_start3A_155 = arith.constant 128 : i32
    %dma_start3A_156 = tpu.memref_slice %arg6[%dma_start3A_155] : memref<768xi32, #tpu.memory_space<vmem>> -> memref<128xi32, #tpu.memory_space<vmem>>
    %dma_start3A_157 = arith.constant 0 : i32
    %dma_start3A_158 = arith.constant 0 : i32
    %dma_start3A_159 = tpu.memref_slice %arg3[%dma_start3A_157, %dma_start3A_158] : memref<100000x32xbf16, #tpu.memory_space<hbm>> -> memref<100000x32xbf16, #tpu.memory_space<hbm>>
    tpu.enqueue_indirect_dma source(%dma_start3A_159 : memref<100000x32xbf16, #tpu.memory_space<hbm>>) target(%dma_start3A_154 : memref<128x32xbf16, #tpu.memory_space<vmem>>) offsets(%dma_start3A_156 : memref<128xi32, #tpu.memory_space<vmem>>) semaphore(%arg15 : memref<!tpu.dma_semaphore, #tpu.memory_space<semaphore_mem>>)
    %dma_start3A_160 = arith.constant 256 : i32
    %dma_start3A_161 = arith.constant 0 : i32
    %dma_start3A_162 = tpu.memref_slice %arg12[%dma_start3A_160, %dma_start3A_161] : memref<768x32xbf16, #tpu.memory_space<vmem>> -> memref<128x32xbf16, #tpu.memory_space<vmem>>
    %dma_start3A_163 = arith.constant 256 : i32
    %dma_start3A_164 = tpu.memref_slice %arg6[%dma_start3A_163] : memref<768xi32, #tpu.memory_space<vmem>> -> memref<128xi32, #tpu.memory_space<vmem>>
    %dma_start3A_165 = arith.constant 0 : i32
    %dma_start3A_166 = arith.constant 0 : i32
    %dma_start3A_167 = tpu.memref_slice %arg3[%dma_start3A_165, %dma_start3A_166] : memref<100000x32xbf16, #tpu.memory_space<hbm>> -> memref<100000x32xbf16, #tpu.memory_space<hbm>>
    tpu.enqueue_indirect_dma source(%dma_start3A_167 : memref<100000x32xbf16, #tpu.memory_space<hbm>>) target(%dma_start3A_162 : memref<128x32xbf16, #tpu.memory_space<vmem>>) offsets(%dma_start3A_164 : memref<128xi32, #tpu.memory_space<vmem>>) semaphore(%arg15 : memref<!tpu.dma_semaphore, #tpu.memory_space<semaphore_mem>>)
    %dma_start3A_168 = arith.constant 384 : i32
    %dma_start3A_169 = arith.constant 0 : i32
    %dma_start3A_170 = tpu.memref_slice %arg12[%dma_start3A_168, %dma_start3A_169] : memref<768x32xbf16, #tpu.memory_space<vmem>> -> memref<128x32xbf16, #tpu.memory_space<vmem>>
    %dma_start3A_171 = arith.constant 384 : i32
    %dma_start3A_172 = tpu.memref_slice %arg6[%dma_start3A_171] : memref<768xi32, #tpu.memory_space<vmem>> -> memref<128xi32, #tpu.memory_space<vmem>>
    %dma_start3A_173 = arith.constant 0 : i32
    %dma_start3A_174 = arith.constant 0 : i32
    %dma_start3A_175 = tpu.memref_slice %arg3[%dma_start3A_173, %dma_start3A_174] : memref<100000x32xbf16, #tpu.memory_space<hbm>> -> memref<100000x32xbf16, #tpu.memory_space<hbm>>
    tpu.enqueue_indirect_dma source(%dma_start3A_175 : memref<100000x32xbf16, #tpu.memory_space<hbm>>) target(%dma_start3A_170 : memref<128x32xbf16, #tpu.memory_space<vmem>>) offsets(%dma_start3A_172 : memref<128xi32, #tpu.memory_space<vmem>>) semaphore(%arg15 : memref<!tpu.dma_semaphore, #tpu.memory_space<semaphore_mem>>)
    %dma_start3A_176 = arith.constant 512 : i32
    %dma_start3A_177 = arith.constant 0 : i32
    %dma_start3A_178 = tpu.memref_slice %arg12[%dma_start3A_176, %dma_start3A_177] : memref<768x32xbf16, #tpu.memory_space<vmem>> -> memref<128x32xbf16, #tpu.memory_space<vmem>>
    %dma_start3A_179 = arith.constant 512 : i32
    %dma_start3A_180 = tpu.memref_slice %arg6[%dma_start3A_179] : memref<768xi32, #tpu.memory_space<vmem>> -> memref<128xi32, #tpu.memory_space<vmem>>
    %dma_start3A_181 = arith.constant 0 : i32
    %dma_start3A_182 = arith.constant 0 : i32
    %dma_start3A_183 = tpu.memref_slice %arg3[%dma_start3A_181, %dma_start3A_182] : memref<100000x32xbf16, #tpu.memory_space<hbm>> -> memref<100000x32xbf16, #tpu.memory_space<hbm>>
    tpu.enqueue_indirect_dma source(%dma_start3A_183 : memref<100000x32xbf16, #tpu.memory_space<hbm>>) target(%dma_start3A_178 : memref<128x32xbf16, #tpu.memory_space<vmem>>) offsets(%dma_start3A_180 : memref<128xi32, #tpu.memory_space<vmem>>) semaphore(%arg15 : memref<!tpu.dma_semaphore, #tpu.memory_space<semaphore_mem>>)
    %dma_start3A_184 = arith.constant 640 : i32
    %dma_start3A_185 = arith.constant 0 : i32
    %dma_start3A_186 = tpu.memref_slice %arg12[%dma_start3A_184, %dma_start3A_185] : memref<768x32xbf16, #tpu.memory_space<vmem>> -> memref<128x32xbf16, #tpu.memory_space<vmem>>
    %dma_start3A_187 = arith.constant 640 : i32
    %dma_start3A_188 = tpu.memref_slice %arg6[%dma_start3A_187] : memref<768xi32, #tpu.memory_space<vmem>> -> memref<128xi32, #tpu.memory_space<vmem>>
    %dma_start3A_189 = arith.constant 0 : i32
    %dma_start3A_190 = arith.constant 0 : i32
    %dma_start3A_191 = tpu.memref_slice %arg3[%dma_start3A_189, %dma_start3A_190] : memref<100000x32xbf16, #tpu.memory_space<hbm>> -> memref<100000x32xbf16, #tpu.memory_space<hbm>>
    tpu.enqueue_indirect_dma source(%dma_start3A_191 : memref<100000x32xbf16, #tpu.memory_space<hbm>>) target(%dma_start3A_186 : memref<128x32xbf16, #tpu.memory_space<vmem>>) offsets(%dma_start3A_188 : memref<128xi32, #tpu.memory_space<vmem>>) semaphore(%arg15 : memref<!tpu.dma_semaphore, #tpu.memory_space<semaphore_mem>>)
    %add3A_192 = arith.constant 47616 : i32
    %add3A_193 = arith.addi %mul3A_5, %add3A_192 : i32
    %dma_start3A_194 = tpu.memref_slice %arg2[%add3A_193] : memref<3200000xi32, #tpu.memory_space<hbm>> -> memref<768xi32, #tpu.memory_space<hbm>>
    %dma_start3A_195 = tpu.memref_slice %arg2[%add3A_193] : memref<3200000xi32, #tpu.memory_space<hbm>> -> memref<768xi32, #tpu.memory_space<hbm>>
    tpu.enqueue_dma source(%dma_start3A_195 : memref<768xi32, #tpu.memory_space<hbm>>) target(%arg7 : memref<768xi32, #tpu.memory_space<vmem>>) target_semaphore(%arg20 : memref<!tpu.dma_semaphore, #tpu.memory_space<semaphore_mem>>)
    %add3A_196 = arith.constant 1600000 : i32
    %add3A_197 = arith.addi %add3A_196, %add3A_193 : i32
    %dma_start3A_198 = tpu.memref_slice %arg2[%add3A_197] : memref<3200000xi32, #tpu.memory_space<hbm>> -> memref<768xi32, #tpu.memory_space<hbm>>
    %dma_start3A_199 = tpu.memref_slice %arg2[%add3A_197] : memref<3200000xi32, #tpu.memory_space<hbm>> -> memref<768xi32, #tpu.memory_space<hbm>>
    tpu.enqueue_dma source(%dma_start3A_199 : memref<768xi32, #tpu.memory_space<hbm>>) target(%arg10 : memref<768xi32, #tpu.memory_space<vmem>>) target_semaphore(%arg20 : memref<!tpu.dma_semaphore, #tpu.memory_space<semaphore_mem>>)
    %dma_wait3A_200 = arith.constant 0 : i32
    %dma_wait3A_201 = arith.constant 0 : i32
    %dma_wait3A_202 = tpu.memref_slice %arg3[%dma_wait3A_200, %dma_wait3A_201] : memref<100000x32xbf16, #tpu.memory_space<hbm>> -> memref<768x32xbf16, #tpu.memory_space<hbm>>
    %dma_wait3A_203 = arith.constant 0 : i32
    %dma_wait3A_204 = arith.constant 0 : i32
    %dma_wait3A_205 = tpu.memref_slice %arg3[%dma_wait3A_203, %dma_wait3A_204] : memref<100000x32xbf16, #tpu.memory_space<hbm>> -> memref<768x32xbf16, #tpu.memory_space<hbm>>
    tpu.wait_dma2 semaphore(%arg15 : memref<!tpu.dma_semaphore, #tpu.memory_space<semaphore_mem>>) src(%dma_wait3A_205 : memref<768x32xbf16, #tpu.memory_space<hbm>>) dst(%arg12 : memref<768x32xbf16, #tpu.memory_space<vmem>>)
    %dma_start3A_206 = arith.constant 0 : i32
    %dma_start3A_207 = arith.constant 0 : i32
    %dma_start3A_208 = tpu.memref_slice %arg12[%dma_start3A_206, %dma_start3A_207] : memref<768x32xbf16, #tpu.memory_space<vmem>> -> memref<128x32xbf16, #tpu.memory_space<vmem>>
    %dma_start3A_209 = arith.constant 0 : i32
    %dma_start3A_210 = tpu.memref_slice %arg9[%dma_start3A_209] : memref<768xi32, #tpu.memory_space<vmem>> -> memref<128xi32, #tpu.memory_space<vmem>>
    %dma_start3A_211 = arith.constant 0 : i32
    %dma_start3A_212 = arith.constant 0 : i32
    %dma_start3A_213 = tpu.memref_slice %arg13[%dma_start3A_211, %dma_start3A_212] : memref<100096x32xbf16, #tpu.memory_space<vmem_shared>> -> memref<100096x32xbf16, #tpu.memory_space<vmem_shared>>
    tpu.enqueue_indirect_dma source(%dma_start3A_208 : memref<128x32xbf16, #tpu.memory_space<vmem>>) target(%dma_start3A_213 : memref<100096x32xbf16, #tpu.memory_space<vmem_shared>>) offsets(%dma_start3A_210 : memref<128xi32, #tpu.memory_space<vmem>>) semaphore(%arg17 : memref<!tpu.dma_semaphore, #tpu.memory_space<semaphore_mem>>) {add = true}
    %dma_start3A_214 = arith.constant 128 : i32
    %dma_start3A_215 = arith.constant 0 : i32
    %dma_start3A_216 = tpu.memref_slice %arg12[%dma_start3A_214, %dma_start3A_215] : memref<768x32xbf16, #tpu.memory_space<vmem>> -> memref<128x32xbf16, #tpu.memory_space<vmem>>
    %dma_start3A_217 = arith.constant 128 : i32
    %dma_start3A_218 = tpu.memref_slice %arg9[%dma_start3A_217] : memref<768xi32, #tpu.memory_space<vmem>> -> memref<128xi32, #tpu.memory_space<vmem>>
    %dma_start3A_219 = arith.constant 0 : i32
    %dma_start3A_220 = arith.constant 0 : i32
    %dma_start3A_221 = tpu.memref_slice %arg13[%dma_start3A_219, %dma_start3A_220] : memref<100096x32xbf16, #tpu.memory_space<vmem_shared>> -> memref<100096x32xbf16, #tpu.memory_space<vmem_shared>>
    tpu.enqueue_indirect_dma source(%dma_start3A_216 : memref<128x32xbf16, #tpu.memory_space<vmem>>) target(%dma_start3A_221 : memref<100096x32xbf16, #tpu.memory_space<vmem_shared>>) offsets(%dma_start3A_218 : memref<128xi32, #tpu.memory_space<vmem>>) semaphore(%arg17 : memref<!tpu.dma_semaphore, #tpu.memory_space<semaphore_mem>>) {add = true}
    %dma_start3A_222 = arith.constant 256 : i32
    %dma_start3A_223 = arith.constant 0 : i32
    %dma_start3A_224 = tpu.memref_slice %arg12[%dma_start3A_222, %dma_start3A_223] : memref<768x32xbf16, #tpu.memory_space<vmem>> -> memref<128x32xbf16, #tpu.memory_space<vmem>>
    %dma_start3A_225 = arith.constant 256 : i32
    %dma_start3A_226 = tpu.memref_slice %arg9[%dma_start3A_225] : memref<768xi32, #tpu.memory_space<vmem>> -> memref<128xi32, #tpu.memory_space<vmem>>
    %dma_start3A_227 = arith.constant 0 : i32
    %dma_start3A_228 = arith.constant 0 : i32
    %dma_start3A_229 = tpu.memref_slice %arg13[%dma_start3A_227, %dma_start3A_228] : memref<100096x32xbf16, #tpu.memory_space<vmem_shared>> -> memref<100096x32xbf16, #tpu.memory_space<vmem_shared>>
    tpu.enqueue_indirect_dma source(%dma_start3A_224 : memref<128x32xbf16, #tpu.memory_space<vmem>>) target(%dma_start3A_229 : memref<100096x32xbf16, #tpu.memory_space<vmem_shared>>) offsets(%dma_start3A_226 : memref<128xi32, #tpu.memory_space<vmem>>) semaphore(%arg17 : memref<!tpu.dma_semaphore, #tpu.memory_space<semaphore_mem>>) {add = true}
    %dma_start3A_230 = arith.constant 384 : i32
    %dma_start3A_231 = arith.constant 0 : i32
    %dma_start3A_232 = tpu.memref_slice %arg12[%dma_start3A_230, %dma_start3A_231] : memref<768x32xbf16, #tpu.memory_space<vmem>> -> memref<128x32xbf16, #tpu.memory_space<vmem>>
    %dma_start3A_233 = arith.constant 384 : i32
    %dma_start3A_234 = tpu.memref_slice %arg9[%dma_start3A_233] : memref<768xi32, #tpu.memory_space<vmem>> -> memref<128xi32, #tpu.memory_space<vmem>>
    %dma_start3A_235 = arith.constant 0 : i32
    %dma_start3A_236 = arith.constant 0 : i32
    %dma_start3A_237 = tpu.memref_slice %arg13[%dma_start3A_235, %dma_start3A_236] : memref<100096x32xbf16, #tpu.memory_space<vmem_shared>> -> memref<100096x32xbf16, #tpu.memory_space<vmem_shared>>
    tpu.enqueue_indirect_dma source(%dma_start3A_232 : memref<128x32xbf16, #tpu.memory_space<vmem>>) target(%dma_start3A_237 : memref<100096x32xbf16, #tpu.memory_space<vmem_shared>>) offsets(%dma_start3A_234 : memref<128xi32, #tpu.memory_space<vmem>>) semaphore(%arg17 : memref<!tpu.dma_semaphore, #tpu.memory_space<semaphore_mem>>) {add = true}
    %dma_start3A_238 = arith.constant 512 : i32
    %dma_start3A_239 = arith.constant 0 : i32
    %dma_start3A_240 = tpu.memref_slice %arg12[%dma_start3A_238, %dma_start3A_239] : memref<768x32xbf16, #tpu.memory_space<vmem>> -> memref<128x32xbf16, #tpu.memory_space<vmem>>
    %dma_start3A_241 = arith.constant 512 : i32
    %dma_start3A_242 = tpu.memref_slice %arg9[%dma_start3A_241] : memref<768xi32, #tpu.memory_space<vmem>> -> memref<128xi32, #tpu.memory_space<vmem>>
    %dma_start3A_243 = arith.constant 0 : i32
    %dma_start3A_244 = arith.constant 0 : i32
    %dma_start3A_245 = tpu.memref_slice %arg13[%dma_start3A_243, %dma_start3A_244] : memref<100096x32xbf16, #tpu.memory_space<vmem_shared>> -> memref<100096x32xbf16, #tpu.memory_space<vmem_shared>>
    tpu.enqueue_indirect_dma source(%dma_start3A_240 : memref<128x32xbf16, #tpu.memory_space<vmem>>) target(%dma_start3A_245 : memref<100096x32xbf16, #tpu.memory_space<vmem_shared>>) offsets(%dma_start3A_242 : memref<128xi32, #tpu.memory_space<vmem>>) semaphore(%arg17 : memref<!tpu.dma_semaphore, #tpu.memory_space<semaphore_mem>>) {add = true}
    %dma_start3A_246 = arith.constant 640 : i32
    %dma_start3A_247 = arith.constant 0 : i32
    %dma_start3A_248 = tpu.memref_slice %arg12[%dma_start3A_246, %dma_start3A_247] : memref<768x32xbf16, #tpu.memory_space<vmem>> -> memref<128x32xbf16, #tpu.memory_space<vmem>>
    %dma_start3A_249 = arith.constant 640 : i32
    %dma_start3A_250 = tpu.memref_slice %arg9[%dma_start3A_249] : memref<768xi32, #tpu.memory_space<vmem>> -> memref<128xi32, #tpu.memory_space<vmem>>
    %dma_start3A_251 = arith.constant 0 : i32
    %dma_start3A_252 = arith.constant 0 : i32
    %dma_start3A_253 = tpu.memref_slice %arg13[%dma_start3A_251, %dma_start3A_252] : memref<100096x32xbf16, #tpu.memory_space<vmem_shared>> -> memref<100096x32xbf16, #tpu.memory_space<vmem_shared>>
    tpu.enqueue_indirect_dma source(%dma_start3A_248 : memref<128x32xbf16, #tpu.memory_space<vmem>>) target(%dma_start3A_253 : memref<100096x32xbf16, #tpu.memory_space<vmem_shared>>) offsets(%dma_start3A_250 : memref<128xi32, #tpu.memory_space<vmem>>) semaphore(%arg17 : memref<!tpu.dma_semaphore, #tpu.memory_space<semaphore_mem>>) {add = true}
    %dma_wait3A_254 = arith.constant 0 : i32
    %dma_wait3A_255 = tpu.memref_slice %arg2[%dma_wait3A_254] : memref<3200000xi32, #tpu.memory_space<hbm>> -> memref<768xi32, #tpu.memory_space<hbm>>
    %dma_wait3A_256 = arith.constant 0 : i32
    %dma_wait3A_257 = tpu.memref_slice %arg2[%dma_wait3A_256] : memref<3200000xi32, #tpu.memory_space<hbm>> -> memref<768xi32, #tpu.memory_space<hbm>>
    tpu.wait_dma2 semaphore(%arg20 : memref<!tpu.dma_semaphore, #tpu.memory_space<semaphore_mem>>) src(%dma_wait3A_257 : memref<768xi32, #tpu.memory_space<hbm>>) dst(%arg7 : memref<768xi32, #tpu.memory_space<vmem>>)
    %dma_wait3A_258 = arith.constant 0 : i32
    %dma_wait3A_259 = tpu.memref_slice %arg2[%dma_wait3A_258] : memref<3200000xi32, #tpu.memory_space<hbm>> -> memref<768xi32, #tpu.memory_space<hbm>>
    %dma_wait3A_260 = arith.constant 0 : i32
    %dma_wait3A_261 = tpu.memref_slice %arg2[%dma_wait3A_260] : memref<3200000xi32, #tpu.memory_space<hbm>> -> memref<768xi32, #tpu.memory_space<hbm>>
    tpu.wait_dma2 semaphore(%arg20 : memref<!tpu.dma_semaphore, #tpu.memory_space<semaphore_mem>>) src(%dma_wait3A_261 : memref<768xi32, #tpu.memory_space<hbm>>) dst(%arg10 : memref<768xi32, #tpu.memory_space<vmem>>)
    %dma_wait3A_262 = arith.constant 0 : i32
    %dma_wait3A_263 = arith.constant 0 : i32
    %dma_wait3A_264 = tpu.memref_slice %arg3[%dma_wait3A_262, %dma_wait3A_263] : memref<100000x32xbf16, #tpu.memory_space<hbm>> -> memref<768x32xbf16, #tpu.memory_space<hbm>>
    %dma_wait3A_265 = arith.constant 0 : i32
    %dma_wait3A_266 = arith.constant 0 : i32
    %dma_wait3A_267 = tpu.memref_slice %arg3[%dma_wait3A_265, %dma_wait3A_266] : memref<100000x32xbf16, #tpu.memory_space<hbm>> -> memref<768x32xbf16, #tpu.memory_space<hbm>>
    tpu.wait_dma2 semaphore(%arg16 : memref<!tpu.dma_semaphore, #tpu.memory_space<semaphore_mem>>) src(%dma_wait3A_267 : memref<768x32xbf16, #tpu.memory_space<hbm>>) dst(%arg11 : memref<768x32xbf16, #tpu.memory_space<vmem>>)
    %dma_start3A_268 = arith.constant 0 : i32
    %dma_start3A_269 = arith.constant 0 : i32
    %dma_start3A_270 = tpu.memref_slice %arg11[%dma_start3A_268, %dma_start3A_269] : memref<768x32xbf16, #tpu.memory_space<vmem>> -> memref<128x32xbf16, #tpu.memory_space<vmem>>
    %dma_start3A_271 = arith.constant 0 : i32
    %dma_start3A_272 = tpu.memref_slice %arg7[%dma_start3A_271] : memref<768xi32, #tpu.memory_space<vmem>> -> memref<128xi32, #tpu.memory_space<vmem>>
    %dma_start3A_273 = arith.constant 0 : i32
    %dma_start3A_274 = arith.constant 0 : i32
    %dma_start3A_275 = tpu.memref_slice %arg3[%dma_start3A_273, %dma_start3A_274] : memref<100000x32xbf16, #tpu.memory_space<hbm>> -> memref<100000x32xbf16, #tpu.memory_space<hbm>>
    tpu.enqueue_indirect_dma source(%dma_start3A_275 : memref<100000x32xbf16, #tpu.memory_space<hbm>>) target(%dma_start3A_270 : memref<128x32xbf16, #tpu.memory_space<vmem>>) offsets(%dma_start3A_272 : memref<128xi32, #tpu.memory_space<vmem>>) semaphore(%arg14 : memref<!tpu.dma_semaphore, #tpu.memory_space<semaphore_mem>>)
    %dma_start3A_276 = arith.constant 128 : i32
    %dma_start3A_277 = arith.constant 0 : i32
    %dma_start3A_278 = tpu.memref_slice %arg11[%dma_start3A_276, %dma_start3A_277] : memref<768x32xbf16, #tpu.memory_space<vmem>> -> memref<128x32xbf16, #tpu.memory_space<vmem>>
    %dma_start3A_279 = arith.constant 128 : i32
    %dma_start3A_280 = tpu.memref_slice %arg7[%dma_start3A_279] : memref<768xi32, #tpu.memory_space<vmem>> -> memref<128xi32, #tpu.memory_space<vmem>>
    %dma_start3A_281 = arith.constant 0 : i32
    %dma_start3A_282 = arith.constant 0 : i32
    %dma_start3A_283 = tpu.memref_slice %arg3[%dma_start3A_281, %dma_start3A_282] : memref<100000x32xbf16, #tpu.memory_space<hbm>> -> memref<100000x32xbf16, #tpu.memory_space<hbm>>
    tpu.enqueue_indirect_dma source(%dma_start3A_283 : memref<100000x32xbf16, #tpu.memory_space<hbm>>) target(%dma_start3A_278 : memref<128x32xbf16, #tpu.memory_space<vmem>>) offsets(%dma_start3A_280 : memref<128xi32, #tpu.memory_space<vmem>>) semaphore(%arg14 : memref<!tpu.dma_semaphore, #tpu.memory_space<semaphore_mem>>)
    %dma_start3A_284 = arith.constant 256 : i32
    %dma_start3A_285 = arith.constant 0 : i32
    %dma_start3A_286 = tpu.memref_slice %arg11[%dma_start3A_284, %dma_start3A_285] : memref<768x32xbf16, #tpu.memory_space<vmem>> -> memref<128x32xbf16, #tpu.memory_space<vmem>>
    %dma_start3A_287 = arith.constant 256 : i32
    %dma_start3A_288 = tpu.memref_slice %arg7[%dma_start3A_287] : memref<768xi32, #tpu.memory_space<vmem>> -> memref<128xi32, #tpu.memory_space<vmem>>
    %dma_start3A_289 = arith.constant 0 : i32
    %dma_start3A_290 = arith.constant 0 : i32
    %dma_start3A_291 = tpu.memref_slice %arg3[%dma_start3A_289, %dma_start3A_290] : memref<100000x32xbf16, #tpu.memory_space<hbm>> -> memref<100000x32xbf16, #tpu.memory_space<hbm>>
    tpu.enqueue_indirect_dma source(%dma_start3A_291 : memref<100000x32xbf16, #tpu.memory_space<hbm>>) target(%dma_start3A_286 : memref<128x32xbf16, #tpu.memory_space<vmem>>) offsets(%dma_start3A_288 : memref<128xi32, #tpu.memory_space<vmem>>) semaphore(%arg14 : memref<!tpu.dma_semaphore, #tpu.memory_space<semaphore_mem>>)
    %dma_start3A_292 = arith.constant 384 : i32
    %dma_start3A_293 = arith.constant 0 : i32
    %dma_start3A_294 = tpu.memref_slice %arg11[%dma_start3A_292, %dma_start3A_293] : memref<768x32xbf16, #tpu.memory_space<vmem>> -> memref<128x32xbf16, #tpu.memory_space<vmem>>
    %dma_start3A_295 = arith.constant 384 : i32
    %dma_start3A_296 = tpu.memref_slice %arg7[%dma_start3A_295] : memref<768xi32, #tpu.memory_space<vmem>> -> memref<128xi32, #tpu.memory_space<vmem>>
    %dma_start3A_297 = arith.constant 0 : i32
    %dma_start3A_298 = arith.constant 0 : i32
    %dma_start3A_299 = tpu.memref_slice %arg3[%dma_start3A_297, %dma_start3A_298] : memref<100000x32xbf16, #tpu.memory_space<hbm>> -> memref<100000x32xbf16, #tpu.memory_space<hbm>>
    tpu.enqueue_indirect_dma source(%dma_start3A_299 : memref<100000x32xbf16, #tpu.memory_space<hbm>>) target(%dma_start3A_294 : memref<128x32xbf16, #tpu.memory_space<vmem>>) offsets(%dma_start3A_296 : memref<128xi32, #tpu.memory_space<vmem>>) semaphore(%arg14 : memref<!tpu.dma_semaphore, #tpu.memory_space<semaphore_mem>>)
    %dma_start3A_300 = arith.constant 512 : i32
    %dma_start3A_301 = arith.constant 0 : i32
    %dma_start3A_302 = tpu.memref_slice %arg11[%dma_start3A_300, %dma_start3A_301] : memref<768x32xbf16, #tpu.memory_space<vmem>> -> memref<128x32xbf16, #tpu.memory_space<vmem>>
    %dma_start3A_303 = arith.constant 512 : i32
    %dma_start3A_304 = tpu.memref_slice %arg7[%dma_start3A_303] : memref<768xi32, #tpu.memory_space<vmem>> -> memref<128xi32, #tpu.memory_space<vmem>>
    %dma_start3A_305 = arith.constant 0 : i32
    %dma_start3A_306 = arith.constant 0 : i32
    %dma_start3A_307 = tpu.memref_slice %arg3[%dma_start3A_305, %dma_start3A_306] : memref<100000x32xbf16, #tpu.memory_space<hbm>> -> memref<100000x32xbf16, #tpu.memory_space<hbm>>
    tpu.enqueue_indirect_dma source(%dma_start3A_307 : memref<100000x32xbf16, #tpu.memory_space<hbm>>) target(%dma_start3A_302 : memref<128x32xbf16, #tpu.memory_space<vmem>>) offsets(%dma_start3A_304 : memref<128xi32, #tpu.memory_space<vmem>>) semaphore(%arg14 : memref<!tpu.dma_semaphore, #tpu.memory_space<semaphore_mem>>)
    %dma_start3A_308 = arith.constant 640 : i32
    %dma_start3A_309 = arith.constant 0 : i32
    %dma_start3A_310 = tpu.memref_slice %arg11[%dma_start3A_308, %dma_start3A_309] : memref<768x32xbf16, #tpu.memory_space<vmem>> -> memref<128x32xbf16, #tpu.memory_space<vmem>>
    %dma_start3A_311 = arith.constant 640 : i32
    %dma_start3A_312 = tpu.memref_slice %arg7[%dma_start3A_311] : memref<768xi32, #tpu.memory_space<vmem>> -> memref<128xi32, #tpu.memory_space<vmem>>
    %dma_start3A_313 = arith.constant 0 : i32
    %dma_start3A_314 = arith.constant 0 : i32
    %dma_start3A_315 = tpu.memref_slice %arg3[%dma_start3A_313, %dma_start3A_314] : memref<100000x32xbf16, #tpu.memory_space<hbm>> -> memref<100000x32xbf16, #tpu.memory_space<hbm>>
    tpu.enqueue_indirect_dma source(%dma_start3A_315 : memref<100000x32xbf16, #tpu.memory_space<hbm>>) target(%dma_start3A_310 : memref<128x32xbf16, #tpu.memory_space<vmem>>) offsets(%dma_start3A_312 : memref<128xi32, #tpu.memory_space<vmem>>) semaphore(%arg14 : memref<!tpu.dma_semaphore, #tpu.memory_space<semaphore_mem>>)
    %add3A_316 = arith.constant 48384 : i32
    %add3A_317 = arith.addi %mul3A_5, %add3A_316 : i32
    %dma_start3A_318 = tpu.memref_slice %arg2[%add3A_317] : memref<3200000xi32, #tpu.memory_space<hbm>> -> memref<768xi32, #tpu.memory_space<hbm>>
    %dma_start3A_319 = tpu.memref_slice %arg2[%add3A_317] : memref<3200000xi32, #tpu.memory_space<hbm>> -> memref<768xi32, #tpu.memory_space<hbm>>
    tpu.enqueue_dma source(%dma_start3A_319 : memref<768xi32, #tpu.memory_space<hbm>>) target(%arg5 : memref<768xi32, #tpu.memory_space<vmem>>) target_semaphore(%arg18 : memref<!tpu.dma_semaphore, #tpu.memory_space<semaphore_mem>>)
    %add3A_320 = arith.constant 1600000 : i32
    %add3A_321 = arith.addi %add3A_320, %add3A_317 : i32
    %dma_start3A_322 = tpu.memref_slice %arg2[%add3A_321] : memref<3200000xi32, #tpu.memory_space<hbm>> -> memref<768xi32, #tpu.memory_space<hbm>>
    %dma_start3A_323 = tpu.memref_slice %arg2[%add3A_321] : memref<3200000xi32, #tpu.memory_space<hbm>> -> memref<768xi32, #tpu.memory_space<hbm>>
    tpu.enqueue_dma source(%dma_start3A_323 : memref<768xi32, #tpu.memory_space<hbm>>) target(%arg8 : memref<768xi32, #tpu.memory_space<vmem>>) target_semaphore(%arg18 : memref<!tpu.dma_semaphore, #tpu.memory_space<semaphore_mem>>)
    %dma_wait3A_324 = arith.constant 0 : i32
    %dma_wait3A_325 = arith.constant 0 : i32
    %dma_wait3A_326 = tpu.memref_slice %arg3[%dma_wait3A_324, %dma_wait3A_325] : memref<100000x32xbf16, #tpu.memory_space<hbm>> -> memref<768x32xbf16, #tpu.memory_space<hbm>>
    %dma_wait3A_327 = arith.constant 0 : i32
    %dma_wait3A_328 = arith.constant 0 : i32
    %dma_wait3A_329 = tpu.memref_slice %arg3[%dma_wait3A_327, %dma_wait3A_328] : memref<100000x32xbf16, #tpu.memory_space<hbm>> -> memref<768x32xbf16, #tpu.memory_space<hbm>>
    tpu.wait_dma2 semaphore(%arg14 : memref<!tpu.dma_semaphore, #tpu.memory_space<semaphore_mem>>) src(%dma_wait3A_329 : memref<768x32xbf16, #tpu.memory_space<hbm>>) dst(%arg11 : memref<768x32xbf16, #tpu.memory_space<vmem>>)
    %dma_start3A_330 = arith.constant 0 : i32
    %dma_start3A_331 = arith.constant 0 : i32
    %dma_start3A_332 = tpu.memref_slice %arg11[%dma_start3A_330, %dma_start3A_331] : memref<768x32xbf16, #tpu.memory_space<vmem>> -> memref<128x32xbf16, #tpu.memory_space<vmem>>
    %dma_start3A_333 = arith.constant 0 : i32
    %dma_start3A_334 = tpu.memref_slice %arg10[%dma_start3A_333] : memref<768xi32, #tpu.memory_space<vmem>> -> memref<128xi32, #tpu.memory_space<vmem>>
    %dma_start3A_335 = arith.constant 0 : i32
    %dma_start3A_336 = arith.constant 0 : i32
    %dma_start3A_337 = tpu.memref_slice %arg13[%dma_start3A_335, %dma_start3A_336] : memref<100096x32xbf16, #tpu.memory_space<vmem_shared>> -> memref<100096x32xbf16, #tpu.memory_space<vmem_shared>>
    tpu.enqueue_indirect_dma source(%dma_start3A_332 : memref<128x32xbf16, #tpu.memory_space<vmem>>) target(%dma_start3A_337 : memref<100096x32xbf16, #tpu.memory_space<vmem_shared>>) offsets(%dma_start3A_334 : memref<128xi32, #tpu.memory_space<vmem>>) semaphore(%arg16 : memref<!tpu.dma_semaphore, #tpu.memory_space<semaphore_mem>>) {add = true}
    %dma_start3A_338 = arith.constant 128 : i32
    %dma_start3A_339 = arith.constant 0 : i32
    %dma_start3A_340 = tpu.memref_slice %arg11[%dma_start3A_338, %dma_start3A_339] : memref<768x32xbf16, #tpu.memory_space<vmem>> -> memref<128x32xbf16, #tpu.memory_space<vmem>>
    %dma_start3A_341 = arith.constant 128 : i32
    %dma_start3A_342 = tpu.memref_slice %arg10[%dma_start3A_341] : memref<768xi32, #tpu.memory_space<vmem>> -> memref<128xi32, #tpu.memory_space<vmem>>
    %dma_start3A_343 = arith.constant 0 : i32
    %dma_start3A_344 = arith.constant 0 : i32
    %dma_start3A_345 = tpu.memref_slice %arg13[%dma_start3A_343, %dma_start3A_344] : memref<100096x32xbf16, #tpu.memory_space<vmem_shared>> -> memref<100096x32xbf16, #tpu.memory_space<vmem_shared>>
    tpu.enqueue_indirect_dma source(%dma_start3A_340 : memref<128x32xbf16, #tpu.memory_space<vmem>>) target(%dma_start3A_345 : memref<100096x32xbf16, #tpu.memory_space<vmem_shared>>) offsets(%dma_start3A_342 : memref<128xi32, #tpu.memory_space<vmem>>) semaphore(%arg16 : memref<!tpu.dma_semaphore, #tpu.memory_space<semaphore_mem>>) {add = true}
    %dma_start3A_346 = arith.constant 256 : i32
    %dma_start3A_347 = arith.constant 0 : i32
    %dma_start3A_348 = tpu.memref_slice %arg11[%dma_start3A_346, %dma_start3A_347] : memref<768x32xbf16, #tpu.memory_space<vmem>> -> memref<128x32xbf16, #tpu.memory_space<vmem>>
    %dma_start3A_349 = arith.constant 256 : i32
    %dma_start3A_350 = tpu.memref_slice %arg10[%dma_start3A_349] : memref<768xi32, #tpu.memory_space<vmem>> -> memref<128xi32, #tpu.memory_space<vmem>>
    %dma_start3A_351 = arith.constant 0 : i32
    %dma_start3A_352 = arith.constant 0 : i32
    %dma_start3A_353 = tpu.memref_slice %arg13[%dma_start3A_351, %dma_start3A_352] : memref<100096x32xbf16, #tpu.memory_space<vmem_shared>> -> memref<100096x32xbf16, #tpu.memory_space<vmem_shared>>
    tpu.enqueue_indirect_dma source(%dma_start3A_348 : memref<128x32xbf16, #tpu.memory_space<vmem>>) target(%dma_start3A_353 : memref<100096x32xbf16, #tpu.memory_space<vmem_shared>>) offsets(%dma_start3A_350 : memref<128xi32, #tpu.memory_space<vmem>>) semaphore(%arg16 : memref<!tpu.dma_semaphore, #tpu.memory_space<semaphore_mem>>) {add = true}
    %dma_start3A_354 = arith.constant 384 : i32
    %dma_start3A_355 = arith.constant 0 : i32
    %dma_start3A_356 = tpu.memref_slice %arg11[%dma_start3A_354, %dma_start3A_355] : memref<768x32xbf16, #tpu.memory_space<vmem>> -> memref<128x32xbf16, #tpu.memory_space<vmem>>
    %dma_start3A_357 = arith.constant 384 : i32
    %dma_start3A_358 = tpu.memref_slice %arg10[%dma_start3A_357] : memref<768xi32, #tpu.memory_space<vmem>> -> memref<128xi32, #tpu.memory_space<vmem>>
    %dma_start3A_359 = arith.constant 0 : i32
    %dma_start3A_360 = arith.constant 0 : i32
    %dma_start3A_361 = tpu.memref_slice %arg13[%dma_start3A_359, %dma_start3A_360] : memref<100096x32xbf16, #tpu.memory_space<vmem_shared>> -> memref<100096x32xbf16, #tpu.memory_space<vmem_shared>>
    tpu.enqueue_indirect_dma source(%dma_start3A_356 : memref<128x32xbf16, #tpu.memory_space<vmem>>) target(%dma_start3A_361 : memref<100096x32xbf16, #tpu.memory_space<vmem_shared>>) offsets(%dma_start3A_358 : memref<128xi32, #tpu.memory_space<vmem>>) semaphore(%arg16 : memref<!tpu.dma_semaphore, #tpu.memory_space<semaphore_mem>>) {add = true}
    %dma_start3A_362 = arith.constant 512 : i32
    %dma_start3A_363 = arith.constant 0 : i32
    %dma_start3A_364 = tpu.memref_slice %arg11[%dma_start3A_362, %dma_start3A_363] : memref<768x32xbf16, #tpu.memory_space<vmem>> -> memref<128x32xbf16, #tpu.memory_space<vmem>>
    %dma_start3A_365 = arith.constant 512 : i32
    %dma_start3A_366 = tpu.memref_slice %arg10[%dma_start3A_365] : memref<768xi32, #tpu.memory_space<vmem>> -> memref<128xi32, #tpu.memory_space<vmem>>
    %dma_start3A_367 = arith.constant 0 : i32
    %dma_start3A_368 = arith.constant 0 : i32
    %dma_start3A_369 = tpu.memref_slice %arg13[%dma_start3A_367, %dma_start3A_368] : memref<100096x32xbf16, #tpu.memory_space<vmem_shared>> -> memref<100096x32xbf16, #tpu.memory_space<vmem_shared>>
    tpu.enqueue_indirect_dma source(%dma_start3A_364 : memref<128x32xbf16, #tpu.memory_space<vmem>>) target(%dma_start3A_369 : memref<100096x32xbf16, #tpu.memory_space<vmem_shared>>) offsets(%dma_start3A_366 : memref<128xi32, #tpu.memory_space<vmem>>) semaphore(%arg16 : memref<!tpu.dma_semaphore, #tpu.memory_space<semaphore_mem>>) {add = true}
    %dma_start3A_370 = arith.constant 640 : i32
    %dma_start3A_371 = arith.constant 0 : i32
    %dma_start3A_372 = tpu.memref_slice %arg11[%dma_start3A_370, %dma_start3A_371] : memref<768x32xbf16, #tpu.memory_space<vmem>> -> memref<128x32xbf16, #tpu.memory_space<vmem>>
    %dma_start3A_373 = arith.constant 640 : i32
    %dma_start3A_374 = tpu.memref_slice %arg10[%dma_start3A_373] : memref<768xi32, #tpu.memory_space<vmem>> -> memref<128xi32, #tpu.memory_space<vmem>>
    %dma_start3A_375 = arith.constant 0 : i32
    %dma_start3A_376 = arith.constant 0 : i32
    %dma_start3A_377 = tpu.memref_slice %arg13[%dma_start3A_375, %dma_start3A_376] : memref<100096x32xbf16, #tpu.memory_space<vmem_shared>> -> memref<100096x32xbf16, #tpu.memory_space<vmem_shared>>
    tpu.enqueue_indirect_dma source(%dma_start3A_372 : memref<128x32xbf16, #tpu.memory_space<vmem>>) target(%dma_start3A_377 : memref<100096x32xbf16, #tpu.memory_space<vmem_shared>>) offsets(%dma_start3A_374 : memref<128xi32, #tpu.memory_space<vmem>>) semaphore(%arg16 : memref<!tpu.dma_semaphore, #tpu.memory_space<semaphore_mem>>) {add = true}
    %dma_wait3A_378 = arith.constant 0 : i32
    %dma_wait3A_379 = tpu.memref_slice %arg2[%dma_wait3A_378] : memref<3200000xi32, #tpu.memory_space<hbm>> -> memref<768xi32, #tpu.memory_space<hbm>>
    %dma_wait3A_380 = arith.constant 0 : i32
    %dma_wait3A_381 = tpu.memref_slice %arg2[%dma_wait3A_380] : memref<3200000xi32, #tpu.memory_space<hbm>> -> memref<768xi32, #tpu.memory_space<hbm>>
    tpu.wait_dma2 semaphore(%arg18 : memref<!tpu.dma_semaphore, #tpu.memory_space<semaphore_mem>>) src(%dma_wait3A_381 : memref<768xi32, #tpu.memory_space<hbm>>) dst(%arg5 : memref<768xi32, #tpu.memory_space<vmem>>)
    %dma_wait3A_382 = arith.constant 0 : i32
    %dma_wait3A_383 = tpu.memref_slice %arg2[%dma_wait3A_382] : memref<3200000xi32, #tpu.memory_space<hbm>> -> memref<768xi32, #tpu.memory_space<hbm>>
    %dma_wait3A_384 = arith.constant 0 : i32
    %dma_wait3A_385 = tpu.memref_slice %arg2[%dma_wait3A_384] : memref<3200000xi32, #tpu.memory_space<hbm>> -> memref<768xi32, #tpu.memory_space<hbm>>
    tpu.wait_dma2 semaphore(%arg18 : memref<!tpu.dma_semaphore, #tpu.memory_space<semaphore_mem>>) src(%dma_wait3A_385 : memref<768xi32, #tpu.memory_space<hbm>>) dst(%arg8 : memref<768xi32, #tpu.memory_space<vmem>>)
    %dma_wait3A_386 = arith.constant 0 : i32
    %dma_wait3A_387 = arith.constant 0 : i32
    %dma_wait3A_388 = tpu.memref_slice %arg3[%dma_wait3A_386, %dma_wait3A_387] : memref<100000x32xbf16, #tpu.memory_space<hbm>> -> memref<768x32xbf16, #tpu.memory_space<hbm>>
    %dma_wait3A_389 = arith.constant 0 : i32
    %dma_wait3A_390 = arith.constant 0 : i32
    %dma_wait3A_391 = tpu.memref_slice %arg3[%dma_wait3A_389, %dma_wait3A_390] : memref<100000x32xbf16, #tpu.memory_space<hbm>> -> memref<768x32xbf16, #tpu.memory_space<hbm>>
    tpu.wait_dma2 semaphore(%arg17 : memref<!tpu.dma_semaphore, #tpu.memory_space<semaphore_mem>>) src(%dma_wait3A_391 : memref<768x32xbf16, #tpu.memory_space<hbm>>) dst(%arg12 : memref<768x32xbf16, #tpu.memory_space<vmem>>)
    %dma_start3A_392 = arith.constant 0 : i32
    %dma_start3A_393 = arith.constant 0 : i32
    %dma_start3A_394 = tpu.memref_slice %arg12[%dma_start3A_392, %dma_start3A_393] : memref<768x32xbf16, #tpu.memory_space<vmem>> -> memref<128x32xbf16, #tpu.memory_space<vmem>>
    %dma_start3A_395 = arith.constant 0 : i32
    %dma_start3A_396 = tpu.memref_slice %arg5[%dma_start3A_395] : memref<768xi32, #tpu.memory_space<vmem>> -> memref<128xi32, #tpu.memory_space<vmem>>
    %dma_start3A_397 = arith.constant 0 : i32
    %dma_start3A_398 = arith.constant 0 : i32
    %dma_start3A_399 = tpu.memref_slice %arg3[%dma_start3A_397, %dma_start3A_398] : memref<100000x32xbf16, #tpu.memory_space<hbm>> -> memref<100000x32xbf16, #tpu.memory_space<hbm>>
    tpu.enqueue_indirect_dma source(%dma_start3A_399 : memref<100000x32xbf16, #tpu.memory_space<hbm>>) target(%dma_start3A_394 : memref<128x32xbf16, #tpu.memory_space<vmem>>) offsets(%dma_start3A_396 : memref<128xi32, #tpu.memory_space<vmem>>) semaphore(%arg15 : memref<!tpu.dma_semaphore, #tpu.memory_space<semaphore_mem>>)
    %dma_start3A_400 = arith.constant 128 : i32
    %dma_start3A_401 = arith.constant 0 : i32
    %dma_start3A_402 = tpu.memref_slice %arg12[%dma_start3A_400, %dma_start3A_401] : memref<768x32xbf16, #tpu.memory_space<vmem>> -> memref<128x32xbf16, #tpu.memory_space<vmem>>
    %dma_start3A_403 = arith.constant 128 : i32
    %dma_start3A_404 = tpu.memref_slice %arg5[%dma_start3A_403] : memref<768xi32, #tpu.memory_space<vmem>> -> memref<128xi32, #tpu.memory_space<vmem>>
    %dma_start3A_405 = arith.constant 0 : i32
    %dma_start3A_406 = arith.constant 0 : i32
    %dma_start3A_407 = tpu.memref_slice %arg3[%dma_start3A_405, %dma_start3A_406] : memref<100000x32xbf16, #tpu.memory_space<hbm>> -> memref<100000x32xbf16, #tpu.memory_space<hbm>>
    tpu.enqueue_indirect_dma source(%dma_start3A_407 : memref<100000x32xbf16, #tpu.memory_space<hbm>>) target(%dma_start3A_402 : memref<128x32xbf16, #tpu.memory_space<vmem>>) offsets(%dma_start3A_404 : memref<128xi32, #tpu.memory_space<vmem>>) semaphore(%arg15 : memref<!tpu.dma_semaphore, #tpu.memory_space<semaphore_mem>>)
    %dma_start3A_408 = arith.constant 256 : i32
    %dma_start3A_409 = arith.constant 0 : i32
    %dma_start3A_410 = tpu.memref_slice %arg12[%dma_start3A_408, %dma_start3A_409] : memref<768x32xbf16, #tpu.memory_space<vmem>> -> memref<128x32xbf16, #tpu.memory_space<vmem>>
    %dma_start3A_411 = arith.constant 256 : i32
    %dma_start3A_412 = tpu.memref_slice %arg5[%dma_start3A_411] : memref<768xi32, #tpu.memory_space<vmem>> -> memref<128xi32, #tpu.memory_space<vmem>>
    %dma_start3A_413 = arith.constant 0 : i32
    %dma_start3A_414 = arith.constant 0 : i32
    %dma_start3A_415 = tpu.memref_slice %arg3[%dma_start3A_413, %dma_start3A_414] : memref<100000x32xbf16, #tpu.memory_space<hbm>> -> memref<100000x32xbf16, #tpu.memory_space<hbm>>
    tpu.enqueue_indirect_dma source(%dma_start3A_415 : memref<100000x32xbf16, #tpu.memory_space<hbm>>) target(%dma_start3A_410 : memref<128x32xbf16, #tpu.memory_space<vmem>>) offsets(%dma_start3A_412 : memref<128xi32, #tpu.memory_space<vmem>>) semaphore(%arg15 : memref<!tpu.dma_semaphore, #tpu.memory_space<semaphore_mem>>)
    %dma_start3A_416 = arith.constant 384 : i32
    %dma_start3A_417 = arith.constant 0 : i32
    %dma_start3A_418 = tpu.memref_slice %arg12[%dma_start3A_416, %dma_start3A_417] : memref<768x32xbf16, #tpu.memory_space<vmem>> -> memref<128x32xbf16, #tpu.memory_space<vmem>>
    %dma_start3A_419 = arith.constant 384 : i32
    %dma_start3A_420 = tpu.memref_slice %arg5[%dma_start3A_419] : memref<768xi32, #tpu.memory_space<vmem>> -> memref<128xi32, #tpu.memory_space<vmem>>
    %dma_start3A_421 = arith.constant 0 : i32
    %dma_start3A_422 = arith.constant 0 : i32
    %dma_start3A_423 = tpu.memref_slice %arg3[%dma_start3A_421, %dma_start3A_422] : memref<100000x32xbf16, #tpu.memory_space<hbm>> -> memref<100000x32xbf16, #tpu.memory_space<hbm>>
    tpu.enqueue_indirect_dma source(%dma_start3A_423 : memref<100000x32xbf16, #tpu.memory_space<hbm>>) target(%dma_start3A_418 : memref<128x32xbf16, #tpu.memory_space<vmem>>) offsets(%dma_start3A_420 : memref<128xi32, #tpu.memory_space<vmem>>) semaphore(%arg15 : memref<!tpu.dma_semaphore, #tpu.memory_space<semaphore_mem>>)
    %dma_start3A_424 = arith.constant 512 : i32
    %dma_start3A_425 = arith.constant 0 : i32
    %dma_start3A_426 = tpu.memref_slice %arg12[%dma_start3A_424, %dma_start3A_425] : memref<768x32xbf16, #tpu.memory_space<vmem>> -> memref<128x32xbf16, #tpu.memory_space<vmem>>
    %dma_start3A_427 = arith.constant 512 : i32
    %dma_start3A_428 = tpu.memref_slice %arg5[%dma_start3A_427] : memref<768xi32, #tpu.memory_space<vmem>> -> memref<128xi32, #tpu.memory_space<vmem>>
    %dma_start3A_429 = arith.constant 0 : i32
    %dma_start3A_430 = arith.constant 0 : i32
    %dma_start3A_431 = tpu.memref_slice %arg3[%dma_start3A_429, %dma_start3A_430] : memref<100000x32xbf16, #tpu.memory_space<hbm>> -> memref<100000x32xbf16, #tpu.memory_space<hbm>>
    tpu.enqueue_indirect_dma source(%dma_start3A_431 : memref<100000x32xbf16, #tpu.memory_space<hbm>>) target(%dma_start3A_426 : memref<128x32xbf16, #tpu.memory_space<vmem>>) offsets(%dma_start3A_428 : memref<128xi32, #tpu.memory_space<vmem>>) semaphore(%arg15 : memref<!tpu.dma_semaphore, #tpu.memory_space<semaphore_mem>>)
    %dma_start3A_432 = arith.constant 640 : i32
    %dma_start3A_433 = arith.constant 0 : i32
    %dma_start3A_434 = tpu.memref_slice %arg12[%dma_start3A_432, %dma_start3A_433] : memref<768x32xbf16, #tpu.memory_space<vmem>> -> memref<128x32xbf16, #tpu.memory_space<vmem>>
    %dma_start3A_435 = arith.constant 640 : i32
    %dma_start3A_436 = tpu.memref_slice %arg5[%dma_start3A_435] : memref<768xi32, #tpu.memory_space<vmem>> -> memref<128xi32, #tpu.memory_space<vmem>>
    %dma_start3A_437 = arith.constant 0 : i32
    %dma_start3A_438 = arith.constant 0 : i32
    %dma_start3A_439 = tpu.memref_slice %arg3[%dma_start3A_437, %dma_start3A_438] : memref<100000x32xbf16, #tpu.memory_space<hbm>> -> memref<100000x32xbf16, #tpu.memory_space<hbm>>
    tpu.enqueue_indirect_dma source(%dma_start3A_439 : memref<100000x32xbf16, #tpu.memory_space<hbm>>) target(%dma_start3A_434 : memref<128x32xbf16, #tpu.memory_space<vmem>>) offsets(%dma_start3A_436 : memref<128xi32, #tpu.memory_space<vmem>>) semaphore(%arg15 : memref<!tpu.dma_semaphore, #tpu.memory_space<semaphore_mem>>)
    %add3A_440 = arith.constant 49152 : i32
    %add3A_441 = arith.addi %mul3A_5, %add3A_440 : i32
    %dma_start3A_442 = tpu.memref_slice %arg2[%add3A_441] : memref<3200000xi32, #tpu.memory_space<hbm>> -> memref<768xi32, #tpu.memory_space<hbm>>
    %dma_start3A_443 = tpu.memref_slice %arg2[%add3A_441] : memref<3200000xi32, #tpu.memory_space<hbm>> -> memref<768xi32, #tpu.memory_space<hbm>>
    tpu.enqueue_dma source(%dma_start3A_443 : memref<768xi32, #tpu.memory_space<hbm>>) target(%arg6 : memref<768xi32, #tpu.memory_space<vmem>>) target_semaphore(%arg19 : memref<!tpu.dma_semaphore, #tpu.memory_space<semaphore_mem>>)
    %add3A_444 = arith.constant 1600000 : i32
    %add3A_445 = arith.addi %add3A_444, %add3A_441 : i32
    %dma_start3A_446 = tpu.memref_slice %arg2[%add3A_445] : memref<3200000xi32, #tpu.memory_space<hbm>> -> memref<768xi32, #tpu.memory_space<hbm>>
    %dma_start3A_447 = tpu.memref_slice %arg2[%add3A_445] : memref<3200000xi32, #tpu.memory_space<hbm>> -> memref<768xi32, #tpu.memory_space<hbm>>
    tpu.enqueue_dma source(%dma_start3A_447 : memref<768xi32, #tpu.memory_space<hbm>>) target(%arg9 : memref<768xi32, #tpu.memory_space<vmem>>) target_semaphore(%arg19 : memref<!tpu.dma_semaphore, #tpu.memory_space<semaphore_mem>>)
    %dma_wait3A_448 = arith.constant 0 : i32
    %dma_wait3A_449 = arith.constant 0 : i32
    %dma_wait3A_450 = tpu.memref_slice %arg3[%dma_wait3A_448, %dma_wait3A_449] : memref<100000x32xbf16, #tpu.memory_space<hbm>> -> memref<768x32xbf16, #tpu.memory_space<hbm>>
    %dma_wait3A_451 = arith.constant 0 : i32
    %dma_wait3A_452 = arith.constant 0 : i32
    %dma_wait3A_453 = tpu.memref_slice %arg3[%dma_wait3A_451, %dma_wait3A_452] : memref<100000x32xbf16, #tpu.memory_space<hbm>> -> memref<768x32xbf16, #tpu.memory_space<hbm>>
    tpu.wait_dma2 semaphore(%arg15 : memref<!tpu.dma_semaphore, #tpu.memory_space<semaphore_mem>>) src(%dma_wait3A_453 : memref<768x32xbf16, #tpu.memory_space<hbm>>) dst(%arg12 : memref<768x32xbf16, #tpu.memory_space<vmem>>)
    %dma_start3A_454 = arith.constant 0 : i32
    %dma_start3A_455 = arith.constant 0 : i32
    %dma_start3A_456 = tpu.memref_slice %arg12[%dma_start3A_454, %dma_start3A_455] : memref<768x32xbf16, #tpu.memory_space<vmem>> -> memref<128x32xbf16, #tpu.memory_space<vmem>>
    %dma_start3A_457 = arith.constant 0 : i32
    %dma_start3A_458 = tpu.memref_slice %arg8[%dma_start3A_457] : memref<768xi32, #tpu.memory_space<vmem>> -> memref<128xi32, #tpu.memory_space<vmem>>
    %dma_start3A_459 = arith.constant 0 : i32
    %dma_start3A_460 = arith.constant 0 : i32
    %dma_start3A_461 = tpu.memref_slice %arg13[%dma_start3A_459, %dma_start3A_460] : memref<100096x32xbf16, #tpu.memory_space<vmem_shared>> -> memref<100096x32xbf16, #tpu.memory_space<vmem_shared>>
    tpu.enqueue_indirect_dma source(%dma_start3A_456 : memref<128x32xbf16, #tpu.memory_space<vmem>>) target(%dma_start3A_461 : memref<100096x32xbf16, #tpu.memory_space<vmem_shared>>) offsets(%dma_start3A_458 : memref<128xi32, #tpu.memory_space<vmem>>) semaphore(%arg17 : memref<!tpu.dma_semaphore, #tpu.memory_space<semaphore_mem>>) {add = true}
    %dma_start3A_462 = arith.constant 128 : i32
    %dma_start3A_463 = arith.constant 0 : i32
    %dma_start3A_464 = tpu.memref_slice %arg12[%dma_start3A_462, %dma_start3A_463] : memref<768x32xbf16, #tpu.memory_space<vmem>> -> memref<128x32xbf16, #tpu.memory_space<vmem>>
    %dma_start3A_465 = arith.constant 128 : i32
    %dma_start3A_466 = tpu.memref_slice %arg8[%dma_start3A_465] : memref<768xi32, #tpu.memory_space<vmem>> -> memref<128xi32, #tpu.memory_space<vmem>>
    %dma_start3A_467 = arith.constant 0 : i32
    %dma_start3A_468 = arith.constant 0 : i32
    %dma_start3A_469 = tpu.memref_slice %arg13[%dma_start3A_467, %dma_start3A_468] : memref<100096x32xbf16, #tpu.memory_space<vmem_shared>> -> memref<100096x32xbf16, #tpu.memory_space<vmem_shared>>
    tpu.enqueue_indirect_dma source(%dma_start3A_464 : memref<128x32xbf16, #tpu.memory_space<vmem>>) target(%dma_start3A_469 : memref<100096x32xbf16, #tpu.memory_space<vmem_shared>>) offsets(%dma_start3A_466 : memref<128xi32, #tpu.memory_space<vmem>>) semaphore(%arg17 : memref<!tpu.dma_semaphore, #tpu.memory_space<semaphore_mem>>) {add = true}
    %dma_start3A_470 = arith.constant 256 : i32
    %dma_start3A_471 = arith.constant 0 : i32
    %dma_start3A_472 = tpu.memref_slice %arg12[%dma_start3A_470, %dma_start3A_471] : memref<768x32xbf16, #tpu.memory_space<vmem>> -> memref<128x32xbf16, #tpu.memory_space<vmem>>
    %dma_start3A_473 = arith.constant 256 : i32
    %dma_start3A_474 = tpu.memref_slice %arg8[%dma_start3A_473] : memref<768xi32, #tpu.memory_space<vmem>> -> memref<128xi32, #tpu.memory_space<vmem>>
    %dma_start3A_475 = arith.constant 0 : i32
    %dma_start3A_476 = arith.constant 0 : i32
    %dma_start3A_477 = tpu.memref_slice %arg13[%dma_start3A_475, %dma_start3A_476] : memref<100096x32xbf16, #tpu.memory_space<vmem_shared>> -> memref<100096x32xbf16, #tpu.memory_space<vmem_shared>>
    tpu.enqueue_indirect_dma source(%dma_start3A_472 : memref<128x32xbf16, #tpu.memory_space<vmem>>) target(%dma_start3A_477 : memref<100096x32xbf16, #tpu.memory_space<vmem_shared>>) offsets(%dma_start3A_474 : memref<128xi32, #tpu.memory_space<vmem>>) semaphore(%arg17 : memref<!tpu.dma_semaphore, #tpu.memory_space<semaphore_mem>>) {add = true}
    %dma_start3A_478 = arith.constant 384 : i32
    %dma_start3A_479 = arith.constant 0 : i32
    %dma_start3A_480 = tpu.memref_slice %arg12[%dma_start3A_478, %dma_start3A_479] : memref<768x32xbf16, #tpu.memory_space<vmem>> -> memref<128x32xbf16, #tpu.memory_space<vmem>>
    %dma_start3A_481 = arith.constant 384 : i32
    %dma_start3A_482 = tpu.memref_slice %arg8[%dma_start3A_481] : memref<768xi32, #tpu.memory_space<vmem>> -> memref<128xi32, #tpu.memory_space<vmem>>
    %dma_start3A_483 = arith.constant 0 : i32
    %dma_start3A_484 = arith.constant 0 : i32
    %dma_start3A_485 = tpu.memref_slice %arg13[%dma_start3A_483, %dma_start3A_484] : memref<100096x32xbf16, #tpu.memory_space<vmem_shared>> -> memref<100096x32xbf16, #tpu.memory_space<vmem_shared>>
    tpu.enqueue_indirect_dma source(%dma_start3A_480 : memref<128x32xbf16, #tpu.memory_space<vmem>>) target(%dma_start3A_485 : memref<100096x32xbf16, #tpu.memory_space<vmem_shared>>) offsets(%dma_start3A_482 : memref<128xi32, #tpu.memory_space<vmem>>) semaphore(%arg17 : memref<!tpu.dma_semaphore, #tpu.memory_space<semaphore_mem>>) {add = true}
    %dma_start3A_486 = arith.constant 512 : i32
    %dma_start3A_487 = arith.constant 0 : i32
    %dma_start3A_488 = tpu.memref_slice %arg12[%dma_start3A_486, %dma_start3A_487] : memref<768x32xbf16, #tpu.memory_space<vmem>> -> memref<128x32xbf16, #tpu.memory_space<vmem>>
    %dma_start3A_489 = arith.constant 512 : i32
    %dma_start3A_490 = tpu.memref_slice %arg8[%dma_start3A_489] : memref<768xi32, #tpu.memory_space<vmem>> -> memref<128xi32, #tpu.memory_space<vmem>>
    %dma_start3A_491 = arith.constant 0 : i32
    %dma_start3A_492 = arith.constant 0 : i32
    %dma_start3A_493 = tpu.memref_slice %arg13[%dma_start3A_491, %dma_start3A_492] : memref<100096x32xbf16, #tpu.memory_space<vmem_shared>> -> memref<100096x32xbf16, #tpu.memory_space<vmem_shared>>
    tpu.enqueue_indirect_dma source(%dma_start3A_488 : memref<128x32xbf16, #tpu.memory_space<vmem>>) target(%dma_start3A_493 : memref<100096x32xbf16, #tpu.memory_space<vmem_shared>>) offsets(%dma_start3A_490 : memref<128xi32, #tpu.memory_space<vmem>>) semaphore(%arg17 : memref<!tpu.dma_semaphore, #tpu.memory_space<semaphore_mem>>) {add = true}
    %dma_start3A_494 = arith.constant 640 : i32
    %dma_start3A_495 = arith.constant 0 : i32
    %dma_start3A_496 = tpu.memref_slice %arg12[%dma_start3A_494, %dma_start3A_495] : memref<768x32xbf16, #tpu.memory_space<vmem>> -> memref<128x32xbf16, #tpu.memory_space<vmem>>
    %dma_start3A_497 = arith.constant 640 : i32
    %dma_start3A_498 = tpu.memref_slice %arg8[%dma_start3A_497] : memref<768xi32, #tpu.memory_space<vmem>> -> memref<128xi32, #tpu.memory_space<vmem>>
    %dma_start3A_499 = arith.constant 0 : i32
    %dma_start3A_500 = arith.constant 0 : i32
    %dma_start3A_501 = tpu.memref_slice %arg13[%dma_start3A_499, %dma_start3A_500] : memref<100096x32xbf16, #tpu.memory_space<vmem_shared>> -> memref<100096x32xbf16, #tpu.memory_space<vmem_shared>>
    tpu.enqueue_indirect_dma source(%dma_start3A_496 : memref<128x32xbf16, #tpu.memory_space<vmem>>) target(%dma_start3A_501 : memref<100096x32xbf16, #tpu.memory_space<vmem_shared>>) offsets(%dma_start3A_498 : memref<128xi32, #tpu.memory_space<vmem>>) semaphore(%arg17 : memref<!tpu.dma_semaphore, #tpu.memory_space<semaphore_mem>>) {add = true}
    %dma_wait3A_502 = arith.constant 0 : i32
    %dma_wait3A_503 = tpu.memref_slice %arg2[%dma_wait3A_502] : memref<3200000xi32, #tpu.memory_space<hbm>> -> memref<768xi32, #tpu.memory_space<hbm>>
    %dma_wait3A_504 = arith.constant 0 : i32
    %dma_wait3A_505 = tpu.memref_slice %arg2[%dma_wait3A_504] : memref<3200000xi32, #tpu.memory_space<hbm>> -> memref<768xi32, #tpu.memory_space<hbm>>
    tpu.wait_dma2 semaphore(%arg19 : memref<!tpu.dma_semaphore, #tpu.memory_space<semaphore_mem>>) src(%dma_wait3A_505 : memref<768xi32, #tpu.memory_space<hbm>>) dst(%arg6 : memref<768xi32, #tpu.memory_space<vmem>>)
    %dma_wait3A_506 = arith.constant 0 : i32
    %dma_wait3A_507 = tpu.memref_slice %arg2[%dma_wait3A_506] : memref<3200000xi32, #tpu.memory_space<hbm>> -> memref<768xi32, #tpu.memory_space<hbm>>
    %dma_wait3A_508 = arith.constant 0 : i32
    %dma_wait3A_509 = tpu.memref_slice %arg2[%dma_wait3A_508] : memref<3200000xi32, #tpu.memory_space<hbm>> -> memref<768xi32, #tpu.memory_space<hbm>>
    tpu.wait_dma2 semaphore(%arg19 : memref<!tpu.dma_semaphore, #tpu.memory_space<semaphore_mem>>) src(%dma_wait3A_509 : memref<768xi32, #tpu.memory_space<hbm>>) dst(%arg9 : memref<768xi32, #tpu.memory_space<vmem>>)
    %dma_wait3A_510 = arith.constant 0 : i32
    %dma_wait3A_511 = arith.constant 0 : i32
    %dma_wait3A_512 = tpu.memref_slice %arg3[%dma_wait3A_510, %dma_wait3A_511] : memref<100000x32xbf16, #tpu.memory_space<hbm>> -> memref<768x32xbf16, #tpu.memory_space<hbm>>
    %dma_wait3A_513 = arith.constant 0 : i32
    %dma_wait3A_514 = arith.constant 0 : i32
    %dma_wait3A_515 = tpu.memref_slice %arg3[%dma_wait3A_513, %dma_wait3A_514] : memref<100000x32xbf16, #tpu.memory_space<hbm>> -> memref<768x32xbf16, #tpu.memory_space<hbm>>
    tpu.wait_dma2 semaphore(%arg16 : memref<!tpu.dma_semaphore, #tpu.memory_space<semaphore_mem>>) src(%dma_wait3A_515 : memref<768x32xbf16, #tpu.memory_space<hbm>>) dst(%arg11 : memref<768x32xbf16, #tpu.memory_space<vmem>>)
    %dma_start3A_516 = arith.constant 0 : i32
    %dma_start3A_517 = arith.constant 0 : i32
    %dma_start3A_518 = tpu.memref_slice %arg11[%dma_start3A_516, %dma_start3A_517] : memref<768x32xbf16, #tpu.memory_space<vmem>> -> memref<128x32xbf16, #tpu.memory_space<vmem>>
    %dma_start3A_519 = arith.constant 0 : i32
    %dma_start3A_520 = tpu.memref_slice %arg6[%dma_start3A_519] : memref<768xi32, #tpu.memory_space<vmem>> -> memref<128xi32, #tpu.memory_space<vmem>>
    %dma_start3A_521 = arith.constant 0 : i32
    %dma_start3A_522 = arith.constant 0 : i32
    %dma_start3A_523 = tpu.memref_slice %arg3[%dma_start3A_521, %dma_start3A_522] : memref<100000x32xbf16, #tpu.memory_space<hbm>> -> memref<100000x32xbf16, #tpu.memory_space<hbm>>
    tpu.enqueue_indirect_dma source(%dma_start3A_523 : memref<100000x32xbf16, #tpu.memory_space<hbm>>) target(%dma_start3A_518 : memref<128x32xbf16, #tpu.memory_space<vmem>>) offsets(%dma_start3A_520 : memref<128xi32, #tpu.memory_space<vmem>>) semaphore(%arg14 : memref<!tpu.dma_semaphore, #tpu.memory_space<semaphore_mem>>)
    %dma_start3A_524 = arith.constant 128 : i32
    %dma_start3A_525 = arith.constant 0 : i32
    %dma_start3A_526 = tpu.memref_slice %arg11[%dma_start3A_524, %dma_start3A_525] : memref<768x32xbf16, #tpu.memory_space<vmem>> -> memref<128x32xbf16, #tpu.memory_space<vmem>>
    %dma_start3A_527 = arith.constant 128 : i32
    %dma_start3A_528 = tpu.memref_slice %arg6[%dma_start3A_527] : memref<768xi32, #tpu.memory_space<vmem>> -> memref<128xi32, #tpu.memory_space<vmem>>
    %dma_start3A_529 = arith.constant 0 : i32
    %dma_start3A_530 = arith.constant 0 : i32
    %dma_start3A_531 = tpu.memref_slice %arg3[%dma_start3A_529, %dma_start3A_530] : memref<100000x32xbf16, #tpu.memory_space<hbm>> -> memref<100000x32xbf16, #tpu.memory_space<hbm>>
    tpu.enqueue_indirect_dma source(%dma_start3A_531 : memref<100000x32xbf16, #tpu.memory_space<hbm>>) target(%dma_start3A_526 : memref<128x32xbf16, #tpu.memory_space<vmem>>) offsets(%dma_start3A_528 : memref<128xi32, #tpu.memory_space<vmem>>) semaphore(%arg14 : memref<!tpu.dma_semaphore, #tpu.memory_space<semaphore_mem>>)
    %dma_start3A_532 = arith.constant 256 : i32
    %dma_start3A_533 = arith.constant 0 : i32
    %dma_start3A_534 = tpu.memref_slice %arg11[%dma_start3A_532, %dma_start3A_533] : memref<768x32xbf16, #tpu.memory_space<vmem>> -> memref<128x32xbf16, #tpu.memory_space<vmem>>
    %dma_start3A_535 = arith.constant 256 : i32
    %dma_start3A_536 = tpu.memref_slice %arg6[%dma_start3A_535] : memref<768xi32, #tpu.memory_space<vmem>> -> memref<128xi32, #tpu.memory_space<vmem>>
    %dma_start3A_537 = arith.constant 0 : i32
    %dma_start3A_538 = arith.constant 0 : i32
    %dma_start3A_539 = tpu.memref_slice %arg3[%dma_start3A_537, %dma_start3A_538] : memref<100000x32xbf16, #tpu.memory_space<hbm>> -> memref<100000x32xbf16, #tpu.memory_space<hbm>>
    tpu.enqueue_indirect_dma source(%dma_start3A_539 : memref<100000x32xbf16, #tpu.memory_space<hbm>>) target(%dma_start3A_534 : memref<128x32xbf16, #tpu.memory_space<vmem>>) offsets(%dma_start3A_536 : memref<128xi32, #tpu.memory_space<vmem>>) semaphore(%arg14 : memref<!tpu.dma_semaphore, #tpu.memory_space<semaphore_mem>>)
    %dma_start3A_540 = arith.constant 384 : i32
    %dma_start3A_541 = arith.constant 0 : i32
    %dma_start3A_542 = tpu.memref_slice %arg11[%dma_start3A_540, %dma_start3A_541] : memref<768x32xbf16, #tpu.memory_space<vmem>> -> memref<128x32xbf16, #tpu.memory_space<vmem>>
    %dma_start3A_543 = arith.constant 384 : i32
    %dma_start3A_544 = tpu.memref_slice %arg6[%dma_start3A_543] : memref<768xi32, #tpu.memory_space<vmem>> -> memref<128xi32, #tpu.memory_space<vmem>>
    %dma_start3A_545 = arith.constant 0 : i32
    %dma_start3A_546 = arith.constant 0 : i32
    %dma_start3A_547 = tpu.memref_slice %arg3[%dma_start3A_545, %dma_start3A_546] : memref<100000x32xbf16, #tpu.memory_space<hbm>> -> memref<100000x32xbf16, #tpu.memory_space<hbm>>
    tpu.enqueue_indirect_dma source(%dma_start3A_547 : memref<100000x32xbf16, #tpu.memory_space<hbm>>) target(%dma_start3A_542 : memref<128x32xbf16, #tpu.memory_space<vmem>>) offsets(%dma_start3A_544 : memref<128xi32, #tpu.memory_space<vmem>>) semaphore(%arg14 : memref<!tpu.dma_semaphore, #tpu.memory_space<semaphore_mem>>)
    %dma_start3A_548 = arith.constant 512 : i32
    %dma_start3A_549 = arith.constant 0 : i32
    %dma_start3A_550 = tpu.memref_slice %arg11[%dma_start3A_548, %dma_start3A_549] : memref<768x32xbf16, #tpu.memory_space<vmem>> -> memref<128x32xbf16, #tpu.memory_space<vmem>>
    %dma_start3A_551 = arith.constant 512 : i32
    %dma_start3A_552 = tpu.memref_slice %arg6[%dma_start3A_551] : memref<768xi32, #tpu.memory_space<vmem>> -> memref<128xi32, #tpu.memory_space<vmem>>
    %dma_start3A_553 = arith.constant 0 : i32
    %dma_start3A_554 = arith.constant 0 : i32
    %dma_start3A_555 = tpu.memref_slice %arg3[%dma_start3A_553, %dma_start3A_554] : memref<100000x32xbf16, #tpu.memory_space<hbm>> -> memref<100000x32xbf16, #tpu.memory_space<hbm>>
    tpu.enqueue_indirect_dma source(%dma_start3A_555 : memref<100000x32xbf16, #tpu.memory_space<hbm>>) target(%dma_start3A_550 : memref<128x32xbf16, #tpu.memory_space<vmem>>) offsets(%dma_start3A_552 : memref<128xi32, #tpu.memory_space<vmem>>) semaphore(%arg14 : memref<!tpu.dma_semaphore, #tpu.memory_space<semaphore_mem>>)
    %dma_start3A_556 = arith.constant 640 : i32
    %dma_start3A_557 = arith.constant 0 : i32
    %dma_start3A_558 = tpu.memref_slice %arg11[%dma_start3A_556, %dma_start3A_557] : memref<768x32xbf16, #tpu.memory_space<vmem>> -> memref<128x32xbf16, #tpu.memory_space<vmem>>
    %dma_start3A_559 = arith.constant 640 : i32
    %dma_start3A_560 = tpu.memref_slice %arg6[%dma_start3A_559] : memref<768xi32, #tpu.memory_space<vmem>> -> memref<128xi32, #tpu.memory_space<vmem>>
    %dma_start3A_561 = arith.constant 0 : i32
    %dma_start3A_562 = arith.constant 0 : i32
    %dma_start3A_563 = tpu.memref_slice %arg3[%dma_start3A_561, %dma_start3A_562] : memref<100000x32xbf16, #tpu.memory_space<hbm>> -> memref<100000x32xbf16, #tpu.memory_space<hbm>>
    tpu.enqueue_indirect_dma source(%dma_start3A_563 : memref<100000x32xbf16, #tpu.memory_space<hbm>>) target(%dma_start3A_558 : memref<128x32xbf16, #tpu.memory_space<vmem>>) offsets(%dma_start3A_560 : memref<128xi32, #tpu.memory_space<vmem>>) semaphore(%arg14 : memref<!tpu.dma_semaphore, #tpu.memory_space<semaphore_mem>>)
    %dma_wait3A_564 = arith.constant 0 : i32
    %dma_wait3A_565 = arith.constant 0 : i32
    %dma_wait3A_566 = tpu.memref_slice %arg3[%dma_wait3A_564, %dma_wait3A_565] : memref<100000x32xbf16, #tpu.memory_space<hbm>> -> memref<768x32xbf16, #tpu.memory_space<hbm>>
    %dma_wait3A_567 = arith.constant 0 : i32
    %dma_wait3A_568 = arith.constant 0 : i32
    %dma_wait3A_569 = tpu.memref_slice %arg3[%dma_wait3A_567, %dma_wait3A_568] : memref<100000x32xbf16, #tpu.memory_space<hbm>> -> memref<768x32xbf16, #tpu.memory_space<hbm>>
    tpu.wait_dma2 semaphore(%arg14 : memref<!tpu.dma_semaphore, #tpu.memory_space<semaphore_mem>>) src(%dma_wait3A_569 : memref<768x32xbf16, #tpu.memory_space<hbm>>) dst(%arg11 : memref<768x32xbf16, #tpu.memory_space<vmem>>)
    %dma_start3A_570 = arith.constant 0 : i32
    %dma_start3A_571 = arith.constant 0 : i32
    %dma_start3A_572 = tpu.memref_slice %arg11[%dma_start3A_570, %dma_start3A_571] : memref<768x32xbf16, #tpu.memory_space<vmem>> -> memref<128x32xbf16, #tpu.memory_space<vmem>>
    %dma_start3A_573 = arith.constant 0 : i32
    %dma_start3A_574 = tpu.memref_slice %arg9[%dma_start3A_573] : memref<768xi32, #tpu.memory_space<vmem>> -> memref<128xi32, #tpu.memory_space<vmem>>
    %dma_start3A_575 = arith.constant 0 : i32
    %dma_start3A_576 = arith.constant 0 : i32
    %dma_start3A_577 = tpu.memref_slice %arg13[%dma_start3A_575, %dma_start3A_576] : memref<100096x32xbf16, #tpu.memory_space<vmem_shared>> -> memref<100096x32xbf16, #tpu.memory_space<vmem_shared>>
    tpu.enqueue_indirect_dma source(%dma_start3A_572 : memref<128x32xbf16, #tpu.memory_space<vmem>>) target(%dma_start3A_577 : memref<100096x32xbf16, #tpu.memory_space<vmem_shared>>) offsets(%dma_start3A_574 : memref<128xi32, #tpu.memory_space<vmem>>) semaphore(%arg16 : memref<!tpu.dma_semaphore, #tpu.memory_space<semaphore_mem>>) {add = true}
    %dma_start3A_578 = arith.constant 128 : i32
    %dma_start3A_579 = arith.constant 0 : i32
    %dma_start3A_580 = tpu.memref_slice %arg11[%dma_start3A_578, %dma_start3A_579] : memref<768x32xbf16, #tpu.memory_space<vmem>> -> memref<128x32xbf16, #tpu.memory_space<vmem>>
    %dma_start3A_581 = arith.constant 128 : i32
    %dma_start3A_582 = tpu.memref_slice %arg9[%dma_start3A_581] : memref<768xi32, #tpu.memory_space<vmem>> -> memref<128xi32, #tpu.memory_space<vmem>>
    %dma_start3A_583 = arith.constant 0 : i32
    %dma_start3A_584 = arith.constant 0 : i32
    %dma_start3A_585 = tpu.memref_slice %arg13[%dma_start3A_583, %dma_start3A_584] : memref<100096x32xbf16, #tpu.memory_space<vmem_shared>> -> memref<100096x32xbf16, #tpu.memory_space<vmem_shared>>
    tpu.enqueue_indirect_dma source(%dma_start3A_580 : memref<128x32xbf16, #tpu.memory_space<vmem>>) target(%dma_start3A_585 : memref<100096x32xbf16, #tpu.memory_space<vmem_shared>>) offsets(%dma_start3A_582 : memref<128xi32, #tpu.memory_space<vmem>>) semaphore(%arg16 : memref<!tpu.dma_semaphore, #tpu.memory_space<semaphore_mem>>) {add = true}
    %dma_start3A_586 = arith.constant 256 : i32
    %dma_start3A_587 = arith.constant 0 : i32
    %dma_start3A_588 = tpu.memref_slice %arg11[%dma_start3A_586, %dma_start3A_587] : memref<768x32xbf16, #tpu.memory_space<vmem>> -> memref<128x32xbf16, #tpu.memory_space<vmem>>
    %dma_start3A_589 = arith.constant 256 : i32
    %dma_start3A_590 = tpu.memref_slice %arg9[%dma_start3A_589] : memref<768xi32, #tpu.memory_space<vmem>> -> memref<128xi32, #tpu.memory_space<vmem>>
    %dma_start3A_591 = arith.constant 0 : i32
    %dma_start3A_592 = arith.constant 0 : i32
    %dma_start3A_593 = tpu.memref_slice %arg13[%dma_start3A_591, %dma_start3A_592] : memref<100096x32xbf16, #tpu.memory_space<vmem_shared>> -> memref<100096x32xbf16, #tpu.memory_space<vmem_shared>>
    tpu.enqueue_indirect_dma source(%dma_start3A_588 : memref<128x32xbf16, #tpu.memory_space<vmem>>) target(%dma_start3A_593 : memref<100096x32xbf16, #tpu.memory_space<vmem_shared>>) offsets(%dma_start3A_590 : memref<128xi32, #tpu.memory_space<vmem>>) semaphore(%arg16 : memref<!tpu.dma_semaphore, #tpu.memory_space<semaphore_mem>>) {add = true}
    %dma_start3A_594 = arith.constant 384 : i32
    %dma_start3A_595 = arith.constant 0 : i32
    %dma_start3A_596 = tpu.memref_slice %arg11[%dma_start3A_594, %dma_start3A_595] : memref<768x32xbf16, #tpu.memory_space<vmem>> -> memref<128x32xbf16, #tpu.memory_space<vmem>>
    %dma_start3A_597 = arith.constant 384 : i32
    %dma_start3A_598 = tpu.memref_slice %arg9[%dma_start3A_597] : memref<768xi32, #tpu.memory_space<vmem>> -> memref<128xi32, #tpu.memory_space<vmem>>
    %dma_start3A_599 = arith.constant 0 : i32
    %dma_start3A_600 = arith.constant 0 : i32
    %dma_start3A_601 = tpu.memref_slice %arg13[%dma_start3A_599, %dma_start3A_600] : memref<100096x32xbf16, #tpu.memory_space<vmem_shared>> -> memref<100096x32xbf16, #tpu.memory_space<vmem_shared>>
    tpu.enqueue_indirect_dma source(%dma_start3A_596 : memref<128x32xbf16, #tpu.memory_space<vmem>>) target(%dma_start3A_601 : memref<100096x32xbf16, #tpu.memory_space<vmem_shared>>) offsets(%dma_start3A_598 : memref<128xi32, #tpu.memory_space<vmem>>) semaphore(%arg16 : memref<!tpu.dma_semaphore, #tpu.memory_space<semaphore_mem>>) {add = true}
    %dma_start3A_602 = arith.constant 512 : i32
    %dma_start3A_603 = arith.constant 0 : i32
    %dma_start3A_604 = tpu.memref_slice %arg11[%dma_start3A_602, %dma_start3A_603] : memref<768x32xbf16, #tpu.memory_space<vmem>> -> memref<128x32xbf16, #tpu.memory_space<vmem>>
    %dma_start3A_605 = arith.constant 512 : i32
    %dma_start3A_606 = tpu.memref_slice %arg9[%dma_start3A_605] : memref<768xi32, #tpu.memory_space<vmem>> -> memref<128xi32, #tpu.memory_space<vmem>>
    %dma_start3A_607 = arith.constant 0 : i32
    %dma_start3A_608 = arith.constant 0 : i32
    %dma_start3A_609 = tpu.memref_slice %arg13[%dma_start3A_607, %dma_start3A_608] : memref<100096x32xbf16, #tpu.memory_space<vmem_shared>> -> memref<100096x32xbf16, #tpu.memory_space<vmem_shared>>
    tpu.enqueue_indirect_dma source(%dma_start3A_604 : memref<128x32xbf16, #tpu.memory_space<vmem>>) target(%dma_start3A_609 : memref<100096x32xbf16, #tpu.memory_space<vmem_shared>>) offsets(%dma_start3A_606 : memref<128xi32, #tpu.memory_space<vmem>>) semaphore(%arg16 : memref<!tpu.dma_semaphore, #tpu.memory_space<semaphore_mem>>) {add = true}
    %dma_start3A_610 = arith.constant 640 : i32
    %dma_start3A_611 = arith.constant 0 : i32
    %dma_start3A_612 = tpu.memref_slice %arg11[%dma_start3A_610, %dma_start3A_611] : memref<768x32xbf16, #tpu.memory_space<vmem>> -> memref<128x32xbf16, #tpu.memory_space<vmem>>
    %dma_start3A_613 = arith.constant 640 : i32
    %dma_start3A_614 = tpu.memref_slice %arg9[%dma_start3A_613] : memref<768xi32, #tpu.memory_space<vmem>> -> memref<128xi32, #tpu.memory_space<vmem>>
    %dma_start3A_615 = arith.constant 0 : i32
    %dma_start3A_616 = arith.constant 0 : i32
    %dma_start3A_617 = tpu.memref_slice %arg13[%dma_start3A_615, %dma_start3A_616] : memref<100096x32xbf16, #tpu.memory_space<vmem_shared>> -> memref<100096x32xbf16, #tpu.memory_space<vmem_shared>>
    tpu.enqueue_indirect_dma source(%dma_start3A_612 : memref<128x32xbf16, #tpu.memory_space<vmem>>) target(%dma_start3A_617 : memref<100096x32xbf16, #tpu.memory_space<vmem_shared>>) offsets(%dma_start3A_614 : memref<128xi32, #tpu.memory_space<vmem>>) semaphore(%arg16 : memref<!tpu.dma_semaphore, #tpu.memory_space<semaphore_mem>>) {add = true}
    %dma_wait3A_618 = arith.constant 0 : i32
    %dma_wait3A_619 = arith.constant 0 : i32
    %dma_wait3A_620 = tpu.memref_slice %arg3[%dma_wait3A_618, %dma_wait3A_619] : memref<100000x32xbf16, #tpu.memory_space<hbm>> -> memref<768x32xbf16, #tpu.memory_space<hbm>>
    %dma_wait3A_621 = arith.constant 0 : i32
    %dma_wait3A_622 = arith.constant 0 : i32
    %dma_wait3A_623 = tpu.memref_slice %arg3[%dma_wait3A_621, %dma_wait3A_622] : memref<100000x32xbf16, #tpu.memory_space<hbm>> -> memref<768x32xbf16, #tpu.memory_space<hbm>>
    tpu.wait_dma2 semaphore(%arg16 : memref<!tpu.dma_semaphore, #tpu.memory_space<semaphore_mem>>) src(%dma_wait3A_623 : memref<768x32xbf16, #tpu.memory_space<hbm>>) dst(%arg11 : memref<768x32xbf16, #tpu.memory_space<vmem>>)
    %dma_wait3A_624 = arith.constant 0 : i32
    %dma_wait3A_625 = arith.constant 0 : i32
    %dma_wait3A_626 = tpu.memref_slice %arg3[%dma_wait3A_624, %dma_wait3A_625] : memref<100000x32xbf16, #tpu.memory_space<hbm>> -> memref<768x32xbf16, #tpu.memory_space<hbm>>
    %dma_wait3A_627 = arith.constant 0 : i32
    %dma_wait3A_628 = arith.constant 0 : i32
    %dma_wait3A_629 = tpu.memref_slice %arg3[%dma_wait3A_627, %dma_wait3A_628] : memref<100000x32xbf16, #tpu.memory_space<hbm>> -> memref<768x32xbf16, #tpu.memory_space<hbm>>
    tpu.wait_dma2 semaphore(%arg17 : memref<!tpu.dma_semaphore, #tpu.memory_space<semaphore_mem>>) src(%dma_wait3A_629 : memref<768x32xbf16, #tpu.memory_space<hbm>>) dst(%arg12 : memref<768x32xbf16, #tpu.memory_space<vmem>>)
    %lt3A = arith.constant 20 : i32
    %lt3A_630 = arith.cmpi slt, %add3A, %lt3A : i32
    %convert_element_type3A = arith.extui %lt3A_630 : i1 to i32
    %cond3A = arith.constant 0 : i32
    %cond3A_631 = arith.cmpi ne, %convert_element_type3A, %cond3A : i32
    scf.if %cond3A_631 {
      %add3A_642 = arith.constant 12480 : i32
      %add3A_643 = arith.addi %add3A_642, %add3A : i32
      %mul3A_644 = arith.constant 128 : i32
      %mul3A_645 = arith.muli %add3A_643, %mul3A_644 : i32
      "tpu.region"() ({
        %run_scoped3A = tpu.sem_alloc : memref<!tpu.dma_semaphore, #tpu.memory_space<semaphore_mem>>
        %dma_start3A_648 = arith.constant 0 : i32
        %dma_start3A_649 = tpu.memref_slice %arg5[%dma_start3A_648] : memref<768xi32, #tpu.memory_space<vmem>> -> memref<128xi32, #tpu.memory_space<vmem>>
        %dma_start3A_650 = tpu.memref_slice %arg2[%mul3A_645] : memref<3200000xi32, #tpu.memory_space<hbm>> -> memref<128xi32, #tpu.memory_space<hbm>>
        %dma_start3A_651 = arith.constant 0 : i32
        %dma_start3A_652 = tpu.memref_slice %arg5[%dma_start3A_651] : memref<768xi32, #tpu.memory_space<vmem>> -> memref<128xi32, #tpu.memory_space<vmem>>
        %dma_start3A_653 = tpu.memref_slice %arg2[%mul3A_645] : memref<3200000xi32, #tpu.memory_space<hbm>> -> memref<128xi32, #tpu.memory_space<hbm>>
        tpu.enqueue_dma source(%dma_start3A_653 : memref<128xi32, #tpu.memory_space<hbm>>) target(%dma_start3A_652 : memref<128xi32, #tpu.memory_space<vmem>>) target_semaphore(%run_scoped3A : memref<!tpu.dma_semaphore, #tpu.memory_space<semaphore_mem>>)
        %dma_wait3A_654 = arith.constant 0 : i32
        %dma_wait3A_655 = tpu.memref_slice %arg5[%dma_wait3A_654] : memref<768xi32, #tpu.memory_space<vmem>> -> memref<128xi32, #tpu.memory_space<vmem>>
        %dma_wait3A_656 = tpu.memref_slice %arg2[%mul3A_645] : memref<3200000xi32, #tpu.memory_space<hbm>> -> memref<128xi32, #tpu.memory_space<hbm>>
        %dma_wait3A_657 = arith.constant 0 : i32
        %dma_wait3A_658 = tpu.memref_slice %arg5[%dma_wait3A_657] : memref<768xi32, #tpu.memory_space<vmem>> -> memref<128xi32, #tpu.memory_space<vmem>>
        %dma_wait3A_659 = tpu.memref_slice %arg2[%mul3A_645] : memref<3200000xi32, #tpu.memory_space<hbm>> -> memref<128xi32, #tpu.memory_space<hbm>>
        tpu.wait_dma2 semaphore(%run_scoped3A : memref<!tpu.dma_semaphore, #tpu.memory_space<semaphore_mem>>) src(%dma_wait3A_659 : memref<128xi32, #tpu.memory_space<hbm>>) dst(%dma_wait3A_658 : memref<128xi32, #tpu.memory_space<vmem>>)
        tpu.yield
      }) : () -> ()
      %add3A_646 = arith.constant 1600000 : i32
      %add3A_647 = arith.addi %add3A_646, %mul3A_645 : i32
      "tpu.region"() ({
        %run_scoped3A = tpu.sem_alloc : memref<!tpu.dma_semaphore, #tpu.memory_space<semaphore_mem>>
        %dma_start3A_648 = arith.constant 0 : i32
        %dma_start3A_649 = tpu.memref_slice %arg8[%dma_start3A_648] : memref<768xi32, #tpu.memory_space<vmem>> -> memref<128xi32, #tpu.memory_space<vmem>>
        %dma_start3A_650 = tpu.memref_slice %arg2[%add3A_647] : memref<3200000xi32, #tpu.memory_space<hbm>> -> memref<128xi32, #tpu.memory_space<hbm>>
        %dma_start3A_651 = arith.constant 0 : i32
        %dma_start3A_652 = tpu.memref_slice %arg8[%dma_start3A_651] : memref<768xi32, #tpu.memory_space<vmem>> -> memref<128xi32, #tpu.memory_space<vmem>>
        %dma_start3A_653 = tpu.memref_slice %arg2[%add3A_647] : memref<3200000xi32, #tpu.memory_space<hbm>> -> memref<128xi32, #tpu.memory_space<hbm>>
        tpu.enqueue_dma source(%dma_start3A_653 : memref<128xi32, #tpu.memory_space<hbm>>) target(%dma_start3A_652 : memref<128xi32, #tpu.memory_space<vmem>>) target_semaphore(%run_scoped3A : memref<!tpu.dma_semaphore, #tpu.memory_space<semaphore_mem>>)
        %dma_wait3A_654 = arith.constant 0 : i32
        %dma_wait3A_655 = tpu.memref_slice %arg8[%dma_wait3A_654] : memref<768xi32, #tpu.memory_space<vmem>> -> memref<128xi32, #tpu.memory_space<vmem>>
        %dma_wait3A_656 = tpu.memref_slice %arg2[%add3A_647] : memref<3200000xi32, #tpu.memory_space<hbm>> -> memref<128xi32, #tpu.memory_space<hbm>>
        %dma_wait3A_657 = arith.constant 0 : i32
        %dma_wait3A_658 = tpu.memref_slice %arg8[%dma_wait3A_657] : memref<768xi32, #tpu.memory_space<vmem>> -> memref<128xi32, #tpu.memory_space<vmem>>
        %dma_wait3A_659 = tpu.memref_slice %arg2[%add3A_647] : memref<3200000xi32, #tpu.memory_space<hbm>> -> memref<128xi32, #tpu.memory_space<hbm>>
        tpu.wait_dma2 semaphore(%run_scoped3A : memref<!tpu.dma_semaphore, #tpu.memory_space<semaphore_mem>>) src(%dma_wait3A_659 : memref<128xi32, #tpu.memory_space<hbm>>) dst(%dma_wait3A_658 : memref<128xi32, #tpu.memory_space<vmem>>)
        tpu.yield
      }) : () -> ()
      "tpu.region"() ({
        %run_scoped3A = tpu.sem_alloc : memref<!tpu.dma_semaphore, #tpu.memory_space<semaphore_mem>>
        %dma_start3A_648 = arith.constant 0 : i32
        %dma_start3A_649 = arith.constant 0 : i32
        %dma_start3A_650 = tpu.memref_slice %arg11[%dma_start3A_648, %dma_start3A_649] : memref<768x32xbf16, #tpu.memory_space<vmem>> -> memref<128x32xbf16, #tpu.memory_space<vmem>>
        %dma_start3A_651 = arith.constant 0 : i32
        %dma_start3A_652 = tpu.memref_slice %arg5[%dma_start3A_651] : memref<768xi32, #tpu.memory_space<vmem>> -> memref<128xi32, #tpu.memory_space<vmem>>
        %dma_start3A_653 = arith.constant 0 : i32
        %dma_start3A_654 = arith.constant 0 : i32
        %dma_start3A_655 = tpu.memref_slice %arg3[%dma_start3A_653, %dma_start3A_654] : memref<100000x32xbf16, #tpu.memory_space<hbm>> -> memref<100000x32xbf16, #tpu.memory_space<hbm>>
        tpu.enqueue_indirect_dma source(%dma_start3A_655 : memref<100000x32xbf16, #tpu.memory_space<hbm>>) target(%dma_start3A_650 : memref<128x32xbf16, #tpu.memory_space<vmem>>) offsets(%dma_start3A_652 : memref<128xi32, #tpu.memory_space<vmem>>) semaphore(%run_scoped3A : memref<!tpu.dma_semaphore, #tpu.memory_space<semaphore_mem>>)
        %dma_wait3A_656 = arith.constant 0 : i32
        %dma_wait3A_657 = arith.constant 0 : i32
        %dma_wait3A_658 = tpu.memref_slice %arg11[%dma_wait3A_656, %dma_wait3A_657] : memref<768x32xbf16, #tpu.memory_space<vmem>> -> memref<128x32xbf16, #tpu.memory_space<vmem>>
        %dma_wait3A_659 = arith.constant 0 : i32
        %dma_wait3A_660 = tpu.memref_slice %arg5[%dma_wait3A_659] : memref<768xi32, #tpu.memory_space<vmem>> -> memref<128xi32, #tpu.memory_space<vmem>>
        %dma_wait3A_661 = arith.constant 0 : i32
        %dma_wait3A_662 = arith.constant 0 : i32
        %dma_wait3A_663 = tpu.memref_slice %arg3[%dma_wait3A_661, %dma_wait3A_662] : memref<100000x32xbf16, #tpu.memory_space<hbm>> -> memref<100000x32xbf16, #tpu.memory_space<hbm>>
        tpu.wait_indirect_dma semaphore(%run_scoped3A : memref<!tpu.dma_semaphore, #tpu.memory_space<semaphore_mem>>) src(%dma_wait3A_663 : memref<100000x32xbf16, #tpu.memory_space<hbm>>) dst(%dma_wait3A_658 : memref<128x32xbf16, #tpu.memory_space<vmem>>)
        tpu.yield
      }) : () -> ()
      "tpu.region"() ({
        %run_scoped3A = tpu.sem_alloc : memref<!tpu.dma_semaphore, #tpu.memory_space<semaphore_mem>>
        %dma_start3A_648 = arith.constant 0 : i32
        %dma_start3A_649 = arith.constant 0 : i32
        %dma_start3A_650 = tpu.memref_slice %arg11[%dma_start3A_648, %dma_start3A_649] : memref<768x32xbf16, #tpu.memory_space<vmem>> -> memref<128x32xbf16, #tpu.memory_space<vmem>>
        %dma_start3A_651 = arith.constant 0 : i32
        %dma_start3A_652 = tpu.memref_slice %arg8[%dma_start3A_651] : memref<768xi32, #tpu.memory_space<vmem>> -> memref<128xi32, #tpu.memory_space<vmem>>
        %dma_start3A_653 = arith.constant 0 : i32
        %dma_start3A_654 = arith.constant 0 : i32
        %dma_start3A_655 = tpu.memref_slice %arg13[%dma_start3A_653, %dma_start3A_654] : memref<100096x32xbf16, #tpu.memory_space<vmem_shared>> -> memref<100096x32xbf16, #tpu.memory_space<vmem_shared>>
        tpu.enqueue_indirect_dma source(%dma_start3A_650 : memref<128x32xbf16, #tpu.memory_space<vmem>>) target(%dma_start3A_655 : memref<100096x32xbf16, #tpu.memory_space<vmem_shared>>) offsets(%dma_start3A_652 : memref<128xi32, #tpu.memory_space<vmem>>) semaphore(%run_scoped3A : memref<!tpu.dma_semaphore, #tpu.memory_space<semaphore_mem>>) {add = true}
        %dma_wait3A_656 = arith.constant 0 : i32
        %dma_wait3A_657 = arith.constant 0 : i32
        %dma_wait3A_658 = tpu.memref_slice %arg11[%dma_wait3A_656, %dma_wait3A_657] : memref<768x32xbf16, #tpu.memory_space<vmem>> -> memref<128x32xbf16, #tpu.memory_space<vmem>>
        %dma_wait3A_659 = arith.constant 0 : i32
        %dma_wait3A_660 = tpu.memref_slice %arg8[%dma_wait3A_659] : memref<768xi32, #tpu.memory_space<vmem>> -> memref<128xi32, #tpu.memory_space<vmem>>
        %dma_wait3A_661 = arith.constant 0 : i32
        %dma_wait3A_662 = arith.constant 0 : i32
        %dma_wait3A_663 = tpu.memref_slice %arg13[%dma_wait3A_661, %dma_wait3A_662] : memref<100096x32xbf16, #tpu.memory_space<vmem_shared>> -> memref<100096x32xbf16, #tpu.memory_space<vmem_shared>>
        tpu.wait_indirect_dma semaphore(%run_scoped3A : memref<!tpu.dma_semaphore, #tpu.memory_space<semaphore_mem>>) src(%dma_wait3A_658 : memref<128x32xbf16, #tpu.memory_space<vmem>>) dst(%dma_wait3A_663 : memref<100096x32xbf16, #tpu.memory_space<vmem_shared>>)
        tpu.yield
      }) : () -> ()
    } else {
    }
    %barrier3A_632 = arith.constant 0 : index
    tpu.barrier barrier_id(%barrier3A_632)
    %lt3A_633 = arith.constant 15 : i32
    %lt3A_634 = arith.cmpi slt, %arg1, %lt3A_633 : i32
    %convert_element_type3A_635 = arith.extui %lt3A_634 : i1 to i32
    %cond3A_636 = arith.constant 0 : i32
    %cond3A_637 = arith.cmpi ne, %convert_element_type3A_635, %cond3A_636 : i32
    scf.if %cond3A_637 {
      %mul3A_642 = arith.constant 6256 : i32
      %mul3A_643 = arith.muli %arg1, %mul3A_642 : i32
      %mul3A_644 = arith.constant 6256 : i32
      %mul3A_645 = arith.muli %arg1, %mul3A_644 : i32
      "tpu.region"() ({
        %run_scoped3A = tpu.sem_alloc : memref<!tpu.dma_semaphore, #tpu.memory_space<semaphore_mem>>
        %dma_start3A_646 = arith.constant 0 : i32
        %dma_start3A_647 = arith.constant 0 : i32
        %dma_start3A_648 = tpu.memref_slice %arg4[%arg0, %dma_start3A_646, %dma_start3A_647] : memref<2x100000x32xbf16, #tpu.memory_space<hbm>> -> memref<1x100000x32xbf16, #tpu.memory_space<hbm>>
        %dma_start3A_649 = tpu.memref_squeeze %dma_start3A_648 : memref<1x100000x32xbf16, #tpu.memory_space<hbm>> -> memref<100000x32xbf16, #tpu.memory_space<hbm>>
        %dma_start3A_650 = arith.constant 0 : i32
        %dma_start3A_651 = tpu.memref_slice %dma_start3A_649[%mul3A_645, %dma_start3A_650] : memref<100000x32xbf16, #tpu.memory_space<hbm>> -> memref<6256x32xbf16, #tpu.memory_space<hbm>>
        %dma_start3A_652 = arith.constant 0 : i32
        %dma_start3A_653 = tpu.memref_slice %arg13[%mul3A_643, %dma_start3A_652] : memref<100096x32xbf16, #tpu.memory_space<vmem_shared>> -> memref<6256x32xbf16, #tpu.memory_space<vmem_shared>>
        tpu.enqueue_dma source(%dma_start3A_653 : memref<6256x32xbf16, #tpu.memory_space<vmem_shared>>) target(%dma_start3A_651 : memref<6256x32xbf16, #tpu.memory_space<hbm>>) target_semaphore(%run_scoped3A : memref<!tpu.dma_semaphore, #tpu.memory_space<semaphore_mem>>)
        %dma_wait3A_654 = arith.constant 0 : i32
        %dma_wait3A_655 = arith.constant 0 : i32
        %dma_wait3A_656 = tpu.memref_slice %arg4[%arg0, %dma_wait3A_654, %dma_wait3A_655] : memref<2x100000x32xbf16, #tpu.memory_space<hbm>> -> memref<1x100000x32xbf16, #tpu.memory_space<hbm>>
        %dma_wait3A_657 = tpu.memref_squeeze %dma_wait3A_656 : memref<1x100000x32xbf16, #tpu.memory_space<hbm>> -> memref<100000x32xbf16, #tpu.memory_space<hbm>>
        %dma_wait3A_658 = arith.constant 0 : i32
        %dma_wait3A_659 = tpu.memref_slice %dma_wait3A_657[%mul3A_645, %dma_wait3A_658] : memref<100000x32xbf16, #tpu.memory_space<hbm>> -> memref<6256x32xbf16, #tpu.memory_space<hbm>>
        %dma_wait3A_660 = arith.constant 0 : i32
        %dma_wait3A_661 = tpu.memref_slice %arg13[%mul3A_643, %dma_wait3A_660] : memref<100096x32xbf16, #tpu.memory_space<vmem_shared>> -> memref<6256x32xbf16, #tpu.memory_space<vmem_shared>>
        tpu.wait_dma2 semaphore(%run_scoped3A : memref<!tpu.dma_semaphore, #tpu.memory_space<semaphore_mem>>) src(%dma_wait3A_661 : memref<6256x32xbf16, #tpu.memory_space<vmem_shared>>) dst(%dma_wait3A_659 : memref<6256x32xbf16, #tpu.memory_space<hbm>>)
        tpu.yield
      }) : () -> ()
    } else {
    }
    %eq3A = arith.constant 15 : i32
    %eq3A_638 = arith.cmpi eq, %arg1, %eq3A : i32
    %convert_element_type3A_639 = arith.extui %eq3A_638 : i1 to i32
    %cond3A_640 = arith.constant 0 : i32
    %cond3A_641 = arith.cmpi ne, %convert_element_type3A_639, %cond3A_640 : i32
    scf.if %cond3A_641 {
      "tpu.region"() ({
        %run_scoped3A = tpu.sem_alloc : memref<!tpu.dma_semaphore, #tpu.memory_space<semaphore_mem>>
        %dma_start3A_642 = arith.constant 0 : i32
        %dma_start3A_643 = arith.constant 0 : i32
        %dma_start3A_644 = tpu.memref_slice %arg4[%arg0, %dma_start3A_642, %dma_start3A_643] : memref<2x100000x32xbf16, #tpu.memory_space<hbm>> -> memref<1x100000x32xbf16, #tpu.memory_space<hbm>>
        %dma_start3A_645 = tpu.memref_squeeze %dma_start3A_644 : memref<1x100000x32xbf16, #tpu.memory_space<hbm>> -> memref<100000x32xbf16, #tpu.memory_space<hbm>>
        %dma_start3A_646 = arith.constant 93840 : i32
        %dma_start3A_647 = arith.constant 0 : i32
        %dma_start3A_648 = tpu.memref_slice %dma_start3A_645[%dma_start3A_646, %dma_start3A_647] : memref<100000x32xbf16, #tpu.memory_space<hbm>> -> memref<6160x32xbf16, #tpu.memory_space<hbm>>
        %dma_start3A_649 = arith.constant 93840 : i32
        %dma_start3A_650 = arith.constant 0 : i32
        %dma_start3A_651 = tpu.memref_slice %arg13[%dma_start3A_649, %dma_start3A_650] : memref<100096x32xbf16, #tpu.memory_space<vmem_shared>> -> memref<6160x32xbf16, #tpu.memory_space<vmem_shared>>
        tpu.enqueue_dma source(%dma_start3A_651 : memref<6160x32xbf16, #tpu.memory_space<vmem_shared>>) target(%dma_start3A_648 : memref<6160x32xbf16, #tpu.memory_space<hbm>>) target_semaphore(%run_scoped3A : memref<!tpu.dma_semaphore, #tpu.memory_space<semaphore_mem>>)
        %dma_wait3A_652 = arith.constant 0 : i32
        %dma_wait3A_653 = arith.constant 0 : i32
        %dma_wait3A_654 = tpu.memref_slice %arg4[%arg0, %dma_wait3A_652, %dma_wait3A_653] : memref<2x100000x32xbf16, #tpu.memory_space<hbm>> -> memref<1x100000x32xbf16, #tpu.memory_space<hbm>>
        %dma_wait3A_655 = tpu.memref_squeeze %dma_wait3A_654 : memref<1x100000x32xbf16, #tpu.memory_space<hbm>> -> memref<100000x32xbf16, #tpu.memory_space<hbm>>
        %dma_wait3A_656 = arith.constant 93840 : i32
        %dma_wait3A_657 = arith.constant 0 : i32
        %dma_wait3A_658 = tpu.memref_slice %dma_wait3A_655[%dma_wait3A_656, %dma_wait3A_657] : memref<100000x32xbf16, #tpu.memory_space<hbm>> -> memref<6160x32xbf16, #tpu.memory_space<hbm>>
        %dma_wait3A_659 = arith.constant 93840 : i32
        %dma_wait3A_660 = arith.constant 0 : i32
        %dma_wait3A_661 = tpu.memref_slice %arg13[%dma_wait3A_659, %dma_wait3A_660] : memref<100096x32xbf16, #tpu.memory_space<vmem_shared>> -> memref<6160x32xbf16, #tpu.memory_space<vmem_shared>>
        tpu.wait_dma2 semaphore(%run_scoped3A : memref<!tpu.dma_semaphore, #tpu.memory_space<semaphore_mem>>) src(%dma_wait3A_661 : memref<6160x32xbf16, #tpu.memory_space<vmem_shared>>) dst(%dma_wait3A_658 : memref<6160x32xbf16, #tpu.memory_space<hbm>>)
        tpu.yield
      }) : () -> ()
    } else {
    }
    return
  }
}

module attributes {stable_mosaic.version = 14 : i64} {
  func.func @_tc12_body(%arg0: i32, %arg1: memref<400x1536xf32, #tpu.memory_space<vmem>>, %arg2: memref<1536x640xbf16, #tpu.memory_space<vmem>>, %arg3: memref<1x640xf32, #tpu.memory_space<vmem>>, %arg4: memref<1x32x10x400xf32, #tpu.memory_space<vmem>>, %arg5: memref<10x320xf32, #tpu.memory_space<vmem>>, %arg6: memref<320x320xbf16, #tpu.memory_space<vmem>>, %arg7: memref<400x320xbf16, #tpu.memory_space<vmem>>, %arg8: memref<400x320xf32, #tpu.memory_space<vmem>>) attributes {dimension_semantics = [#tpu.dimension_semantics<arbitrary>], iteration_bounds = array<i64: 25>, scalar_prefetch = 0 : i64, scratch_operands = 0 : i64, tpu.core_type = #tpu.core_type<tc>, window_params = [{transform_indices = @transform_0, window_bounds = array<i64: 400, 1536>}, {pipeline_mode = #tpu.pipeline_mode<synchronous>, transform_indices = @transform_1, window_bounds = array<i64: 1536, 640>}, {pipeline_mode = #tpu.pipeline_mode<synchronous>, transform_indices = @transform_2, window_bounds = array<i64: 1, 640>}, {transform_indices = @transform_3, window_bounds = array<i64: 1, 32, 10, 400>}, {pipeline_mode = #tpu.pipeline_mode<synchronous>, transform_indices = @transform_4, window_bounds = array<i64: 10, 320>}, {pipeline_mode = #tpu.pipeline_mode<synchronous>, transform_indices = @transform_5, window_bounds = array<i64: 320, 320>}, {transform_indices = @transform_6, window_bounds = array<i64: 400, 320>}, {transform_indices = @transform_7, window_bounds = array<i64: 400, 320>}]} {
    %get3A = arith.constant 0 : index
    %get3A_0 = arith.constant 0 : index
    %get3A_1 = vector.load %arg1[%get3A, %get3A_0] : memref<400x1536xf32, #tpu.memory_space<vmem>>, vector<400x1536xf32>
    %convert_element_type3A = arith.truncf %get3A_1 : vector<400x1536xf32> to vector<400x1536xbf16>
    %get3A_2 = arith.constant 0 : index
    %get3A_3 = arith.constant 0 : index
    %get3A_4 = vector.load %arg2[%get3A_2, %get3A_3] : memref<1536x640xbf16, #tpu.memory_space<vmem>>, vector<1536x640xbf16>
    %dot_general3A = arith.constant dense<0.000000e+00> : vector<400x640xf32>
    %dot_general3A_5 = tpu.matmul %convert_element_type3A, %get3A_4, %dot_general3A {dimension_numbers = #tpu.dot_dimension_numbers<[1], [0], [0], [1], [0, 0, 1, 1], [], []>, transpose_lhs_hint = false} : vector<400x1536xbf16>, vector<1536x640xbf16>, vector<400x640xf32> -> vector<400x640xf32>
    %get3A_6 = arith.constant 0 : index
    %get3A_7 = arith.constant 0 : index
    %get3A_8 = vector.load %arg3[%get3A_6, %get3A_7] : memref<1x640xf32, #tpu.memory_space<vmem>>, vector<1x640xf32>
    %add3A = vector.broadcast %get3A_8 : vector<1x640xf32> to vector<400x640xf32>
    %add3A_9 = arith.addf %dot_general3A_5, %add3A : vector<400x640xf32>
    %slice3A = vector.extract_strided_slice %add3A_9 {offsets = [0, 0], sizes = [400, 320], strides = [1, 1]} : vector<400x640xf32> to vector<400x320xf32>
    %slice3A_10 = vector.extract_strided_slice %add3A_9 {offsets = [0, 320], sizes = [400, 320], strides = [1, 1]} : vector<400x640xf32> to vector<400x320xf32>
    %logistic3A = arith.negf %slice3A_10 : vector<400x320xf32>
    %logistic3A_11 = math.exp %logistic3A : vector<400x320xf32>
    %logistic3A_12 = arith.constant 1.000000e+00 : f32
    %logistic3A_13 = vector.broadcast %logistic3A_12 : f32 to vector<400x320xf32>
    %logistic3A_14 = arith.addf %logistic3A_13, %logistic3A_11 : vector<400x320xf32>
    %logistic3A_15 = arith.divf %logistic3A_13, %logistic3A_14 : vector<400x320xf32>
    %mul3A = arith.mulf %slice3A, %logistic3A_15 : vector<400x320xf32>
    %get3A_16 = arith.constant 0 : index
    %get3A_17 = arith.constant 0 : index
    %get3A_18 = arith.constant 0 : index
    %get3A_19 = arith.constant 0 : index
    %get3A_20 = vector.load %arg4[%get3A_16, %get3A_17, %get3A_18, %get3A_19] : memref<1x32x10x400xf32, #tpu.memory_space<vmem>>, vector<1x32x10x400xf32>
    %get3A_21 = vector.shape_cast %get3A_20 : vector<1x32x10x400xf32> to vector<32x10x400xf32>
    %reduce_sum3A = arith.constant dense<0.000000e+00> : vector<10x400xf32>
    %reduce_sum3A_22 = vector.multi_reduction <add>, %get3A_21, %reduce_sum3A [0] : vector<32x10x400xf32> to vector<10x400xf32>
    %add3A_23 = arith.constant 1.000000e+00 : f32
    %add3A_24 = vector.broadcast %add3A_23 : f32 to vector<10x400xf32>
    %add3A_25 = arith.addf %reduce_sum3A_22, %add3A_24 : vector<10x400xf32>
    %rsqrt3A = math.rsqrt %add3A_25 : vector<10x400xf32>
    %get3A_26 = arith.constant 0 : index
    %get3A_27 = arith.constant 0 : index
    %get3A_28 = vector.load %arg5[%get3A_26, %get3A_27] : memref<10x320xf32, #tpu.memory_space<vmem>>, vector<10x320xf32>
    %dot_general3A_29 = arith.constant dense<0.000000e+00> : vector<400x320xf32>
    %dot_general3A_30 = tpu.matmul %rsqrt3A, %get3A_28, %dot_general3A_29 {dimension_numbers = #tpu.dot_dimension_numbers<[0], [0], [1], [1], [0, 1, 1, 1], [], []>, transpose_lhs_hint = false} : vector<10x400xf32>, vector<10x320xf32>, vector<400x320xf32> -> vector<400x320xf32>
    %mul3A_31 = arith.mulf %mul3A, %dot_general3A_30 : vector<400x320xf32>
    %convert_element_type3A_32 = arith.truncf %mul3A_31 : vector<400x320xf32> to vector<400x320xbf16>
    %get3A_33 = arith.constant 0 : index
    %get3A_34 = arith.constant 0 : index
    %get3A_35 = vector.load %arg6[%get3A_33, %get3A_34] : memref<320x320xbf16, #tpu.memory_space<vmem>>, vector<320x320xbf16>
    %dot_general3A_36 = arith.constant dense<0.000000e+00> : vector<400x320xf32>
    %dot_general3A_37 = tpu.matmul %convert_element_type3A_32, %get3A_35, %dot_general3A_36 {dimension_numbers = #tpu.dot_dimension_numbers<[1], [0], [0], [1], [0, 0, 1, 1], [], []>, transpose_lhs_hint = false} : vector<400x320xbf16>, vector<320x320xbf16>, vector<400x320xf32> -> vector<400x320xf32>
    %convert_element_type3A_38 = arith.truncf %dot_general3A_37 : vector<400x320xf32> to vector<400x320xbf16>
    %swap3A = arith.constant 0 : index
    %swap3A_39 = arith.constant 0 : index
    %swap3A_40 = vector.load %arg7[%swap3A, %swap3A_39] : memref<400x320xbf16, #tpu.memory_space<vmem>>, vector<400x320xbf16>
    tpu.vector_store %arg7[%swap3A, %swap3A_39], %convert_element_type3A_38 {strides = array<i32>} : memref<400x320xbf16, #tpu.memory_space<vmem>>, vector<400x320xbf16>,
    %swap3A_41 = arith.constant 0 : index
    %swap3A_42 = arith.constant 0 : index
    %swap3A_43 = vector.load %arg8[%swap3A_41, %swap3A_42] : memref<400x320xf32, #tpu.memory_space<vmem>>, vector<400x320xf32>
    tpu.vector_store %arg8[%swap3A_41, %swap3A_42], %dot_general3A_30 {strides = array<i32>} : memref<400x320xf32, #tpu.memory_space<vmem>>, vector<400x320xf32>,
    return
  }
  func.func @transform_0(%arg0: i32) -> (i32, i32) {
    %c0_i32 = arith.constant 0 : i32
    %c0_i32_0 = arith.constant 0 : i32
    return %arg0, %c0_i32 : i32, i32
  }
  func.func @transform_1(%arg0: i32) -> (i32, i32) {
    %c0_i32 = arith.constant 0 : i32
    %c0_i32_0 = arith.constant 0 : i32
    %c0_i32_1 = arith.constant 0 : i32
    return %c0_i32, %c0_i32_0 : i32, i32
  }
  func.func @transform_2(%arg0: i32) -> (i32, i32) {
    %c0_i32 = arith.constant 0 : i32
    %c0_i32_0 = arith.constant 0 : i32
    %c0_i32_1 = arith.constant 0 : i32
    return %c0_i32, %c0_i32_0 : i32, i32
  }
  func.func @transform_3(%arg0: i32) -> (i32, i32, i32, i32) {
    %c0_i32 = arith.constant 0 : i32
    %c0_i32_0 = arith.constant 0 : i32
    %c0_i32_1 = arith.constant 0 : i32
    %c0_i32_2 = arith.constant 0 : i32
    return %arg0, %c0_i32, %c0_i32_0, %c0_i32_1 : i32, i32, i32, i32
  }
  func.func @transform_4(%arg0: i32) -> (i32, i32) {
    %c0_i32 = arith.constant 0 : i32
    %c0_i32_0 = arith.constant 0 : i32
    %c0_i32_1 = arith.constant 0 : i32
    return %c0_i32, %c0_i32_0 : i32, i32
  }
  func.func @transform_5(%arg0: i32) -> (i32, i32) {
    %c0_i32 = arith.constant 0 : i32
    %c0_i32_0 = arith.constant 0 : i32
    %c0_i32_1 = arith.constant 0 : i32
    return %c0_i32, %c0_i32_0 : i32, i32
  }
  func.func @transform_6(%arg0: i32) -> (i32, i32) {
    %c0_i32 = arith.constant 0 : i32
    %c0_i32_0 = arith.constant 0 : i32
    return %arg0, %c0_i32 : i32, i32
  }
  func.func @transform_7(%arg0: i32) -> (i32, i32) {
    %c0_i32 = arith.constant 0 : i32
    %c0_i32_0 = arith.constant 0 : i32
    return %arg0, %c0_i32 : i32, i32
  }
}

module attributes {stable_mosaic.version = 14 : i64} {
  func.func @_tc3_body(%arg0: i32, %arg1: memref<2x400x320xbf16, #tpu.memory_space<vmem>>, %arg2: memref<400x320xbf16, #tpu.memory_space<vmem>>, %arg3: memref<400x320xf32, #tpu.memory_space<vmem>>, %arg4: memref<1x320xf32, #tpu.memory_space<vmem>>, %arg5: memref<320x1024xbf16, #tpu.memory_space<vmem>>, %arg6: memref<1x1024xf32, #tpu.memory_space<vmem>>, %arg7: memref<1x512xf32, #tpu.memory_space<vmem>>, %arg8: memref<1x512xf32, #tpu.memory_space<vmem>>, %arg9: memref<400x512xf32, #tpu.memory_space<vmem>>) attributes {dimension_semantics = [#tpu.dimension_semantics<arbitrary>], iteration_bounds = array<i64: 25>, scalar_prefetch = 0 : i64, scratch_operands = 0 : i64, tpu.core_type = #tpu.core_type<tc>, window_params = [{transform_indices = @transform_0, window_bounds = array<i64: 2, 400, 320>}, {transform_indices = @transform_1, window_bounds = array<i64: 400, 320>}, {transform_indices = @transform_2, window_bounds = array<i64: 400, 320>}, {pipeline_mode = #tpu.pipeline_mode<synchronous>, transform_indices = @transform_3, window_bounds = array<i64: 1, 320>}, {pipeline_mode = #tpu.pipeline_mode<synchronous>, transform_indices = @transform_4, window_bounds = array<i64: 320, 1024>}, {pipeline_mode = #tpu.pipeline_mode<synchronous>, transform_indices = @transform_5, window_bounds = array<i64: 1, 1024>}, {pipeline_mode = #tpu.pipeline_mode<synchronous>, transform_indices = @transform_6, window_bounds = array<i64: 1, 512>}, {pipeline_mode = #tpu.pipeline_mode<synchronous>, transform_indices = @transform_7, window_bounds = array<i64: 1, 512>}, {transform_indices = @transform_8, window_bounds = array<i64: 400, 512>}]} {
    %get3A = arith.constant 0 : index
    %get3A_0 = arith.constant 0 : index
    %get3A_1 = arith.constant 0 : index
    %get3A_2 = vector.load %arg1[%get3A, %get3A_0, %get3A_1] : memref<2x400x320xbf16, #tpu.memory_space<vmem>>, vector<2x400x320xbf16>
    %convert_element_type3A = arith.extf %get3A_2 : vector<2x400x320xbf16> to vector<2x400x320xf32>
    %slice3A = vector.extract_strided_slice %convert_element_type3A {offsets = [0, 0, 0], sizes = [1, 400, 320], strides = [1, 1, 1]} : vector<2x400x320xf32> to vector<1x400x320xf32>
    %squeeze3A = vector.shape_cast %slice3A : vector<1x400x320xf32> to vector<400x320xf32>
    %slice3A_3 = vector.extract_strided_slice %convert_element_type3A {offsets = [1, 0, 0], sizes = [1, 400, 320], strides = [1, 1, 1]} : vector<2x400x320xf32> to vector<1x400x320xf32>
    %squeeze3A_4 = vector.shape_cast %slice3A_3 : vector<1x400x320xf32> to vector<400x320xf32>
    %add3A = arith.addf %squeeze3A, %squeeze3A_4 : vector<400x320xf32>
    %get3A_5 = arith.constant 0 : index
    %get3A_6 = arith.constant 0 : index
    %get3A_7 = vector.load %arg2[%get3A_5, %get3A_6] : memref<400x320xbf16, #tpu.memory_space<vmem>>, vector<400x320xbf16>
    %convert_element_type3A_8 = arith.extf %get3A_7 : vector<400x320xbf16> to vector<400x320xf32>
    %add3A_9 = arith.addf %add3A, %convert_element_type3A_8 : vector<400x320xf32>
    %get3A_10 = arith.constant 0 : index
    %get3A_11 = arith.constant 0 : index
    %get3A_12 = vector.load %arg3[%get3A_10, %get3A_11] : memref<400x320xf32, #tpu.memory_space<vmem>>, vector<400x320xf32>
    %mul3A = arith.mulf %get3A_12, %add3A_9 : vector<400x320xf32>
    %get3A_13 = arith.constant 0 : index
    %get3A_14 = arith.constant 0 : index
    %get3A_15 = vector.load %arg4[%get3A_13, %get3A_14] : memref<1x320xf32, #tpu.memory_space<vmem>>, vector<1x320xf32>
    %add3A_16 = vector.broadcast %get3A_15 : vector<1x320xf32> to vector<400x320xf32>
    %add3A_17 = arith.addf %mul3A, %add3A_16 : vector<400x320xf32>
    %max3A = arith.constant 0.000000e+00 : f32
    %max3A_18 = vector.broadcast %max3A : f32 to vector<400x320xf32>
    %max3A_19 = arith.maximumf %add3A_17, %max3A_18 : vector<400x320xf32>
    %convert_element_type3A_20 = arith.truncf %max3A_19 : vector<400x320xf32> to vector<400x320xbf16>
    %get3A_21 = arith.constant 0 : index
    %get3A_22 = arith.constant 0 : index
    %get3A_23 = vector.load %arg5[%get3A_21, %get3A_22] : memref<320x1024xbf16, #tpu.memory_space<vmem>>, vector<320x1024xbf16>
    %dot_general3A = arith.constant dense<0.000000e+00> : vector<400x1024xf32>
    %dot_general3A_24 = tpu.matmul %convert_element_type3A_20, %get3A_23, %dot_general3A {dimension_numbers = #tpu.dot_dimension_numbers<[1], [0], [0], [1], [0, 0, 1, 1], [], []>, transpose_lhs_hint = false} : vector<400x320xbf16>, vector<320x1024xbf16>, vector<400x1024xf32> -> vector<400x1024xf32>
    %get3A_25 = arith.constant 0 : index
    %get3A_26 = arith.constant 0 : index
    %get3A_27 = vector.load %arg6[%get3A_25, %get3A_26] : memref<1x1024xf32, #tpu.memory_space<vmem>>, vector<1x1024xf32>
    %add3A_28 = vector.broadcast %get3A_27 : vector<1x1024xf32> to vector<400x1024xf32>
    %add3A_29 = arith.addf %dot_general3A_24, %add3A_28 : vector<400x1024xf32>
    %slice3A_30 = vector.extract_strided_slice %add3A_29 {offsets = [0, 0], sizes = [400, 512], strides = [1, 1]} : vector<400x1024xf32> to vector<400x512xf32>
    %slice3A_31 = vector.extract_strided_slice %add3A_29 {offsets = [0, 512], sizes = [400, 512], strides = [1, 1]} : vector<400x1024xf32> to vector<400x512xf32>
    %logistic3A = arith.negf %slice3A_31 : vector<400x512xf32>
    %logistic3A_32 = math.exp %logistic3A : vector<400x512xf32>
    %logistic3A_33 = arith.constant 1.000000e+00 : f32
    %logistic3A_34 = vector.broadcast %logistic3A_33 : f32 to vector<400x512xf32>
    %logistic3A_35 = arith.addf %logistic3A_34, %logistic3A_32 : vector<400x512xf32>
    %logistic3A_36 = arith.divf %logistic3A_34, %logistic3A_35 : vector<400x512xf32>
    %mul3A_37 = arith.mulf %slice3A_30, %logistic3A_36 : vector<400x512xf32>
    %reduce_sum3A = arith.constant dense<0.000000e+00> : vector<400xf32>
    %reduce_sum3A_38 = vector.multi_reduction <add>, %mul3A_37, %reduce_sum3A [1] : vector<400x512xf32> to vector<400xf32>
    %broadcast_in_dim3A = vector.shape_cast %reduce_sum3A_38 : vector<400xf32> to vector<400x1xf32>
    %div3A = arith.constant 5.120000e+02 : f32
    %div3A_39 = vector.broadcast %div3A : f32 to vector<400x1xf32>
    %div3A_40 = arith.divf %broadcast_in_dim3A, %div3A_39 : vector<400x1xf32>
    %mul3A_41 = arith.mulf %mul3A_37, %mul3A_37 : vector<400x512xf32>
    %reduce_sum3A_42 = arith.constant dense<0.000000e+00> : vector<400xf32>
    %reduce_sum3A_43 = vector.multi_reduction <add>, %mul3A_41, %reduce_sum3A_42 [1] : vector<400x512xf32> to vector<400xf32>
    %broadcast_in_dim3A_44 = vector.shape_cast %reduce_sum3A_43 : vector<400xf32> to vector<400x1xf32>
    %div3A_45 = arith.constant 5.120000e+02 : f32
    %div3A_46 = vector.broadcast %div3A_45 : f32 to vector<400x1xf32>
    %div3A_47 = arith.divf %broadcast_in_dim3A_44, %div3A_46 : vector<400x1xf32>
    %mul3A_48 = arith.mulf %div3A_40, %div3A_40 : vector<400x1xf32>
    %sub3A = arith.subf %div3A_47, %mul3A_48 : vector<400x1xf32>
    %sub3A_49 = vector.broadcast %div3A_40 : vector<400x1xf32> to vector<400x512xf32>
    %sub3A_50 = arith.subf %mul3A_37, %sub3A_49 : vector<400x512xf32>
    %add3A_51 = arith.constant 9.99999974E-6 : f32
    %add3A_52 = vector.broadcast %add3A_51 : f32 to vector<400x1xf32>
    %add3A_53 = arith.addf %sub3A, %add3A_52 : vector<400x1xf32>
    %rsqrt3A = math.rsqrt %add3A_53 : vector<400x1xf32>
    %mul3A_54 = vector.broadcast %rsqrt3A : vector<400x1xf32> to vector<400x512xf32>
    %mul3A_55 = arith.mulf %sub3A_50, %mul3A_54 : vector<400x512xf32>
    %get3A_56 = arith.constant 0 : index
    %get3A_57 = arith.constant 0 : index
    %get3A_58 = vector.load %arg7[%get3A_56, %get3A_57] : memref<1x512xf32, #tpu.memory_space<vmem>>, vector<1x512xf32>
    %mul3A_59 = vector.broadcast %get3A_58 : vector<1x512xf32> to vector<400x512xf32>
    %mul3A_60 = arith.mulf %mul3A_55, %mul3A_59 : vector<400x512xf32>
    %get3A_61 = arith.constant 0 : index
    %get3A_62 = arith.constant 0 : index
    %get3A_63 = vector.load %arg8[%get3A_61, %get3A_62] : memref<1x512xf32, #tpu.memory_space<vmem>>, vector<1x512xf32>
    %add3A_64 = vector.broadcast %get3A_63 : vector<1x512xf32> to vector<400x512xf32>
    %add3A_65 = arith.addf %mul3A_60, %add3A_64 : vector<400x512xf32>
    %swap3A = arith.constant 0 : index
    %swap3A_66 = arith.constant 0 : index
    %swap3A_67 = vector.load %arg9[%swap3A, %swap3A_66] : memref<400x512xf32, #tpu.memory_space<vmem>>, vector<400x512xf32>
    tpu.vector_store %arg9[%swap3A, %swap3A_66], %add3A_65 {strides = array<i32>} : memref<400x512xf32, #tpu.memory_space<vmem>>, vector<400x512xf32>,
    return
  }
  func.func @transform_0(%arg0: i32) -> (i32, i32, i32) {
    %c0_i32 = arith.constant 0 : i32
    %c0_i32_0 = arith.constant 0 : i32
    %c0_i32_1 = arith.constant 0 : i32
    return %c0_i32, %arg0, %c0_i32_0 : i32, i32, i32
  }
  func.func @transform_1(%arg0: i32) -> (i32, i32) {
    %c0_i32 = arith.constant 0 : i32
    %c0_i32_0 = arith.constant 0 : i32
    return %arg0, %c0_i32 : i32, i32
  }
  func.func @transform_2(%arg0: i32) -> (i32, i32) {
    %c0_i32 = arith.constant 0 : i32
    %c0_i32_0 = arith.constant 0 : i32
    return %arg0, %c0_i32 : i32, i32
  }
  func.func @transform_3(%arg0: i32) -> (i32, i32) {
    %c0_i32 = arith.constant 0 : i32
    %c0_i32_0 = arith.constant 0 : i32
    %c0_i32_1 = arith.constant 0 : i32
    return %c0_i32, %c0_i32_0 : i32, i32
  }
  func.func @transform_4(%arg0: i32) -> (i32, i32) {
    %c0_i32 = arith.constant 0 : i32
    %c0_i32_0 = arith.constant 0 : i32
    %c0_i32_1 = arith.constant 0 : i32
    return %c0_i32, %c0_i32_0 : i32, i32
  }
  func.func @transform_5(%arg0: i32) -> (i32, i32) {
    %c0_i32 = arith.constant 0 : i32
    %c0_i32_0 = arith.constant 0 : i32
    %c0_i32_1 = arith.constant 0 : i32
    return %c0_i32, %c0_i32_0 : i32, i32
  }
  func.func @transform_6(%arg0: i32) -> (i32, i32) {
    %c0_i32 = arith.constant 0 : i32
    %c0_i32_0 = arith.constant 0 : i32
    %c0_i32_1 = arith.constant 0 : i32
    return %c0_i32, %c0_i32_0 : i32, i32
  }
  func.func @transform_7(%arg0: i32) -> (i32, i32) {
    %c0_i32 = arith.constant 0 : i32
    %c0_i32_0 = arith.constant 0 : i32
    %c0_i32_1 = arith.constant 0 : i32
    return %c0_i32, %c0_i32_0 : i32, i32
  }
  func.func @transform_8(%arg0: i32) -> (i32, i32) {
    %c0_i32 = arith.constant 0 : i32
    %c0_i32_0 = arith.constant 0 : i32
    return %arg0, %c0_i32 : i32, i32
  }
}

</mosaic_0001>

<sc_bundles>
// kernel: kernel.6.cloned.1.call-start
scs
__scs_entry_jumppad:
0x0: {  	(pc) =	sbr.rel $0x88, $3  }
0x1: {  	(tag) =	ssettag $0x0;
	lr =	simm.s32 $0x1  }
0x2: {  	[smem:$0x3F97] =	sst lr;
	_ =	strace $0xD0000000  }
0x3: {  	_ = 	snop  }
0x4: {  	_ = 	snop  }
0x5: {  	_ = 	snop  }
0x6: {  	_ = 	snop  }
0x7: {  	_ = 	snop  }
__scs_overlays_trampoline_lowered:
0x8: {  	[smem:$0x3FA6] =	sst s0  }
0x9: {  	[smem:$0x3FA7] =	sst s1  }
0xa: {  	[smem:$0x3FA8] =	sst s2  }
0xb: {  	[smem:$0x3FA9] =	sst s3  }
0xc: {  	[smem:$0x3FAA] =	sst s4  }
0xd: {  	[smem:$0x3FAB] =	sst s5  }
0xe: {  	[smem:$0x3FAC] =	sst s6  }
0xf: {  	[smem:$0x3FAD] =	sst s7  }
0x10: {  	[smem:$0x3FAE] =	sst s8  }
0x11: {  	[smem:$0x3FAF] =	sst s9;
	s0 =	simm.s32 @!p0 $0x0  }
0x12: {  	s1 =	sld [smem:$0x3F95];
	s0 =	simm.s32 @p0 $0x1  }
0x13: {  	[smem:$0x3FB0] =	sst s0;
	s0 =	simm.s32 @!p1 $0x0  }
0x14: {  	s2 =	sld [smem:$0x3F94];
	s0 =	simm.s32 @p1 $0x1  }
0x15: {  	[smem:$0x3FB1] =	sst s0;
	s0 =	simm.s32 @!p2 $0x0  }
0x16: {  	s3 =	sld [smem:$0x3FDB];
	s0 =	simm.s32 @p2 $0x1  }
0x17: {  	s4 =	simm.s32 $0x1BF5;
	[smem:$0x3FB3] =	sst s0  }
0x18: {  	s0 =	sld [smem:$0x3F96];
	_ =	swait.ge [sflag:s4], $0x0  }
0x19: {  	s7 =	sld [smem:$0x3F97]  }
0x1a: {  	s8 =	sadd.s32 $0xFFFFE003, lr  }
0x1b: {  	s9 =	sadd.s32 $0xFFFFFEF7, lr;
	s5 =	simm.s32 $0xFFFFFFFF;
	p2 =	slt.u32 s8, $0xFFFFF086  }
0x1c: {  	p1 =	slt.u32 s9, $0xF7A;
	s5 =	simm.s32 @!p2 $0x0  }
0x1d: {  	s5 =	simm.s32 @p1 $0x1;
	p0 =	seq.s32 s7, s2  }
0x1e: {  	s7 =	smul.u32 @!p0 $0xF7A, s2;
	p2 =	seq.s32 @!p0 s5, $0x0  }
0x1f: {  	s9 =	smul.u32 $0xF7A, s1;
	s8 =	simm.s32 @!p0 $0x1BF5;
	p2 =	por !p2, p0  }
0x20: {  	[sflag:s8] =	ssyncset.s32 @!p0 $0xFFFFF086;
	s6 =	sadd.s32 @!p0 s3, s7;
	s7 =	simm.s32 @!p0 $0x108  }
0x21: {  	s3 =	sadd.s32 s3, s9;
	s6 =	sadd.s32 @!p0 $0x88, s6;
	s7 =	simm.s32 @p2 $0x1082  }
0x22: {  	[simem:s7], [sflag:s8] =	dma.local @!p0 [hbm:s6], $0xF7A  }
0x23: {  	s9 =	sor.u32 $0xD0000000, s2;
	s6 =	simm.s32 $0x108;
	_ =	swait.ge @!p0 [sflag:s8], $0x0  }
0x24: {  	s3 =	sadd.s32 $0x88, s3;
	s6 =	simm.s32 @!p1 $0x1082;
	[sflag:s4] =	ssyncset.s32 $0xFFFFF086  }
0x25: {  	[simem:s6], [sflag:s4] =	dma.local [hbm:s3], $0xF7A  }
0x26: {  	[smem:$0x3F97] =	sst s1;
	(tag) =	ssettag s2;
	_ =	strace s9  }
0x27: {  	s1 =	sld [smem:$0x3FA7]  }
0x28: {  	s2 =	sld [smem:$0x3FA8]  }
0x29: {  	s4 =	sld [smem:$0x3FAA]  }
0x2a: {  	p0 =	seq.s32 s5, $0x0;
	s5 =	sld [smem:$0x3FAB]  }
0x2b: {  	s6 =	sld [smem:$0x3FAC]  }
0x2c: {  	s7 =	sld [smem:$0x3FAD]  }
0x2d: {  	s3 =	simm.s32 $0x108;
	s8 =	sld [smem:$0x3FAE]  }
0x2e: {  	s3 =	simm.s32 @!p0 $0x1082;
	s9 =	sld [smem:$0x3FAF]  }
0x2f: {  	lr =	sadd.s32 s0, s3;
	s0 =	sld [smem:$0x3FA6]  }
0x30: {  	s3 =	sld [smem:$0x3FA9]  }
0x31: {  	[smem:$0x3FB2] =	sst s10  }
0x32: {  	s10 =	sld [smem:$0x3FB0];
	_ =	sdelay $0x3  }
0x33: {  	p0 =	seq.s32 s10, $0x1;
	s10 =	sld [smem:$0x3FB2];
	_ =	sdelay $0x3  }
0x34: {  	[smem:$0x3FB2] =	sst s10  }
0x35: {  	s10 =	sld [smem:$0x3FB1];
	_ =	sdelay $0x3  }
0x36: {  	p1 =	seq.s32 s10, $0x1;
	s10 =	sld [smem:$0x3FB2];
	_ =	sdelay $0x3  }
0x37: {  	[smem:$0x3FB2] =	sst s10  }
0x38: {  	s10 =	sld [smem:$0x3FB3]  }
0x39: {  	_ = 	snop;
	(pc) =	sbr.ind lr, $3  }
0x3a: {  	_ = 	snop  }
0x3b: {  	_ = 	snop  }
0x3c: {  	p2 =	seq.s32 s10, $0x1;
	s10 =	sld [smem:$0x3FB2]  }
0x3d: {  	_ =	shalt  }
0x3e: {  	_ =	shalt  }
0x3f: {  	_ =	shalt  }
0x40: {  	_ =	shalt  }
0x41: {  	_ =	shalt  }
0x42: {  	_ =	shalt  }
0x43: {  	_ =	shalt  }
0x44: {  	_ =	shalt  }
0x45: {  	_ =	shalt  }
0x46: {  	_ =	shalt  }
0x47: {  	_ =	shalt  }
0x48: {  	_ =	shalt  }
0x49: {  	_ =	shalt  }
0x4a: {  	_ =	shalt  }
0x4b: {  	_ =	shalt  }
0x4c: {  	_ =	shalt  }
0x4d: {  	_ =	shalt  }
0x4e: {  	_ =	shalt  }
0x4f: {  	_ =	shalt  }
0x50: {  	_ =	shalt  }
0x51: {  	_ =	shalt  }
0x52: {  	_ =	shalt  }
0x53: {  	_ =	shalt  }
0x54: {  	_ =	shalt  }
0x55: {  	_ =	shalt  }
0x56: {  	_ =	shalt  }
0x57: {  	_ =	shalt  }
0x58: {  	_ =	shalt  }
0x59: {  	_ =	shalt  }
0x5a: {  	_ =	shalt  }
0x5b: {  	_ =	shalt  }
0x5c: {  	_ =	shalt  }
0x5d: {  	_ =	shalt  }
0x5e: {  	_ =	shalt  }
0x5f: {  	_ =	shalt  }
0x60: {  	_ =	shalt  }
0x61: {  	_ =	shalt  }
0x62: {  	_ =	shalt  }
0x63: {  	_ =	shalt  }
0x64: {  	_ =	shalt  }
0x65: {  	_ =	shalt  }
0x66: {  	_ =	shalt  }
0x67: {  	_ =	shalt  }
0x68: {  	_ =	shalt  }
0x69: {  	_ =	shalt  }
0x6a: {  	_ =	shalt  }
0x6b: {  	_ =	shalt  }
0x6c: {  	_ =	shalt  }
0x6d: {  	_ =	shalt  }
0x6e: {  	_ =	shalt  }
0x6f: {  	_ =	shalt  }
0x70: {  	_ =	shalt  }
0x71: {  	_ =	shalt  }
0x72: {  	_ =	shalt  }
0x73: {  	_ =	shalt  }
0x74: {  	_ =	shalt  }
0x75: {  	_ =	shalt  }
0x76: {  	_ =	shalt  }
0x77: {  	_ =	shalt  }
0x78: {  	_ =	shalt  }
0x79: {  	_ =	shalt  }
0x7a: {  	_ =	shalt  }
0x7b: {  	_ =	shalt  }
0x7c: {  	_ =	shalt  }
0x7d: {  	_ =	shalt  }
0x7e: {  	_ =	shalt  }
0x7f: {  	_ =	shalt  }
0x80: {  	_ =	shalt  }
0x81: {  	_ =	shalt  }
0x82: {  	_ =	shalt  }
0x83: {  	_ =	shalt  }
0x84: {  	_ =	shalt  }
0x85: {  	_ =	shalt  }
0x86: {  	_ =	shalt  }
0x87: {  	_ =	shalt  }
.Lfunc_end0:
.L_simem_size_0:
called_computation_lowered:
.L_overlay_start_0:
0x88: {  	s2 =	sld [smem:$0x3FD9]  }
0x89: {  	s3 =	sld [smem:$0x3FFE];
	_ =	sdelay $0x1  }
0x8a: {  	s1 =	srdreg.scid  }
0x8b: {  	s0 =	sand.u32 $0x1, s1  }
0x8c: {  	s17 =	sshll.u32 s0, $0xA;
	s2 =	sadd.s32 s3, s2  }
0x8d: {  	s2 =	sadd.s32 s2, s17  }
0x8e: {  	[smem:$0x3FBE] =	sst s2  }
0x8f: {  	_ = 	snop  }
0x90: {  	s2 =	sld [smem:$0x3FD0];
	(tm) =	ssettm $0x1  }
0x91: {  	s18 =	sld [smem:$0x3FFB];
	_ =	sdelay $0x3  }
0x92: {  	_ =	strace s18  }
0x93: {  	s3 =	sld [smem:$0x3FFC];
	_ =	sdelay $0x3  }
0x94: {  	_ =	strace s3  }
0x95: {  	s3 =	sld [smem:$0x3FFD];
	_ =	sdelay $0x3  }
0x96: {  	_ =	strace s3  }
0x97: {  	_ =	strace $0x8FFFFFFF  }
0x98: {  	s19 =	sld [smem:$0x3FDB];
	_ =	sdelay $0x1  }
0x99: {  	s4 =	simm.s32 $_scs_section_size  }
0x9a: {  	s5 =	simm.s32 $_size__tile_overlayer_lowered;
	s6 =	simm.s32 $_tile_overlayer_lowered  }
0x9b: {  	s22 =	simm.s32 $0x1BFF;
	s21 =	sshll.u32 s6, $0x1;
	s3 =	sadd.s32 s4, s19  }
0x9c: {  	s7 =	simm.s32 $0x0;
	s20 =	sshll.u32 s5, $0x1;
	s5 =	sadd.s32 s21, s3  }
0x9d: {  	[timem:s7], [sflag:s22] =	dma.local [hbm:s5], s20  }
0x9e: {  	_ =	swait.ge [sflag:s22], s20  }
0x9f: {  	s4 =	ssub.s32 $0x0, s20;
	[sflag:s22] =	ssyncset.done $0x0  }
0xa0: {  	[sflag:s22] =	ssyncadd.s32 s4;
	_ =	sdelay $0x1  }
0xa1: {  	s23 =	simm.s32 $0x1B8B  }
0xa2: {  	_ =	swait.ge [sflag:s23], $0x1  }
0xa3: {  	[sflag:s23] =	ssyncset.done $0x0  }
0xa4: {  	s25 =	simm.s32 $0x1B8E;
	s24 =	sld [smem:$0x3FFE];
	[sflag:s23] =	ssyncadd.s32 $0xFFFFFFFF  }
0xa5: {  	s26 =	simm.s32 $execute0_lowered;
	[smem:$0x3FD2] =	sst s25  }
0xa6: {  	s5 =	sshll.u32 s26, $0x1;
	_ =	strace $0x80000046;
	[dreg:$0x1] =	wrdreg $0xFFFFFFFF  }
0xa7: {  	s28 =	simm.s32 $_size_execute0_lowered;
	s3 =	sadd.s32 s3, s5;
	[dreg:$0x0] =	wrdreg $0x0  }
0xa8: {  	s5 =	sshll.u32 s28, $0x1;
	[dreg:$0x2] =	wrdreg s3  }
0xa9: {  	[dreg:$0x3] =	wrdreg s5  }
0xaa: {  	[dreg:$0x4] =	wrdreg $0xC0  }
0xab: {  	_ =	task [dreg:s7], $0x5FFFF  }
0xac: {  	[dreg:$0x1] =	wrdreg $0xFFFFFFFF  }
0xad: {  	[dreg:$0x0] =	wrdreg $0x60  }
0xae: {  	[dreg:$0x2] =	wrdreg s24  }
0xaf: {  	[dreg:$0x3] =	wrdreg s2  }
0xb0: {  	[dreg:$0x4] =	wrdreg $0x9  }
0xb1: {  	_ =	task.clear_ibuf [dreg:s7], $0x5FFFF;
	_ =	strace $0x90000046  }
0xb2: {  	s29 =	simm.s32 $0x9;
	_ =	strace $0x80000048  }
0xb3: {  	_ =	swait.ge [sflag:s29], $0x1  }
0xb4: {  	[sflag:s29] =	ssyncadd.s32 $0xFFFFFFFF  }
0xb5: {  	_ =	strace $0x90000048  }
0xb6: {  	_ =	sfence  }
0xb7: {  	s30 =	sld [smem:$0x0];
	_ =	sdelay $0x2  }
0xb8: {  	s31 =	sshll.u32 s1, $0xD;
	s1 =	sshrl.u32 s1, $0x2  }
0xb9: {  	s3 =	sand.u32 $0x4000, s31;
	s1 =	sadd.s32 s1, s30  }
0xba: {  	s0 =	sor.u32 s3, s0;
	s1 =	sshll.u32 s1, $0x11  }
0xbb: {  	s0 =	sor.u32 s1, s0  }
0xbc: {  	s0 =	sadd.s32 $0x8F2B, s0  }
0xbd: {  	[sflag:s0] =	ssyncadd.remote.s32 $0x1  }
0xbe: {  	_ =	sfence.sel $0xFFFF  }
0xbf: {  	[dreg:$0x0] =	wrdreg $0xFFFFFFFF;
	(pc) =	sbr.abs _section_cstart, $3  }
0xc0: {  	[dreg:$0x1] =	wrdreg $0xFFFFFFFF  }
0xc1: {  	_ =	task.clear_ibuf [dreg:s7], $0x2FFFF;
	_ =	strace $0x9FFFFFFF  }
0xc2: {  	(tm) =	ssettm $0x7FFFFFFF  }
0xc3: {  	_ =	shalt  }
tec
execute0_lowered:
.L_overlay_start_1:
0x0: {  	(tag) =	ssettag $0x1  }
0x1: {  	s4 =	rddreg [dreg:$0x0]  }
0x2: {  	s1 =	srdreg.scid;
	s0 =	stileid.u32  }
0x3: {  	s2 =	rddreg [dreg:$0x1];
	s3 =	simm.s32 $0x0;
	s12 =	simm.s32 $0x2080  }
0x4: {  	s13 =	simm.s32 $0x4100;
	s14 =	simm.s32 $0x2;
	s15 =	simm.s32 $0x3  }
0x5: {  	s16 =	simm.s32 $0x0;
	s5 =	sand.u32 $0x1, s1;
	s1 =	rddreg [dreg:$0x2]  }
0x6: {  	s6 =	sshll.u32 s0, $0x1;
	[smem:$0x7FF] =	sst s3;
	s4 =	sadd.s32 $0x1A00, s4  }
0x7: {  	p0 =	sgt.u32 s0, $0x9;
	s9 =	sor.u32 s5, s6;
	s5 =	ssub.s32 $0x2, s5  }
0x8: {  	_ =	strace $0x80000047;
	s7 =	smul.u32 $0xC300, s9;
	s29 =	sshrl.u32 s5, $0x1  }
0x9: {  	s31 =	sshll.u32 s9, $0x4;
	s9 =	smul.u32 $0x1F4, s9;
	s10 =	ssub.s32 s5, s29  }
0xa: {  	s11 =	sadd.s32 s31, s4;
	s30 =	sshrl.u32 s7, $0x3;
	s5 =	sadd.s32 $0x188A80, s7  }
0xb: {  	s7 =	sadd.s32 $0x18AB00, s7;
	s10 =	smax.u32 s10, $0x1;
	s8 =	sadd.s32 s4, s30  }
0xc: {  	v0 =	vimm.f32 $0.0e+00;
	v1 =	vimm.f32 $1.000000000e+00;
	s6 =	sadd.s32 $0x30D40, s8;
	s8 =	sadd.s32 $0x61940, s11;
	s11 =	simm.s32 $0x1  }
.LBB2_1:
0xd: {  	s17 =	simm.s32 $0x40;
	s18 =	simm.s32 $0x0  }
.LBB2_2:
0xe: {  	p1 =	sne.s32 s17, $0x61A40;
	[tilespmem:s18+$0x4100] =	vst v0;
	s18 =	smov.u32 s17;
	s17 =	sadd.s32 $0x40, s17  }
.Ltmp0:
0xf: {  	(pc) =	sbr.rel @p1 .LBB2_2-.Ltmp0, $2  }
0x10: {  	_ =	sdelay $0x2  }
0x11: {  	s18 =	sshra.s32 s18, $0x2  }
0x12: {  	[tilespmem:s18+$0x4100] =	vst v0;
	s17 =	simm.s32 $0x0;
	s18 =	simm.s32 $0x0  }
0x13: {  	[tilespmem:s17], [sflag:$0x1] =	stream.linear.gather [hbm4b:s6+s17], $0x2080, $0x38;
	[tilespmem:$0x1C7A0] =	vst v63  }
.LBB2_4:
0x14: {  	s19 =	smul.u32 $0x4100, s18;
	_ =	sdelay $0x1  }
0x15: {  	_ =	swait.ge [sflag:s11], $0x2080;
	s20 =	sadd.s32 s19, s5  }
0x16: {  	[sflag:s11] =	ssyncset.done $0x0;
	s20 =	sshrl.u32 s20, $0x3  }
0x17: {  	[sflag:s11] =	ssyncadd.s32 $0xFFFFDF80;
	s20 =	sadd.s32 s4, s20  }
0x18: {  	[tilespmem:s12], [sflag:$0x2] =	stream.linear.gather [hbm4b:s20+s17], $0x2080, $0x38;
	[tilespmem:$0x1C7A0] =	vst v63  }
0x19: {  	s21 =	simm.s32 $0x0;
	s20 =	simm.s32 $0x40  }
.LBB2_5:
0x1a: {  	p1 =	sne.s32 s20, $0x81C0;
	v2 =	vld [tilespmem:s21+$0x0];
	_ =	sdelay $0x4  }
0x1b: {  	v3 =	vcvt.s32.f32 v2;
	_ =	sdelay $0x1  }
0x1c: {  	v3 =	vmul.f32 $1.000000010e-01, v3;
	_ =	sdelay $0x1  }
0x1d: {  	v3 =	vtrunc.f32 v3  }
0x1e: {  	v3 =	vcvt.f32.s32 v3;
	_ =	sdelay $0x1  }
0x1f: {  	v4 =	vmul.u32 $0xFFFFFFF6, v3;
	_ =	sdelay $0x1  }
0x20: {  	v2 =	vadd.s32 v2, v4  }
0x21: {  	v2 =	vmul.u32 $0x2710, v2;
	_ =	sdelay $0x1  }
0x22: {  	v2 =	vadd.s32 v3, v2  }
.Ltmp1:
0x23: {  	(pc) =	sbr.rel @p1 .LBB2_5-.Ltmp1, $2  }
0x24: {  	_ =	sdelay $0x2  }
0x25: {  	s21 =	sshra.s32 s20, $0x2;
	s20 =	sadd.s32 $0x40, s20;
	[tilespmem:v2+s13+$0x0] =	vst.idx.add.f32.msk $0xffff, v1  }
0x26: {  	v2 =	vld [tilespmem:s21+$0x0];
	_ =	sdelay $0x4  }
0x27: {  	v3 =	vcvt.s32.f32 v2;
	_ =	sdelay $0x1  }
0x28: {  	v3 =	vmul.f32 $1.000000010e-01, v3;
	_ =	sdelay $0x1  }
0x29: {  	v3 =	vtrunc.f32 v3  }
0x2a: {  	v3 =	vcvt.f32.s32 v3;
	_ =	sdelay $0x1  }
0x2b: {  	v4 =	vmul.u32 $0xFFFFFFF6, v3;
	_ =	sdelay $0x1  }
0x2c: {  	v2 =	vadd.s32 v2, v4  }
0x2d: {  	v2 =	vmul.u32 $0x2710, v2;
	_ =	sdelay $0x1  }
0x2e: {  	v2 =	vadd.s32 v3, v2;
	_ =	sdelay $0x4  }
0x2f: {  	p1 =	sgt.u32 s18, $0x1;
	[tilespmem:v2+s13+$0x0] =	vst.idx.add.f32.msk $0xffff, v1  }
0x30: {  	s19 =	sadd.s32 @!p1 s19, s7;
	_ =	swait.ge [sflag:s14], $0x2080  }
0x31: {  	s19 =	sshrl.u32 @!p1 s19, $0x3;
	[sflag:s14] =	ssyncset.done $0x0  }
0x32: {  	s20 =	simm.s32 @!p1 $0x0;
	s19 =	sadd.s32 @!p1 s4, s19;
	[sflag:s14] =	ssyncadd.s32 $0xFFFFDF80  }
0x33: {  	[tilespmem:s20], [sflag:$0x1] =	stream.linear.gather @!p1 [hbm4b:s19+s20], $0x2080, $0x38;
	[tilespmem:$0x1C7A0] =	vst v63  }
0x34: {  	s20 =	simm.s32 $0x0;
	s19 =	simm.s32 $0x40  }
.LBB2_7:
0x35: {  	p1 =	sne.s32 s19, $0x81C0;
	v2 =	vld [tilespmem:s20+$0x2080];
	_ =	sdelay $0x4  }
0x36: {  	v3 =	vcvt.s32.f32 v2;
	_ =	sdelay $0x1  }
0x37: {  	v3 =	vmul.f32 $1.000000010e-01, v3;
	_ =	sdelay $0x1  }
0x38: {  	v3 =	vtrunc.f32 v3  }
0x39: {  	v3 =	vcvt.f32.s32 v3;
	_ =	sdelay $0x1  }
0x3a: {  	v4 =	vmul.u32 $0xFFFFFFF6, v3;
	_ =	sdelay $0x1  }
0x3b: {  	v2 =	vadd.s32 v2, v4  }
0x3c: {  	v2 =	vmul.u32 $0x2710, v2;
	_ =	sdelay $0x1  }
0x3d: {  	v2 =	vadd.s32 v3, v2  }
.Ltmp2:
0x3e: {  	(pc) =	sbr.rel @p1 .LBB2_7-.Ltmp2, $2  }
0x3f: {  	_ =	sdelay $0x2  }
0x40: {  	s20 =	sshra.s32 s19, $0x2;
	s19 =	sadd.s32 $0x40, s19;
	[tilespmem:v2+s13+$0x0] =	vst.idx.add.f32.msk $0xffff, v1  }
0x41: {  	v2 =	vld [tilespmem:s20+$0x2080];
	_ =	sdelay $0x4  }
0x42: {  	v3 =	vcvt.s32.f32 v2;
	_ =	sdelay $0x1  }
0x43: {  	v3 =	vmul.f32 $1.000000010e-01, v3;
	_ =	sdelay $0x1  }
0x44: {  	v3 =	vtrunc.f32 v3  }
0x45: {  	v3 =	vcvt.f32.s32 v3;
	_ =	sdelay $0x1  }
0x46: {  	v4 =	vmul.u32 $0xFFFFFFF6, v3;
	_ =	sdelay $0x1  }
0x47: {  	v2 =	vadd.s32 v2, v4  }
0x48: {  	v2 =	vmul.u32 $0x2710, v2  }
0x49: {  	s18 =	sadd.s32 $0x1, s18  }
0x4a: {  	p1 =	sne.s32 s18, $0x3;
	v2 =	vadd.s32 v3, v2  }
.Ltmp3:
0x4b: {  	_ = 	snop;
	(pc) =	sbr.rel @p1 .LBB2_4-.Ltmp3, $2  }
0x4c: {  	_ =	sdelay $0x2  }
0x4d: {  	[tilespmem:v2+s13+$0x0] =	vst.idx.add.f32.msk $0xffff, v1  }
.Ltmp4:
0x4e: {  	(pc) =	sbr.rel @p0 .LBB2_11-.Ltmp4, $1  }
0x4f: {  	_ =	sdelay $0x3  }
0x50: {  	[tilespmem:s3], [sflag:$0x3] =	stream.linear.gather [hbm4b:s8+s3], $0x80, $0x38;
	[tilespmem:$0x1C7A0] =	vst v63  }
0x51: {  	_ =	swait.ge [sflag:s15], $0x80  }
0x52: {  	[sflag:s15] =	ssyncset.done $0x0  }
0x53: {  	[sflag:s15] =	ssyncadd.s32 $0xFFFFFF80  }
0x54: {  	v2 =	vld [tilespmem:$0x0];
	_ =	sdelay $0x4  }
0x55: {  	v3 =	vcvt.s32.f32 v2;
	_ =	sdelay $0x1  }
0x56: {  	v3 =	vmul.f32 $1.000000010e-01, v3;
	_ =	sdelay $0x1  }
0x57: {  	v3 =	vtrunc.f32 v3  }
0x58: {  	v3 =	vcvt.f32.s32 v3;
	_ =	sdelay $0x1  }
0x59: {  	v4 =	vmul.u32 $0xFFFFFFF6, v3;
	_ =	sdelay $0x1  }
0x5a: {  	v2 =	vadd.s32 v2, v4  }
0x5b: {  	v2 =	vmul.u32 $0x2710, v2;
	_ =	sdelay $0x1  }
0x5c: {  	v2 =	vadd.s32 v3, v2;
	_ =	sdelay $0x4  }
0x5d: {  	[tilespmem:v2+s13+$0x0] =	vst.idx.add.f32.msk $0xffff, v1  }
0x5e: {  	v2 =	vld [tilespmem:$0x10];
	_ =	sdelay $0x4  }
0x5f: {  	v3 =	vcvt.s32.f32 v2;
	_ =	sdelay $0x1  }
0x60: {  	v3 =	vmul.f32 $1.000000010e-01, v3;
	_ =	sdelay $0x1  }
0x61: {  	v3 =	vtrunc.f32 v3  }
0x62: {  	v3 =	vcvt.f32.s32 v3;
	_ =	sdelay $0x1  }
0x63: {  	v57 =	vmul.u32 $0xFFFFFFF6, v3;
	_ =	sdelay $0x1  }
0x64: {  	v2 =	vadd.s32 v2, v57  }
0x65: {  	v2 =	vmul.u32 $0x2710, v2;
	_ =	sdelay $0x1  }
0x66: {  	v2 =	vadd.s32 v3, v2;
	_ =	sdelay $0x4  }
0x67: {  	[tilespmem:v2+s13+$0x0] =	vst.idx.add.f32.msk $0xffff, v1  }
0x68: {  	v2 =	vld [tilespmem:$0x20];
	_ =	sdelay $0x4  }
0x69: {  	v3 =	vcvt.s32.f32 v2;
	_ =	sdelay $0x1  }
0x6a: {  	v3 =	vmul.f32 $1.000000010e-01, v3;
	_ =	sdelay $0x1  }
0x6b: {  	v3 =	vtrunc.f32 v3  }
0x6c: {  	v3 =	vcvt.f32.s32 v3;
	_ =	sdelay $0x1  }
0x6d: {  	v58 =	vmul.u32 $0xFFFFFFF6, v3;
	_ =	sdelay $0x1  }
0x6e: {  	v2 =	vadd.s32 v2, v58  }
0x6f: {  	v2 =	vmul.u32 $0x2710, v2;
	_ =	sdelay $0x1  }
0x70: {  	v2 =	vadd.s32 v3, v2;
	_ =	sdelay $0x4  }
0x71: {  	[tilespmem:v2+s13+$0x0] =	vst.idx.add.f32.msk $0xffff, v1  }
0x72: {  	v2 =	vld [tilespmem:$0x30];
	_ =	sdelay $0x4  }
0x73: {  	v3 =	vcvt.s32.f32 v2;
	_ =	sdelay $0x1  }
0x74: {  	v3 =	vmul.f32 $1.000000010e-01, v3;
	_ =	sdelay $0x1  }
0x75: {  	v3 =	vtrunc.f32 v3  }
0x76: {  	v3 =	vcvt.f32.s32 v3;
	_ =	sdelay $0x1  }
0x77: {  	v59 =	vmul.u32 $0xFFFFFFF6, v3;
	_ =	sdelay $0x1  }
0x78: {  	v2 =	vadd.s32 v2, v59  }
0x79: {  	v2 =	vmul.u32 $0x2710, v2;
	_ =	sdelay $0x1  }
0x7a: {  	v2 =	vadd.s32 v3, v2;
	_ =	sdelay $0x4  }
0x7b: {  	[tilespmem:v2+s13+$0x0] =	vst.idx.add.f32.msk $0xffff, v1  }
0x7c: {  	v2 =	vld [tilespmem:$0x40];
	_ =	sdelay $0x4  }
0x7d: {  	v3 =	vcvt.s32.f32 v2;
	_ =	sdelay $0x1  }
0x7e: {  	v3 =	vmul.f32 $1.000000010e-01, v3;
	_ =	sdelay $0x1  }
0x7f: {  	v3 =	vtrunc.f32 v3  }
0x80: {  	v3 =	vcvt.f32.s32 v3;
	_ =	sdelay $0x1  }
0x81: {  	v60 =	vmul.u32 $0xFFFFFFF6, v3;
	_ =	sdelay $0x1  }
0x82: {  	v2 =	vadd.s32 v2, v60  }
0x83: {  	v2 =	vmul.u32 $0x2710, v2;
	_ =	sdelay $0x1  }
0x84: {  	v2 =	vadd.s32 v3, v2;
	_ =	sdelay $0x4  }
0x85: {  	[tilespmem:v2+s13+$0x0] =	vst.idx.add.f32.msk $0xffff, v1  }
0x86: {  	v2 =	vld [tilespmem:$0x50];
	_ =	sdelay $0x4  }
0x87: {  	v3 =	vcvt.s32.f32 v2;
	_ =	sdelay $0x1  }
0x88: {  	v3 =	vmul.f32 $1.000000010e-01, v3;
	_ =	sdelay $0x1  }
0x89: {  	v3 =	vtrunc.f32 v3  }
0x8a: {  	v3 =	vcvt.f32.s32 v3;
	_ =	sdelay $0x1  }
0x8b: {  	v61 =	vmul.u32 $0xFFFFFFF6, v3;
	_ =	sdelay $0x1  }
0x8c: {  	v2 =	vadd.s32 v2, v61  }
0x8d: {  	v2 =	vmul.u32 $0x2710, v2;
	_ =	sdelay $0x1  }
0x8e: {  	v2 =	vadd.s32 v3, v2;
	_ =	sdelay $0x4  }
0x8f: {  	[tilespmem:v2+s13+$0x0] =	vst.idx.add.f32.msk $0xffff, v1  }
0x90: {  	v2 =	vld [tilespmem:$0x60];
	_ =	sdelay $0x4  }
0x91: {  	v3 =	vcvt.s32.f32 v2;
	_ =	sdelay $0x1  }
0x92: {  	v3 =	vmul.f32 $1.000000010e-01, v3;
	_ =	sdelay $0x1  }
0x93: {  	v3 =	vtrunc.f32 v3  }
0x94: {  	v3 =	vcvt.f32.s32 v3;
	_ =	sdelay $0x1  }
0x95: {  	v62 =	vmul.u32 $0xFFFFFFF6, v3;
	_ =	sdelay $0x1  }
0x96: {  	v2 =	vadd.s32 v2, v62  }
0x97: {  	v2 =	vmul.u32 $0x2710, v2;
	_ =	sdelay $0x1  }
0x98: {  	v2 =	vadd.s32 v3, v2;
	_ =	sdelay $0x4  }
0x99: {  	[tilespmem:v2+s13+$0x0] =	vst.idx.add.f32.msk $0xffff, v1  }
0x9a: {  	v2 =	vld [tilespmem:$0x70];
	_ =	sdelay $0x4  }
0x9b: {  	v3 =	vcvt.s32.f32 v2;
	_ =	sdelay $0x1  }
0x9c: {  	v3 =	vmul.f32 $1.000000010e-01, v3;
	_ =	sdelay $0x1  }
0x9d: {  	v3 =	vtrunc.f32 v3  }
0x9e: {  	v3 =	vcvt.f32.s32 v3;
	_ =	sdelay $0x1  }
0x9f: {  	v63 =	vmul.u32 $0xFFFFFFF6, v3;
	_ =	sdelay $0x1  }
0xa0: {  	v2 =	vadd.s32 v2, v63  }
0xa1: {  	v2 =	vmul.u32 $0x2710, v2;
	_ =	sdelay $0x1  }
0xa2: {  	v2 =	vadd.s32 v3, v2;
	_ =	sdelay $0x4  }
0xa3: {  	[tilespmem:v2+s13+$0x0] =	vst.idx.add.f32.msk $0xffff, v1  }
.LBB2_11:
0xa4: {  	s18 =	sadd.s32 s9, s2;
	s17 =	simm.s32 $0x4100  }
0xa5: {  	[hbm4b:s18+s3] =	stream.linear.scatter [tilespmem:s17], [sflag:$0x1], $0x190, $0x38;
	[tilespmem:$0x1C7A0] =	vst v63  }
0xa6: {  	s19 =	simm.s32 $0x6810;
	s29 =	sadd.s32 $0x32, s18  }
0xa7: {  	[hbm4b:s29+s3] =	stream.linear.scatter [tilespmem:s19], [sflag:$0x1], $0x190, $0x38;
	[tilespmem:$0x1C7A0] =	vst v63  }
0xa8: {  	s31 =	simm.s32 $0x8F20;
	s30 =	sadd.s32 $0x64, s18  }
0xa9: {  	[hbm4b:s30+s3] =	stream.linear.scatter [tilespmem:s31], [sflag:$0x1], $0x190, $0x38;
	[tilespmem:$0x1C7A0] =	vst v63  }
0xaa: {  	s20 =	simm.s32 $0xB630;
	s19 =	sadd.s32 $0x96, s18  }
0xab: {  	[hbm4b:s19+s3] =	stream.linear.scatter [tilespmem:s20], [sflag:$0x1], $0x190, $0x38;
	[tilespmem:$0x1C7A0] =	vst v63  }
0xac: {  	s22 =	simm.s32 $0xDD40;
	s24 =	simm.s32 $0x10450;
	s21 =	sadd.s32 $0xC8, s18  }
0xad: {  	[hbm4b:s21+s3] =	stream.linear.scatter [tilespmem:s22], [sflag:$0x1], $0x190, $0x38;
	[tilespmem:$0x1C7A0] =	vst v63  }
0xae: {  	s26 =	simm.s32 $0x12B60;
	s23 =	sadd.s32 $0xFA, s18;
	s25 =	sadd.s32 $0x12C, s18  }
0xaf: {  	[hbm4b:s23+s3] =	stream.linear.scatter [tilespmem:s24], [sflag:$0x1], $0x190, $0x38;
	[tilespmem:$0x1C7A0] =	vst v63  }
0xb0: {  	s28 =	sadd.s32 $0x15E, s18;
	s17 =	simm.s32 $0x190;
	s29 =	simm.s32 $0x15270  }
0xb1: {  	[hbm4b:s25+s3] =	stream.linear.scatter [tilespmem:s26], [sflag:$0x1], $0x190, $0x38;
	[tilespmem:$0x1C7A0] =	vst v63  }
0xb2: {  	s30 =	sadd.s32 $0x190, s18;
	s31 =	simm.s32 $0x17980;
	s19 =	simm.s32 $0xC80  }
0xb3: {  	[hbm4b:s28+s3] =	stream.linear.scatter [tilespmem:s29], [sflag:$0x1], $0x190, $0x38;
	[tilespmem:$0x1C7A0] =	vst v63  }
0xb4: {  	s20 =	sadd.s32 $0x1C2, s18;
	s18 =	sadd.s32 $0x3E80, s2;
	s21 =	simm.s32 $0x1A090  }
0xb5: {  	[hbm4b:s30+s3] =	stream.linear.scatter [tilespmem:s31], [sflag:$0x1], $0x190, $0x38;
	[tilespmem:$0x1C7A0] =	vst v63  }
.LBB2_12:
0xb6: {  	[hbm4b:s20+s3] =	stream.linear.scatter [tilespmem:s21], [sflag:$0x1], $0x190, $0x38;
	[tilespmem:$0x1C7A0] =	vst v63  }
0xb7: {  	s21 =	smov.u32 s17;
	s17 =	smov.u32 s19  }
0xb8: {  	s20 =	sadd.s32 s9, s18;
	s17 =	sshra.s32 s19, $0x2;
	s22 =	sadd.s32 $0x4100, s21  }
0xb9: {  	[hbm4b:s20+s3] =	stream.linear.scatter [tilespmem:s22], [sflag:$0x1], $0x190, $0x38;
	[tilespmem:$0x1C7A0] =	vst v63  }
0xba: {  	s23 =	sadd.s32 $0x32, s20;
	s24 =	sadd.s32 $0x6810, s21;
	s22 =	sadd.s32 $0x640, s19  }
0xbb: {  	[hbm4b:s23+s3] =	stream.linear.scatter [tilespmem:s24], [sflag:$0x1], $0x190, $0x38;
	[tilespmem:$0x1C7A0] =	vst v63  }
0xbc: {  	p1 =	sne.s32 s19, $0x9600;
	s19 =	sadd.s32 $0x64, s20;
	s23 =	sadd.s32 $0x8F20, s21  }
0xbd: {  	[hbm4b:s19+s3] =	stream.linear.scatter [tilespmem:s23], [sflag:$0x1], $0x190, $0x38;
	[tilespmem:$0x1C7A0] =	vst v63  }
0xbe: {  	s19 =	sadd.s32 $0x96, s20;
	s23 =	sadd.s32 $0xB630, s21  }
0xbf: {  	[hbm4b:s19+s3] =	stream.linear.scatter [tilespmem:s23], [sflag:$0x1], $0x190, $0x38;
	[tilespmem:$0x1C7A0] =	vst v63  }
0xc0: {  	s19 =	sadd.s32 $0xC8, s20;
	s23 =	sadd.s32 $0xDD40, s21  }
0xc1: {  	[hbm4b:s19+s3] =	stream.linear.scatter [tilespmem:s23], [sflag:$0x1], $0x190, $0x38;
	[tilespmem:$0x1C7A0] =	vst v63  }
0xc2: {  	s19 =	sadd.s32 $0xFA, s20;
	s23 =	sadd.s32 $0x10450, s21  }
0xc3: {  	[hbm4b:s19+s3] =	stream.linear.scatter [tilespmem:s23], [sflag:$0x1], $0x190, $0x38;
	[tilespmem:$0x1C7A0] =	vst v63  }
0xc4: {  	s19 =	sadd.s32 $0x12C, s20;
	s23 =	sadd.s32 $0x12B60, s21  }
0xc5: {  	[hbm4b:s19+s3] =	stream.linear.scatter [tilespmem:s23], [sflag:$0x1], $0x190, $0x38;
	[tilespmem:$0x1C7A0] =	vst v63  }
.Ltmp5:
0xc6: {  	s19 =	sadd.s32 $0x15E, s20;
	s23 =	sadd.s32 $0x15270, s21;
	(pc) =	sbr.rel @p1 .LBB2_12-.Ltmp5, $4  }
0xc7: {  	[hbm4b:s19+s3] =	stream.linear.scatter [tilespmem:s23], [sflag:$0x1], $0x190, $0x38;
	[tilespmem:$0x1C7A0] =	vst v63  }
0xc8: {  	s18 =	sadd.s32 $0x3E80, s18;
	s19 =	sadd.s32 $0x190, s20;
	s23 =	sadd.s32 $0x17980, s21  }
0xc9: {  	[hbm4b:s19+s3] =	stream.linear.scatter [tilespmem:s23], [sflag:$0x1], $0x190, $0x38;
	[tilespmem:$0x1C7A0] =	vst v63  }
0xca: {  	s20 =	sadd.s32 $0x1C2, s20;
	s21 =	sadd.s32 $0x1A090, s21;
	s19 =	smov.u32 s22  }
0xcb: {  	[hbm4b:s20+s3] =	stream.linear.scatter [tilespmem:s21], [sflag:$0x1], $0x190, $0x38;
	[tilespmem:$0x1C7A0] =	vst v63  }
0xcc: {  	s18 =	sadd.s32 s9, s18;
	s19 =	sadd.s32 $0x4100, s17  }
0xcd: {  	[hbm4b:s18+s3] =	stream.linear.scatter [tilespmem:s19], [sflag:$0x1], $0x190, $0x38;
	[tilespmem:$0x1C7A0] =	vst v63  }
0xce: {  	s26 =	sadd.s32 $0x6810, s17;
	s25 =	sadd.s32 $0x32, s18  }
0xcf: {  	[hbm4b:s25+s3] =	stream.linear.scatter [tilespmem:s26], [sflag:$0x1], $0x190, $0x38;
	[tilespmem:$0x1C7A0] =	vst v63  }
0xd0: {  	s29 =	sadd.s32 $0x8F20, s17;
	s28 =	sadd.s32 $0x64, s18  }
0xd1: {  	[hbm4b:s28+s3] =	stream.linear.scatter [tilespmem:s29], [sflag:$0x1], $0x190, $0x38;
	[tilespmem:$0x1C7A0] =	vst v63  }
0xd2: {  	s31 =	sadd.s32 $0xB630, s17;
	s30 =	sadd.s32 $0x96, s18  }
0xd3: {  	[hbm4b:s30+s3] =	stream.linear.scatter [tilespmem:s31], [sflag:$0x1], $0x190, $0x38;
	[tilespmem:$0x1C7A0] =	vst v63  }
0xd4: {  	s21 =	sadd.s32 $0xDD40, s17;
	s20 =	sadd.s32 $0xC8, s18  }
0xd5: {  	[hbm4b:s20+s3] =	stream.linear.scatter [tilespmem:s21], [sflag:$0x1], $0x190, $0x38;
	[tilespmem:$0x1C7A0] =	vst v63  }
0xd6: {  	s23 =	sadd.s32 $0x10450, s17;
	s22 =	sadd.s32 $0xFA, s18  }
0xd7: {  	[hbm4b:s22+s3] =	stream.linear.scatter [tilespmem:s23], [sflag:$0x1], $0x190, $0x38;
	[tilespmem:$0x1C7A0] =	vst v63  }
0xd8: {  	s24 =	sadd.s32 $0x12C, s18;
	s25 =	sadd.s32 $0x12B60, s17  }
0xd9: {  	[hbm4b:s24+s3] =	stream.linear.scatter [tilespmem:s25], [sflag:$0x1], $0x190, $0x38;
	[tilespmem:$0x1C7A0] =	vst v63  }
0xda: {  	s26 =	sadd.s32 $0x15E, s18;
	s28 =	sadd.s32 $0x15270, s17  }
0xdb: {  	[hbm4b:s26+s3] =	stream.linear.scatter [tilespmem:s28], [sflag:$0x1], $0x190, $0x38;
	[tilespmem:$0x1C7A0] =	vst v63  }
0xdc: {  	s29 =	sadd.s32 $0x190, s18;
	s30 =	sadd.s32 $0x17980, s17  }
0xdd: {  	[hbm4b:s29+s3] =	stream.linear.scatter [tilespmem:s30], [sflag:$0x1], $0x190, $0x38;
	[tilespmem:$0x1C7A0] =	vst v63  }
0xde: {  	s18 =	sadd.s32 $0x1C2, s18;
	s31 =	sadd.s32 $0x1A090, s17  }
0xdf: {  	[hbm4b:s18+s3] =	stream.linear.scatter [tilespmem:s31], [sflag:$0x1], $0x190, $0x38;
	[tilespmem:$0x1C7A0] =	vst v63  }
0xe0: {  	_ =	swait.ge [sflag:s11], $0x190  }
0xe1: {  	s17 =	simm.s32 $0xF9;
	[sflag:s11] =	ssyncset.done $0x0  }
.LBB2_14:
0xe2: {  	p1 =	sne.s32 s17, $0x1;
	s17 =	sadd.s32 $0xFFFFFFFF, s17;
	[sflag:s11] =	ssyncadd.s32 $0xFFFFFE70  }
.Ltmp6:
0xe3: {  	(pc) =	sbr.rel @p1 .LBB2_14-.Ltmp6, $3  }
0xe4: {  	_ =	sdelay $0x1  }
0xe5: {  	_ =	swait.ge [sflag:s11], $0x190  }
0xe6: {  	[sflag:s11] =	ssyncset.done $0x0  }
0xe7: {  	s16 =	sadd.s32 $0x1, s16  }
0xe8: {  	p1 =	sne.s32 s16, s10  }
.Ltmp7:
0xe9: {  	_ = 	snop;
	(pc) =	sbr.rel @p1 .LBB2_1-.Ltmp7, $2  }
0xea: {  	_ =	sdelay $0x2  }
0xeb: {  	[sflag:s11] =	ssyncadd.s32 $0xFFFFFE70  }
0xec: {  	_ =	sfence.sel $0x180000  }
0xed: {  	[bflag:$0x0] =	sbarrier.arrive $0xFFFF  }
0xee: {  	p0 =	sne.s32 s0, $0x0;
	_ =	strace $0x90000047  }
0xef: {  	s0 =	sadd.s32 @!p0 $0x100000, s1;
	[bflag:$0x2] =	sbarrier.arrive $0xFFFF  }
0xf0: {  	[sflag:s0] =	ssyncadd.tile.s32 @!p0 $0x1;
	_ =	shalt  }
.Lfunc_end2:
_tile_overlayer_lowered:
.L_overlay_start_2:
0xf1: {  	(tag) =	ssettag $0x2  }
0xf2: {  	s0 =	rddreg [dreg:$0x0];
	s2 =	stileid.u32  }
0xf3: {  	s1 =	rddreg [dreg:$0x1];
	p0 =	sne.s32 s2, $0x0  }
0xf4: {  	s3 =	rddreg [dreg:$0x2];
	[bflag:$0x3] =	sbarrier.arrive $0xFFFF;
	s2 =	simm.s32 @!p0 $0x1C03  }
0xf5: {  	[timem:s3], [sflag:s2] =	dma.local @!p0 [hbm:s0], s1  }
0xf6: {  	s0 =	simm.s32 @!p0 $0x3  }
0xf7: {  	_ =	swait.ge @!p0 [sflag:s0], s1  }
0xf8: {  	s1 =	ssub.s32 @!p0 $0x0, s1;
	[sflag:s0] =	ssyncset.done @!p0 $0x0  }
0xf9: {  	[sflag:s0] =	ssyncadd.s32 @!p0 s1  }
0xfa: {  	[bflag:$0x3] =	sbarrier.arrive $0xFFFF  }
0xfb: {  	_ =	shalt  }

// kernel: kernel.9.cloned.1.call-start
scs
__scs_entry_jumppad:
0x0: {  	(pc) =	sbr.rel $0x88, $3  }
0x1: {  	(tag) =	ssettag $0x0;
	lr =	simm.s32 $0x1  }
0x2: {  	[smem:$0x3F97] =	sst lr;
	_ =	strace $0xD0000000  }
0x3: {  	_ = 	snop  }
0x4: {  	_ = 	snop  }
0x5: {  	_ = 	snop  }
0x6: {  	_ = 	snop  }
0x7: {  	_ = 	snop  }
__scs_overlays_trampoline_lowered:
0x8: {  	[smem:$0x3FA6] =	sst s0  }
0x9: {  	[smem:$0x3FA7] =	sst s1  }
0xa: {  	[smem:$0x3FA8] =	sst s2  }
0xb: {  	[smem:$0x3FA9] =	sst s3  }
0xc: {  	[smem:$0x3FAA] =	sst s4  }
0xd: {  	[smem:$0x3FAB] =	sst s5  }
0xe: {  	[smem:$0x3FAC] =	sst s6  }
0xf: {  	[smem:$0x3FAD] =	sst s7  }
0x10: {  	[smem:$0x3FAE] =	sst s8  }
0x11: {  	[smem:$0x3FAF] =	sst s9;
	s0 =	simm.s32 @!p0 $0x0  }
0x12: {  	s1 =	sld [smem:$0x3F95];
	s0 =	simm.s32 @p0 $0x1  }
0x13: {  	[smem:$0x3FB0] =	sst s0;
	s0 =	simm.s32 @!p1 $0x0  }
0x14: {  	s2 =	sld [smem:$0x3F94];
	s0 =	simm.s32 @p1 $0x1  }
0x15: {  	[smem:$0x3FB1] =	sst s0;
	s0 =	simm.s32 @!p2 $0x0  }
0x16: {  	s3 =	sld [smem:$0x3FDB];
	s0 =	simm.s32 @p2 $0x1  }
0x17: {  	s4 =	simm.s32 $0x1BF5;
	[smem:$0x3FB3] =	sst s0  }
0x18: {  	s0 =	sld [smem:$0x3F96];
	_ =	swait.ge [sflag:s4], $0x0  }
0x19: {  	s7 =	sld [smem:$0x3F97]  }
0x1a: {  	s8 =	sadd.s32 $0xFFFFE003, lr  }
0x1b: {  	s9 =	sadd.s32 $0xFFFFFEF7, lr;
	s5 =	simm.s32 $0xFFFFFFFF;
	p2 =	slt.u32 s8, $0xFFFFF086  }
0x1c: {  	p1 =	slt.u32 s9, $0xF7A;
	s5 =	simm.s32 @!p2 $0x0  }
0x1d: {  	s5 =	simm.s32 @p1 $0x1;
	p0 =	seq.s32 s7, s2  }
0x1e: {  	s7 =	smul.u32 @!p0 $0xF7A, s2;
	p2 =	seq.s32 @!p0 s5, $0x0  }
0x1f: {  	s9 =	smul.u32 $0xF7A, s1;
	s8 =	simm.s32 @!p0 $0x1BF5;
	p2 =	por !p2, p0  }
0x20: {  	[sflag:s8] =	ssyncset.s32 @!p0 $0xFFFFF086;
	s6 =	sadd.s32 @!p0 s3, s7;
	s7 =	simm.s32 @!p0 $0x108  }
0x21: {  	s3 =	sadd.s32 s3, s9;
	s6 =	sadd.s32 @!p0 $0x88, s6;
	s7 =	simm.s32 @p2 $0x1082  }
0x22: {  	[simem:s7], [sflag:s8] =	dma.local @!p0 [hbm:s6], $0xF7A  }
0x23: {  	s9 =	sor.u32 $0xD0000000, s2;
	s6 =	simm.s32 $0x108;
	_ =	swait.ge @!p0 [sflag:s8], $0x0  }
0x24: {  	s3 =	sadd.s32 $0x88, s3;
	s6 =	simm.s32 @!p1 $0x1082;
	[sflag:s4] =	ssyncset.s32 $0xFFFFF086  }
0x25: {  	[simem:s6], [sflag:s4] =	dma.local [hbm:s3], $0xF7A  }
0x26: {  	[smem:$0x3F97] =	sst s1;
	(tag) =	ssettag s2;
	_ =	strace s9  }
0x27: {  	s1 =	sld [smem:$0x3FA7]  }
0x28: {  	s2 =	sld [smem:$0x3FA8]  }
0x29: {  	s4 =	sld [smem:$0x3FAA]  }
0x2a: {  	p0 =	seq.s32 s5, $0x0;
	s5 =	sld [smem:$0x3FAB]  }
0x2b: {  	s6 =	sld [smem:$0x3FAC]  }
0x2c: {  	s7 =	sld [smem:$0x3FAD]  }
0x2d: {  	s3 =	simm.s32 $0x108;
	s8 =	sld [smem:$0x3FAE]  }
0x2e: {  	s3 =	simm.s32 @!p0 $0x1082;
	s9 =	sld [smem:$0x3FAF]  }
0x2f: {  	lr =	sadd.s32 s0, s3;
	s0 =	sld [smem:$0x3FA6]  }
0x30: {  	s3 =	sld [smem:$0x3FA9]  }
0x31: {  	[smem:$0x3FB2] =	sst s10  }
0x32: {  	s10 =	sld [smem:$0x3FB0];
	_ =	sdelay $0x3  }
0x33: {  	p0 =	seq.s32 s10, $0x1;
	s10 =	sld [smem:$0x3FB2];
	_ =	sdelay $0x3  }
0x34: {  	[smem:$0x3FB2] =	sst s10  }
0x35: {  	s10 =	sld [smem:$0x3FB1];
	_ =	sdelay $0x3  }
0x36: {  	p1 =	seq.s32 s10, $0x1;
	s10 =	sld [smem:$0x3FB2];
	_ =	sdelay $0x3  }
0x37: {  	[smem:$0x3FB2] =	sst s10  }
0x38: {  	s10 =	sld [smem:$0x3FB3]  }
0x39: {  	_ = 	snop;
	(pc) =	sbr.ind lr, $3  }
0x3a: {  	_ = 	snop  }
0x3b: {  	_ = 	snop  }
0x3c: {  	p2 =	seq.s32 s10, $0x1;
	s10 =	sld [smem:$0x3FB2]  }
0x3d: {  	_ =	shalt  }
0x3e: {  	_ =	shalt  }
0x3f: {  	_ =	shalt  }
0x40: {  	_ =	shalt  }
0x41: {  	_ =	shalt  }
0x42: {  	_ =	shalt  }
0x43: {  	_ =	shalt  }
0x44: {  	_ =	shalt  }
0x45: {  	_ =	shalt  }
0x46: {  	_ =	shalt  }
0x47: {  	_ =	shalt  }
0x48: {  	_ =	shalt  }
0x49: {  	_ =	shalt  }
0x4a: {  	_ =	shalt  }
0x4b: {  	_ =	shalt  }
0x4c: {  	_ =	shalt  }
0x4d: {  	_ =	shalt  }
0x4e: {  	_ =	shalt  }
0x4f: {  	_ =	shalt  }
0x50: {  	_ =	shalt  }
0x51: {  	_ =	shalt  }
0x52: {  	_ =	shalt  }
0x53: {  	_ =	shalt  }
0x54: {  	_ =	shalt  }
0x55: {  	_ =	shalt  }
0x56: {  	_ =	shalt  }
0x57: {  	_ =	shalt  }
0x58: {  	_ =	shalt  }
0x59: {  	_ =	shalt  }
0x5a: {  	_ =	shalt  }
0x5b: {  	_ =	shalt  }
0x5c: {  	_ =	shalt  }
0x5d: {  	_ =	shalt  }
0x5e: {  	_ =	shalt  }
0x5f: {  	_ =	shalt  }
0x60: {  	_ =	shalt  }
0x61: {  	_ =	shalt  }
0x62: {  	_ =	shalt  }
0x63: {  	_ =	shalt  }
0x64: {  	_ =	shalt  }
0x65: {  	_ =	shalt  }
0x66: {  	_ =	shalt  }
0x67: {  	_ =	shalt  }
0x68: {  	_ =	shalt  }
0x69: {  	_ =	shalt  }
0x6a: {  	_ =	shalt  }
0x6b: {  	_ =	shalt  }
0x6c: {  	_ =	shalt  }
0x6d: {  	_ =	shalt  }
0x6e: {  	_ =	shalt  }
0x6f: {  	_ =	shalt  }
0x70: {  	_ =	shalt  }
0x71: {  	_ =	shalt  }
0x72: {  	_ =	shalt  }
0x73: {  	_ =	shalt  }
0x74: {  	_ =	shalt  }
0x75: {  	_ =	shalt  }
0x76: {  	_ =	shalt  }
0x77: {  	_ =	shalt  }
0x78: {  	_ =	shalt  }
0x79: {  	_ =	shalt  }
0x7a: {  	_ =	shalt  }
0x7b: {  	_ =	shalt  }
0x7c: {  	_ =	shalt  }
0x7d: {  	_ =	shalt  }
0x7e: {  	_ =	shalt  }
0x7f: {  	_ =	shalt  }
0x80: {  	_ =	shalt  }
0x81: {  	_ =	shalt  }
0x82: {  	_ =	shalt  }
0x83: {  	_ =	shalt  }
0x84: {  	_ =	shalt  }
0x85: {  	_ =	shalt  }
0x86: {  	_ =	shalt  }
0x87: {  	_ =	shalt  }
.Lfunc_end0:
.L_simem_size_0:
called_computation.1_lowered:
.L_overlay_start_0:
0x88: {  	s2 =	sld [smem:$0x3FD9]  }
0x89: {  	s3 =	sld [smem:$0x3FFE];
	_ =	sdelay $0x1  }
0x8a: {  	s1 =	srdreg.scid  }
0x8b: {  	s0 =	sand.u32 $0x1, s1  }
0x8c: {  	s16 =	sshll.u32 s0, $0xA;
	s2 =	sadd.s32 s3, s2  }
0x8d: {  	s2 =	sadd.s32 s2, s16  }
0x8e: {  	[smem:$0x3FBE] =	sst s2  }
0x8f: {  	_ = 	snop  }
0x90: {  	(tm) =	ssettm $0x1  }
0x91: {  	s17 =	sld [smem:$0x3FFB];
	_ =	sdelay $0x3  }
0x92: {  	_ =	strace s17  }
0x93: {  	s2 =	sld [smem:$0x3FFC];
	_ =	sdelay $0x3  }
0x94: {  	_ =	strace s2  }
0x95: {  	s2 =	sld [smem:$0x3FFD];
	_ =	sdelay $0x3  }
0x96: {  	_ =	strace s2  }
0x97: {  	_ =	strace $0x8FFFFFFF  }
0x98: {  	s18 =	sld [smem:$0x3FDB];
	_ =	sdelay $0x1  }
0x99: {  	s19 =	simm.s32 $_scs_section_size  }
0x9a: {  	s4 =	simm.s32 $_size__tile_overlayer_lowered;
	s5 =	simm.s32 $_tile_overlayer_lowered  }
0x9b: {  	s22 =	simm.s32 $0x1BFF;
	s21 =	sshll.u32 s5, $0x1;
	s2 =	sadd.s32 s19, s18  }
0x9c: {  	s6 =	simm.s32 $0x0;
	s20 =	sshll.u32 s4, $0x1;
	s4 =	sadd.s32 s21, s2  }
0x9d: {  	[timem:s6], [sflag:s22] =	dma.local [hbm:s4], s20  }
0x9e: {  	_ =	swait.ge [sflag:s22], s20  }
0x9f: {  	s3 =	ssub.s32 $0x0, s20;
	[sflag:s22] =	ssyncset.done $0x0  }
0xa0: {  	[sflag:s22] =	ssyncadd.s32 s3;
	_ =	sdelay $0x1  }
0xa1: {  	s23 =	simm.s32 $0x1B8B  }
0xa2: {  	_ =	swait.ge [sflag:s23], $0x1  }
0xa3: {  	[sflag:s23] =	ssyncset.done $0x0  }
0xa4: {  	s25 =	simm.s32 $0x1B8E;
	s24 =	sld [smem:$0x3FFE];
	[sflag:s23] =	ssyncadd.s32 $0xFFFFFFFF  }
0xa5: {  	s26 =	simm.s32 $execute0_lowered;
	[smem:$0x3FD2] =	sst s25  }
0xa6: {  	s4 =	sshll.u32 s26, $0x1;
	_ =	strace $0x80000049;
	[dreg:$0x1] =	wrdreg $0xFFFFFFFF  }
0xa7: {  	s28 =	simm.s32 $_size_execute0_lowered;
	s2 =	sadd.s32 s2, s4;
	[dreg:$0x0] =	wrdreg $0x0  }
0xa8: {  	s4 =	sshll.u32 s28, $0x1;
	[dreg:$0x2] =	wrdreg s2  }
0xa9: {  	[dreg:$0x3] =	wrdreg s4  }
0xaa: {  	[dreg:$0x4] =	wrdreg $0xC0  }
0xab: {  	_ =	task [dreg:s6], $0x5FFFF  }
0xac: {  	[dreg:$0x1] =	wrdreg $0xFFFFFFFF  }
0xad: {  	[dreg:$0x0] =	wrdreg $0x60  }
0xae: {  	[dreg:$0x2] =	wrdreg s24  }
0xaf: {  	[dreg:$0x3] =	wrdreg $0x72000  }
0xb0: {  	[dreg:$0x4] =	wrdreg $0x9  }
0xb1: {  	_ =	task.clear_ibuf [dreg:s6], $0x5FFFF;
	_ =	strace $0x90000049  }
0xb2: {  	s29 =	simm.s32 $0x9;
	_ =	strace $0x8000004B  }
0xb3: {  	_ =	swait.ge [sflag:s29], $0x1  }
0xb4: {  	[sflag:s29] =	ssyncadd.s32 $0xFFFFFFFF  }
0xb5: {  	_ =	strace $0x9000004B  }
0xb6: {  	_ =	sfence  }
0xb7: {  	s30 =	sld [smem:$0x0];
	_ =	sdelay $0x2  }
0xb8: {  	s31 =	sshll.u32 s1, $0xD;
	s1 =	sshrl.u32 s1, $0x2  }
0xb9: {  	s3 =	sand.u32 $0x4000, s31;
	s1 =	sadd.s32 s1, s30  }
0xba: {  	s0 =	sor.u32 s3, s0;
	s1 =	sshll.u32 s1, $0x11  }
0xbb: {  	s0 =	sor.u32 s1, s0  }
0xbc: {  	s0 =	sadd.s32 $0x8F2B, s0  }
0xbd: {  	[sflag:s0] =	ssyncadd.remote.s32 $0x1  }
0xbe: {  	_ =	sfence.sel $0xFFFF  }
0xbf: {  	[dreg:$0x0] =	wrdreg $0xFFFFFFFF;
	(pc) =	sbr.abs _section_cstart, $3  }
0xc0: {  	[dreg:$0x1] =	wrdreg $0xFFFFFFFF  }
0xc1: {  	_ =	task.clear_ibuf [dreg:s6], $0x2FFFF;
	_ =	strace $0x9FFFFFFF  }
0xc2: {  	(tm) =	ssettm $0x7FFFFFFF  }
0xc3: {  	_ =	shalt  }
tec
execute0_lowered:
.L_overlay_start_1:
0x0: {  	(tag) =	ssettag $0x1  }
0x1: {  	s0 =	rddreg [dreg:$0x0]  }
0x2: {  	s1 =	srdreg.scid;
	s10 =	stileid.u32  }
0x3: {  	s2 =	rddreg [dreg:$0x1];
	s3 =	simm.s32 $0x0;
	s1 =	sand.u32 $0x1, s1  }
0x4: {  	s4 =	sshll.u32 s10, $0x1;
	[smem:$0x7FF] =	sst s3;
	s15 =	smul.u32 $0x18600, s10  }
0x5: {  	s11 =	sadd.s32 $0x1A00, s0;
	s5 =	sadd.s32 $0x63600, s0;
	s7 =	smul.u32 $0x30D40, s1  }
0x6: {  	s4 =	sor.u32 s1, s4;
	s8 =	ssub.s32 $0x2, s1;
	s1 =	smul.u32 $0xC300, s1  }
0x7: {  	_ =	strace $0x8000004A;
	[dreg:$0xe] =	wrdreg s11;
	s6 =	smul.u32 $0xC300, s4  }
0x8: {  	s31 =	sshrl.u32 s8, $0x1;
	s4 =	sshll.u32 s4, $0x4;
	s7 =	sadd.s32 s7, s0  }
0x9: {  	s0 =	ssub.s32 s8, s31;
	s1 =	sadd.s32 s1, s15;
	s4 =	sadd.s32 s4, s11  }
0xa: {  	s6 =	sshrl.u32 s6, $0x3;
	s21 =	sadd.s32 $0x1500, s1;
	s22 =	sadd.s32 $0x30C00, s4  }
0xb: {  	s4 =	sadd.s32 $0x61940, s4;
	s24 =	sadd.s32 $0x187F00, s1;
	[dreg:$0x1a] =	wrdreg s22  }
0xc: {  	s26 =	sadd.s32 $0x187C00, s1;
	s0 =	smax.u32 s0, $0x1;
	[dreg:$0x1b] =	wrdreg s4  }
0xd: {  	s28 =	sadd.s32 $0xF00, s1;
	s9 =	sadd.s32 s11, s6;
	[dreg:$0x1d] =	wrdreg s0  }
0xe: {  	s15 =	sadd.s32 $0x187600, s1;
	s6 =	sadd.s32 $0x30D40, s9;
	[dreg:$0xf] =	wrdreg s9  }
0xf: {  	s23 =	sshrl.u32 s21, $0x3;
	s12 =	sadd.s32 $0x60, s9;
	[dreg:$0x10] =	wrdreg s6  }
0x10: {  	s25 =	sshrl.u32 s24, $0x3;
	s13 =	sadd.s32 $0x30DA0, s9;
	[dreg:$0x11] =	wrdreg s12  }
0x11: {  	s8 =	sshrl.u32 s26, $0x3;
	s14 =	sadd.s32 $0x1740, s9;
	[dreg:$0x12] =	wrdreg s13  }
0x12: {  	s31 =	sshrl.u32 s28, $0x3;
	s16 =	sadd.s32 $0x32480, s9;
	[dreg:$0x13] =	wrdreg s14  }
0x13: {  	s21 =	sadd.s32 $0x187300, s1;
	s17 =	sadd.s32 $0x17A0, s9;
	[dreg:$0x14] =	wrdreg s16  }
0x14: {  	s22 =	sadd.s32 $0x600, s1;
	s18 =	sadd.s32 $0x324E0, s9;
	[dreg:$0x15] =	wrdreg s17  }
0x15: {  	s19 =	sadd.s32 $0x1800, s9;
	s20 =	sadd.s32 $0x32540, s9;
	[dreg:$0x16] =	wrdreg s18  }
0x16: {  	s4 =	sadd.s32 s23, s11;
	s30 =	sadd.s32 s8, s11;
	[dreg:$0x17] =	wrdreg s19  }
0x17: {  	s8 =	sadd.s32 s31, s11;
	s9 =	sadd.s32 $0x187900, s1;
	[dreg:$0x18] =	wrdreg s20  }
0x18: {  	s24 =	sshrl.u32 s22, $0x3;
	s12 =	sadd.s32 $0x94400, s7;
	[dreg:$0x3] =	wrdreg s4  }
0x19: {  	s6 =	sadd.s32 $0x16E900, s2;
	s7 =	smul.u32 $0x30E00, s10;
	[dreg:$0x5] =	wrdreg s30  }
0x1a: {  	s4 =	sadd.s32 s25, s11;
	[dreg:$0x6] =	wrdreg s8;
	s13 =	sshrl.u32 s9, $0x3  }
0x1b: {  	s14 =	sadd.s32 $0xC00, s1;
	s26 =	sadd.s32 s24, s11;
	[dreg:$0x4] =	wrdreg s4  }
0x1c: {  	s17 =	sshrl.u32 s15, $0x3;
	s19 =	sadd.s32 $0x900, s1;
	[dreg:$0xc] =	wrdreg s26  }
0x1d: {  	s25 =	smul.u32 $0x61C00, s10;
	s4 =	sadd.s32 s13, s11;
	[dreg:$0x19] =	wrdreg s12  }
0x1e: {  	s30 =	sadd.s32 $0x187000, s1;
	s18 =	sadd.s32 s17, s11;
	[dreg:$0x7] =	wrdreg s4  }
0x1f: {  	s8 =	sshrl.u32 s14, $0x3;
	s14 =	sshrl.u32 s6, $0x3;
	[dreg:$0x9] =	wrdreg s18  }
0x20: {  	s20 =	sshrl.u32 s19, $0x3;
	s16 =	sadd.s32 s8, s11;
	[smem:$0x7EE] =	sst s14  }
0x21: {  	s4 =	sadd.s32 s20, s11;
	s8 =	sshrl.u32 s21, $0x3;
	[dreg:$0x8] =	wrdreg s16  }
0x22: {  	s28 =	sshrl.u32 s7, $0x4;
	[dreg:$0xa] =	wrdreg s4;
	s23 =	sadd.s32 s8, s11  }
0x23: {  	s9 =	sshrl.u32 s25, $0x2;
	s12 =	sadd.s32 s28, s12;
	[dreg:$0xb] =	wrdreg s23  }
0x24: {  	s4 =	sshrl.u32 s30, $0x3;
	s9 =	sadd.s32 s9, s2;
	[smem:$0x7EC] =	sst s12  }
0x25: {  	s7 =	sshrl.u32 s7, $0x1;
	s4 =	sadd.s32 s4, s11;
	[dreg:$0x1c] =	wrdreg s9  }
0x26: {  	s7 =	sadd.s32 s7, s2;
	s31 =	sadd.s32 $0x1700, s9;
	[dreg:$0xd] =	wrdreg s4  }
0x27: {  	s13 =	sshrl.u32 s7, $0x3;
	[dreg:$0x1e] =	wrdreg s31  }
0x28: {  	s15 =	sadd.s32 $0x2E00, s9;
	[smem:$0x7ED] =	sst s13  }
0x29: {  	s16 =	sadd.s32 $0x4500, s9;
	[smem:$0x7EF] =	sst s15  }
0x2a: {  	s17 =	sadd.s32 $0x5C00, s9;
	[smem:$0x7F0] =	sst s16  }
0x2b: {  	s18 =	sadd.s32 $0x7300, s9;
	[smem:$0x7F1] =	sst s17  }
0x2c: {  	s19 =	sadd.s32 $0x8A00, s9;
	[smem:$0x7F2] =	sst s18  }
0x2d: {  	s20 =	sadd.s32 $0xA100, s9;
	[smem:$0x7F3] =	sst s19  }
0x2e: {  	s21 =	sadd.s32 $0xB800, s9;
	[smem:$0x7F4] =	sst s20  }
0x2f: {  	s29 =	simm.s32 $0x1;
	s22 =	sadd.s32 $0xCF00, s9;
	[smem:$0x7F5] =	sst s21  }
0x30: {  	p0 =	sgt.u32 s10, $0x9;
	s23 =	sadd.s32 $0xE600, s9;
	[smem:$0x7F6] =	sst s22  }
0x31: {  	p1 =	seq.s32 s10, $0xF;
	s24 =	sadd.s32 $0xFD00, s9;
	[smem:$0x7F7] =	sst s23  }
0x32: {  	s0 =	simm.s32 $0x0;
	s25 =	sadd.s32 $0x11400, s9;
	[smem:$0x7F8] =	sst s24  }
0x33: {  	s26 =	sadd.s32 $0x12B00, s9;
	s28 =	sadd.s32 $0x14200, s9;
	[smem:$0x7F9] =	sst s25  }
.Ltmp0:
0x34: {  	s30 =	sadd.s32 $0x15900, s9;
	[smem:$0x7FA] =	sst s26;
	(pc) =	sbr.rel .LBB2_1-.Ltmp0, $4  }
0x35: {  	s12 =	simm.s32 $0x80;
	s4 =	sadd.s32 $0x1200, s1;
	[smem:$0x7FB] =	sst s28  }
0x36: {  	[smem:$0x7FC] =	sst s30;
	s31 =	sadd.s32 $0x17000, s9;
	s19 =	simm.s32 $0x8  }
0x37: {  	s16 =	simm.s32 $0x6;
	s26 =	simm.s32 $0x0;
	[dreg:$0x1f] =	wrdreg s4  }
0x38: {  	v0 =	vimm.bf16 $0.0e+00;
	s25 =	simm.s32 $0x5;
	[smem:$0x7FD] =	sst s31;
	s4 =	simm.s32 $0x100  }
.LBB2_9:
0x39: {  	s31 =	sld [smem:$0x7EE]  }
0x3a: {  	s1 =	rddreg [dreg:$0x19]  }
0x3b: {  	s0 =	simm.s32 $0x1FC8;
	s8 =	sadd.s32 $0x2DD20, s1  }
0x3c: {  	[hbm:s8], [sflag:s0] =	dma.local [spmem:s31], $0x3020  }
0x3d: {  	_ =	swait.ge [sflag:s19], $0x3020  }
0x3e: {  	[sflag:s19] =	ssyncset.done $0x0  }
0x3f: {  	s0 =	sld [smem:$0x7EB];
	[sflag:s19] =	ssyncadd.s32 $0xFFFFCFE0  }
.LBB2_10:
0x40: {  	_ =	sdelay $0x1  }
0x41: {  	s1 =	rddreg [dreg:$0x1d];
	s0 =	sadd.s32 $0x1, s0  }
0x42: {  	p2 =	sne.s32 s0, s1  }
.Ltmp1:
0x43: {  	_ = 	snop;
	(pc) =	sbr.rel @!p2 .LBB2_11-.Ltmp1, $1  }
0x44: {  	_ =	sdelay $0x3  }
.LBB2_1:
0x45: {  	[smem:$0x7EB] =	sst s0;
	s8 =	simm.s32 $0x40;
	s10 =	simm.s32 $0x0  }
.LBB2_2:
0x46: {  	p2 =	sne.s32 s8, $0x5BC0;
	[tilespmem:s10+$0x1200] =	vst v0;
	s10 =	smov.u32 s8;
	s8 =	sadd.s32 $0x40, s8  }
.Ltmp2:
0x47: {  	(pc) =	sbr.rel @p2 .LBB2_2-.Ltmp2, $2  }
0x48: {  	_ =	sdelay $0x2  }
0x49: {  	s10 =	sshra.s32 s10, $0x2  }
0x4a: {  	[tilespmem:s10+$0x1200] =	vst v0;
	s1 =	rddreg [dreg:$0x1c];
	s15 =	simm.s32 $0x1200  }
0x4b: {  	[spmem:s1] =	stream.linear.scatter [tilespmem:s15], [sflag:$0x8], $0x1700, $0x38;
	[tilespmem:$0x1F900] =	vst v63  }
0x4c: {  	_ =	swait.ge [sflag:s19], $0x1700  }
0x4d: {  	[sflag:s19] =	ssyncset.done $0x0  }
0x4e: {  	s13 =	rddreg [dreg:$0x1e];
	[sflag:s19] =	ssyncadd.s32 $0xFFFFE900  }
0x4f: {  	[spmem:s13] =	stream.linear.scatter [tilespmem:s15], [sflag:$0x8], $0x1700, $0x38;
	[tilespmem:$0x1F900] =	vst v63  }
0x50: {  	_ =	swait.ge [sflag:s19], $0x1700  }
0x51: {  	s14 =	sld [smem:$0x7EF]  }
0x52: {  	[sflag:s19] =	ssyncset.done $0x0  }
0x53: {  	[sflag:s19] =	ssyncadd.s32 $0xFFFFE900  }
0x54: {  	[spmem:s14] =	stream.linear.scatter [tilespmem:s15], [sflag:$0x8], $0x1700, $0x38;
	[tilespmem:$0x1F900] =	vst v63  }
0x55: {  	_ =	swait.ge [sflag:s19], $0x1700  }
0x56: {  	s17 =	sld [smem:$0x7F0]  }
0x57: {  	[sflag:s19] =	ssyncset.done $0x0  }
0x58: {  	[sflag:s19] =	ssyncadd.s32 $0xFFFFE900  }
0x59: {  	[spmem:s17] =	stream.linear.scatter [tilespmem:s15], [sflag:$0x8], $0x1700, $0x38;
	[tilespmem:$0x1F900] =	vst v63  }
0x5a: {  	_ =	swait.ge [sflag:s19], $0x1700  }
0x5b: {  	s18 =	sld [smem:$0x7F1]  }
0x5c: {  	[sflag:s19] =	ssyncset.done $0x0  }
0x5d: {  	[sflag:s19] =	ssyncadd.s32 $0xFFFFE900  }
0x5e: {  	[spmem:s18] =	stream.linear.scatter [tilespmem:s15], [sflag:$0x8], $0x1700, $0x38;
	[tilespmem:$0x1F900] =	vst v63  }
0x5f: {  	_ =	swait.ge [sflag:s19], $0x1700  }
0x60: {  	s20 =	sld [smem:$0x7F2]  }
0x61: {  	[sflag:s19] =	ssyncset.done $0x0  }
0x62: {  	[sflag:s19] =	ssyncadd.s32 $0xFFFFE900  }
0x63: {  	[spmem:s20] =	stream.linear.scatter [tilespmem:s15], [sflag:$0x8], $0x1700, $0x38;
	[tilespmem:$0x1F900] =	vst v63  }
0x64: {  	_ =	swait.ge [sflag:s19], $0x1700  }
0x65: {  	s21 =	sld [smem:$0x7F3]  }
0x66: {  	[sflag:s19] =	ssyncset.done $0x0  }
0x67: {  	[sflag:s19] =	ssyncadd.s32 $0xFFFFE900  }
0x68: {  	[spmem:s21] =	stream.linear.scatter [tilespmem:s15], [sflag:$0x8], $0x1700, $0x38;
	[tilespmem:$0x1F900] =	vst v63  }
0x69: {  	_ =	swait.ge [sflag:s19], $0x1700  }
0x6a: {  	s22 =	sld [smem:$0x7F4]  }
0x6b: {  	[sflag:s19] =	ssyncset.done $0x0  }
0x6c: {  	[sflag:s19] =	ssyncadd.s32 $0xFFFFE900  }
0x6d: {  	[spmem:s22] =	stream.linear.scatter [tilespmem:s15], [sflag:$0x8], $0x1700, $0x38;
	[tilespmem:$0x1F900] =	vst v63  }
0x6e: {  	_ =	swait.ge [sflag:s19], $0x1700  }
0x6f: {  	s23 =	sld [smem:$0x7F5]  }
0x70: {  	[sflag:s19] =	ssyncset.done $0x0  }
0x71: {  	[sflag:s19] =	ssyncadd.s32 $0xFFFFE900  }
0x72: {  	[spmem:s23] =	stream.linear.scatter [tilespmem:s15], [sflag:$0x8], $0x1700, $0x38;
	[tilespmem:$0x1F900] =	vst v63  }
0x73: {  	_ =	swait.ge [sflag:s19], $0x1700  }
0x74: {  	s24 =	sld [smem:$0x7F6]  }
0x75: {  	[sflag:s19] =	ssyncset.done $0x0  }
0x76: {  	[sflag:s19] =	ssyncadd.s32 $0xFFFFE900  }
0x77: {  	[spmem:s24] =	stream.linear.scatter [tilespmem:s15], [sflag:$0x8], $0x1700, $0x38;
	[tilespmem:$0x1F900] =	vst v63  }
0x78: {  	_ =	swait.ge [sflag:s19], $0x1700  }
0x79: {  	s28 =	sld [smem:$0x7F7]  }
0x7a: {  	[sflag:s19] =	ssyncset.done $0x0  }
0x7b: {  	[sflag:s19] =	ssyncadd.s32 $0xFFFFE900  }
0x7c: {  	[spmem:s28] =	stream.linear.scatter [tilespmem:s15], [sflag:$0x8], $0x1700, $0x38;
	[tilespmem:$0x1F900] =	vst v63  }
0x7d: {  	_ =	swait.ge [sflag:s19], $0x1700  }
0x7e: {  	s30 =	sld [smem:$0x7F8]  }
0x7f: {  	[sflag:s19] =	ssyncset.done $0x0  }
0x80: {  	[sflag:s19] =	ssyncadd.s32 $0xFFFFE900  }
0x81: {  	[spmem:s30] =	stream.linear.scatter [tilespmem:s15], [sflag:$0x8], $0x1700, $0x38;
	[tilespmem:$0x1F900] =	vst v63  }
0x82: {  	_ =	swait.ge [sflag:s19], $0x1700  }
0x83: {  	s31 =	sld [smem:$0x7F9]  }
0x84: {  	[sflag:s19] =	ssyncset.done $0x0  }
0x85: {  	[sflag:s19] =	ssyncadd.s32 $0xFFFFE900  }
0x86: {  	[spmem:s31] =	stream.linear.scatter [tilespmem:s15], [sflag:$0x8], $0x1700, $0x38;
	[tilespmem:$0x1F900] =	vst v63  }
0x87: {  	_ =	swait.ge [sflag:s19], $0x1700  }
0x88: {  	s0 =	sld [smem:$0x7FA]  }
0x89: {  	[sflag:s19] =	ssyncset.done $0x0  }
0x8a: {  	[sflag:s19] =	ssyncadd.s32 $0xFFFFE900  }
0x8b: {  	[spmem:s0] =	stream.linear.scatter [tilespmem:s15], [sflag:$0x8], $0x1700, $0x38;
	[tilespmem:$0x1F900] =	vst v63  }
0x8c: {  	_ =	swait.ge [sflag:s19], $0x1700  }
0x8d: {  	s6 =	sld [smem:$0x7FB]  }
0x8e: {  	[sflag:s19] =	ssyncset.done $0x0  }
0x8f: {  	[sflag:s19] =	ssyncadd.s32 $0xFFFFE900  }
0x90: {  	[spmem:s6] =	stream.linear.scatter [tilespmem:s15], [sflag:$0x8], $0x1700, $0x38;
	[tilespmem:$0x1F900] =	vst v63  }
0x91: {  	_ =	swait.ge [sflag:s19], $0x1700  }
0x92: {  	s7 =	sld [smem:$0x7FC]  }
0x93: {  	[sflag:s19] =	ssyncset.done $0x0  }
0x94: {  	[sflag:s19] =	ssyncadd.s32 $0xFFFFE900  }
0x95: {  	[spmem:s7] =	stream.linear.scatter [tilespmem:s15], [sflag:$0x8], $0x1700, $0x38;
	[tilespmem:$0x1F900] =	vst v63  }
0x96: {  	_ =	swait.ge [sflag:s19], $0x1700  }
0x97: {  	s8 =	sld [smem:$0x7FD]  }
0x98: {  	[sflag:s19] =	ssyncset.done $0x0  }
0x99: {  	[sflag:s19] =	ssyncadd.s32 $0xFFFFE900  }
0x9a: {  	[spmem:s8] =	stream.linear.scatter [tilespmem:s15], [sflag:$0x8], $0x1700, $0x38;
	[tilespmem:$0x1F900] =	vst v63  }
0x9b: {  	_ =	swait.ge [sflag:s19], $0x1700  }
0x9c: {  	[sflag:s19] =	ssyncset.done $0x0  }
0x9d: {  	[sflag:s19] =	ssyncadd.s32 $0xFFFFE900  }
0x9e: {  	[bflag:$0x0] =	sbarrier.arrive $0xFFFF  }
0x9f: {  	s8 =	simm.s32 $0x0;
	s9 =	rddreg [dreg:$0xf]  }
0xa0: {  	[tilespmem:s8], [sflag:$0x8] =	stream.linear.gather [hbm4b:s9+s8], $0x300, $0x38;
	[tilespmem:$0x1F900] =	vst v63  }
0xa1: {  	_ =	swait.ge [sflag:s19], $0x300  }
0xa2: {  	[sflag:s19] =	ssyncset.done $0x0  }
0xa3: {  	s11 =	simm.s32 $0x900;
	s10 =	rddreg [dreg:$0x10];
	[sflag:s19] =	ssyncadd.s32 $0xFFFFFD00  }
0xa4: {  	[tilespmem:s11], [sflag:$0x8] =	stream.linear.gather [hbm4b:s10+s8], $0x300, $0x38;
	[tilespmem:$0x1F900] =	vst v63  }
0xa5: {  	_ =	swait.ge [sflag:s19], $0x300  }
0xa6: {  	[sflag:s19] =	ssyncset.done $0x0  }
0xa7: {  	[sflag:s19] =	ssyncadd.s32 $0xFFFFFD00  }
0xa8: {  	[tilespmem:s15], [sflag:$0x1] =	stream.indirect.gather [hbm4b:s5+s12], $0x10, s8, s12, $0xb8;
	[tilespmem:$0x1F900] =	vst v63  }
0xa9: {  	s21 =	simm.s32 $0x1A00  }
0xaa: {  	[tilespmem:s21], [sflag:$0x1] =	stream.indirect.gather [hbm4b:s5+s12], $0x10, s12, s12, $0xb8;
	[tilespmem:$0x1F900] =	vst v63  }
0xab: {  	s7 =	simm.s32 $0x2200  }
0xac: {  	[tilespmem:s7], [sflag:$0x1] =	stream.indirect.gather [hbm4b:s5+s12], $0x10, s4, s12, $0xb8;
	[tilespmem:$0x1F900] =	vst v63  }
0xad: {  	s30 =	simm.s32 $0x2A00;
	s0 =	simm.s32 $0x180  }
0xae: {  	[tilespmem:s30], [sflag:$0x1] =	stream.indirect.gather [hbm4b:s5+s12], $0x10, s0, s12, $0xb8;
	[tilespmem:$0x1F900] =	vst v63  }
0xaf: {  	s13 =	simm.s32 $0x200;
	s6 =	simm.s32 $0x3200  }
0xb0: {  	[tilespmem:s6], [sflag:$0x1] =	stream.indirect.gather [hbm4b:s5+s12], $0x10, s13, s12, $0xb8;
	[tilespmem:$0x1F900] =	vst v63  }
0xb1: {  	s14 =	simm.s32 $0x280;
	s28 =	simm.s32 $0x3A00  }
0xb2: {  	[tilespmem:s28], [sflag:$0x1] =	stream.indirect.gather [hbm4b:s5+s12], $0x10, s14, s12, $0xb8;
	[tilespmem:$0x1F900] =	vst v63  }
0xb3: {  	s24 =	simm.s32 $0x300;
	s17 =	rddreg [dreg:$0x11]  }
0xb4: {  	[tilespmem:s24], [sflag:$0x6] =	stream.linear.gather [hbm4b:s17+s8], $0x300, $0x38;
	[tilespmem:$0x1F900] =	vst v63  }
0xb5: {  	s18 =	rddreg [dreg:$0x12];
	s19 =	simm.s32 $0xC00  }
0xb6: {  	[tilespmem:s19], [sflag:$0x6] =	stream.linear.gather [hbm4b:s18+s8], $0x300, $0x38;
	[tilespmem:$0x1F900] =	vst v63  }
0xb7: {  	_ =	swait.ge [sflag:s29], $0x3000  }
0xb8: {  	[sflag:s29] =	ssyncset.done $0x0  }
0xb9: {  	[sflag:s29] =	ssyncadd.s32 $0xFFFFD000  }
0xba: {  	[spmem:s2] =	stream.indirect.scatter.add.bf16 [tilespmem:s15], [sflag:$0x3], $0x10, s11, s12, $0xb8;
	[tilespmem:$0x1F900] =	vst v63  }
0xbb: {  	s20 =	simm.s32 $0x980  }
0xbc: {  	[spmem:s2] =	stream.indirect.scatter.add.bf16 [tilespmem:s21], [sflag:$0x3], $0x10, s20, s12, $0xb8;
	[tilespmem:$0x1F900] =	vst v63  }
0xbd: {  	s22 =	simm.s32 $0xA00  }
0xbe: {  	[spmem:s2] =	stream.indirect.scatter.add.bf16 [tilespmem:s7], [sflag:$0x3], $0x10, s22, s12, $0xb8;
	[tilespmem:$0x1F900] =	vst v63  }
0xbf: {  	s23 =	simm.s32 $0xA80  }
0xc0: {  	[spmem:s2] =	stream.indirect.scatter.add.bf16 [tilespmem:s30], [sflag:$0x3], $0x10, s23, s12, $0xb8;
	[tilespmem:$0x1F900] =	vst v63  }
0xc1: {  	s31 =	simm.s32 $0xB00  }
0xc2: {  	[spmem:s2] =	stream.indirect.scatter.add.bf16 [tilespmem:s6], [sflag:$0x3], $0x10, s31, s12, $0xb8;
	[tilespmem:$0x1F900] =	vst v63  }
0xc3: {  	s1 =	simm.s32 $0xB80  }
0xc4: {  	[spmem:s2] =	stream.indirect.scatter.add.bf16 [tilespmem:s28], [sflag:$0x3], $0x10, s1, s12, $0xb8;
	[tilespmem:$0x1F900] =	vst v63  }
0xc5: {  	_ =	swait.ge [sflag:s16], $0x300  }
0xc6: {  	[sflag:s16] =	ssyncset.done $0x0  }
0xc7: {  	[sflag:s16] =	ssyncadd.s32 $0xFFFFFD00  }
0xc8: {  	_ =	swait.ge [sflag:s16], $0x300  }
0xc9: {  	p2 =	por $0x1, $0x1;
	[sflag:s16] =	ssyncset.done $0x0  }
0xca: {  	s8 =	simm.s32 @!p2 $0x4;
	[sflag:s16] =	ssyncadd.s32 $0xFFFFFD00  }
0xcb: {  	_ =	swait.ge @!p2 [sflag:s8], $0x3000  }
0xcc: {  	[sflag:s8] =	ssyncset.done @!p2 $0x0  }
0xcd: {  	s9 =	simm.s32 $0x4200;
	[sflag:s8] =	ssyncadd.s32 @!p2 $0xFFFFD000  }
0xce: {  	[tilespmem:s9], [sflag:$0x2] =	stream.indirect.gather [hbm4b:s5+s12], $0x10, s24, s12, $0xb8;
	[tilespmem:$0x1F900] =	vst v63  }
0xcf: {  	s4 =	simm.s32 $0x380;
	s13 =	simm.s32 $0x4A00  }
0xd0: {  	[tilespmem:s13], [sflag:$0x2] =	stream.indirect.gather [hbm4b:s5+s12], $0x10, s4, s12, $0xb8;
	[tilespmem:$0x1F900] =	vst v63  }
0xd1: {  	s17 =	simm.s32 $0x5200;
	s8 =	simm.s32 $0x400  }
0xd2: {  	[tilespmem:s17], [sflag:$0x2] =	stream.indirect.gather [hbm4b:s5+s12], $0x10, s8, s12, $0xb8;
	[tilespmem:$0x1F900] =	vst v63  }
0xd3: {  	s10 =	simm.s32 $0x480;
	s20 =	simm.s32 $0x5A00  }
0xd4: {  	[tilespmem:s20], [sflag:$0x2] =	stream.indirect.gather [hbm4b:s5+s12], $0x10, s10, s12, $0xb8;
	[tilespmem:$0x1F900] =	vst v63  }
0xd5: {  	s22 =	simm.s32 $0x6200;
	s16 =	simm.s32 $0x500  }
0xd6: {  	[tilespmem:s22], [sflag:$0x2] =	stream.indirect.gather [hbm4b:s5+s12], $0x10, s16, s12, $0xb8;
	[tilespmem:$0x1F900] =	vst v63  }
0xd7: {  	s23 =	simm.s32 $0x6A00;
	s31 =	simm.s32 $0x580;
	s14 =	rddreg [dreg:$0xc]  }
0xd8: {  	[tilespmem:s23], [sflag:$0x2] =	stream.indirect.gather [hbm4b:s5+s12], $0x10, s31, s12, $0xb8;
	[tilespmem:$0x1F900] =	vst v63  }
0xd9: {  	s1 =	simm.s32 $0x600;
	s18 =	rddreg [dreg:$0xd];
	s8 =	sadd.s32 $0x0, s14  }
0xda: {  	[tilespmem:s1], [sflag:$0x7] =	stream.linear.gather [hbm4b:s8+s3], $0x300, $0x38;
	[tilespmem:$0x1F900] =	vst v63  }
0xdb: {  	s0 =	sadd.s32 $0x0, s18;
	s18 =	simm.s32 $0x2;
	s4 =	simm.s32 $0xF00  }
0xdc: {  	[tilespmem:s4], [sflag:$0x7] =	stream.linear.gather [hbm4b:s0+s3], $0x300, $0x38;
	[tilespmem:$0x1F900] =	vst v63  }
0xdd: {  	_ =	swait.ge [sflag:s18], $0x3000  }
0xde: {  	[sflag:s18] =	ssyncset.done $0x0  }
0xdf: {  	[sflag:s18] =	ssyncadd.s32 $0xFFFFD000  }
0xe0: {  	[spmem:s2] =	stream.indirect.scatter.add.bf16 [tilespmem:s9], [sflag:$0x4], $0x10, s19, s12, $0xb8;
	[tilespmem:$0x1F900] =	vst v63  }
0xe1: {  	s3 =	simm.s32 $0xC80  }
0xe2: {  	[spmem:s2] =	stream.indirect.scatter.add.bf16 [tilespmem:s13], [sflag:$0x4], $0x10, s3, s12, $0xb8;
	[tilespmem:$0x1F900] =	vst v63  }
0xe3: {  	s8 =	simm.s32 $0xD00  }
0xe4: {  	[spmem:s2] =	stream.indirect.scatter.add.bf16 [tilespmem:s17], [sflag:$0x4], $0x10, s8, s12, $0xb8;
	[tilespmem:$0x1F900] =	vst v63  }
0xe5: {  	s10 =	simm.s32 $0xD80  }
0xe6: {  	[spmem:s2] =	stream.indirect.scatter.add.bf16 [tilespmem:s20], [sflag:$0x4], $0x10, s10, s12, $0xb8;
	[tilespmem:$0x1F900] =	vst v63  }
0xe7: {  	s14 =	simm.s32 $0xE00  }
0xe8: {  	[spmem:s2] =	stream.indirect.scatter.add.bf16 [tilespmem:s22], [sflag:$0x4], $0x10, s14, s12, $0xb8;
	[tilespmem:$0x1F900] =	vst v63  }
0xe9: {  	s3 =	simm.s32 $0xE80  }
0xea: {  	[spmem:s2] =	stream.indirect.scatter.add.bf16 [tilespmem:s23], [sflag:$0x4], $0x10, s3, s12, $0xb8;
	[tilespmem:$0x1F900] =	vst v63  }
0xeb: {  	s3 =	simm.s32 $0x7  }
0xec: {  	_ =	swait.ge [sflag:s3], $0x300  }
0xed: {  	[sflag:s3] =	ssyncset.done $0x0  }
0xee: {  	[sflag:s3] =	ssyncadd.s32 $0xFFFFFD00  }
0xef: {  	_ =	swait.ge [sflag:s3], $0x300  }
0xf0: {  	[sflag:s3] =	ssyncset.done $0x0  }
0xf1: {  	s14 =	simm.s32 $0x3;
	[sflag:s3] =	ssyncadd.s32 $0xFFFFFD00  }
0xf2: {  	_ =	swait.ge [sflag:s14], $0x3000  }
0xf3: {  	[sflag:s14] =	ssyncset.done $0x0  }
0xf4: {  	[sflag:s14] =	ssyncadd.s32 $0xFFFFD000  }
0xf5: {  	[tilespmem:s15], [sflag:$0x1] =	stream.indirect.gather [hbm4b:s5+s12], $0x10, s1, s12, $0xb8;
	[tilespmem:$0x1F900] =	vst v63  }
0xf6: {  	s8 =	simm.s32 $0x680  }
0xf7: {  	[tilespmem:s21], [sflag:$0x1] =	stream.indirect.gather [hbm4b:s5+s12], $0x10, s8, s12, $0xb8;
	[tilespmem:$0x1F900] =	vst v63  }
0xf8: {  	s10 =	simm.s32 $0x700  }
0xf9: {  	[tilespmem:s7], [sflag:$0x1] =	stream.indirect.gather [hbm4b:s5+s12], $0x10, s10, s12, $0xb8;
	[tilespmem:$0x1F900] =	vst v63  }
0xfa: {  	s8 =	simm.s32 $0x780  }
0xfb: {  	[tilespmem:s30], [sflag:$0x1] =	stream.indirect.gather [hbm4b:s5+s12], $0x10, s8, s12, $0xb8;
	[tilespmem:$0x1F900] =	vst v63  }
0xfc: {  	s10 =	simm.s32 $0x800  }
0xfd: {  	[tilespmem:s6], [sflag:$0x1] =	stream.indirect.gather [hbm4b:s5+s12], $0x10, s10, s12, $0xb8;
	[tilespmem:$0x1F900] =	vst v63  }
0xfe: {  	s0 =	simm.s32 $0x880;
	s8 =	rddreg [dreg:$0xa]  }
0xff: {  	[tilespmem:s28], [sflag:$0x1] =	stream.indirect.gather [hbm4b:s5+s12], $0x10, s0, s12, $0xb8;
	[tilespmem:$0x1F900] =	vst v63  }
0x100: {  	s8 =	sadd.s32 $0x0, s8;
	s10 =	rddreg [dreg:$0xb]  }
0x101: {  	[tilespmem:s26], [sflag:$0x5] =	stream.linear.gather [hbm4b:s8+s26], $0x300, $0x38;
	[tilespmem:$0x1F900] =	vst v63  }
0x102: {  	s0 =	sadd.s32 $0x0, s10  }
0x103: {  	[tilespmem:s11], [sflag:$0x5] =	stream.linear.gather [hbm4b:s0+s26], $0x300, $0x38;
	[tilespmem:$0x1F900] =	vst v63  }
0x104: {  	_ =	swait.ge [sflag:s29], $0x3000  }
0x105: {  	[sflag:s29] =	ssyncset.done $0x0  }
0x106: {  	[sflag:s29] =	ssyncadd.s32 $0xFFFFD000  }
0x107: {  	[spmem:s2] =	stream.indirect.scatter.add.bf16 [tilespmem:s15], [sflag:$0x3], $0x10, s4, s12, $0xb8;
	[tilespmem:$0x1F900] =	vst v63  }
0x108: {  	s8 =	simm.s32 $0xF80  }
0x109: {  	[spmem:s2] =	stream.indirect.scatter.add.bf16 [tilespmem:s21], [sflag:$0x3], $0x10, s8, s12, $0xb8;
	[tilespmem:$0x1F900] =	vst v63  }
0x10a: {  	s10 =	simm.s32 $0x1000  }
0x10b: {  	[spmem:s2] =	stream.indirect.scatter.add.bf16 [tilespmem:s7], [sflag:$0x3], $0x10, s10, s12, $0xb8;
	[tilespmem:$0x1F900] =	vst v63  }
0x10c: {  	s8 =	simm.s32 $0x1080  }
0x10d: {  	[spmem:s2] =	stream.indirect.scatter.add.bf16 [tilespmem:s30], [sflag:$0x3], $0x10, s8, s12, $0xb8;
	[tilespmem:$0x1F900] =	vst v63  }
0x10e: {  	s10 =	simm.s32 $0x1100  }
0x10f: {  	[spmem:s2] =	stream.indirect.scatter.add.bf16 [tilespmem:s6], [sflag:$0x3], $0x10, s10, s12, $0xb8;
	[tilespmem:$0x1F900] =	vst v63  }
0x110: {  	s8 =	simm.s32 $0x1180  }
0x111: {  	[spmem:s2] =	stream.indirect.scatter.add.bf16 [tilespmem:s28], [sflag:$0x3], $0x10, s8, s12, $0xb8;
	[tilespmem:$0x1F900] =	vst v63  }
0x112: {  	_ =	swait.ge [sflag:s25], $0x300  }
0x113: {  	[sflag:s25] =	ssyncset.done $0x0  }
0x114: {  	[sflag:s25] =	ssyncadd.s32 $0xFFFFFD00  }
0x115: {  	_ =	swait.ge [sflag:s25], $0x300  }
0x116: {  	[sflag:s25] =	ssyncset.done $0x0  }
0x117: {  	s0 =	simm.s32 $0x4;
	[sflag:s25] =	ssyncadd.s32 $0xFFFFFD00  }
0x118: {  	_ =	swait.ge [sflag:s0], $0x3000  }
0x119: {  	[sflag:s0] =	ssyncset.done $0x0  }
0x11a: {  	[sflag:s0] =	ssyncadd.s32 $0xFFFFD000  }
0x11b: {  	[tilespmem:s9], [sflag:$0x2] =	stream.indirect.gather [hbm4b:s5+s12], $0x10, s26, s12, $0xb8;
	[tilespmem:$0x1F900] =	vst v63  }
0x11c: {  	_ = 	snop  }
0x11d: {  	[tilespmem:s13], [sflag:$0x2] =	stream.indirect.gather [hbm4b:s5+s12], $0x10, s12, s12, $0xb8;
	[tilespmem:$0x1F900] =	vst v63  }
0x11e: {  	s31 =	simm.s32 $0x100  }
0x11f: {  	[tilespmem:s17], [sflag:$0x2] =	stream.indirect.gather [hbm4b:s5+s12], $0x10, s31, s12, $0xb8;
	[tilespmem:$0x1F900] =	vst v63  }
0x120: {  	s10 =	simm.s32 $0x180  }
0x121: {  	[tilespmem:s20], [sflag:$0x2] =	stream.indirect.gather [hbm4b:s5+s12], $0x10, s10, s12, $0xb8;
	[tilespmem:$0x1F900] =	vst v63  }
0x122: {  	s31 =	simm.s32 $0x200  }
0x123: {  	[tilespmem:s22], [sflag:$0x2] =	stream.indirect.gather [hbm4b:s5+s12], $0x10, s31, s12, $0xb8;
	[tilespmem:$0x1F900] =	vst v63  }
0x124: {  	s8 =	rddreg [dreg:$0x8];
	s31 =	simm.s32 $0x280  }
0x125: {  	[tilespmem:s23], [sflag:$0x2] =	stream.indirect.gather [hbm4b:s5+s12], $0x10, s31, s12, $0xb8;
	[tilespmem:$0x1F900] =	vst v63  }
0x126: {  	s8 =	sadd.s32 $0x0, s8;
	s10 =	rddreg [dreg:$0x9]  }
0x127: {  	[tilespmem:s24], [sflag:$0x6] =	stream.linear.gather [hbm4b:s8+s26], $0x300, $0x38;
	[tilespmem:$0x1F900] =	vst v63  }
0x128: {  	s10 =	sadd.s32 $0x0, s10  }
0x129: {  	[tilespmem:s19], [sflag:$0x6] =	stream.linear.gather [hbm4b:s10+s26], $0x300, $0x38;
	[tilespmem:$0x1F900] =	vst v63  }
0x12a: {  	_ =	swait.ge [sflag:s18], $0x3000  }
0x12b: {  	[sflag:s18] =	ssyncset.done $0x0  }
0x12c: {  	[sflag:s18] =	ssyncadd.s32 $0xFFFFD000  }
0x12d: {  	[spmem:s2] =	stream.indirect.scatter.add.bf16 [tilespmem:s9], [sflag:$0x4], $0x10, s11, s12, $0xb8;
	[tilespmem:$0x1F900] =	vst v63  }
0x12e: {  	s31 =	simm.s32 $0x980  }
0x12f: {  	[spmem:s2] =	stream.indirect.scatter.add.bf16 [tilespmem:s13], [sflag:$0x4], $0x10, s31, s12, $0xb8;
	[tilespmem:$0x1F900] =	vst v63  }
0x130: {  	s10 =	simm.s32 $0xA00  }
0x131: {  	[spmem:s2] =	stream.indirect.scatter.add.bf16 [tilespmem:s17], [sflag:$0x4], $0x10, s10, s12, $0xb8;
	[tilespmem:$0x1F900] =	vst v63  }
0x132: {  	s31 =	simm.s32 $0xA80  }
0x133: {  	[spmem:s2] =	stream.indirect.scatter.add.bf16 [tilespmem:s20], [sflag:$0x4], $0x10, s31, s12, $0xb8;
	[tilespmem:$0x1F900] =	vst v63  }
0x134: {  	s10 =	simm.s32 $0xB00  }
0x135: {  	[spmem:s2] =	stream.indirect.scatter.add.bf16 [tilespmem:s22], [sflag:$0x4], $0x10, s10, s12, $0xb8;
	[tilespmem:$0x1F900] =	vst v63  }
0x136: {  	s16 =	simm.s32 $0x6;
	s31 =	simm.s32 $0xB80  }
0x137: {  	[spmem:s2] =	stream.indirect.scatter.add.bf16 [tilespmem:s23], [sflag:$0x4], $0x10, s31, s12, $0xb8;
	[tilespmem:$0x1F900] =	vst v63  }
0x138: {  	_ =	swait.ge [sflag:s16], $0x300  }
0x139: {  	[sflag:s16] =	ssyncset.done $0x0  }
0x13a: {  	[sflag:s16] =	ssyncadd.s32 $0xFFFFFD00  }
0x13b: {  	_ =	swait.ge [sflag:s16], $0x300  }
0x13c: {  	[sflag:s16] =	ssyncset.done $0x0  }
0x13d: {  	[sflag:s16] =	ssyncadd.s32 $0xFFFFFD00  }
0x13e: {  	_ =	swait.ge [sflag:s14], $0x3000  }
0x13f: {  	[sflag:s14] =	ssyncset.done $0x0  }
0x140: {  	[sflag:s14] =	ssyncadd.s32 $0xFFFFD000  }
0x141: {  	[tilespmem:s15], [sflag:$0x1] =	stream.indirect.gather [hbm4b:s5+s12], $0x10, s24, s12, $0xb8;
	[tilespmem:$0x1F900] =	vst v63  }
0x142: {  	s10 =	simm.s32 $0x380  }
0x143: {  	[tilespmem:s21], [sflag:$0x1] =	stream.indirect.gather [hbm4b:s5+s12], $0x10, s10, s12, $0xb8;
	[tilespmem:$0x1F900] =	vst v63  }
0x144: {  	s31 =	simm.s32 $0x400  }
0x145: {  	[tilespmem:s7], [sflag:$0x1] =	stream.indirect.gather [hbm4b:s5+s12], $0x10, s31, s12, $0xb8;
	[tilespmem:$0x1F900] =	vst v63  }
0x146: {  	s10 =	simm.s32 $0x480  }
0x147: {  	[tilespmem:s30], [sflag:$0x1] =	stream.indirect.gather [hbm4b:s5+s12], $0x10, s10, s12, $0xb8;
	[tilespmem:$0x1F900] =	vst v63  }
0x148: {  	s31 =	simm.s32 $0x500  }
0x149: {  	[tilespmem:s6], [sflag:$0x1] =	stream.indirect.gather [hbm4b:s5+s12], $0x10, s31, s12, $0xb8;
	[tilespmem:$0x1F900] =	vst v63  }
0x14a: {  	s8 =	rddreg [dreg:$0x6];
	s31 =	simm.s32 $0x580  }
0x14b: {  	[tilespmem:s28], [sflag:$0x1] =	stream.indirect.gather [hbm4b:s5+s12], $0x10, s31, s12, $0xb8;
	[tilespmem:$0x1F900] =	vst v63  }
0x14c: {  	s8 =	sadd.s32 $0x0, s8;
	s10 =	rddreg [dreg:$0x7]  }
0x14d: {  	[tilespmem:s1], [sflag:$0x7] =	stream.linear.gather [hbm4b:s8+s26], $0x300, $0x38;
	[tilespmem:$0x1F900] =	vst v63  }
0x14e: {  	s31 =	sadd.s32 $0x0, s10  }
0x14f: {  	[tilespmem:s4], [sflag:$0x7] =	stream.linear.gather [hbm4b:s31+s26], $0x300, $0x38;
	[tilespmem:$0x1F900] =	vst v63  }
0x150: {  	_ =	swait.ge [sflag:s29], $0x3000  }
0x151: {  	[sflag:s29] =	ssyncset.done $0x0  }
0x152: {  	[sflag:s29] =	ssyncadd.s32 $0xFFFFD000  }
0x153: {  	[spmem:s2] =	stream.indirect.scatter.add.bf16 [tilespmem:s15], [sflag:$0x3], $0x10, s19, s12, $0xb8;
	[tilespmem:$0x1F900] =	vst v63  }
0x154: {  	s10 =	simm.s32 $0xC80  }
0x155: {  	[spmem:s2] =	stream.indirect.scatter.add.bf16 [tilespmem:s21], [sflag:$0x3], $0x10, s10, s12, $0xb8;
	[tilespmem:$0x1F900] =	vst v63  }
0x156: {  	s19 =	simm.s32 $0xD00  }
0x157: {  	[spmem:s2] =	stream.indirect.scatter.add.bf16 [tilespmem:s7], [sflag:$0x3], $0x10, s19, s12, $0xb8;
	[tilespmem:$0x1F900] =	vst v63  }
0x158: {  	s31 =	simm.s32 $0xD80  }
0x159: {  	[spmem:s2] =	stream.indirect.scatter.add.bf16 [tilespmem:s30], [sflag:$0x3], $0x10, s31, s12, $0xb8;
	[tilespmem:$0x1F900] =	vst v63  }
0x15a: {  	s10 =	simm.s32 $0xE00  }
0x15b: {  	[spmem:s2] =	stream.indirect.scatter.add.bf16 [tilespmem:s6], [sflag:$0x3], $0x10, s10, s12, $0xb8;
	[tilespmem:$0x1F900] =	vst v63  }
0x15c: {  	s19 =	simm.s32 $0xE80  }
0x15d: {  	[spmem:s2] =	stream.indirect.scatter.add.bf16 [tilespmem:s28], [sflag:$0x3], $0x10, s19, s12, $0xb8;
	[tilespmem:$0x1F900] =	vst v63  }
0x15e: {  	_ =	swait.ge [sflag:s3], $0x300  }
0x15f: {  	[sflag:s3] =	ssyncset.done $0x0  }
0x160: {  	[sflag:s3] =	ssyncadd.s32 $0xFFFFFD00  }
0x161: {  	_ =	swait.ge [sflag:s3], $0x300  }
0x162: {  	[sflag:s3] =	ssyncset.done $0x0  }
0x163: {  	[sflag:s3] =	ssyncadd.s32 $0xFFFFFD00  }
0x164: {  	_ =	swait.ge [sflag:s0], $0x3000  }
0x165: {  	[sflag:s0] =	ssyncset.done $0x0  }
0x166: {  	[sflag:s0] =	ssyncadd.s32 $0xFFFFD000  }
0x167: {  	[tilespmem:s9], [sflag:$0x2] =	stream.indirect.gather [hbm4b:s5+s12], $0x10, s1, s12, $0xb8;
	[tilespmem:$0x1F900] =	vst v63  }
0x168: {  	s31 =	simm.s32 $0x680  }
0x169: {  	[tilespmem:s13], [sflag:$0x2] =	stream.indirect.gather [hbm4b:s5+s12], $0x10, s31, s12, $0xb8;
	[tilespmem:$0x1F900] =	vst v63  }
0x16a: {  	s1 =	simm.s32 $0x700  }
0x16b: {  	[tilespmem:s17], [sflag:$0x2] =	stream.indirect.gather [hbm4b:s5+s12], $0x10, s1, s12, $0xb8;
	[tilespmem:$0x1F900] =	vst v63  }
0x16c: {  	s8 =	simm.s32 $0x780  }
0x16d: {  	[tilespmem:s20], [sflag:$0x2] =	stream.indirect.gather [hbm4b:s5+s12], $0x10, s8, s12, $0xb8;
	[tilespmem:$0x1F900] =	vst v63  }
0x16e: {  	s10 =	simm.s32 $0x800;
	s1 =	rddreg [dreg:$0x1f]  }
0x16f: {  	[tilespmem:s22], [sflag:$0x2] =	stream.indirect.gather [hbm4b:s5+s12], $0x10, s10, s12, $0xb8;
	[tilespmem:$0x1F900] =	vst v63  }
0x170: {  	s19 =	simm.s32 $0x880;
	s31 =	rddreg [dreg:$0xe];
	s8 =	sshrl.u32 s1, $0x3  }
0x171: {  	[tilespmem:s23], [sflag:$0x2] =	stream.indirect.gather [hbm4b:s5+s12], $0x10, s19, s12, $0xb8;
	[tilespmem:$0x1F900] =	vst v63  }
0x172: {  	s8 =	sadd.s32 s31, s8;
	s10 =	rddreg [dreg:$0x5]  }
0x173: {  	[tilespmem:s26], [sflag:$0x5] =	stream.linear.gather [hbm4b:s8+s26], $0x300, $0x38;
	[tilespmem:$0x1F900] =	vst v63  }
0x174: {  	s10 =	sadd.s32 $0x0, s10  }
0x175: {  	[tilespmem:s11], [sflag:$0x5] =	stream.linear.gather [hbm4b:s10+s26], $0x300, $0x38;
	[tilespmem:$0x1F900] =	vst v63  }
0x176: {  	_ =	swait.ge [sflag:s18], $0x3000  }
0x177: {  	[sflag:s18] =	ssyncset.done $0x0  }
0x178: {  	[sflag:s18] =	ssyncadd.s32 $0xFFFFD000  }
0x179: {  	[spmem:s2] =	stream.indirect.scatter.add.bf16 [tilespmem:s9], [sflag:$0x4], $0x10, s4, s12, $0xb8;
	[tilespmem:$0x1F900] =	vst v63  }
0x17a: {  	s11 =	simm.s32 $0xF80  }
0x17b: {  	[spmem:s2] =	stream.indirect.scatter.add.bf16 [tilespmem:s13], [sflag:$0x4], $0x10, s11, s12, $0xb8;
	[tilespmem:$0x1F900] =	vst v63  }
0x17c: {  	s13 =	simm.s32 $0x1000  }
0x17d: {  	[spmem:s2] =	stream.indirect.scatter.add.bf16 [tilespmem:s17], [sflag:$0x4], $0x10, s13, s12, $0xb8;
	[tilespmem:$0x1F900] =	vst v63  }
0x17e: {  	s17 =	simm.s32 $0x1080  }
0x17f: {  	[spmem:s2] =	stream.indirect.scatter.add.bf16 [tilespmem:s20], [sflag:$0x4], $0x10, s17, s12, $0xb8;
	[tilespmem:$0x1F900] =	vst v63  }
0x180: {  	s18 =	simm.s32 $0x1100  }
0x181: {  	[spmem:s2] =	stream.indirect.scatter.add.bf16 [tilespmem:s22], [sflag:$0x4], $0x10, s18, s12, $0xb8;
	[tilespmem:$0x1F900] =	vst v63  }
0x182: {  	s19 =	simm.s32 $0x1180  }
0x183: {  	[spmem:s2] =	stream.indirect.scatter.add.bf16 [tilespmem:s23], [sflag:$0x4], $0x10, s19, s12, $0xb8;
	[tilespmem:$0x1F900] =	vst v63  }
0x184: {  	_ =	swait.ge [sflag:s25], $0x300  }
0x185: {  	[sflag:s25] =	ssyncset.done $0x0  }
0x186: {  	[sflag:s25] =	ssyncadd.s32 $0xFFFFFD00  }
0x187: {  	_ =	swait.ge [sflag:s25], $0x300  }
0x188: {  	[sflag:s25] =	ssyncset.done $0x0  }
0x189: {  	[sflag:s25] =	ssyncadd.s32 $0xFFFFFD00  }
0x18a: {  	_ =	swait.ge [sflag:s14], $0x3000  }
0x18b: {  	[sflag:s14] =	ssyncset.done $0x0  }
0x18c: {  	[sflag:s14] =	ssyncadd.s32 $0xFFFFD000  }
0x18d: {  	[tilespmem:s15], [sflag:$0x1] =	stream.indirect.gather [hbm4b:s5+s12], $0x10, s26, s12, $0xb8;
	[tilespmem:$0x1F900] =	vst v63  }
0x18e: {  	_ = 	snop  }
0x18f: {  	[tilespmem:s21], [sflag:$0x1] =	stream.indirect.gather [hbm4b:s5+s12], $0x10, s12, s12, $0xb8;
	[tilespmem:$0x1F900] =	vst v63  }
0x190: {  	s20 =	simm.s32 $0x100  }
0x191: {  	[tilespmem:s7], [sflag:$0x1] =	stream.indirect.gather [hbm4b:s5+s12], $0x10, s20, s12, $0xb8;
	[tilespmem:$0x1F900] =	vst v63  }
0x192: {  	s21 =	simm.s32 $0x180  }
0x193: {  	[tilespmem:s30], [sflag:$0x1] =	stream.indirect.gather [hbm4b:s5+s12], $0x10, s21, s12, $0xb8;
	[tilespmem:$0x1F900] =	vst v63  }
0x194: {  	s23 =	simm.s32 $0x200  }
0x195: {  	[tilespmem:s6], [sflag:$0x1] =	stream.indirect.gather [hbm4b:s5+s12], $0x10, s23, s12, $0xb8;
	[tilespmem:$0x1F900] =	vst v63  }
0x196: {  	s22 =	rddreg [dreg:$0x3];
	s30 =	simm.s32 $0x280  }
0x197: {  	[tilespmem:s28], [sflag:$0x1] =	stream.indirect.gather [hbm4b:s5+s12], $0x10, s30, s12, $0xb8;
	[tilespmem:$0x1F900] =	vst v63  }
0x198: {  	s31 =	rddreg [dreg:$0x4];
	s8 =	sadd.s32 $0x0, s22  }
0x199: {  	[tilespmem:s24], [sflag:$0x6] =	stream.linear.gather [hbm4b:s8+s26], $0x300, $0x38;
	[tilespmem:$0x1F900] =	vst v63  }
0x19a: {  	s19 =	sadd.s32 $0x1200, s1;
	s10 =	sadd.s32 $0x0, s31;
	s8 =	simm.s32 $0x240  }
.LBB2_4:
0x19b: {  	s0 =	simm.s32 $0xC00  }
0x19c: {  	[tilespmem:s0], [sflag:$0x6] =	stream.linear.gather [hbm4b:s10+s26], $0x300, $0x38;
	[tilespmem:$0x1F900] =	vst v63  }
0x19d: {  	_ =	swait.ge [sflag:s29], $0x3000  }
0x19e: {  	[sflag:s29] =	ssyncset.done $0x0  }
0x19f: {  	s17 =	simm.s32 $0x900;
	s15 =	simm.s32 $0x1200;
	[sflag:s29] =	ssyncadd.s32 $0xFFFFD000  }
0x1a0: {  	[spmem:s2] =	stream.indirect.scatter.add.bf16 [tilespmem:s15], [sflag:$0x3], $0x10, s17, s12, $0xb8;
	[tilespmem:$0x1F900] =	vst v63  }
0x1a1: {  	s18 =	simm.s32 $0x1A00;
	s1 =	simm.s32 $0x980  }
0x1a2: {  	[spmem:s2] =	stream.indirect.scatter.add.bf16 [tilespmem:s18], [sflag:$0x3], $0x10, s1, s12, $0xb8;
	[tilespmem:$0x1F900] =	vst v63  }
0x1a3: {  	s20 =	simm.s32 $0x2200;
	s29 =	simm.s32 $0xA00  }
0x1a4: {  	[spmem:s2] =	stream.indirect.scatter.add.bf16 [tilespmem:s20], [sflag:$0x3], $0x10, s29, s12, $0xb8;
	[tilespmem:$0x1F900] =	vst v63  }
0x1a5: {  	s30 =	simm.s32 $0x2A00;
	s21 =	simm.s32 $0xA80  }
0x1a6: {  	[spmem:s2] =	stream.indirect.scatter.add.bf16 [tilespmem:s30], [sflag:$0x3], $0x10, s21, s12, $0xb8;
	[tilespmem:$0x1F900] =	vst v63  }
0x1a7: {  	s22 =	simm.s32 $0x3200;
	s23 =	simm.s32 $0xB00  }
0x1a8: {  	[spmem:s2] =	stream.indirect.scatter.add.bf16 [tilespmem:s22], [sflag:$0x3], $0x10, s23, s12, $0xb8;
	[tilespmem:$0x1F900] =	vst v63  }
0x1a9: {  	s24 =	simm.s32 $0x3A00;
	s7 =	simm.s32 $0xB80  }
0x1aa: {  	[spmem:s2] =	stream.indirect.scatter.add.bf16 [tilespmem:s24], [sflag:$0x3], $0x10, s7, s12, $0xb8;
	[tilespmem:$0x1F900] =	vst v63  }
0x1ab: {  	_ =	swait.ge [sflag:s16], $0x300  }
0x1ac: {  	[sflag:s16] =	ssyncset.done $0x0  }
0x1ad: {  	[sflag:s16] =	ssyncadd.s32 $0xFFFFFD00  }
0x1ae: {  	s10 =	smov.u32 s8;
	_ =	swait.ge [sflag:s16], $0x300  }
0x1af: {  	p3 =	seq.s32 s10, $0x0;
	[sflag:s16] =	ssyncset.done $0x0  }
0x1b0: {  	s11 =	simm.s32 @!p3 $0x4;
	[sflag:s16] =	ssyncadd.s32 $0xFFFFFD00  }
0x1b1: {  	_ =	swait.ge @!p3 [sflag:s11], $0x3000  }
0x1b2: {  	[sflag:s11] =	ssyncset.done @!p3 $0x0  }
0x1b3: {  	s31 =	simm.s32 $0x300;
	s9 =	simm.s32 $0x4200;
	[sflag:s11] =	ssyncadd.s32 @!p3 $0xFFFFD000  }
0x1b4: {  	[tilespmem:s9], [sflag:$0x2] =	stream.indirect.gather [hbm4b:s5+s12], $0x10, s31, s12, $0xb8;
	[tilespmem:$0x1F900] =	vst v63  }
0x1b5: {  	s13 =	simm.s32 $0x4A00;
	s1 =	simm.s32 $0x380  }
0x1b6: {  	[tilespmem:s13], [sflag:$0x2] =	stream.indirect.gather [hbm4b:s5+s12], $0x10, s1, s12, $0xb8;
	[tilespmem:$0x1F900] =	vst v63  }
0x1b7: {  	s17 =	simm.s32 $0x5200;
	s7 =	simm.s32 $0x400  }
0x1b8: {  	[tilespmem:s17], [sflag:$0x2] =	stream.indirect.gather [hbm4b:s5+s12], $0x10, s7, s12, $0xb8;
	[tilespmem:$0x1F900] =	vst v63  }
0x1b9: {  	s20 =	simm.s32 $0x5A00;
	s11 =	simm.s32 $0x480  }
0x1ba: {  	[tilespmem:s20], [sflag:$0x2] =	stream.indirect.gather [hbm4b:s5+s12], $0x10, s11, s12, $0xb8;
	[tilespmem:$0x1F900] =	vst v63  }
0x1bb: {  	s18 =	simm.s32 $0x500;
	s22 =	simm.s32 $0x6200  }
0x1bc: {  	[tilespmem:s22], [sflag:$0x2] =	stream.indirect.gather [hbm4b:s5+s12], $0x10, s18, s12, $0xb8;
	[tilespmem:$0x1F900] =	vst v63  }
0x1bd: {  	s21 =	simm.s32 $0x580;
	s23 =	simm.s32 $0x6A00;
	s14 =	rddreg [dreg:$0xc]  }
0x1be: {  	[tilespmem:s23], [sflag:$0x2] =	stream.indirect.gather [hbm4b:s5+s12], $0x10, s21, s12, $0xb8;
	[tilespmem:$0x1F900] =	vst v63  }
0x1bf: {  	s0 =	simm.s32 $0x600;
	s31 =	rddreg [dreg:$0xd];
	s11 =	sadd.s32 s10, s14  }
0x1c0: {  	[tilespmem:s0], [sflag:$0x7] =	stream.linear.gather [hbm4b:s11+s26], $0x300, $0x38;
	[tilespmem:$0x1F900] =	vst v63  }
0x1c1: {  	s24 =	sadd.s32 s10, s31;
	s31 =	simm.s32 $0xF00;
	s18 =	simm.s32 $0x2  }
0x1c2: {  	[tilespmem:s31], [sflag:$0x7] =	stream.linear.gather [hbm4b:s24+s26], $0x300, $0x38;
	[tilespmem:$0x1F900] =	vst v63  }
0x1c3: {  	_ =	swait.ge [sflag:s18], $0x3000  }
0x1c4: {  	[sflag:s18] =	ssyncset.done $0x0  }
0x1c5: {  	s6 =	simm.s32 $0xC00;
	[sflag:s18] =	ssyncadd.s32 $0xFFFFD000  }
0x1c6: {  	[spmem:s2] =	stream.indirect.scatter.add.bf16 [tilespmem:s9], [sflag:$0x4], $0x10, s6, s12, $0xb8;
	[tilespmem:$0x1F900] =	vst v63  }
0x1c7: {  	s1 =	simm.s32 $0xC80  }
0x1c8: {  	[spmem:s2] =	stream.indirect.scatter.add.bf16 [tilespmem:s13], [sflag:$0x4], $0x10, s1, s12, $0xb8;
	[tilespmem:$0x1F900] =	vst v63  }
0x1c9: {  	s7 =	simm.s32 $0xD00  }
0x1ca: {  	[spmem:s2] =	stream.indirect.scatter.add.bf16 [tilespmem:s17], [sflag:$0x4], $0x10, s7, s12, $0xb8;
	[tilespmem:$0x1F900] =	vst v63  }
0x1cb: {  	s11 =	simm.s32 $0xD80  }
0x1cc: {  	[spmem:s2] =	stream.indirect.scatter.add.bf16 [tilespmem:s20], [sflag:$0x4], $0x10, s11, s12, $0xb8;
	[tilespmem:$0x1F900] =	vst v63  }
0x1cd: {  	s14 =	simm.s32 $0xE00  }
0x1ce: {  	[spmem:s2] =	stream.indirect.scatter.add.bf16 [tilespmem:s22], [sflag:$0x4], $0x10, s14, s12, $0xb8;
	[tilespmem:$0x1F900] =	vst v63  }
0x1cf: {  	s21 =	simm.s32 $0xE80  }
0x1d0: {  	[spmem:s2] =	stream.indirect.scatter.add.bf16 [tilespmem:s23], [sflag:$0x4], $0x10, s21, s12, $0xb8;
	[tilespmem:$0x1F900] =	vst v63  }
0x1d1: {  	_ =	swait.ge [sflag:s3], $0x300  }
0x1d2: {  	[sflag:s3] =	ssyncset.done $0x0  }
0x1d3: {  	[sflag:s3] =	ssyncadd.s32 $0xFFFFFD00  }
0x1d4: {  	_ =	swait.ge [sflag:s3], $0x300  }
0x1d5: {  	[sflag:s3] =	ssyncset.done $0x0  }
0x1d6: {  	s14 =	simm.s32 $0x3;
	[sflag:s3] =	ssyncadd.s32 $0xFFFFFD00  }
0x1d7: {  	_ =	swait.ge [sflag:s14], $0x3000  }
0x1d8: {  	[sflag:s14] =	ssyncset.done $0x0  }
0x1d9: {  	[sflag:s14] =	ssyncadd.s32 $0xFFFFD000  }
0x1da: {  	[tilespmem:s15], [sflag:$0x1] =	stream.indirect.gather [hbm4b:s5+s12], $0x10, s0, s12, $0xb8;
	[tilespmem:$0x1F900] =	vst v63  }
0x1db: {  	s31 =	simm.s32 $0x680;
	s6 =	simm.s32 $0x1A00  }
0x1dc: {  	[tilespmem:s6], [sflag:$0x1] =	stream.indirect.gather [hbm4b:s5+s12], $0x10, s31, s12, $0xb8;
	[tilespmem:$0x1F900] =	vst v63  }
0x1dd: {  	s1 =	simm.s32 $0x700;
	s21 =	simm.s32 $0x2200  }
0x1de: {  	[tilespmem:s21], [sflag:$0x1] =	stream.indirect.gather [hbm4b:s5+s12], $0x10, s1, s12, $0xb8;
	[tilespmem:$0x1F900] =	vst v63  }
0x1df: {  	s11 =	simm.s32 $0x780  }
0x1e0: {  	[tilespmem:s30], [sflag:$0x1] =	stream.indirect.gather [hbm4b:s5+s12], $0x10, s11, s12, $0xb8;
	[tilespmem:$0x1F900] =	vst v63  }
0x1e1: {  	s31 =	simm.s32 $0x800;
	s1 =	simm.s32 $0x3200  }
0x1e2: {  	[tilespmem:s1], [sflag:$0x1] =	stream.indirect.gather [hbm4b:s5+s12], $0x10, s31, s12, $0xb8;
	[tilespmem:$0x1F900] =	vst v63  }
0x1e3: {  	s28 =	simm.s32 $0x880;
	s7 =	simm.s32 $0x3A00;
	s11 =	rddreg [dreg:$0xa]  }
0x1e4: {  	[tilespmem:s7], [sflag:$0x1] =	stream.indirect.gather [hbm4b:s5+s12], $0x10, s28, s12, $0xb8;
	[tilespmem:$0x1F900] =	vst v63  }
0x1e5: {  	s11 =	sadd.s32 s10, s11;
	s31 =	rddreg [dreg:$0xb]  }
0x1e6: {  	[tilespmem:s26], [sflag:$0x5] =	stream.linear.gather [hbm4b:s11+s26], $0x300, $0x38;
	[tilespmem:$0x1F900] =	vst v63  }
0x1e7: {  	s4 =	simm.s32 $0x1;
	s31 =	sadd.s32 s10, s31;
	s28 =	simm.s32 $0x900  }
0x1e8: {  	[tilespmem:s28], [sflag:$0x5] =	stream.linear.gather [hbm4b:s31+s26], $0x300, $0x38;
	[tilespmem:$0x1F900] =	vst v63  }
0x1e9: {  	_ =	swait.ge [sflag:s4], $0x3000  }
0x1ea: {  	[sflag:s4] =	ssyncset.done $0x0  }
0x1eb: {  	s24 =	simm.s32 $0xF00;
	[sflag:s4] =	ssyncadd.s32 $0xFFFFD000  }
0x1ec: {  	[spmem:s2] =	stream.indirect.scatter.add.bf16 [tilespmem:s15], [sflag:$0x3], $0x10, s24, s12, $0xb8;
	[tilespmem:$0x1F900] =	vst v63  }
0x1ed: {  	s31 =	simm.s32 $0xF80  }
0x1ee: {  	[spmem:s2] =	stream.indirect.scatter.add.bf16 [tilespmem:s6], [sflag:$0x3], $0x10, s31, s12, $0xb8;
	[tilespmem:$0x1F900] =	vst v63  }
0x1ef: {  	s6 =	simm.s32 $0x1000  }
0x1f0: {  	[spmem:s2] =	stream.indirect.scatter.add.bf16 [tilespmem:s21], [sflag:$0x3], $0x10, s6, s12, $0xb8;
	[tilespmem:$0x1F900] =	vst v63  }
0x1f1: {  	s11 =	simm.s32 $0x1080  }
0x1f2: {  	[spmem:s2] =	stream.indirect.scatter.add.bf16 [tilespmem:s30], [sflag:$0x3], $0x10, s11, s12, $0xb8;
	[tilespmem:$0x1F900] =	vst v63  }
0x1f3: {  	s21 =	simm.s32 $0x1100  }
0x1f4: {  	[spmem:s2] =	stream.indirect.scatter.add.bf16 [tilespmem:s1], [sflag:$0x3], $0x10, s21, s12, $0xb8;
	[tilespmem:$0x1F900] =	vst v63  }
0x1f5: {  	s24 =	simm.s32 $0x1180  }
0x1f6: {  	[spmem:s2] =	stream.indirect.scatter.add.bf16 [tilespmem:s7], [sflag:$0x3], $0x10, s24, s12, $0xb8;
	[tilespmem:$0x1F900] =	vst v63  }
0x1f7: {  	_ =	swait.ge [sflag:s25], $0x300  }
0x1f8: {  	[sflag:s25] =	ssyncset.done $0x0  }
0x1f9: {  	[sflag:s25] =	ssyncadd.s32 $0xFFFFFD00  }
0x1fa: {  	_ =	swait.ge [sflag:s25], $0x300  }
0x1fb: {  	[sflag:s25] =	ssyncset.done $0x0  }
0x1fc: {  	s24 =	simm.s32 $0x4;
	[sflag:s25] =	ssyncadd.s32 $0xFFFFFD00  }
0x1fd: {  	_ =	swait.ge [sflag:s24], $0x3000  }
0x1fe: {  	[sflag:s24] =	ssyncset.done $0x0  }
0x1ff: {  	[sflag:s24] =	ssyncadd.s32 $0xFFFFD000  }
0x200: {  	[tilespmem:s9], [sflag:$0x2] =	stream.indirect.gather [hbm4b:s5+s12], $0x10, s26, s12, $0xb8;
	[tilespmem:$0x1F900] =	vst v63  }
0x201: {  	_ = 	snop  }
0x202: {  	[tilespmem:s13], [sflag:$0x2] =	stream.indirect.gather [hbm4b:s5+s12], $0x10, s12, s12, $0xb8;
	[tilespmem:$0x1F900] =	vst v63  }
0x203: {  	s31 =	simm.s32 $0x100  }
0x204: {  	[tilespmem:s17], [sflag:$0x2] =	stream.indirect.gather [hbm4b:s5+s12], $0x10, s31, s12, $0xb8;
	[tilespmem:$0x1F900] =	vst v63  }
0x205: {  	s1 =	simm.s32 $0x180  }
0x206: {  	[tilespmem:s20], [sflag:$0x2] =	stream.indirect.gather [hbm4b:s5+s12], $0x10, s1, s12, $0xb8;
	[tilespmem:$0x1F900] =	vst v63  }
0x207: {  	s7 =	simm.s32 $0x200  }
0x208: {  	[tilespmem:s22], [sflag:$0x2] =	stream.indirect.gather [hbm4b:s5+s12], $0x10, s7, s12, $0xb8;
	[tilespmem:$0x1F900] =	vst v63  }
0x209: {  	s6 =	rddreg [dreg:$0x8];
	s1 =	simm.s32 $0x280  }
0x20a: {  	[tilespmem:s23], [sflag:$0x2] =	stream.indirect.gather [hbm4b:s5+s12], $0x10, s1, s12, $0xb8;
	[tilespmem:$0x1F900] =	vst v63  }
0x20b: {  	s21 =	rddreg [dreg:$0x9];
	s11 =	sadd.s32 s10, s6;
	s6 =	simm.s32 $0x300  }
0x20c: {  	[tilespmem:s6], [sflag:$0x6] =	stream.linear.gather [hbm4b:s11+s26], $0x300, $0x38;
	[tilespmem:$0x1F900] =	vst v63  }
0x20d: {  	s4 =	sadd.s32 s10, s21;
	s7 =	simm.s32 $0xC00  }
0x20e: {  	[tilespmem:s7], [sflag:$0x6] =	stream.linear.gather [hbm4b:s4+s26], $0x300, $0x38;
	[tilespmem:$0x1F900] =	vst v63  }
0x20f: {  	_ =	swait.ge [sflag:s18], $0x3000  }
0x210: {  	[sflag:s18] =	ssyncset.done $0x0  }
0x211: {  	[sflag:s18] =	ssyncadd.s32 $0xFFFFD000  }
0x212: {  	[spmem:s2] =	stream.indirect.scatter.add.bf16 [tilespmem:s9], [sflag:$0x4], $0x10, s28, s12, $0xb8;
	[tilespmem:$0x1F900] =	vst v63  }
0x213: {  	s11 =	simm.s32 $0x980  }
0x214: {  	[spmem:s2] =	stream.indirect.scatter.add.bf16 [tilespmem:s13], [sflag:$0x4], $0x10, s11, s12, $0xb8;
	[tilespmem:$0x1F900] =	vst v63  }
0x215: {  	_ = 	snop  }
0x216: {  	[spmem:s2] =	stream.indirect.scatter.add.bf16 [tilespmem:s17], [sflag:$0x4], $0x10, s29, s12, $0xb8;
	[tilespmem:$0x1F900] =	vst v63  }
0x217: {  	s21 =	simm.s32 $0xA80  }
0x218: {  	[spmem:s2] =	stream.indirect.scatter.add.bf16 [tilespmem:s20], [sflag:$0x4], $0x10, s21, s12, $0xb8;
	[tilespmem:$0x1F900] =	vst v63  }
0x219: {  	s31 =	simm.s32 $0xB00  }
0x21a: {  	[spmem:s2] =	stream.indirect.scatter.add.bf16 [tilespmem:s22], [sflag:$0x4], $0x10, s31, s12, $0xb8;
	[tilespmem:$0x1F900] =	vst v63  }
0x21b: {  	s1 =	simm.s32 $0xB80  }
0x21c: {  	[spmem:s2] =	stream.indirect.scatter.add.bf16 [tilespmem:s23], [sflag:$0x4], $0x10, s1, s12, $0xb8;
	[tilespmem:$0x1F900] =	vst v63  }
0x21d: {  	_ =	swait.ge [sflag:s16], $0x300  }
0x21e: {  	[sflag:s16] =	ssyncset.done $0x0  }
0x21f: {  	[sflag:s16] =	ssyncadd.s32 $0xFFFFFD00  }
0x220: {  	_ =	swait.ge [sflag:s16], $0x300  }
0x221: {  	[sflag:s16] =	ssyncset.done $0x0  }
0x222: {  	[sflag:s16] =	ssyncadd.s32 $0xFFFFFD00  }
0x223: {  	_ =	swait.ge [sflag:s14], $0x3000  }
0x224: {  	[sflag:s14] =	ssyncset.done $0x0  }
0x225: {  	[sflag:s14] =	ssyncadd.s32 $0xFFFFD000  }
0x226: {  	[tilespmem:s15], [sflag:$0x1] =	stream.indirect.gather [hbm4b:s5+s12], $0x10, s6, s12, $0xb8;
	[tilespmem:$0x1F900] =	vst v63  }
0x227: {  	s21 =	simm.s32 $0x1A00;
	s6 =	simm.s32 $0x380  }
0x228: {  	[tilespmem:s21], [sflag:$0x1] =	stream.indirect.gather [hbm4b:s5+s12], $0x10, s6, s12, $0xb8;
	[tilespmem:$0x1F900] =	vst v63  }
0x229: {  	s4 =	simm.s32 $0x2200;
	s11 =	simm.s32 $0x400  }
0x22a: {  	[tilespmem:s4], [sflag:$0x1] =	stream.indirect.gather [hbm4b:s5+s12], $0x10, s11, s12, $0xb8;
	[tilespmem:$0x1F900] =	vst v63  }
0x22b: {  	s31 =	simm.s32 $0x480  }
0x22c: {  	[tilespmem:s30], [sflag:$0x1] =	stream.indirect.gather [hbm4b:s5+s12], $0x10, s31, s12, $0xb8;
	[tilespmem:$0x1F900] =	vst v63  }
0x22d: {  	s28 =	simm.s32 $0x3200;
	s6 =	simm.s32 $0x500  }
0x22e: {  	[tilespmem:s28], [sflag:$0x1] =	stream.indirect.gather [hbm4b:s5+s12], $0x10, s6, s12, $0xb8;
	[tilespmem:$0x1F900] =	vst v63  }
0x22f: {  	s1 =	simm.s32 $0x580;
	s11 =	rddreg [dreg:$0x6];
	s6 =	simm.s32 $0x3A00  }
0x230: {  	[tilespmem:s6], [sflag:$0x1] =	stream.indirect.gather [hbm4b:s5+s12], $0x10, s1, s12, $0xb8;
	[tilespmem:$0x1F900] =	vst v63  }
0x231: {  	s11 =	sadd.s32 s10, s11;
	s31 =	rddreg [dreg:$0x7]  }
0x232: {  	[tilespmem:s0], [sflag:$0x7] =	stream.linear.gather [hbm4b:s11+s26], $0x300, $0x38;
	[tilespmem:$0x1F900] =	vst v63  }
0x233: {  	s29 =	simm.s32 $0x1;
	s31 =	sadd.s32 s10, s31;
	s1 =	simm.s32 $0xF00  }
0x234: {  	[tilespmem:s1], [sflag:$0x7] =	stream.linear.gather [hbm4b:s31+s26], $0x300, $0x38;
	[tilespmem:$0x1F900] =	vst v63  }
0x235: {  	_ =	swait.ge [sflag:s29], $0x3000  }
0x236: {  	[sflag:s29] =	ssyncset.done $0x0  }
0x237: {  	[sflag:s29] =	ssyncadd.s32 $0xFFFFD000  }
0x238: {  	[spmem:s2] =	stream.indirect.scatter.add.bf16 [tilespmem:s15], [sflag:$0x3], $0x10, s7, s12, $0xb8;
	[tilespmem:$0x1F900] =	vst v63  }
0x239: {  	s11 =	simm.s32 $0xC80  }
0x23a: {  	[spmem:s2] =	stream.indirect.scatter.add.bf16 [tilespmem:s21], [sflag:$0x3], $0x10, s11, s12, $0xb8;
	[tilespmem:$0x1F900] =	vst v63  }
0x23b: {  	s31 =	simm.s32 $0xD00  }
0x23c: {  	[spmem:s2] =	stream.indirect.scatter.add.bf16 [tilespmem:s4], [sflag:$0x3], $0x10, s31, s12, $0xb8;
	[tilespmem:$0x1F900] =	vst v63  }
0x23d: {  	s11 =	simm.s32 $0xD80  }
0x23e: {  	[spmem:s2] =	stream.indirect.scatter.add.bf16 [tilespmem:s30], [sflag:$0x3], $0x10, s11, s12, $0xb8;
	[tilespmem:$0x1F900] =	vst v63  }
0x23f: {  	s21 =	simm.s32 $0xE00  }
0x240: {  	[spmem:s2] =	stream.indirect.scatter.add.bf16 [tilespmem:s28], [sflag:$0x3], $0x10, s21, s12, $0xb8;
	[tilespmem:$0x1F900] =	vst v63  }
0x241: {  	s31 =	simm.s32 $0xE80  }
0x242: {  	[spmem:s2] =	stream.indirect.scatter.add.bf16 [tilespmem:s6], [sflag:$0x3], $0x10, s31, s12, $0xb8;
	[tilespmem:$0x1F900] =	vst v63  }
0x243: {  	_ =	swait.ge [sflag:s3], $0x300  }
0x244: {  	[sflag:s3] =	ssyncset.done $0x0  }
0x245: {  	[sflag:s3] =	ssyncadd.s32 $0xFFFFFD00  }
0x246: {  	_ =	swait.ge [sflag:s3], $0x300  }
0x247: {  	[sflag:s3] =	ssyncset.done $0x0  }
0x248: {  	[sflag:s3] =	ssyncadd.s32 $0xFFFFFD00  }
0x249: {  	_ =	swait.ge [sflag:s24], $0x3000  }
0x24a: {  	[sflag:s24] =	ssyncset.done $0x0  }
0x24b: {  	[sflag:s24] =	ssyncadd.s32 $0xFFFFD000  }
0x24c: {  	[tilespmem:s9], [sflag:$0x2] =	stream.indirect.gather [hbm4b:s5+s12], $0x10, s0, s12, $0xb8;
	[tilespmem:$0x1F900] =	vst v63  }
0x24d: {  	s7 =	simm.s32 $0x680  }
0x24e: {  	[tilespmem:s13], [sflag:$0x2] =	stream.indirect.gather [hbm4b:s5+s12], $0x10, s7, s12, $0xb8;
	[tilespmem:$0x1F900] =	vst v63  }
0x24f: {  	s11 =	simm.s32 $0x700  }
0x250: {  	[tilespmem:s17], [sflag:$0x2] =	stream.indirect.gather [hbm4b:s5+s12], $0x10, s11, s12, $0xb8;
	[tilespmem:$0x1F900] =	vst v63  }
0x251: {  	s21 =	simm.s32 $0x780  }
0x252: {  	[tilespmem:s20], [sflag:$0x2] =	stream.indirect.gather [hbm4b:s5+s12], $0x10, s21, s12, $0xb8;
	[tilespmem:$0x1F900] =	vst v63  }
0x253: {  	s31 =	simm.s32 $0x800  }
0x254: {  	[tilespmem:s22], [sflag:$0x2] =	stream.indirect.gather [hbm4b:s5+s12], $0x10, s31, s12, $0xb8;
	[tilespmem:$0x1F900] =	vst v63  }
0x255: {  	s0 =	simm.s32 $0x880  }
0x256: {  	[tilespmem:s23], [sflag:$0x2] =	stream.indirect.gather [hbm4b:s5+s12], $0x10, s0, s12, $0xb8;
	[tilespmem:$0x1F900] =	vst v63  }
0x257: {  	s11 =	sshrl.u32 s19, $0x3;
	s0 =	rddreg [dreg:$0xe]  }
0x258: {  	s31 =	rddreg [dreg:$0x5];
	s11 =	sadd.s32 s0, s11  }
0x259: {  	[tilespmem:s26], [sflag:$0x5] =	stream.linear.gather [hbm4b:s11+s26], $0x300, $0x38;
	[tilespmem:$0x1F900] =	vst v63  }
0x25a: {  	s0 =	sadd.s32 s10, s31;
	s31 =	simm.s32 $0x900  }
0x25b: {  	[tilespmem:s31], [sflag:$0x5] =	stream.linear.gather [hbm4b:s0+s26], $0x300, $0x38;
	[tilespmem:$0x1F900] =	vst v63  }
0x25c: {  	_ =	swait.ge [sflag:s18], $0x3000  }
0x25d: {  	[sflag:s18] =	ssyncset.done $0x0  }
0x25e: {  	[sflag:s18] =	ssyncadd.s32 $0xFFFFD000  }
0x25f: {  	[spmem:s2] =	stream.indirect.scatter.add.bf16 [tilespmem:s9], [sflag:$0x4], $0x10, s1, s12, $0xb8;
	[tilespmem:$0x1F900] =	vst v63  }
0x260: {  	s18 =	simm.s32 $0xF80  }
0x261: {  	[spmem:s2] =	stream.indirect.scatter.add.bf16 [tilespmem:s13], [sflag:$0x4], $0x10, s18, s12, $0xb8;
	[tilespmem:$0x1F900] =	vst v63  }
0x262: {  	s31 =	simm.s32 $0x1000  }
0x263: {  	[spmem:s2] =	stream.indirect.scatter.add.bf16 [tilespmem:s17], [sflag:$0x4], $0x10, s31, s12, $0xb8;
	[tilespmem:$0x1F900] =	vst v63  }
0x264: {  	s1 =	simm.s32 $0x1080  }
0x265: {  	[spmem:s2] =	stream.indirect.scatter.add.bf16 [tilespmem:s20], [sflag:$0x4], $0x10, s1, s12, $0xb8;
	[tilespmem:$0x1F900] =	vst v63  }
0x266: {  	s11 =	simm.s32 $0x1100  }
0x267: {  	[spmem:s2] =	stream.indirect.scatter.add.bf16 [tilespmem:s22], [sflag:$0x4], $0x10, s11, s12, $0xb8;
	[tilespmem:$0x1F900] =	vst v63  }
0x268: {  	s18 =	simm.s32 $0x1180  }
0x269: {  	[spmem:s2] =	stream.indirect.scatter.add.bf16 [tilespmem:s23], [sflag:$0x4], $0x10, s18, s12, $0xb8;
	[tilespmem:$0x1F900] =	vst v63  }
0x26a: {  	_ =	swait.ge [sflag:s25], $0x300  }
0x26b: {  	[sflag:s25] =	ssyncset.done $0x0  }
0x26c: {  	[sflag:s25] =	ssyncadd.s32 $0xFFFFFD00  }
0x26d: {  	s8 =	sadd.s32 $0x240, s8;
	_ =	swait.ge [sflag:s25], $0x300  }
0x26e: {  	p2 =	sne.s32 s8, $0x1680;
	[sflag:s25] =	ssyncset.done $0x0  }
0x26f: {  	s4 =	simm.s32 $0x2200;
	s28 =	simm.s32 $0x880;
	[sflag:s25] =	ssyncadd.s32 $0xFFFFFD00  }
0x270: {  	s6 =	simm.s32 $0x700;
	s24 =	simm.s32 $0x680;
	_ =	swait.ge [sflag:s14], $0x3000  }
0x271: {  	s7 =	simm.s32 $0x780;
	s19 =	sadd.s32 $0x1200, s19;
	[sflag:s14] =	ssyncset.done $0x0  }
0x272: {  	s21 =	simm.s32 $0x800;
	s0 =	simm.s32 $0x180;
	[sflag:s14] =	ssyncadd.s32 $0xFFFFD000  }
0x273: {  	[tilespmem:s15], [sflag:$0x1] =	stream.indirect.gather [hbm4b:s5+s12], $0x10, s26, s12, $0xb8;
	[tilespmem:$0x1F900] =	vst v63  }
0x274: {  	s9 =	simm.s32 $0xF80;
	s13 =	simm.s32 $0x1000;
	s23 =	simm.s32 $0x1A00  }
0x275: {  	[tilespmem:s23], [sflag:$0x1] =	stream.indirect.gather [hbm4b:s5+s12], $0x10, s12, s12, $0xb8;
	[tilespmem:$0x1F900] =	vst v63  }
0x276: {  	s17 =	simm.s32 $0x1080;
	s20 =	simm.s32 $0x1100;
	s1 =	simm.s32 $0x100  }
0x277: {  	[tilespmem:s4], [sflag:$0x1] =	stream.indirect.gather [hbm4b:s5+s12], $0x10, s1, s12, $0xb8;
	[tilespmem:$0x1F900] =	vst v63  }
0x278: {  	s22 =	simm.s32 $0x1180;
	s11 =	rddreg [dreg:$0x3];
	s15 =	simm.s32 $0x180  }
0x279: {  	[tilespmem:s30], [sflag:$0x1] =	stream.indirect.gather [hbm4b:s5+s12], $0x10, s15, s12, $0xb8;
	[tilespmem:$0x1F900] =	vst v63  }
0x27a: {  	s18 =	simm.s32 $0x200;
	s31 =	rddreg [dreg:$0x4];
	s23 =	simm.s32 $0x3200  }
0x27b: {  	[tilespmem:s23], [sflag:$0x1] =	stream.indirect.gather [hbm4b:s5+s12], $0x10, s18, s12, $0xb8;
	[tilespmem:$0x1F900] =	vst v63  }
.Ltmp3:
0x27c: {  	s14 =	simm.s32 $0x100;
	s11 =	sadd.s32 s10, s11;
	(pc) =	sbr.rel @p2 .LBB2_4-.Ltmp3, $4  }
0x27d: {  	s10 =	sadd.s32 s10, s31;
	s15 =	simm.s32 $0x280;
	s18 =	simm.s32 $0x3A00  }
0x27e: {  	[tilespmem:s18], [sflag:$0x1] =	stream.indirect.gather [hbm4b:s5+s12], $0x10, s15, s12, $0xb8;
	[tilespmem:$0x1F900] =	vst v63  }
0x27f: {  	s4 =	simm.s32 $0x280;
	s30 =	simm.s32 $0x200;
	s23 =	simm.s32 $0x300  }
0x280: {  	[tilespmem:s23], [sflag:$0x6] =	stream.linear.gather [hbm4b:s11+s26], $0x300, $0x38;
	[tilespmem:$0x1F900] =	vst v63  }
0x281: {  	s1 =	simm.s32 $0xC00  }
0x282: {  	[tilespmem:s1], [sflag:$0x6] =	stream.linear.gather [hbm4b:s10+s26], $0x300, $0x38;
	[tilespmem:$0x1F900] =	vst v63  }
0x283: {  	_ =	swait.ge [sflag:s29], $0x3000  }
0x284: {  	[sflag:s29] =	ssyncset.done $0x0  }
0x285: {  	s8 =	simm.s32 $0x900;
	s15 =	simm.s32 $0x1200;
	[sflag:s29] =	ssyncadd.s32 $0xFFFFD000  }
0x286: {  	[spmem:s2] =	stream.indirect.scatter.add.bf16 [tilespmem:s15], [sflag:$0x3], $0x10, s8, s12, $0xb8;
	[tilespmem:$0x1F900] =	vst v63  }
0x287: {  	s18 =	simm.s32 $0x1A00;
	s19 =	simm.s32 $0x980  }
0x288: {  	[spmem:s2] =	stream.indirect.scatter.add.bf16 [tilespmem:s18], [sflag:$0x3], $0x10, s19, s12, $0xb8;
	[tilespmem:$0x1F900] =	vst v63  }
0x289: {  	s23 =	simm.s32 $0x2200;
	s31 =	simm.s32 $0xA00  }
0x28a: {  	[spmem:s2] =	stream.indirect.scatter.add.bf16 [tilespmem:s23], [sflag:$0x3], $0x10, s31, s12, $0xb8;
	[tilespmem:$0x1F900] =	vst v63  }
0x28b: {  	s10 =	simm.s32 $0xA80;
	s8 =	simm.s32 $0x2A00  }
0x28c: {  	[spmem:s2] =	stream.indirect.scatter.add.bf16 [tilespmem:s8], [sflag:$0x3], $0x10, s10, s12, $0xb8;
	[tilespmem:$0x1F900] =	vst v63  }
0x28d: {  	s11 =	simm.s32 $0x3200;
	s15 =	simm.s32 $0xB00  }
0x28e: {  	[spmem:s2] =	stream.indirect.scatter.add.bf16 [tilespmem:s11], [sflag:$0x3], $0x10, s15, s12, $0xb8;
	[tilespmem:$0x1F900] =	vst v63  }
0x28f: {  	s18 =	simm.s32 $0x3A00;
	s19 =	simm.s32 $0xB80  }
0x290: {  	[spmem:s2] =	stream.indirect.scatter.add.bf16 [tilespmem:s18], [sflag:$0x3], $0x10, s19, s12, $0xb8;
	[tilespmem:$0x1F900] =	vst v63  }
0x291: {  	_ =	swait.ge [sflag:s16], $0x300  }
0x292: {  	[sflag:s16] =	ssyncset.done $0x0  }
0x293: {  	[sflag:s16] =	ssyncadd.s32 $0xFFFFFD00  }
0x294: {  	_ =	swait.ge [sflag:s16], $0x300  }
0x295: {  	[sflag:s16] =	ssyncset.done $0x0  }
0x296: {  	s15 =	simm.s32 $0x4;
	[sflag:s16] =	ssyncadd.s32 $0xFFFFFD00  }
0x297: {  	_ =	swait.ge [sflag:s15], $0x3000  }
0x298: {  	[sflag:s15] =	ssyncset.done $0x0  }
0x299: {  	s23 =	simm.s32 $0x300;
	s31 =	simm.s32 $0x4200;
	[sflag:s15] =	ssyncadd.s32 $0xFFFFD000  }
0x29a: {  	[tilespmem:s31], [sflag:$0x2] =	stream.indirect.gather [hbm4b:s5+s12], $0x10, s23, s12, $0xb8;
	[tilespmem:$0x1F900] =	vst v63  }
0x29b: {  	s8 =	simm.s32 $0x380;
	s10 =	simm.s32 $0x4A00  }
0x29c: {  	[tilespmem:s10], [sflag:$0x2] =	stream.indirect.gather [hbm4b:s5+s12], $0x10, s8, s12, $0xb8;
	[tilespmem:$0x1F900] =	vst v63  }
0x29d: {  	s11 =	simm.s32 $0x400;
	s31 =	simm.s32 $0x5200  }
0x29e: {  	[tilespmem:s31], [sflag:$0x2] =	stream.indirect.gather [hbm4b:s5+s12], $0x10, s11, s12, $0xb8;
	[tilespmem:$0x1F900] =	vst v63  }
0x29f: {  	s18 =	simm.s32 $0x480;
	s19 =	simm.s32 $0x5A00  }
0x2a0: {  	[tilespmem:s19], [sflag:$0x2] =	stream.indirect.gather [hbm4b:s5+s12], $0x10, s18, s12, $0xb8;
	[tilespmem:$0x1F900] =	vst v63  }
0x2a1: {  	s23 =	simm.s32 $0x500;
	s8 =	simm.s32 $0x6200  }
0x2a2: {  	[tilespmem:s8], [sflag:$0x2] =	stream.indirect.gather [hbm4b:s5+s12], $0x10, s23, s12, $0xb8;
	[tilespmem:$0x1F900] =	vst v63  }
0x2a3: {  	s10 =	simm.s32 $0x580;
	s23 =	simm.s32 $0x6A00  }
0x2a4: {  	[tilespmem:s23], [sflag:$0x2] =	stream.indirect.gather [hbm4b:s5+s12], $0x10, s10, s12, $0xb8;
	[tilespmem:$0x1F900] =	vst v63  }
0x2a5: {  	s18 =	rddreg [dreg:$0x13];
	s10 =	simm.s32 $0x600  }
0x2a6: {  	[tilespmem:s10], [sflag:$0x7] =	stream.linear.gather [hbm4b:s18+s26], $0x300, $0x38;
	[tilespmem:$0x1F900] =	vst v63  }
0x2a7: {  	s8 =	rddreg [dreg:$0x14];
	s18 =	simm.s32 $0xF00  }
0x2a8: {  	[tilespmem:s18], [sflag:$0x7] =	stream.linear.gather [hbm4b:s8+s26], $0x300, $0x38;
	[tilespmem:$0x1F900] =	vst v63  }
0x2a9: {  	s18 =	simm.s32 $0x2  }
0x2aa: {  	_ =	swait.ge [sflag:s18], $0x3000  }
0x2ab: {  	[sflag:s18] =	ssyncset.done $0x0  }
0x2ac: {  	s1 =	simm.s32 $0xC00;
	s8 =	simm.s32 $0x4200;
	[sflag:s18] =	ssyncadd.s32 $0xFFFFD000  }
0x2ad: {  	[spmem:s2] =	stream.indirect.scatter.add.bf16 [tilespmem:s8], [sflag:$0x4], $0x10, s1, s12, $0xb8;
	[tilespmem:$0x1F900] =	vst v63  }
0x2ae: {  	s1 =	simm.s32 $0xC80;
	s8 =	simm.s32 $0x4A00  }
0x2af: {  	[spmem:s2] =	stream.indirect.scatter.add.bf16 [tilespmem:s8], [sflag:$0x4], $0x10, s1, s12, $0xb8;
	[tilespmem:$0x1F900] =	vst v63  }
0x2b0: {  	s8 =	simm.s32 $0xD00  }
0x2b1: {  	[spmem:s2] =	stream.indirect.scatter.add.bf16 [tilespmem:s31], [sflag:$0x4], $0x10, s8, s12, $0xb8;
	[tilespmem:$0x1F900] =	vst v63  }
0x2b2: {  	s8 =	simm.s32 $0xD80  }
0x2b3: {  	[spmem:s2] =	stream.indirect.scatter.add.bf16 [tilespmem:s19], [sflag:$0x4], $0x10, s8, s12, $0xb8;
	[tilespmem:$0x1F900] =	vst v63  }
0x2b4: {  	s11 =	simm.s32 $0x6200;
	s8 =	simm.s32 $0xE00  }
0x2b5: {  	[spmem:s2] =	stream.indirect.scatter.add.bf16 [tilespmem:s11], [sflag:$0x4], $0x10, s8, s12, $0xb8;
	[tilespmem:$0x1F900] =	vst v63  }
0x2b6: {  	s11 =	simm.s32 $0xE80  }
0x2b7: {  	[spmem:s2] =	stream.indirect.scatter.add.bf16 [tilespmem:s23], [sflag:$0x4], $0x10, s11, s12, $0xb8;
	[tilespmem:$0x1F900] =	vst v63  }
0x2b8: {  	_ =	swait.ge [sflag:s3], $0x300  }
0x2b9: {  	[sflag:s3] =	ssyncset.done $0x0  }
0x2ba: {  	[sflag:s3] =	ssyncadd.s32 $0xFFFFFD00  }
0x2bb: {  	_ =	swait.ge [sflag:s3], $0x300  }
0x2bc: {  	[sflag:s3] =	ssyncset.done $0x0  }
0x2bd: {  	[sflag:s3] =	ssyncadd.s32 $0xFFFFFD00;
	s3 =	simm.s32 $0x3  }
0x2be: {  	_ =	swait.ge [sflag:s3], $0x3000  }
0x2bf: {  	[sflag:s3] =	ssyncset.done $0x0  }
0x2c0: {  	s8 =	simm.s32 $0x1200;
	[sflag:s3] =	ssyncadd.s32 $0xFFFFD000  }
0x2c1: {  	[tilespmem:s8], [sflag:$0x1] =	stream.indirect.gather [hbm4b:s5+s12], $0x10, s10, s12, $0xb8;
	[tilespmem:$0x1F900] =	vst v63  }
0x2c2: {  	s10 =	simm.s32 $0x1A00  }
0x2c3: {  	[tilespmem:s10], [sflag:$0x1] =	stream.indirect.gather [hbm4b:s5+s12], $0x10, s24, s12, $0xb8;
	[tilespmem:$0x1F900] =	vst v63  }
0x2c4: {  	s11 =	simm.s32 $0x2200  }
0x2c5: {  	[tilespmem:s11], [sflag:$0x1] =	stream.indirect.gather [hbm4b:s5+s12], $0x10, s6, s12, $0xb8;
	[tilespmem:$0x1F900] =	vst v63  }
0x2c6: {  	s24 =	simm.s32 $0x2A00  }
0x2c7: {  	[tilespmem:s24], [sflag:$0x1] =	stream.indirect.gather [hbm4b:s5+s12], $0x10, s7, s12, $0xb8;
	[tilespmem:$0x1F900] =	vst v63  }
0x2c8: {  	s6 =	simm.s32 $0x3200  }
0x2c9: {  	[tilespmem:s6], [sflag:$0x1] =	stream.indirect.gather [hbm4b:s5+s12], $0x10, s21, s12, $0xb8;
	[tilespmem:$0x1F900] =	vst v63  }
0x2ca: {  	s21 =	simm.s32 $0x3A00  }
0x2cb: {  	[tilespmem:s21], [sflag:$0x1] =	stream.indirect.gather [hbm4b:s5+s12], $0x10, s28, s12, $0xb8;
	[tilespmem:$0x1F900] =	vst v63  }
0x2cc: {  	s28 =	rddreg [dreg:$0x15]  }
0x2cd: {  	[tilespmem:s26], [sflag:$0x5] =	stream.linear.gather [hbm4b:s28+s26], $0x300, $0x38;
	[tilespmem:$0x1F900] =	vst v63  }
0x2ce: {  	s7 =	rddreg [dreg:$0x16];
	s28 =	simm.s32 $0x900  }
0x2cf: {  	[tilespmem:s28], [sflag:$0x5] =	stream.linear.gather [hbm4b:s7+s26], $0x300, $0x38;
	[tilespmem:$0x1F900] =	vst v63  }
0x2d0: {  	_ =	swait.ge [sflag:s29], $0x3000  }
0x2d1: {  	[sflag:s29] =	ssyncset.done $0x0  }
0x2d2: {  	s7 =	simm.s32 $0xF00;
	[sflag:s29] =	ssyncadd.s32 $0xFFFFD000  }
0x2d3: {  	[spmem:s2] =	stream.indirect.scatter.add.bf16 [tilespmem:s8], [sflag:$0x3], $0x10, s7, s12, $0xb8;
	[tilespmem:$0x1F900] =	vst v63  }
0x2d4: {  	_ = 	snop  }
0x2d5: {  	[spmem:s2] =	stream.indirect.scatter.add.bf16 [tilespmem:s10], [sflag:$0x3], $0x10, s9, s12, $0xb8;
	[tilespmem:$0x1F900] =	vst v63  }
0x2d6: {  	_ = 	snop  }
0x2d7: {  	[spmem:s2] =	stream.indirect.scatter.add.bf16 [tilespmem:s11], [sflag:$0x3], $0x10, s13, s12, $0xb8;
	[tilespmem:$0x1F900] =	vst v63  }
0x2d8: {  	_ = 	snop  }
0x2d9: {  	[spmem:s2] =	stream.indirect.scatter.add.bf16 [tilespmem:s24], [sflag:$0x3], $0x10, s17, s12, $0xb8;
	[tilespmem:$0x1F900] =	vst v63  }
0x2da: {  	_ = 	snop  }
0x2db: {  	[spmem:s2] =	stream.indirect.scatter.add.bf16 [tilespmem:s6], [sflag:$0x3], $0x10, s20, s12, $0xb8;
	[tilespmem:$0x1F900] =	vst v63  }
0x2dc: {  	_ = 	snop  }
0x2dd: {  	[spmem:s2] =	stream.indirect.scatter.add.bf16 [tilespmem:s21], [sflag:$0x3], $0x10, s22, s12, $0xb8;
	[tilespmem:$0x1F900] =	vst v63  }
0x2de: {  	_ =	swait.ge [sflag:s25], $0x300  }
0x2df: {  	[sflag:s25] =	ssyncset.done $0x0  }
0x2e0: {  	[sflag:s25] =	ssyncadd.s32 $0xFFFFFD00  }
0x2e1: {  	_ =	swait.ge [sflag:s25], $0x300  }
0x2e2: {  	[sflag:s25] =	ssyncset.done $0x0  }
0x2e3: {  	[sflag:s25] =	ssyncadd.s32 $0xFFFFFD00  }
0x2e4: {  	_ =	swait.ge [sflag:s15], $0x3000  }
0x2e5: {  	[sflag:s15] =	ssyncset.done $0x0  }
0x2e6: {  	s8 =	simm.s32 $0x4200;
	[sflag:s15] =	ssyncadd.s32 $0xFFFFD000  }
0x2e7: {  	[tilespmem:s8], [sflag:$0x2] =	stream.indirect.gather [hbm4b:s5+s12], $0x10, s26, s12, $0xb8;
	[tilespmem:$0x1F900] =	vst v63  }
0x2e8: {  	s11 =	simm.s32 $0x4A00  }
0x2e9: {  	[tilespmem:s11], [sflag:$0x2] =	stream.indirect.gather [hbm4b:s5+s12], $0x10, s12, s12, $0xb8;
	[tilespmem:$0x1F900] =	vst v63  }
0x2ea: {  	_ = 	snop  }
0x2eb: {  	[tilespmem:s31], [sflag:$0x2] =	stream.indirect.gather [hbm4b:s5+s12], $0x10, s14, s12, $0xb8;
	[tilespmem:$0x1F900] =	vst v63  }
0x2ec: {  	_ = 	snop  }
0x2ed: {  	[tilespmem:s19], [sflag:$0x2] =	stream.indirect.gather [hbm4b:s5+s12], $0x10, s0, s12, $0xb8;
	[tilespmem:$0x1F900] =	vst v63  }
0x2ee: {  	s17 =	simm.s32 $0x6200  }
0x2ef: {  	[tilespmem:s17], [sflag:$0x2] =	stream.indirect.gather [hbm4b:s5+s12], $0x10, s30, s12, $0xb8;
	[tilespmem:$0x1F900] =	vst v63  }
0x2f0: {  	_ = 	snop  }
0x2f1: {  	[tilespmem:s23], [sflag:$0x2] =	stream.indirect.gather [hbm4b:s5+s12], $0x10, s4, s12, $0xb8;
	[tilespmem:$0x1F900] =	vst v63  }
0x2f2: {  	s21 =	simm.s32 $0x300;
	s20 =	rddreg [dreg:$0x17]  }
0x2f3: {  	[tilespmem:s21], [sflag:$0x6] =	stream.linear.gather [hbm4b:s20+s26], $0x300, $0x38;
	[tilespmem:$0x1F900] =	vst v63  }
0x2f4: {  	s24 =	simm.s32 $0xC00;
	s22 =	rddreg [dreg:$0x18]  }
0x2f5: {  	[tilespmem:s24], [sflag:$0x6] =	stream.linear.gather [hbm4b:s22+s26], $0x300, $0x38;
	[tilespmem:$0x1F900] =	vst v63  }
0x2f6: {  	_ =	swait.ge [sflag:s18], $0x3000  }
0x2f7: {  	[sflag:s18] =	ssyncset.done $0x0  }
0x2f8: {  	[sflag:s18] =	ssyncadd.s32 $0xFFFFD000  }
0x2f9: {  	[spmem:s2] =	stream.indirect.scatter.add.bf16 [tilespmem:s8], [sflag:$0x4], $0x10, s28, s12, $0xb8;
	[tilespmem:$0x1F900] =	vst v63  }
0x2fa: {  	s28 =	simm.s32 $0x980  }
0x2fb: {  	[spmem:s2] =	stream.indirect.scatter.add.bf16 [tilespmem:s11], [sflag:$0x4], $0x10, s28, s12, $0xb8;
	[tilespmem:$0x1F900] =	vst v63  }
0x2fc: {  	s30 =	simm.s32 $0xA00  }
0x2fd: {  	[spmem:s2] =	stream.indirect.scatter.add.bf16 [tilespmem:s31], [sflag:$0x4], $0x10, s30, s12, $0xb8;
	[tilespmem:$0x1F900] =	vst v63  }
0x2fe: {  	s8 =	simm.s32 $0xA80  }
0x2ff: {  	[spmem:s2] =	stream.indirect.scatter.add.bf16 [tilespmem:s19], [sflag:$0x4], $0x10, s8, s12, $0xb8;
	[tilespmem:$0x1F900] =	vst v63  }
0x300: {  	s9 =	simm.s32 $0xB00  }
0x301: {  	[spmem:s2] =	stream.indirect.scatter.add.bf16 [tilespmem:s17], [sflag:$0x4], $0x10, s9, s12, $0xb8;
	[tilespmem:$0x1F900] =	vst v63  }
0x302: {  	s11 =	simm.s32 $0xB80  }
0x303: {  	[spmem:s2] =	stream.indirect.scatter.add.bf16 [tilespmem:s23], [sflag:$0x4], $0x10, s11, s12, $0xb8;
	[tilespmem:$0x1F900] =	vst v63  }
0x304: {  	_ =	swait.ge [sflag:s16], $0x300  }
0x305: {  	[sflag:s16] =	ssyncset.done $0x0  }
0x306: {  	[sflag:s16] =	ssyncadd.s32 $0xFFFFFD00  }
0x307: {  	_ =	swait.ge [sflag:s16], $0x300  }
0x308: {  	[sflag:s16] =	ssyncset.done $0x0  }
0x309: {  	[sflag:s16] =	ssyncadd.s32 $0xFFFFFD00  }
0x30a: {  	_ =	swait.ge [sflag:s3], $0x3000  }
0x30b: {  	[sflag:s3] =	ssyncset.done $0x0  }
0x30c: {  	s14 =	simm.s32 $0x1200;
	[sflag:s3] =	ssyncadd.s32 $0xFFFFD000  }
0x30d: {  	[tilespmem:s14], [sflag:$0x1] =	stream.indirect.gather [hbm4b:s5+s12], $0x10, s21, s12, $0xb8;
	[tilespmem:$0x1F900] =	vst v63  }
0x30e: {  	s17 =	simm.s32 $0x380;
	s16 =	simm.s32 $0x1A00  }
0x30f: {  	[tilespmem:s16], [sflag:$0x1] =	stream.indirect.gather [hbm4b:s5+s12], $0x10, s17, s12, $0xb8;
	[tilespmem:$0x1F900] =	vst v63  }
0x310: {  	s13 =	simm.s32 $0x2200;
	s18 =	simm.s32 $0x400  }
0x311: {  	[tilespmem:s13], [sflag:$0x1] =	stream.indirect.gather [hbm4b:s5+s12], $0x10, s18, s12, $0xb8;
	[tilespmem:$0x1F900] =	vst v63  }
0x312: {  	s7 =	simm.s32 $0x2A00;
	s19 =	simm.s32 $0x480  }
0x313: {  	[tilespmem:s7], [sflag:$0x1] =	stream.indirect.gather [hbm4b:s5+s12], $0x10, s19, s12, $0xb8;
	[tilespmem:$0x1F900] =	vst v63  }
0x314: {  	s20 =	simm.s32 $0x3200;
	s21 =	simm.s32 $0x500  }
0x315: {  	[tilespmem:s20], [sflag:$0x1] =	stream.indirect.gather [hbm4b:s5+s12], $0x10, s21, s12, $0xb8;
	[tilespmem:$0x1F900] =	vst v63  }
0x316: {  	s10 =	simm.s32 $0x3A00;
	s22 =	simm.s32 $0x580  }
0x317: {  	[tilespmem:s10], [sflag:$0x1] =	stream.indirect.gather [hbm4b:s5+s12], $0x10, s22, s12, $0xb8;
	[tilespmem:$0x1F900] =	vst v63  }
0x318: {  	_ =	swait.ge [sflag:s29], $0x3000  }
0x319: {  	[sflag:s29] =	ssyncset.done $0x0  }
0x31a: {  	[sflag:s29] =	ssyncadd.s32 $0xFFFFD000  }
0x31b: {  	[spmem:s2] =	stream.indirect.scatter.add.bf16 [tilespmem:s14], [sflag:$0x3], $0x10, s24, s12, $0xb8;
	[tilespmem:$0x1F900] =	vst v63  }
0x31c: {  	s23 =	simm.s32 $0xC80  }
0x31d: {  	[spmem:s2] =	stream.indirect.scatter.add.bf16 [tilespmem:s16], [sflag:$0x3], $0x10, s23, s12, $0xb8;
	[tilespmem:$0x1F900] =	vst v63  }
0x31e: {  	s24 =	simm.s32 $0xD00  }
0x31f: {  	[spmem:s2] =	stream.indirect.scatter.add.bf16 [tilespmem:s13], [sflag:$0x3], $0x10, s24, s12, $0xb8;
	[tilespmem:$0x1F900] =	vst v63  }
0x320: {  	s28 =	simm.s32 $0xD80  }
0x321: {  	[spmem:s2] =	stream.indirect.scatter.add.bf16 [tilespmem:s7], [sflag:$0x3], $0x10, s28, s12, $0xb8;
	[tilespmem:$0x1F900] =	vst v63  }
0x322: {  	s30 =	simm.s32 $0xE00  }
0x323: {  	[spmem:s2] =	stream.indirect.scatter.add.bf16 [tilespmem:s20], [sflag:$0x3], $0x10, s30, s12, $0xb8;
	[tilespmem:$0x1F900] =	vst v63  }
0x324: {  	s31 =	simm.s32 $0xE80  }
0x325: {  	[spmem:s2] =	stream.indirect.scatter.add.bf16 [tilespmem:s10], [sflag:$0x3], $0x10, s31, s12, $0xb8;
	[tilespmem:$0x1F900] =	vst v63  }
0x326: {  	_ =	swait.ge [sflag:s3], $0x3000  }
.Ltmp4:
0x327: {  	[sflag:s3] =	ssyncset.done $0x0;
	(pc) =	sbr.rel @p0 .LBB2_7-.Ltmp4, $4  }
0x328: {  	[sflag:s3] =	ssyncadd.s32 $0xFFFFD000  }
0x329: {  	s0 =	simm.s32 $0x1200;
	_ =	swait.ge [sflag:s15], $0x3000  }
0x32a: {  	s4 =	simm.s32 $0x100;
	s8 =	simm.s32 $0x900;
	[sflag:s15] =	ssyncset.done $0x0  }
0x32b: {  	s16 =	simm.s32 $0x6;
	s3 =	simm.s32 $0x0;
	[sflag:s15] =	ssyncadd.s32 $0xFFFFD000  }
0x32c: {  	s1 =	rddreg [dreg:$0x1a];
	s19 =	simm.s32 $0x8  }
0x32d: {  	[tilespmem:s3], [sflag:$0x8] =	stream.linear.gather [hbm4b:s1+s3], $0x80, $0x38;
	[tilespmem:$0x1F900] =	vst v63  }
0x32e: {  	_ =	swait.ge [sflag:s19], $0x80  }
0x32f: {  	[sflag:s19] =	ssyncset.done $0x0  }
0x330: {  	s31 =	rddreg [dreg:$0x1b];
	[sflag:s19] =	ssyncadd.s32 $0xFFFFFF80  }
0x331: {  	[tilespmem:s8], [sflag:$0x8] =	stream.linear.gather [hbm4b:s31+s3], $0x80, $0x38;
	[tilespmem:$0x1F900] =	vst v63  }
0x332: {  	_ =	swait.ge [sflag:s19], $0x80  }
0x333: {  	[sflag:s19] =	ssyncset.done $0x0  }
0x334: {  	[sflag:s19] =	ssyncadd.s32 $0xFFFFFF80  }
0x335: {  	[tilespmem:s0], [sflag:$0x8] =	stream.indirect.gather [hbm4b:s5+s12], $0x10, s3, s12, $0xb8;
	[tilespmem:$0x1F900] =	vst v63  }
0x336: {  	_ =	swait.ge [sflag:s19], $0x800  }
0x337: {  	[sflag:s19] =	ssyncset.done $0x0  }
0x338: {  	[sflag:s19] =	ssyncadd.s32 $0xFFFFF800  }
0x339: {  	[spmem:s2] =	stream.indirect.scatter.add.bf16 [tilespmem:s0], [sflag:$0x8], $0x10, s8, s12, $0xb8;
	[tilespmem:$0x1F900] =	vst v63  }
.Ltmp5:
0x33a: {  	_ =	swait.ge [sflag:s19], $0x800;
	(pc) =	sbr.rel .LBB2_8-.Ltmp5, $3  }
0x33b: {  	[sflag:s19] =	ssyncset.done $0x0  }
0x33c: {  	[sflag:s19] =	ssyncadd.s32 $0xFFFFF800  }
0x33d: {  	[bflag:$0x0] =	sbarrier.arrive $0xFFFF;
	_ =	sdelay $0x1  }
.LBB2_7:
.Ltmp6:
0x33e: {  	(pc) =	sbr.rel @p1 .LBB2_9-.Ltmp6, $3  }
0x33f: {  	_ =	sdelay $0x1  }
0x340: {  	[bflag:$0x0] =	sbarrier.arrive $0xFFFF  }
0x341: {  	s19 =	simm.s32 $0x8  }
.LBB2_8:
0x342: {  	s1 =	sld [smem:$0x7EC]  }
0x343: {  	s8 =	stileid.u32;
	s10 =	sld [smem:$0x7ED]  }
0x344: {  	s8 =	sshll.u32 s8, $0x6  }
.Ltmp7:
0x345: {  	s8 =	sor.u32 $0x1C08, s8;
	(pc) =	sbr.rel .LBB2_10-.Ltmp7, $4  }
0x346: {  	[hbm:s1], [sflag:s8] =	dma.local [spmem:s10], $0x30E0  }
0x347: {  	_ =	swait.ge [sflag:s19], $0x30E0  }
0x348: {  	[sflag:s19] =	ssyncset.done $0x0  }
0x349: {  	s0 =	sld [smem:$0x7EB];
	[sflag:s19] =	ssyncadd.s32 $0xFFFFCF20  }
.LBB2_11:
0x34a: {  	_ =	sfence.sel $0x180000  }
0x34b: {  	[bflag:$0x0] =	sbarrier.arrive $0xFFFF  }
0x34c: {  	_ =	strace $0x9000004A  }
0x34d: {  	s0 =	stileid.u32;
	[bflag:$0x2] =	sbarrier.arrive $0xFFFF  }
0x34e: {  	p0 =	sne.s32 s0, $0x0;
	s0 =	rddreg [dreg:$0x2]  }
0x34f: {  	s0 =	sadd.s32 @!p0 $0x100000, s0  }
0x350: {  	[sflag:s0] =	ssyncadd.tile.s32 @!p0 $0x1;
	_ =	shalt  }
.Lfunc_end2:
_tile_overlayer_lowered:
.L_overlay_start_2:
0x351: {  	(tag) =	ssettag $0x2  }
0x352: {  	s0 =	rddreg [dreg:$0x0];
	s2 =	stileid.u32  }
0x353: {  	s1 =	rddreg [dreg:$0x1];
	p0 =	sne.s32 s2, $0x0  }
0x354: {  	s3 =	rddreg [dreg:$0x2];
	[bflag:$0x3] =	sbarrier.arrive $0xFFFF;
	s2 =	simm.s32 @!p0 $0x1C08  }
0x355: {  	[timem:s3], [sflag:s2] =	dma.local @!p0 [hbm:s0], s1  }
0x356: {  	s0 =	simm.s32 @!p0 $0x8  }
0x357: {  	_ =	swait.ge @!p0 [sflag:s0], s1  }
0x358: {  	s1 =	ssub.s32 @!p0 $0x0, s1;
	[sflag:s0] =	ssyncset.done @!p0 $0x0  }
0x359: {  	[sflag:s0] =	ssyncadd.s32 @!p0 s1  }
0x35a: {  	[bflag:$0x3] =	sbarrier.arrive $0xFFFF  }
0x35b: {  	_ =	shalt  }

</sc_bundles>
